<compile_context>
chip_gen: v7x
topology: tpu7x:2x2x1
jax: 0.10.2.dev20260603
libtpu: 0.0.44.dev20260713+nightly
codegen_flags: <defaults>
</compile_context>

<pallas_src>
import functools

import jax
import jax.numpy as jnp
from jax import lax
from jax.experimental import pallas as pl
from jax.experimental.pallas import tpu as pltpu
from jax.experimental.pallas import tpu_sc as plsc

K = 8
D = 128
BR = 256
NC, NS, L = 2, 16, 16
CR = 8


def _topk_body(row_offset, x_ref, xt_ref, dis_ref, idx_ref, wsp_ref,
               sqc_ref):
    n = xt_ref.shape[1]
    pid = pl.program_id(0)
    x = x_ref[...]
    xt = xt_ref[...]
    sq_r = jnp.sum(x * x, axis=1, keepdims=True)

    @pl.when(pid == 0)
    def _():
        sqc_ref[...] = jnp.sum(xt * xt, axis=0, keepdims=True)

    sq_c = sqc_ref[...]
    g = jnp.dot(x, xt, preferred_element_type=jnp.float32)
    dist = sq_r + sq_c - 2.0 * g
    col = lax.broadcasted_iota(jnp.int32, (BR, n), 1)
    row = (lax.broadcasted_iota(jnp.int32, (BR, n), 0)
           + pid * BR + row_offset)
    dist = jnp.where(col == row, jnp.float32(1e10), dist)
    m0 = jnp.min(dist, axis=1, keepdims=True)
    rel = dist - (m0 - 1.0)
    kb = (lax.bitcast_convert_type(rel, jnp.int32) & jnp.int32(~8191)) | col
    keys = pltpu.bitcast(kb, jnp.float32)
    bigf = jnp.float32(3.0e38)
    dvals, ivals = [], []
    for _ in range(K):
        mk = jnp.min(keys, axis=1, keepdims=True)
        mkb = lax.bitcast_convert_type(mk, jnp.int32)
        dvals.append(m0 - 1.0 + pltpu.bitcast(
            mkb & jnp.int32(~8191), jnp.float32))
        ivals.append(mkb & jnp.int32(8191))
        keys = jnp.where(keys == mk, bigf, keys)
    dis = jnp.concatenate(dvals, axis=1)
    idx = jnp.concatenate(ivals, axis=1)
    dis_ref[...] = dis
    idx_ref[...] = idx
    e = jnp.exp(dis[:, 0:1] - dis)
    w = e / jnp.sum(e, axis=1, keepdims=True)
    kcol = lax.broadcasted_iota(jnp.int32, (BR, D), 1) // L
    wsp = jnp.zeros((BR, D), jnp.float32)
    for k in range(K):
        wsp = jnp.where(kcol == k, w[:, k:k + 1], wsp)
    wsp_ref[...] = wsp


def _topk(xq, xt, row_offset):
    nq = xq.shape[0]
    n = xt.shape[1]
    return pl.pallas_call(
        functools.partial(_topk_body, row_offset),
        grid=(nq // BR,),
        in_specs=[
            pl.BlockSpec((BR, D), lambda i: (i, 0)),
            pl.BlockSpec((D, n), lambda i: (0, 0)),
        ],
        out_specs=[
            pl.BlockSpec((BR, K), lambda i: (i, 0)),
            pl.BlockSpec((BR, K), lambda i: (i, 0)),
            pl.BlockSpec((BR, D), lambda i: (i, 0)),
        ],
        out_shape=[
            jax.ShapeDtypeStruct((nq, K), jnp.float32),
            jax.ShapeDtypeStruct((nq, K), jnp.int32),
            jax.ShapeDtypeStruct((nq, D), jnp.float32),
        ],
        scratch_shapes=[pltpu.VMEM((1, n), jnp.float32)],
    )(xq, xt)


def _combine(gene, idx_flat, wsp):
    gdim = gene.shape[1]
    nq = wsp.shape[0]
    rows_per_w = nq // (NC * NS)
    nchunks = rows_per_w // CR
    mesh = plsc.VectorSubcoreMesh(core_axis_name="c", subcore_axis_name="s",
                                  num_cores=NC, num_subcores=NS)

    @functools.partial(
        pl.kernel,
        out_type=jax.ShapeDtypeStruct((nq, gdim), jnp.float32),
        mesh=mesh,
        scratch_types=[
            pltpu.VMEM((2, CR * K), jnp.int32),
            pltpu.VMEM((2, CR, D), jnp.float32),
            pltpu.VMEM((2, CR, gdim), jnp.float32),
            pltpu.VMEM((2, CR * K, gdim), jnp.float32),
            pltpu.VMEM((2, CR, gdim), jnp.float32),
            pltpu.SemaphoreType.DMA,
            pltpu.SemaphoreType.DMA,
            pltpu.SemaphoreType.DMA,
            pltpu.SemaphoreType.DMA,
            pltpu.SemaphoreType.DMA,
            pltpu.SemaphoreType.DMA,
        ],
    )
    def sc_kernel(gene_hbm, idx_hbm, wsp_hbm, out_hbm,
                  idx_v, w_v, own_v, rows_v, out_v,
                  sa0, sa1, sg0, sg1, so0, so1):
        wid = lax.axis_index("s") * NC + lax.axis_index("c")
        base = wid * rows_per_w
        sa, sg, so = (sa0, sa1), (sg0, sg1), (so0, so1)

        def in_copies(c, b):
            r0 = base + c * CR
            return (
                (idx_hbm.at[pl.ds(r0 * K, CR * K)], idx_v.at[b], sa[b]),
                (wsp_hbm.at[pl.ds(r0, CR)], w_v.at[b], sa[b]),
                (gene_hbm.at[pl.ds(r0, CR)], own_v.at[b], sa[b]),
            )

        def start_in(c, b):
            for src, dst, sem in in_copies(c, b):
                pltpu.async_copy(src, dst, sem)

        def wait_in(c, b):
            for src, dst, sem in in_copies(c, b):
                pltpu.make_async_copy(src, dst, sem).wait()

        def start_g(b):
            pltpu.async_copy(gene_hbm.at[idx_v.at[b]], rows_v.at[b], sg[b])

        def wait_g(b):
            pltpu.make_async_copy(gene_hbm.at[idx_v.at[b]], rows_v.at[b],
                                  sg[b]).wait()

        def out_copy(c, b):
            r0 = base + c * CR
            return (out_v.at[b], out_hbm.at[pl.ds(r0, CR)], so[b])

        def compute(b):
            for r in range(CR):
                wv = [w_v[b, r, pl.ds(k * L, L)] for k in range(K)]

                def dim_step(dc, _):
                    dd = dc * L
                    acc = own_v[b, r, pl.ds(dd, L)]
                    for k in range(K):
                        acc = acc + wv[k] * rows_v[b, r * K + k,
                                                   pl.ds(dd, L)]
                    out_v[b, r, pl.ds(dd, L)] = acc
                    return 0

                lax.fori_loop(0, gdim // L, dim_step, 0)

        start_in(0, 0)
        wait_in(0, 0)
        start_g(0)
        start_in(1, 1)

        def pair(p, _):
            for b in range(2):
                c = 2 * p + b
                nb = 1 - b

                @pl.when(c + 1 < nchunks)
                def _():
                    wait_in(c + 1, nb)
                    start_g(nb)

                wait_g(b)

                @pl.when(c >= 2)
                def _():
                    src, dst, sem = out_copy(c - 2, b)
                    pltpu.make_async_copy(src, dst, sem).wait()

                compute(b)
                src, dst, sem = out_copy(c, b)
                pltpu.async_copy(src, dst, sem)

                @pl.when(c + 2 < nchunks)
                def _():
                    start_in(c + 2, b)

            return 0

        lax.fori_loop(0, nchunks // 2, pair, 0)
        for b in range(2):
            c = nchunks - 2 + b
            src, dst, sem = out_copy(c, b)
            pltpu.make_async_copy(src, dst, sem).wait()

    return sc_kernel(gene, idx_flat, wsp)


NCHUNK = 1


def kernel(raw, img, adata, gene, num):
    n = raw.shape[0]
    x = jnp.concatenate([raw, img, adata], axis=1)
    x = jnp.pad(x, ((0, 0), (0, D - x.shape[1])))
    xt = x.T
    step = n // NCHUNK
    sups, diss = [], []
    token = jnp.int32(0)
    for c in range(NCHUNK):
        dis_c, idx_c, wsp_c = _topk(
            lax.slice_in_dim(x, c * step, (c + 1) * step), xt, c * step)
        sup_c = _combine(gene, idx_c.reshape(-1) + token, wsp_c)
        token = lax.convert_element_type(sup_c[0, 0], jnp.int32) * 0
        sups.append(sup_c)
        diss.append(dis_c)
    return jnp.concatenate(sups, axis=0), jnp.concatenate(diss, axis=0)

# --- scband reference (transcript-rebuilt; emitter-appended) ---
"""Pipeline reference for scband-graph-transformer-st-77927886618864 (READ-ONLY COPY).

The authoritative reference and input builder live on the scoring server;
editing this copy changes nothing except your own understanding.
"""

import jax, jax.numpy as jnp
import numpy as np

SCALE = 1
K = 8


def setup_inputs(seed: int = 0) -> dict:
    key = jax.random.key(seed)
    k1, k2, k3, k4 = jax.random.split(key, 4)
    N = 8192
    raw = jax.random.normal(k1, (N, 32), dtype=jnp.float32)
    img = jax.random.normal(k2, (N, 32), dtype=jnp.float32)
    adata = jax.random.uniform(k3, (N, 2), dtype=jnp.float32)
    gene = jax.random.normal(k4, (N, 512), dtype=jnp.float32)
    return {"raw": raw, "img": img, "adata": adata, "gene": gene, "num": N}


def _pdist2(x):
    # squared euclidean pairwise distances via gram trick (avoids [N,N,d] broadcast)
    sq = jnp.sum(x * x, axis=1)
    d2 = sq[:, None] + sq[None, :] - 2.0 * (x @ x.T)
    return jnp.maximum(d2, 0.0)


def reference(raw, img, adata, gene, num):
    # graph construction: combine patch/image embeddings into a matching feature
    feat = jnp.concatenate([raw, img], axis=-1)
    d_feat = _pdist2(feat)          # [N, N] appearance distance
    d_sp = _pdist2(adata)           # [N, N] spatial distance
    dist = SCALE * d_feat + d_sp
    # exclude self-matches
    n = raw.shape[0]
    dist = dist + jnp.eye(n, dtype=dist.dtype) * (1e10 + 0.0 * num)
    # k nearest neighbors (retrieval)
    neg, idx = jax.lax.top_k(-dist, K)
    dis = -neg                      # [N, K] distances to k nearest neighbors
    # aggregate neighbor gene expression into super-spots (softmax over -distance)
    w = jax.nn.softmax(-dis, axis=-1)
    neigh = jnp.take(gene, idx, axis=0)   # [N, K, G] gather
    super_adata = gene + jnp.sum(w[:, :, None] * neigh, axis=1)
    return super_adata, dis

if __name__ == "__main__":
    import jax
    _d = setup_inputs()
    print(jax.jit(kernel)(*tuple(_d.values())))

</pallas_src>

<mosaic_0001>
#map = affine_map<(d0, d1) -> (0, 0)>
#map1 = affine_map<(d0, d1) -> (0)>
module attributes {stable_mosaic.version = 14 : i64} {
  func.func @sc_kernel(%arg0: i32, %arg1: i32, %arg2: memref<8192x512xf32, #tpu.memory_space<hbm>>, %arg3: memref<65536xi32, #tpu.memory_space<hbm>>, %arg4: memref<8192x128xf32, #tpu.memory_space<hbm>>, %arg5: memref<8192x512xf32, #tpu.memory_space<hbm>>, %arg6: memref<2x64xi32, #tpu.memory_space<vmem>>, %arg7: memref<2x8x128xf32, #tpu.memory_space<vmem>>, %arg8: memref<2x8x512xf32, #tpu.memory_space<vmem>>, %arg9: memref<2x64x512xf32, #tpu.memory_space<vmem>>, %arg10: memref<2x8x512xf32, #tpu.memory_space<vmem>>, %arg11: memref<!tpu.dma_semaphore, #tpu.memory_space<semaphore_mem>>, %arg12: memref<!tpu.dma_semaphore, #tpu.memory_space<semaphore_mem>>, %arg13: memref<!tpu.dma_semaphore, #tpu.memory_space<semaphore_mem>>, %arg14: memref<!tpu.dma_semaphore, #tpu.memory_space<semaphore_mem>>, %arg15: memref<!tpu.dma_semaphore, #tpu.memory_space<semaphore_mem>>, %arg16: memref<!tpu.dma_semaphore, #tpu.memory_space<semaphore_mem>>) attributes {dimension_semantics = [#tpu.dimension_semantics<core_parallel>, #tpu.dimension_semantics<subcore_parallel>], iteration_bounds = array<i64: 2, 16>, scalar_prefetch = 0 : i64, scratch_operands = 11 : i64, tpu.core_type = #tpu.core_type<sc_vector_subcore>, window_params = [{transform_indices = #map}, {transform_indices = #map1}, {transform_indices = #map}, {transform_indices = #map}]} {
    %mul3A = arith.constant 2 : i32
    %mul3A_0 = arith.muli %arg1, %mul3A : i32
    %add3A = arith.addi %mul3A_0, %arg0 : i32
    %mul3A_1 = arith.constant 256 : i32
    %mul3A_2 = arith.muli %add3A, %mul3A_1 : i32
    %add3A_3 = arith.constant 0 : i32
    %add3A_4 = arith.addi %mul3A_2, %add3A_3 : i32
    %mul3A_5 = arith.constant 8 : i32
    %mul3A_6 = arith.muli %add3A_4, %mul3A_5 : i32
    %dma_start3A = arith.constant 0 : i32
    %dma_start3A_7 = arith.constant 0 : i32
    %dma_start3A_8 = tpu.memref_slice %arg6[%dma_start3A, %dma_start3A_7] : memref<2x64xi32, #tpu.memory_space<vmem>> -> memref<1x64xi32, #tpu.memory_space<vmem>>
    %dma_start3A_9 = tpu.memref_squeeze %dma_start3A_8 : memref<1x64xi32, #tpu.memory_space<vmem>> -> memref<64xi32, #tpu.memory_space<vmem>>
    %dma_start3A_10 = tpu.memref_slice %arg3[%mul3A_6] : memref<65536xi32, #tpu.memory_space<hbm>> -> memref<64xi32, #tpu.memory_space<hbm>>
    %dma_start3A_11 = arith.constant 0 : i32
    %dma_start3A_12 = tpu.memref_slice %arg6[%dma_start3A, %dma_start3A_11] : memref<2x64xi32, #tpu.memory_space<vmem>> -> memref<1x64xi32, #tpu.memory_space<vmem>>
    %dma_start3A_13 = tpu.memref_squeeze %dma_start3A_12 : memref<1x64xi32, #tpu.memory_space<vmem>> -> memref<64xi32, #tpu.memory_space<vmem>>
    %dma_start3A_14 = tpu.memref_slice %arg3[%mul3A_6] : memref<65536xi32, #tpu.memory_space<hbm>> -> memref<64xi32, #tpu.memory_space<hbm>>
    tpu.enqueue_dma source(%dma_start3A_14 : memref<64xi32, #tpu.memory_space<hbm>>) target(%dma_start3A_13 : memref<64xi32, #tpu.memory_space<vmem>>) target_semaphore(%arg11 : memref<!tpu.dma_semaphore, #tpu.memory_space<semaphore_mem>>)
    %dma_start3A_15 = arith.constant 0 : i32
    %dma_start3A_16 = arith.constant 0 : i32
    %dma_start3A_17 = arith.constant 0 : i32
    %dma_start3A_18 = tpu.memref_slice %arg7[%dma_start3A_15, %dma_start3A_16, %dma_start3A_17] : memref<2x8x128xf32, #tpu.memory_space<vmem>> -> memref<1x8x128xf32, #tpu.memory_space<vmem>>
    %dma_start3A_19 = tpu.memref_squeeze %dma_start3A_18 : memref<1x8x128xf32, #tpu.memory_space<vmem>> -> memref<8x128xf32, #tpu.memory_space<vmem>>
    %dma_start3A_20 = arith.constant 0 : i32
    %dma_start3A_21 = tpu.memref_slice %arg4[%add3A_4, %dma_start3A_20] : memref<8192x128xf32, #tpu.memory_space<hbm>> -> memref<8x128xf32, #tpu.memory_space<hbm>>
    %dma_start3A_22 = arith.constant 0 : i32
    %dma_start3A_23 = arith.constant 0 : i32
    %dma_start3A_24 = tpu.memref_slice %arg7[%dma_start3A_15, %dma_start3A_22, %dma_start3A_23] : memref<2x8x128xf32, #tpu.memory_space<vmem>> -> memref<1x8x128xf32, #tpu.memory_space<vmem>>
    %dma_start3A_25 = tpu.memref_squeeze %dma_start3A_24 : memref<1x8x128xf32, #tpu.memory_space<vmem>> -> memref<8x128xf32, #tpu.memory_space<vmem>>
    %dma_start3A_26 = arith.constant 0 : i32
    %dma_start3A_27 = tpu.memref_slice %arg4[%add3A_4, %dma_start3A_26] : memref<8192x128xf32, #tpu.memory_space<hbm>> -> memref<8x128xf32, #tpu.memory_space<hbm>>
    tpu.enqueue_dma source(%dma_start3A_27 : memref<8x128xf32, #tpu.memory_space<hbm>>) target(%dma_start3A_25 : memref<8x128xf32, #tpu.memory_space<vmem>>) target_semaphore(%arg11 : memref<!tpu.dma_semaphore, #tpu.memory_space<semaphore_mem>>)
    %dma_start3A_28 = arith.constant 0 : i32
    %dma_start3A_29 = arith.constant 0 : i32
    %dma_start3A_30 = arith.constant 0 : i32
    %dma_start3A_31 = tpu.memref_slice %arg8[%dma_start3A_28, %dma_start3A_29, %dma_start3A_30] : memref<2x8x512xf32, #tpu.memory_space<vmem>> -> memref<1x8x512xf32, #tpu.memory_space<vmem>>
    %dma_start3A_32 = tpu.memref_squeeze %dma_start3A_31 : memref<1x8x512xf32, #tpu.memory_space<vmem>> -> memref<8x512xf32, #tpu.memory_space<vmem>>
    %dma_start3A_33 = arith.constant 0 : i32
    %dma_start3A_34 = tpu.memref_slice %arg2[%add3A_4, %dma_start3A_33] : memref<8192x512xf32, #tpu.memory_space<hbm>> -> memref<8x512xf32, #tpu.memory_space<hbm>>
    %dma_start3A_35 = arith.constant 0 : i32
    %dma_start3A_36 = arith.constant 0 : i32
    %dma_start3A_37 = tpu.memref_slice %arg8[%dma_start3A_28, %dma_start3A_35, %dma_start3A_36] : memref<2x8x512xf32, #tpu.memory_space<vmem>> -> memref<1x8x512xf32, #tpu.memory_space<vmem>>
    %dma_start3A_38 = tpu.memref_squeeze %dma_start3A_37 : memref<1x8x512xf32, #tpu.memory_space<vmem>> -> memref<8x512xf32, #tpu.memory_space<vmem>>
    %dma_start3A_39 = arith.constant 0 : i32
    %dma_start3A_40 = tpu.memref_slice %arg2[%add3A_4, %dma_start3A_39] : memref<8192x512xf32, #tpu.memory_space<hbm>> -> memref<8x512xf32, #tpu.memory_space<hbm>>
    tpu.enqueue_dma source(%dma_start3A_40 : memref<8x512xf32, #tpu.memory_space<hbm>>) target(%dma_start3A_38 : memref<8x512xf32, #tpu.memory_space<vmem>>) target_semaphore(%arg11 : memref<!tpu.dma_semaphore, #tpu.memory_space<semaphore_mem>>)
    %add3A_41 = arith.constant 0 : i32
    %add3A_42 = arith.addi %mul3A_2, %add3A_41 : i32
    %mul3A_43 = arith.constant 8 : i32
    %mul3A_44 = arith.muli %add3A_42, %mul3A_43 : i32
    %dma_wait3A = arith.constant 0 : i32
    %dma_wait3A_45 = arith.constant 0 : i32
    %dma_wait3A_46 = tpu.memref_slice %arg6[%dma_wait3A, %dma_wait3A_45] : memref<2x64xi32, #tpu.memory_space<vmem>> -> memref<1x64xi32, #tpu.memory_space<vmem>>
    %dma_wait3A_47 = tpu.memref_squeeze %dma_wait3A_46 : memref<1x64xi32, #tpu.memory_space<vmem>> -> memref<64xi32, #tpu.memory_space<vmem>>
    %dma_wait3A_48 = tpu.memref_slice %arg3[%mul3A_44] : memref<65536xi32, #tpu.memory_space<hbm>> -> memref<64xi32, #tpu.memory_space<hbm>>
    %dma_wait3A_49 = arith.constant 0 : i32
    %dma_wait3A_50 = tpu.memref_slice %arg6[%dma_wait3A, %dma_wait3A_49] : memref<2x64xi32, #tpu.memory_space<vmem>> -> memref<1x64xi32, #tpu.memory_space<vmem>>
    %dma_wait3A_51 = tpu.memref_squeeze %dma_wait3A_50 : memref<1x64xi32, #tpu.memory_space<vmem>> -> memref<64xi32, #tpu.memory_space<vmem>>
    %dma_wait3A_52 = tpu.memref_slice %arg3[%mul3A_44] : memref<65536xi32, #tpu.memory_space<hbm>> -> memref<64xi32, #tpu.memory_space<hbm>>
    tpu.wait_dma2 semaphore(%arg11 : memref<!tpu.dma_semaphore, #tpu.memory_space<semaphore_mem>>) src(%dma_wait3A_52 : memref<64xi32, #tpu.memory_space<hbm>>) dst(%dma_wait3A_51 : memref<64xi32, #tpu.memory_space<vmem>>)
    %dma_wait3A_53 = arith.constant 0 : i32
    %dma_wait3A_54 = arith.constant 0 : i32
    %dma_wait3A_55 = arith.constant 0 : i32
    %dma_wait3A_56 = tpu.memref_slice %arg7[%dma_wait3A_53, %dma_wait3A_54, %dma_wait3A_55] : memref<2x8x128xf32, #tpu.memory_space<vmem>> -> memref<1x8x128xf32, #tpu.memory_space<vmem>>
    %dma_wait3A_57 = tpu.memref_squeeze %dma_wait3A_56 : memref<1x8x128xf32, #tpu.memory_space<vmem>> -> memref<8x128xf32, #tpu.memory_space<vmem>>
    %dma_wait3A_58 = arith.constant 0 : i32
    %dma_wait3A_59 = tpu.memref_slice %arg4[%add3A_42, %dma_wait3A_58] : memref<8192x128xf32, #tpu.memory_space<hbm>> -> memref<8x128xf32, #tpu.memory_space<hbm>>
    %dma_wait3A_60 = arith.constant 0 : i32
    %dma_wait3A_61 = arith.constant 0 : i32
    %dma_wait3A_62 = tpu.memref_slice %arg7[%dma_wait3A_53, %dma_wait3A_60, %dma_wait3A_61] : memref<2x8x128xf32, #tpu.memory_space<vmem>> -> memref<1x8x128xf32, #tpu.memory_space<vmem>>
    %dma_wait3A_63 = tpu.memref_squeeze %dma_wait3A_62 : memref<1x8x128xf32, #tpu.memory_space<vmem>> -> memref<8x128xf32, #tpu.memory_space<vmem>>
    %dma_wait3A_64 = arith.constant 0 : i32
    %dma_wait3A_65 = tpu.memref_slice %arg4[%add3A_42, %dma_wait3A_64] : memref<8192x128xf32, #tpu.memory_space<hbm>> -> memref<8x128xf32, #tpu.memory_space<hbm>>
    tpu.wait_dma2 semaphore(%arg11 : memref<!tpu.dma_semaphore, #tpu.memory_space<semaphore_mem>>) src(%dma_wait3A_65 : memref<8x128xf32, #tpu.memory_space<hbm>>) dst(%dma_wait3A_63 : memref<8x128xf32, #tpu.memory_space<vmem>>)
    %dma_wait3A_66 = arith.constant 0 : i32
    %dma_wait3A_67 = arith.constant 0 : i32
    %dma_wait3A_68 = arith.constant 0 : i32
    %dma_wait3A_69 = tpu.memref_slice %arg8[%dma_wait3A_66, %dma_wait3A_67, %dma_wait3A_68] : memref<2x8x512xf32, #tpu.memory_space<vmem>> -> memref<1x8x512xf32, #tpu.memory_space<vmem>>
    %dma_wait3A_70 = tpu.memref_squeeze %dma_wait3A_69 : memref<1x8x512xf32, #tpu.memory_space<vmem>> -> memref<8x512xf32, #tpu.memory_space<vmem>>
    %dma_wait3A_71 = arith.constant 0 : i32
    %dma_wait3A_72 = tpu.memref_slice %arg2[%add3A_42, %dma_wait3A_71] : memref<8192x512xf32, #tpu.memory_space<hbm>> -> memref<8x512xf32, #tpu.memory_space<hbm>>
    %dma_wait3A_73 = arith.constant 0 : i32
    %dma_wait3A_74 = arith.constant 0 : i32
    %dma_wait3A_75 = tpu.memref_slice %arg8[%dma_wait3A_66, %dma_wait3A_73, %dma_wait3A_74] : memref<2x8x512xf32, #tpu.memory_space<vmem>> -> memref<1x8x512xf32, #tpu.memory_space<vmem>>
    %dma_wait3A_76 = tpu.memref_squeeze %dma_wait3A_75 : memref<1x8x512xf32, #tpu.memory_space<vmem>> -> memref<8x512xf32, #tpu.memory_space<vmem>>
    %dma_wait3A_77 = arith.constant 0 : i32
    %dma_wait3A_78 = tpu.memref_slice %arg2[%add3A_42, %dma_wait3A_77] : memref<8192x512xf32, #tpu.memory_space<hbm>> -> memref<8x512xf32, #tpu.memory_space<hbm>>
    tpu.wait_dma2 semaphore(%arg11 : memref<!tpu.dma_semaphore, #tpu.memory_space<semaphore_mem>>) src(%dma_wait3A_78 : memref<8x512xf32, #tpu.memory_space<hbm>>) dst(%dma_wait3A_76 : memref<8x512xf32, #tpu.memory_space<vmem>>)
    %dma_start3A_79 = arith.constant 0 : i32
    %dma_start3A_80 = arith.constant 0 : i32
    %dma_start3A_81 = arith.constant 0 : i32
    %dma_start3A_82 = arith.constant 0 : i32
    %dma_start3A_83 = tpu.memref_slice %arg9[%dma_start3A_80, %dma_start3A_81, %dma_start3A_82] : memref<2x64x512xf32, #tpu.memory_space<vmem>> -> memref<1x64x512xf32, #tpu.memory_space<vmem>>
    %dma_start3A_84 = tpu.memref_squeeze %dma_start3A_83 : memref<1x64x512xf32, #tpu.memory_space<vmem>> -> memref<64x512xf32, #tpu.memory_space<vmem>>
    %dma_start3A_85 = arith.constant 0 : i32
    %dma_start3A_86 = tpu.memref_slice %arg6[%dma_start3A_79, %dma_start3A_85] : memref<2x64xi32, #tpu.memory_space<vmem>> -> memref<1x64xi32, #tpu.memory_space<vmem>>
    %dma_start3A_87 = tpu.memref_squeeze %dma_start3A_86 : memref<1x64xi32, #tpu.memory_space<vmem>> -> memref<64xi32, #tpu.memory_space<vmem>>
    %dma_start3A_88 = arith.constant 0 : i32
    %dma_start3A_89 = arith.constant 0 : i32
    %dma_start3A_90 = tpu.memref_slice %arg2[%dma_start3A_88, %dma_start3A_89] : memref<8192x512xf32, #tpu.memory_space<hbm>> -> memref<8192x512xf32, #tpu.memory_space<hbm>>
    tpu.enqueue_indirect_dma source(%dma_start3A_90 : memref<8192x512xf32, #tpu.memory_space<hbm>>) target(%dma_start3A_84 : memref<64x512xf32, #tpu.memory_space<vmem>>) offsets(%dma_start3A_87 : memref<64xi32, #tpu.memory_space<vmem>>) semaphore(%arg13 : memref<!tpu.dma_semaphore, #tpu.memory_space<semaphore_mem>>)
    %add3A_91 = arith.constant 8 : i32
    %add3A_92 = arith.addi %mul3A_2, %add3A_91 : i32
    %mul3A_93 = arith.constant 8 : i32
    %mul3A_94 = arith.muli %add3A_92, %mul3A_93 : i32
    %dma_start3A_95 = arith.constant 1 : i32
    %dma_start3A_96 = arith.constant 0 : i32
    %dma_start3A_97 = tpu.memref_slice %arg6[%dma_start3A_95, %dma_start3A_96] : memref<2x64xi32, #tpu.memory_space<vmem>> -> memref<1x64xi32, #tpu.memory_space<vmem>>
    %dma_start3A_98 = tpu.memref_squeeze %dma_start3A_97 : memref<1x64xi32, #tpu.memory_space<vmem>> -> memref<64xi32, #tpu.memory_space<vmem>>
    %dma_start3A_99 = tpu.memref_slice %arg3[%mul3A_94] : memref<65536xi32, #tpu.memory_space<hbm>> -> memref<64xi32, #tpu.memory_space<hbm>>
    %dma_start3A_100 = arith.constant 0 : i32
    %dma_start3A_101 = tpu.memref_slice %arg6[%dma_start3A_95, %dma_start3A_100] : memref<2x64xi32, #tpu.memory_space<vmem>> -> memref<1x64xi32, #tpu.memory_space<vmem>>
    %dma_start3A_102 = tpu.memref_squeeze %dma_start3A_101 : memref<1x64xi32, #tpu.memory_space<vmem>> -> memref<64xi32, #tpu.memory_space<vmem>>
    %dma_start3A_103 = tpu.memref_slice %arg3[%mul3A_94] : memref<65536xi32, #tpu.memory_space<hbm>> -> memref<64xi32, #tpu.memory_space<hbm>>
    tpu.enqueue_dma source(%dma_start3A_103 : memref<64xi32, #tpu.memory_space<hbm>>) target(%dma_start3A_102 : memref<64xi32, #tpu.memory_space<vmem>>) target_semaphore(%arg12 : memref<!tpu.dma_semaphore, #tpu.memory_space<semaphore_mem>>)
    %dma_start3A_104 = arith.constant 1 : i32
    %dma_start3A_105 = arith.constant 0 : i32
    %dma_start3A_106 = arith.constant 0 : i32
    %dma_start3A_107 = tpu.memref_slice %arg7[%dma_start3A_104, %dma_start3A_105, %dma_start3A_106] : memref<2x8x128xf32, #tpu.memory_space<vmem>> -> memref<1x8x128xf32, #tpu.memory_space<vmem>>
    %dma_start3A_108 = tpu.memref_squeeze %dma_start3A_107 : memref<1x8x128xf32, #tpu.memory_space<vmem>> -> memref<8x128xf32, #tpu.memory_space<vmem>>
    %dma_start3A_109 = arith.constant 0 : i32
    %dma_start3A_110 = tpu.memref_slice %arg4[%add3A_92, %dma_start3A_109] : memref<8192x128xf32, #tpu.memory_space<hbm>> -> memref<8x128xf32, #tpu.memory_space<hbm>>
    %dma_start3A_111 = arith.constant 0 : i32
    %dma_start3A_112 = arith.constant 0 : i32
    %dma_start3A_113 = tpu.memref_slice %arg7[%dma_start3A_104, %dma_start3A_111, %dma_start3A_112] : memref<2x8x128xf32, #tpu.memory_space<vmem>> -> memref<1x8x128xf32, #tpu.memory_space<vmem>>
    %dma_start3A_114 = tpu.memref_squeeze %dma_start3A_113 : memref<1x8x128xf32, #tpu.memory_space<vmem>> -> memref<8x128xf32, #tpu.memory_space<vmem>>
    %dma_start3A_115 = arith.constant 0 : i32
    %dma_start3A_116 = tpu.memref_slice %arg4[%add3A_92, %dma_start3A_115] : memref<8192x128xf32, #tpu.memory_space<hbm>> -> memref<8x128xf32, #tpu.memory_space<hbm>>
    tpu.enqueue_dma source(%dma_start3A_116 : memref<8x128xf32, #tpu.memory_space<hbm>>) target(%dma_start3A_114 : memref<8x128xf32, #tpu.memory_space<vmem>>) target_semaphore(%arg12 : memref<!tpu.dma_semaphore, #tpu.memory_space<semaphore_mem>>)
    %dma_start3A_117 = arith.constant 1 : i32
    %dma_start3A_118 = arith.constant 0 : i32
    %dma_start3A_119 = arith.constant 0 : i32
    %dma_start3A_120 = tpu.memref_slice %arg8[%dma_start3A_117, %dma_start3A_118, %dma_start3A_119] : memref<2x8x512xf32, #tpu.memory_space<vmem>> -> memref<1x8x512xf32, #tpu.memory_space<vmem>>
    %dma_start3A_121 = tpu.memref_squeeze %dma_start3A_120 : memref<1x8x512xf32, #tpu.memory_space<vmem>> -> memref<8x512xf32, #tpu.memory_space<vmem>>
    %dma_start3A_122 = arith.constant 0 : i32
    %dma_start3A_123 = tpu.memref_slice %arg2[%add3A_92, %dma_start3A_122] : memref<8192x512xf32, #tpu.memory_space<hbm>> -> memref<8x512xf32, #tpu.memory_space<hbm>>
    %dma_start3A_124 = arith.constant 0 : i32
    %dma_start3A_125 = arith.constant 0 : i32
    %dma_start3A_126 = tpu.memref_slice %arg8[%dma_start3A_117, %dma_start3A_124, %dma_start3A_125] : memref<2x8x512xf32, #tpu.memory_space<vmem>> -> memref<1x8x512xf32, #tpu.memory_space<vmem>>
    %dma_start3A_127 = tpu.memref_squeeze %dma_start3A_126 : memref<1x8x512xf32, #tpu.memory_space<vmem>> -> memref<8x512xf32, #tpu.memory_space<vmem>>
    %dma_start3A_128 = arith.constant 0 : i32
    %dma_start3A_129 = tpu.memref_slice %arg2[%add3A_92, %dma_start3A_128] : memref<8192x512xf32, #tpu.memory_space<hbm>> -> memref<8x512xf32, #tpu.memory_space<hbm>>
    tpu.enqueue_dma source(%dma_start3A_129 : memref<8x512xf32, #tpu.memory_space<hbm>>) target(%dma_start3A_127 : memref<8x512xf32, #tpu.memory_space<vmem>>) target_semaphore(%arg12 : memref<!tpu.dma_semaphore, #tpu.memory_space<semaphore_mem>>)
    %scan3A = arith.constant 0 : i32
    %scan3A_130 = arith.constant 0 : i32
    %scan3A_131 = arith.constant 16 : i32
    %scan3A_132 = arith.addi %scan3A_130, %scan3A_131 : i32
    %scan3A_133 = arith.constant 1 : i32
    %scan3A_134 = scf.for %scan3A_166 = %scan3A_130 to %scan3A_132 step %scan3A_133 iter_args(%scan3A_167 = %scan3A) -> (i32)  : i32 {
      %mul3A_168 = arith.constant 2 : i32
      %mul3A_169 = arith.muli %mul3A_168, %scan3A_166 : i32
      %add3A_170 = arith.constant 0 : i32
      %add3A_171 = arith.addi %mul3A_169, %add3A_170 : i32
      %add3A_172 = arith.constant 1 : i32
      %add3A_173 = arith.addi %add3A_171, %add3A_172 : i32
      %lt3A = arith.constant 32 : i32
      %lt3A_174 = arith.cmpi slt, %add3A_173, %lt3A : i32
      %convert_element_type3A = arith.extui %lt3A_174 : i1 to i32
      %cond3A = arith.constant 0 : i32
      %cond3A_175 = arith.cmpi ne, %convert_element_type3A, %cond3A : i32
      scf.if %cond3A_175 {
        %add3A_1274 = arith.constant 1 : i32
        %add3A_1275 = arith.addi %add3A_171, %add3A_1274 : i32
        %mul3A_1276 = arith.constant 8 : i32
        %mul3A_1277 = arith.muli %add3A_1275, %mul3A_1276 : i32
        %add3A_1278 = arith.addi %mul3A_2, %mul3A_1277 : i32
        %mul3A_1279 = arith.constant 8 : i32
        %mul3A_1280 = arith.muli %add3A_1278, %mul3A_1279 : i32
        %dma_wait3A_1281 = arith.constant 1 : i32
        %dma_wait3A_1282 = arith.constant 0 : i32
        %dma_wait3A_1283 = tpu.memref_slice %arg6[%dma_wait3A_1281, %dma_wait3A_1282] : memref<2x64xi32, #tpu.memory_space<vmem>> -> memref<1x64xi32, #tpu.memory_space<vmem>>
        %dma_wait3A_1284 = tpu.memref_squeeze %dma_wait3A_1283 : memref<1x64xi32, #tpu.memory_space<vmem>> -> memref<64xi32, #tpu.memory_space<vmem>>
        %dma_wait3A_1285 = tpu.memref_slice %arg3[%mul3A_1280] : memref<65536xi32, #tpu.memory_space<hbm>> -> memref<64xi32, #tpu.memory_space<hbm>>
        %dma_wait3A_1286 = arith.constant 0 : i32
        %dma_wait3A_1287 = tpu.memref_slice %arg6[%dma_wait3A_1281, %dma_wait3A_1286] : memref<2x64xi32, #tpu.memory_space<vmem>> -> memref<1x64xi32, #tpu.memory_space<vmem>>
        %dma_wait3A_1288 = tpu.memref_squeeze %dma_wait3A_1287 : memref<1x64xi32, #tpu.memory_space<vmem>> -> memref<64xi32, #tpu.memory_space<vmem>>
        %dma_wait3A_1289 = tpu.memref_slice %arg3[%mul3A_1280] : memref<65536xi32, #tpu.memory_space<hbm>> -> memref<64xi32, #tpu.memory_space<hbm>>
        tpu.wait_dma2 semaphore(%arg12 : memref<!tpu.dma_semaphore, #tpu.memory_space<semaphore_mem>>) src(%dma_wait3A_1289 : memref<64xi32, #tpu.memory_space<hbm>>) dst(%dma_wait3A_1288 : memref<64xi32, #tpu.memory_space<vmem>>)
        %dma_wait3A_1290 = arith.constant 1 : i32
        %dma_wait3A_1291 = arith.constant 0 : i32
        %dma_wait3A_1292 = arith.constant 0 : i32
        %dma_wait3A_1293 = tpu.memref_slice %arg7[%dma_wait3A_1290, %dma_wait3A_1291, %dma_wait3A_1292] : memref<2x8x128xf32, #tpu.memory_space<vmem>> -> memref<1x8x128xf32, #tpu.memory_space<vmem>>
        %dma_wait3A_1294 = tpu.memref_squeeze %dma_wait3A_1293 : memref<1x8x128xf32, #tpu.memory_space<vmem>> -> memref<8x128xf32, #tpu.memory_space<vmem>>
        %dma_wait3A_1295 = arith.constant 0 : i32
        %dma_wait3A_1296 = tpu.memref_slice %arg4[%add3A_1278, %dma_wait3A_1295] : memref<8192x128xf32, #tpu.memory_space<hbm>> -> memref<8x128xf32, #tpu.memory_space<hbm>>
        %dma_wait3A_1297 = arith.constant 0 : i32
        %dma_wait3A_1298 = arith.constant 0 : i32
        %dma_wait3A_1299 = tpu.memref_slice %arg7[%dma_wait3A_1290, %dma_wait3A_1297, %dma_wait3A_1298] : memref<2x8x128xf32, #tpu.memory_space<vmem>> -> memref<1x8x128xf32, #tpu.memory_space<vmem>>
        %dma_wait3A_1300 = tpu.memref_squeeze %dma_wait3A_1299 : memref<1x8x128xf32, #tpu.memory_space<vmem>> -> memref<8x128xf32, #tpu.memory_space<vmem>>
        %dma_wait3A_1301 = arith.constant 0 : i32
        %dma_wait3A_1302 = tpu.memref_slice %arg4[%add3A_1278, %dma_wait3A_1301] : memref<8192x128xf32, #tpu.memory_space<hbm>> -> memref<8x128xf32, #tpu.memory_space<hbm>>
        tpu.wait_dma2 semaphore(%arg12 : memref<!tpu.dma_semaphore, #tpu.memory_space<semaphore_mem>>) src(%dma_wait3A_1302 : memref<8x128xf32, #tpu.memory_space<hbm>>) dst(%dma_wait3A_1300 : memref<8x128xf32, #tpu.memory_space<vmem>>)
        %dma_wait3A_1303 = arith.constant 1 : i32
        %dma_wait3A_1304 = arith.constant 0 : i32
        %dma_wait3A_1305 = arith.constant 0 : i32
        %dma_wait3A_1306 = tpu.memref_slice %arg8[%dma_wait3A_1303, %dma_wait3A_1304, %dma_wait3A_1305] : memref<2x8x512xf32, #tpu.memory_space<vmem>> -> memref<1x8x512xf32, #tpu.memory_space<vmem>>
        %dma_wait3A_1307 = tpu.memref_squeeze %dma_wait3A_1306 : memref<1x8x512xf32, #tpu.memory_space<vmem>> -> memref<8x512xf32, #tpu.memory_space<vmem>>
        %dma_wait3A_1308 = arith.constant 0 : i32
        %dma_wait3A_1309 = tpu.memref_slice %arg2[%add3A_1278, %dma_wait3A_1308] : memref<8192x512xf32, #tpu.memory_space<hbm>> -> memref<8x512xf32, #tpu.memory_space<hbm>>
        %dma_wait3A_1310 = arith.constant 0 : i32
        %dma_wait3A_1311 = arith.constant 0 : i32
        %dma_wait3A_1312 = tpu.memref_slice %arg8[%dma_wait3A_1303, %dma_wait3A_1310, %dma_wait3A_1311] : memref<2x8x512xf32, #tpu.memory_space<vmem>> -> memref<1x8x512xf32, #tpu.memory_space<vmem>>
        %dma_wait3A_1313 = tpu.memref_squeeze %dma_wait3A_1312 : memref<1x8x512xf32, #tpu.memory_space<vmem>> -> memref<8x512xf32, #tpu.memory_space<vmem>>
        %dma_wait3A_1314 = arith.constant 0 : i32
        %dma_wait3A_1315 = tpu.memref_slice %arg2[%add3A_1278, %dma_wait3A_1314] : memref<8192x512xf32, #tpu.memory_space<hbm>> -> memref<8x512xf32, #tpu.memory_space<hbm>>
        tpu.wait_dma2 semaphore(%arg12 : memref<!tpu.dma_semaphore, #tpu.memory_space<semaphore_mem>>) src(%dma_wait3A_1315 : memref<8x512xf32, #tpu.memory_space<hbm>>) dst(%dma_wait3A_1313 : memref<8x512xf32, #tpu.memory_space<vmem>>)
        %dma_start3A_1316 = arith.constant 1 : i32
        %dma_start3A_1317 = arith.constant 1 : i32
        %dma_start3A_1318 = arith.constant 0 : i32
        %dma_start3A_1319 = arith.constant 0 : i32
        %dma_start3A_1320 = tpu.memref_slice %arg9[%dma_start3A_1317, %dma_start3A_1318, %dma_start3A_1319] : memref<2x64x512xf32, #tpu.memory_space<vmem>> -> memref<1x64x512xf32, #tpu.memory_space<vmem>>
        %dma_start3A_1321 = tpu.memref_squeeze %dma_start3A_1320 : memref<1x64x512xf32, #tpu.memory_space<vmem>> -> memref<64x512xf32, #tpu.memory_space<vmem>>
        %dma_start3A_1322 = arith.constant 0 : i32
        %dma_start3A_1323 = tpu.memref_slice %arg6[%dma_start3A_1316, %dma_start3A_1322] : memref<2x64xi32, #tpu.memory_space<vmem>> -> memref<1x64xi32, #tpu.memory_space<vmem>>
        %dma_start3A_1324 = tpu.memref_squeeze %dma_start3A_1323 : memref<1x64xi32, #tpu.memory_space<vmem>> -> memref<64xi32, #tpu.memory_space<vmem>>
        %dma_start3A_1325 = arith.constant 0 : i32
        %dma_start3A_1326 = arith.constant 0 : i32
        %dma_start3A_1327 = tpu.memref_slice %arg2[%dma_start3A_1325, %dma_start3A_1326] : memref<8192x512xf32, #tpu.memory_space<hbm>> -> memref<8192x512xf32, #tpu.memory_space<hbm>>
        tpu.enqueue_indirect_dma source(%dma_start3A_1327 : memref<8192x512xf32, #tpu.memory_space<hbm>>) target(%dma_start3A_1321 : memref<64x512xf32, #tpu.memory_space<vmem>>) offsets(%dma_start3A_1324 : memref<64xi32, #tpu.memory_space<vmem>>) semaphore(%arg14 : memref<!tpu.dma_semaphore, #tpu.memory_space<semaphore_mem>>)
      } else {
      }
      %dma_wait3A_176 = arith.constant 0 : i32
      %dma_wait3A_177 = arith.constant 0 : i32
      %dma_wait3A_178 = arith.constant 0 : i32
      %dma_wait3A_179 = arith.constant 0 : i32
      %dma_wait3A_180 = tpu.memref_slice %arg9[%dma_wait3A_177, %dma_wait3A_178, %dma_wait3A_179] : memref<2x64x512xf32, #tpu.memory_space<vmem>> -> memref<1x64x512xf32, #tpu.memory_space<vmem>>
      %dma_wait3A_181 = tpu.memref_squeeze %dma_wait3A_180 : memref<1x64x512xf32, #tpu.memory_space<vmem>> -> memref<64x512xf32, #tpu.memory_space<vmem>>
      %dma_wait3A_182 = arith.constant 0 : i32
      %dma_wait3A_183 = tpu.memref_slice %arg6[%dma_wait3A_176, %dma_wait3A_182] : memref<2x64xi32, #tpu.memory_space<vmem>> -> memref<1x64xi32, #tpu.memory_space<vmem>>
      %dma_wait3A_184 = tpu.memref_squeeze %dma_wait3A_183 : memref<1x64xi32, #tpu.memory_space<vmem>> -> memref<64xi32, #tpu.memory_space<vmem>>
      %dma_wait3A_185 = arith.constant 0 : i32
      %dma_wait3A_186 = arith.constant 0 : i32
      %dma_wait3A_187 = tpu.memref_slice %arg2[%dma_wait3A_185, %dma_wait3A_186] : memref<8192x512xf32, #tpu.memory_space<hbm>> -> memref<8192x512xf32, #tpu.memory_space<hbm>>
      tpu.wait_indirect_dma semaphore(%arg13 : memref<!tpu.dma_semaphore, #tpu.memory_space<semaphore_mem>>) src(%dma_wait3A_187 : memref<8192x512xf32, #tpu.memory_space<hbm>>) dst(%dma_wait3A_181 : memref<64x512xf32, #tpu.memory_space<vmem>>)
      %ge3A = arith.constant 2 : i32
      %ge3A_188 = arith.cmpi sge, %add3A_171, %ge3A : i32
      %convert_element_type3A_189 = arith.extui %ge3A_188 : i1 to i32
      %cond3A_190 = arith.constant 0 : i32
      %cond3A_191 = arith.cmpi ne, %convert_element_type3A_189, %cond3A_190 : i32
      scf.if %cond3A_191 {
        %sub3A = arith.constant 2 : i32
        %sub3A_1274 = arith.subi %add3A_171, %sub3A : i32
        %mul3A_1275 = arith.constant 8 : i32
        %mul3A_1276 = arith.muli %sub3A_1274, %mul3A_1275 : i32
        %add3A_1277 = arith.addi %mul3A_2, %mul3A_1276 : i32
        %dma_wait3A_1278 = arith.constant 0 : i32
        %dma_wait3A_1279 = arith.constant 0 : i32
        %dma_wait3A_1280 = arith.constant 0 : i32
        %dma_wait3A_1281 = tpu.memref_slice %arg10[%dma_wait3A_1278, %dma_wait3A_1279, %dma_wait3A_1280] : memref<2x8x512xf32, #tpu.memory_space<vmem>> -> memref<1x8x512xf32, #tpu.memory_space<vmem>>
        %dma_wait3A_1282 = tpu.memref_squeeze %dma_wait3A_1281 : memref<1x8x512xf32, #tpu.memory_space<vmem>> -> memref<8x512xf32, #tpu.memory_space<vmem>>
        %dma_wait3A_1283 = arith.constant 0 : i32
        %dma_wait3A_1284 = tpu.memref_slice %arg5[%add3A_1277, %dma_wait3A_1283] : memref<8192x512xf32, #tpu.memory_space<hbm>> -> memref<8x512xf32, #tpu.memory_space<hbm>>
        %dma_wait3A_1285 = arith.constant 0 : i32
        %dma_wait3A_1286 = tpu.memref_slice %arg5[%add3A_1277, %dma_wait3A_1285] : memref<8192x512xf32, #tpu.memory_space<hbm>> -> memref<8x512xf32, #tpu.memory_space<hbm>>
        %dma_wait3A_1287 = arith.constant 0 : i32
        %dma_wait3A_1288 = arith.constant 0 : i32
        %dma_wait3A_1289 = tpu.memref_slice %arg10[%dma_wait3A_1278, %dma_wait3A_1287, %dma_wait3A_1288] : memref<2x8x512xf32, #tpu.memory_space<vmem>> -> memref<1x8x512xf32, #tpu.memory_space<vmem>>
        %dma_wait3A_1290 = tpu.memref_squeeze %dma_wait3A_1289 : memref<1x8x512xf32, #tpu.memory_space<vmem>> -> memref<8x512xf32, #tpu.memory_space<vmem>>
        tpu.wait_dma2 semaphore(%arg15 : memref<!tpu.dma_semaphore, #tpu.memory_space<semaphore_mem>>) src(%dma_wait3A_1290 : memref<8x512xf32, #tpu.memory_space<vmem>>) dst(%dma_wait3A_1286 : memref<8x512xf32, #tpu.memory_space<hbm>>)
      } else {
      }
      %get3A = arith.constant 0 : i32
      %get3A_192 = arith.constant 0 : i32
      %get3A_193 = arith.index_cast %get3A : i32 to index
      %get3A_194 = arith.index_cast %get3A_192 : i32 to index
      %get3A_195 = arith.constant 0 : index
      %get3A_196 = tpu.vector_load %arg7[%get3A_193, %get3A_194, %get3A_195] {strides = array<i32>} : memref<2x8x128xf32, #tpu.memory_space<vmem>>, vector<1x1x16xf32>,
      %get3A_197 = vector.shape_cast %get3A_196 : vector<1x1x16xf32> to vector<16xf32>
      %get3A_198 = arith.constant 0 : i32
      %get3A_199 = arith.constant 0 : i32
      %get3A_200 = arith.index_cast %get3A_198 : i32 to index
      %get3A_201 = arith.index_cast %get3A_199 : i32 to index
      %get3A_202 = arith.constant 16 : index
      %get3A_203 = tpu.vector_load %arg7[%get3A_200, %get3A_201, %get3A_202] {strides = array<i32>} : memref<2x8x128xf32, #tpu.memory_space<vmem>>, vector<1x1x16xf32>,
      %get3A_204 = vector.shape_cast %get3A_203 : vector<1x1x16xf32> to vector<16xf32>
      %get3A_205 = arith.constant 0 : i32
      %get3A_206 = arith.constant 0 : i32
      %get3A_207 = arith.index_cast %get3A_205 : i32 to index
      %get3A_208 = arith.index_cast %get3A_206 : i32 to index
      %get3A_209 = arith.constant 32 : index
      %get3A_210 = tpu.vector_load %arg7[%get3A_207, %get3A_208, %get3A_209] {strides = array<i32>} : memref<2x8x128xf32, #tpu.memory_space<vmem>>, vector<1x1x16xf32>,
      %get3A_211 = vector.shape_cast %get3A_210 : vector<1x1x16xf32> to vector<16xf32>
      %get3A_212 = arith.constant 0 : i32
      %get3A_213 = arith.constant 0 : i32
      %get3A_214 = arith.index_cast %get3A_212 : i32 to index
      %get3A_215 = arith.index_cast %get3A_213 : i32 to index
      %get3A_216 = arith.constant 48 : index
      %get3A_217 = tpu.vector_load %arg7[%get3A_214, %get3A_215, %get3A_216] {strides = array<i32>} : memref<2x8x128xf32, #tpu.memory_space<vmem>>, vector<1x1x16xf32>,
      %get3A_218 = vector.shape_cast %get3A_217 : vector<1x1x16xf32> to vector<16xf32>
      %get3A_219 = arith.constant 0 : i32
      %get3A_220 = arith.constant 0 : i32
      %get3A_221 = arith.index_cast %get3A_219 : i32 to index
      %get3A_222 = arith.index_cast %get3A_220 : i32 to index
      %get3A_223 = arith.constant 64 : index
      %get3A_224 = tpu.vector_load %arg7[%get3A_221, %get3A_222, %get3A_223] {strides = array<i32>} : memref<2x8x128xf32, #tpu.memory_space<vmem>>, vector<1x1x16xf32>,
      %get3A_225 = vector.shape_cast %get3A_224 : vector<1x1x16xf32> to vector<16xf32>
      %get3A_226 = arith.constant 0 : i32
      %get3A_227 = arith.constant 0 : i32
      %get3A_228 = arith.index_cast %get3A_226 : i32 to index
      %get3A_229 = arith.index_cast %get3A_227 : i32 to index
      %get3A_230 = arith.constant 80 : index
      %get3A_231 = tpu.vector_load %arg7[%get3A_228, %get3A_229, %get3A_230] {strides = array<i32>} : memref<2x8x128xf32, #tpu.memory_space<vmem>>, vector<1x1x16xf32>,
      %get3A_232 = vector.shape_cast %get3A_231 : vector<1x1x16xf32> to vector<16xf32>
      %get3A_233 = arith.constant 0 : i32
      %get3A_234 = arith.constant 0 : i32
      %get3A_235 = arith.index_cast %get3A_233 : i32 to index
      %get3A_236 = arith.index_cast %get3A_234 : i32 to index
      %get3A_237 = arith.constant 96 : index
      %get3A_238 = tpu.vector_load %arg7[%get3A_235, %get3A_236, %get3A_237] {strides = array<i32>} : memref<2x8x128xf32, #tpu.memory_space<vmem>>, vector<1x1x16xf32>,
      %get3A_239 = vector.shape_cast %get3A_238 : vector<1x1x16xf32> to vector<16xf32>
      %get3A_240 = arith.constant 0 : i32
      %get3A_241 = arith.constant 0 : i32
      %get3A_242 = arith.index_cast %get3A_240 : i32 to index
      %get3A_243 = arith.index_cast %get3A_241 : i32 to index
      %get3A_244 = arith.constant 112 : index
      %get3A_245 = tpu.vector_load %arg7[%get3A_242, %get3A_243, %get3A_244] {strides = array<i32>} : memref<2x8x128xf32, #tpu.memory_space<vmem>>, vector<1x1x16xf32>,
      %get3A_246 = vector.shape_cast %get3A_245 : vector<1x1x16xf32> to vector<16xf32>
      %scan3A_247 = arith.constant 0 : i32
      %scan3A_248 = arith.constant 0 : i32
      %scan3A_249 = arith.constant 32 : i32
      %scan3A_250 = arith.addi %scan3A_248, %scan3A_249 : i32
      %scan3A_251 = arith.constant 1 : i32
      %scan3A_252 = scf.for %scan3A_1274 = %scan3A_248 to %scan3A_250 step %scan3A_251 iter_args(%scan3A_1275 = %scan3A_247) -> (i32)  : i32 {
        %mul3A_1276 = arith.constant 16 : i32
        %mul3A_1277 = arith.muli %scan3A_1274, %mul3A_1276 : i32
        %get3A_1278 = arith.constant 0 : i32
        %get3A_1279 = arith.constant 0 : i32
        %get3A_1280 = arith.index_cast %get3A_1278 : i32 to index
        %get3A_1281 = arith.index_cast %get3A_1279 : i32 to index
        %get3A_1282 = arith.index_cast %mul3A_1277 : i32 to index
        %get3A_1283 = tpu.vector_load %arg8[%get3A_1280, %get3A_1281, %get3A_1282] {strides = array<i32>} : memref<2x8x512xf32, #tpu.memory_space<vmem>>, vector<1x1x16xf32>,
        %get3A_1284 = vector.shape_cast %get3A_1283 : vector<1x1x16xf32> to vector<16xf32>
        %get3A_1285 = arith.constant 0 : i32
        %get3A_1286 = arith.constant 0 : i32
        %get3A_1287 = arith.index_cast %get3A_1285 : i32 to index
        %get3A_1288 = arith.index_cast %get3A_1286 : i32 to index
        %get3A_1289 = arith.index_cast %mul3A_1277 : i32 to index
        %get3A_1290 = tpu.vector_load %arg9[%get3A_1287, %get3A_1288, %get3A_1289] {strides = array<i32>} : memref<2x64x512xf32, #tpu.memory_space<vmem>>, vector<1x1x16xf32>,
        %get3A_1291 = vector.shape_cast %get3A_1290 : vector<1x1x16xf32> to vector<16xf32>
        %mul3A_1292 = arith.mulf %get3A_197, %get3A_1291 : vector<16xf32>
        %add3A_1293 = arith.addf %get3A_1284, %mul3A_1292 : vector<16xf32>
        %get3A_1294 = arith.constant 0 : i32
        %get3A_1295 = arith.constant 1 : i32
        %get3A_1296 = arith.index_cast %get3A_1294 : i32 to index
        %get3A_1297 = arith.index_cast %get3A_1295 : i32 to index
        %get3A_1298 = arith.index_cast %mul3A_1277 : i32 to index
        %get3A_1299 = tpu.vector_load %arg9[%get3A_1296, %get3A_1297, %get3A_1298] {strides = array<i32>} : memref<2x64x512xf32, #tpu.memory_space<vmem>>, vector<1x1x16xf32>,
        %get3A_1300 = vector.shape_cast %get3A_1299 : vector<1x1x16xf32> to vector<16xf32>
        %mul3A_1301 = arith.mulf %get3A_204, %get3A_1300 : vector<16xf32>
        %add3A_1302 = arith.addf %add3A_1293, %mul3A_1301 : vector<16xf32>
        %get3A_1303 = arith.constant 0 : i32
        %get3A_1304 = arith.constant 2 : i32
        %get3A_1305 = arith.index_cast %get3A_1303 : i32 to index
        %get3A_1306 = arith.index_cast %get3A_1304 : i32 to index
        %get3A_1307 = arith.index_cast %mul3A_1277 : i32 to index
        %get3A_1308 = tpu.vector_load %arg9[%get3A_1305, %get3A_1306, %get3A_1307] {strides = array<i32>} : memref<2x64x512xf32, #tpu.memory_space<vmem>>, vector<1x1x16xf32>,
        %get3A_1309 = vector.shape_cast %get3A_1308 : vector<1x1x16xf32> to vector<16xf32>
        %mul3A_1310 = arith.mulf %get3A_211, %get3A_1309 : vector<16xf32>
        %add3A_1311 = arith.addf %add3A_1302, %mul3A_1310 : vector<16xf32>
        %get3A_1312 = arith.constant 0 : i32
        %get3A_1313 = arith.constant 3 : i32
        %get3A_1314 = arith.index_cast %get3A_1312 : i32 to index
        %get3A_1315 = arith.index_cast %get3A_1313 : i32 to index
        %get3A_1316 = arith.index_cast %mul3A_1277 : i32 to index
        %get3A_1317 = tpu.vector_load %arg9[%get3A_1314, %get3A_1315, %get3A_1316] {strides = array<i32>} : memref<2x64x512xf32, #tpu.memory_space<vmem>>, vector<1x1x16xf32>,
        %get3A_1318 = vector.shape_cast %get3A_1317 : vector<1x1x16xf32> to vector<16xf32>
        %mul3A_1319 = arith.mulf %get3A_218, %get3A_1318 : vector<16xf32>
        %add3A_1320 = arith.addf %add3A_1311, %mul3A_1319 : vector<16xf32>
        %get3A_1321 = arith.constant 0 : i32
        %get3A_1322 = arith.constant 4 : i32
        %get3A_1323 = arith.index_cast %get3A_1321 : i32 to index
        %get3A_1324 = arith.index_cast %get3A_1322 : i32 to index
        %get3A_1325 = arith.index_cast %mul3A_1277 : i32 to index
        %get3A_1326 = tpu.vector_load %arg9[%get3A_1323, %get3A_1324, %get3A_1325] {strides = array<i32>} : memref<2x64x512xf32, #tpu.memory_space<vmem>>, vector<1x1x16xf32>,
        %get3A_1327 = vector.shape_cast %get3A_1326 : vector<1x1x16xf32> to vector<16xf32>
        %mul3A_1328 = arith.mulf %get3A_225, %get3A_1327 : vector<16xf32>
        %add3A_1329 = arith.addf %add3A_1320, %mul3A_1328 : vector<16xf32>
        %get3A_1330 = arith.constant 0 : i32
        %get3A_1331 = arith.constant 5 : i32
        %get3A_1332 = arith.index_cast %get3A_1330 : i32 to index
        %get3A_1333 = arith.index_cast %get3A_1331 : i32 to index
        %get3A_1334 = arith.index_cast %mul3A_1277 : i32 to index
        %get3A_1335 = tpu.vector_load %arg9[%get3A_1332, %get3A_1333, %get3A_1334] {strides = array<i32>} : memref<2x64x512xf32, #tpu.memory_space<vmem>>, vector<1x1x16xf32>,
        %get3A_1336 = vector.shape_cast %get3A_1335 : vector<1x1x16xf32> to vector<16xf32>
        %mul3A_1337 = arith.mulf %get3A_232, %get3A_1336 : vector<16xf32>
        %add3A_1338 = arith.addf %add3A_1329, %mul3A_1337 : vector<16xf32>
        %get3A_1339 = arith.constant 0 : i32
        %get3A_1340 = arith.constant 6 : i32
        %get3A_1341 = arith.index_cast %get3A_1339 : i32 to index
        %get3A_1342 = arith.index_cast %get3A_1340 : i32 to index
        %get3A_1343 = arith.index_cast %mul3A_1277 : i32 to index
        %get3A_1344 = tpu.vector_load %arg9[%get3A_1341, %get3A_1342, %get3A_1343] {strides = array<i32>} : memref<2x64x512xf32, #tpu.memory_space<vmem>>, vector<1x1x16xf32>,
        %get3A_1345 = vector.shape_cast %get3A_1344 : vector<1x1x16xf32> to vector<16xf32>
        %mul3A_1346 = arith.mulf %get3A_239, %get3A_1345 : vector<16xf32>
        %add3A_1347 = arith.addf %add3A_1338, %mul3A_1346 : vector<16xf32>
        %get3A_1348 = arith.constant 0 : i32
        %get3A_1349 = arith.constant 7 : i32
        %get3A_1350 = arith.index_cast %get3A_1348 : i32 to index
        %get3A_1351 = arith.index_cast %get3A_1349 : i32 to index
        %get3A_1352 = arith.index_cast %mul3A_1277 : i32 to index
        %get3A_1353 = tpu.vector_load %arg9[%get3A_1350, %get3A_1351, %get3A_1352] {strides = array<i32>} : memref<2x64x512xf32, #tpu.memory_space<vmem>>, vector<1x1x16xf32>,
        %get3A_1354 = vector.shape_cast %get3A_1353 : vector<1x1x16xf32> to vector<16xf32>
        %mul3A_1355 = arith.mulf %get3A_246, %get3A_1354 : vector<16xf32>
        %add3A_1356 = arith.addf %add3A_1347, %mul3A_1355 : vector<16xf32>
        %swap3A = arith.constant 0 : i32
        %swap3A_1357 = arith.constant 0 : i32
        %swap3A_1358 = arith.index_cast %swap3A : i32 to index
        %swap3A_1359 = arith.index_cast %swap3A_1357 : i32 to index
        %swap3A_1360 = arith.index_cast %mul3A_1277 : i32 to index
        %swap3A_1361 = tpu.vector_load %arg10[%swap3A_1358, %swap3A_1359, %swap3A_1360] {strides = array<i32>} : memref<2x8x512xf32, #tpu.memory_space<vmem>>, vector<1x1x16xf32>,
        %swap3A_1362 = vector.shape_cast %swap3A_1361 : vector<1x1x16xf32> to vector<16xf32>
        %swap3A_1363 = vector.shape_cast %add3A_1356 : vector<16xf32> to vector<1x1x16xf32>
        tpu.vector_store %arg10[%swap3A_1358, %swap3A_1359, %swap3A_1360], %swap3A_1363 {strides = array<i32>} : memref<2x8x512xf32, #tpu.memory_space<vmem>>, vector<1x1x16xf32>,
        %scan3A_1364 = arith.constant 0 : i32
        scf.yield %scan3A_1364 : i32
      }
      %scan3A_253 = arith.constant 32 : i32
      %get3A_254 = arith.constant 0 : i32
      %get3A_255 = arith.constant 1 : i32
      %get3A_256 = arith.index_cast %get3A_254 : i32 to index
      %get3A_257 = arith.index_cast %get3A_255 : i32 to index
      %get3A_258 = arith.constant 0 : index
      %get3A_259 = tpu.vector_load %arg7[%get3A_256, %get3A_257, %get3A_258] {strides = array<i32>} : memref<2x8x128xf32, #tpu.memory_space<vmem>>, vector<1x1x16xf32>,
      %get3A_260 = vector.shape_cast %get3A_259 : vector<1x1x16xf32> to vector<16xf32>
      %get3A_261 = arith.constant 0 : i32
      %get3A_262 = arith.constant 1 : i32
      %get3A_263 = arith.index_cast %get3A_261 : i32 to index
      %get3A_264 = arith.index_cast %get3A_262 : i32 to index
      %get3A_265 = arith.constant 16 : index
      %get3A_266 = tpu.vector_load %arg7[%get3A_263, %get3A_264, %get3A_265] {strides = array<i32>} : memref<2x8x128xf32, #tpu.memory_space<vmem>>, vector<1x1x16xf32>,
      %get3A_267 = vector.shape_cast %get3A_266 : vector<1x1x16xf32> to vector<16xf32>
      %get3A_268 = arith.constant 0 : i32
      %get3A_269 = arith.constant 1 : i32
      %get3A_270 = arith.index_cast %get3A_268 : i32 to index
      %get3A_271 = arith.index_cast %get3A_269 : i32 to index
      %get3A_272 = arith.constant 32 : index
      %get3A_273 = tpu.vector_load %arg7[%get3A_270, %get3A_271, %get3A_272] {strides = array<i32>} : memref<2x8x128xf32, #tpu.memory_space<vmem>>, vector<1x1x16xf32>,
      %get3A_274 = vector.shape_cast %get3A_273 : vector<1x1x16xf32> to vector<16xf32>
      %get3A_275 = arith.constant 0 : i32
      %get3A_276 = arith.constant 1 : i32
      %get3A_277 = arith.index_cast %get3A_275 : i32 to index
      %get3A_278 = arith.index_cast %get3A_276 : i32 to index
      %get3A_279 = arith.constant 48 : index
      %get3A_280 = tpu.vector_load %arg7[%get3A_277, %get3A_278, %get3A_279] {strides = array<i32>} : memref<2x8x128xf32, #tpu.memory_space<vmem>>, vector<1x1x16xf32>,
      %get3A_281 = vector.shape_cast %get3A_280 : vector<1x1x16xf32> to vector<16xf32>
      %get3A_282 = arith.constant 0 : i32
      %get3A_283 = arith.constant 1 : i32
      %get3A_284 = arith.index_cast %get3A_282 : i32 to index
      %get3A_285 = arith.index_cast %get3A_283 : i32 to index
      %get3A_286 = arith.constant 64 : index
      %get3A_287 = tpu.vector_load %arg7[%get3A_284, %get3A_285, %get3A_286] {strides = array<i32>} : memref<2x8x128xf32, #tpu.memory_space<vmem>>, vector<1x1x16xf32>,
      %get3A_288 = vector.shape_cast %get3A_287 : vector<1x1x16xf32> to vector<16xf32>
      %get3A_289 = arith.constant 0 : i32
      %get3A_290 = arith.constant 1 : i32
      %get3A_291 = arith.index_cast %get3A_289 : i32 to index
      %get3A_292 = arith.index_cast %get3A_290 : i32 to index
      %get3A_293 = arith.constant 80 : index
      %get3A_294 = tpu.vector_load %arg7[%get3A_291, %get3A_292, %get3A_293] {strides = array<i32>} : memref<2x8x128xf32, #tpu.memory_space<vmem>>, vector<1x1x16xf32>,
      %get3A_295 = vector.shape_cast %get3A_294 : vector<1x1x16xf32> to vector<16xf32>
      %get3A_296 = arith.constant 0 : i32
      %get3A_297 = arith.constant 1 : i32
      %get3A_298 = arith.index_cast %get3A_296 : i32 to index
      %get3A_299 = arith.index_cast %get3A_297 : i32 to index
      %get3A_300 = arith.constant 96 : index
      %get3A_301 = tpu.vector_load %arg7[%get3A_298, %get3A_299, %get3A_300] {strides = array<i32>} : memref<2x8x128xf32, #tpu.memory_space<vmem>>, vector<1x1x16xf32>,
      %get3A_302 = vector.shape_cast %get3A_301 : vector<1x1x16xf32> to vector<16xf32>
      %get3A_303 = arith.constant 0 : i32
      %get3A_304 = arith.constant 1 : i32
      %get3A_305 = arith.index_cast %get3A_303 : i32 to index
      %get3A_306 = arith.index_cast %get3A_304 : i32 to index
      %get3A_307 = arith.constant 112 : index
      %get3A_308 = tpu.vector_load %arg7[%get3A_305, %get3A_306, %get3A_307] {strides = array<i32>} : memref<2x8x128xf32, #tpu.memory_space<vmem>>, vector<1x1x16xf32>,
      %get3A_309 = vector.shape_cast %get3A_308 : vector<1x1x16xf32> to vector<16xf32>
      %scan3A_310 = arith.constant 0 : i32
      %scan3A_311 = arith.constant 0 : i32
      %scan3A_312 = arith.constant 32 : i32
      %scan3A_313 = arith.addi %scan3A_311, %scan3A_312 : i32
      %scan3A_314 = arith.constant 1 : i32
      %scan3A_315 = scf.for %scan3A_1274 = %scan3A_311 to %scan3A_313 step %scan3A_314 iter_args(%scan3A_1275 = %scan3A_310) -> (i32)  : i32 {
        %mul3A_1276 = arith.constant 16 : i32
        %mul3A_1277 = arith.muli %scan3A_1274, %mul3A_1276 : i32
        %get3A_1278 = arith.constant 0 : i32
        %get3A_1279 = arith.constant 1 : i32
        %get3A_1280 = arith.index_cast %get3A_1278 : i32 to index
        %get3A_1281 = arith.index_cast %get3A_1279 : i32 to index
        %get3A_1282 = arith.index_cast %mul3A_1277 : i32 to index
        %get3A_1283 = tpu.vector_load %arg8[%get3A_1280, %get3A_1281, %get3A_1282] {strides = array<i32>} : memref<2x8x512xf32, #tpu.memory_space<vmem>>, vector<1x1x16xf32>,
        %get3A_1284 = vector.shape_cast %get3A_1283 : vector<1x1x16xf32> to vector<16xf32>
        %get3A_1285 = arith.constant 0 : i32
        %get3A_1286 = arith.constant 8 : i32
        %get3A_1287 = arith.index_cast %get3A_1285 : i32 to index
        %get3A_1288 = arith.index_cast %get3A_1286 : i32 to index
        %get3A_1289 = arith.index_cast %mul3A_1277 : i32 to index
        %get3A_1290 = tpu.vector_load %arg9[%get3A_1287, %get3A_1288, %get3A_1289] {strides = array<i32>} : memref<2x64x512xf32, #tpu.memory_space<vmem>>, vector<1x1x16xf32>,
        %get3A_1291 = vector.shape_cast %get3A_1290 : vector<1x1x16xf32> to vector<16xf32>
        %mul3A_1292 = arith.mulf %get3A_260, %get3A_1291 : vector<16xf32>
        %add3A_1293 = arith.addf %get3A_1284, %mul3A_1292 : vector<16xf32>
        %get3A_1294 = arith.constant 0 : i32
        %get3A_1295 = arith.constant 9 : i32
        %get3A_1296 = arith.index_cast %get3A_1294 : i32 to index
        %get3A_1297 = arith.index_cast %get3A_1295 : i32 to index
        %get3A_1298 = arith.index_cast %mul3A_1277 : i32 to index
        %get3A_1299 = tpu.vector_load %arg9[%get3A_1296, %get3A_1297, %get3A_1298] {strides = array<i32>} : memref<2x64x512xf32, #tpu.memory_space<vmem>>, vector<1x1x16xf32>,
        %get3A_1300 = vector.shape_cast %get3A_1299 : vector<1x1x16xf32> to vector<16xf32>
        %mul3A_1301 = arith.mulf %get3A_267, %get3A_1300 : vector<16xf32>
        %add3A_1302 = arith.addf %add3A_1293, %mul3A_1301 : vector<16xf32>
        %get3A_1303 = arith.constant 0 : i32
        %get3A_1304 = arith.constant 10 : i32
        %get3A_1305 = arith.index_cast %get3A_1303 : i32 to index
        %get3A_1306 = arith.index_cast %get3A_1304 : i32 to index
        %get3A_1307 = arith.index_cast %mul3A_1277 : i32 to index
        %get3A_1308 = tpu.vector_load %arg9[%get3A_1305, %get3A_1306, %get3A_1307] {strides = array<i32>} : memref<2x64x512xf32, #tpu.memory_space<vmem>>, vector<1x1x16xf32>,
        %get3A_1309 = vector.shape_cast %get3A_1308 : vector<1x1x16xf32> to vector<16xf32>
        %mul3A_1310 = arith.mulf %get3A_274, %get3A_1309 : vector<16xf32>
        %add3A_1311 = arith.addf %add3A_1302, %mul3A_1310 : vector<16xf32>
        %get3A_1312 = arith.constant 0 : i32
        %get3A_1313 = arith.constant 11 : i32
        %get3A_1314 = arith.index_cast %get3A_1312 : i32 to index
        %get3A_1315 = arith.index_cast %get3A_1313 : i32 to index
        %get3A_1316 = arith.index_cast %mul3A_1277 : i32 to index
        %get3A_1317 = tpu.vector_load %arg9[%get3A_1314, %get3A_1315, %get3A_1316] {strides = array<i32>} : memref<2x64x512xf32, #tpu.memory_space<vmem>>, vector<1x1x16xf32>,
        %get3A_1318 = vector.shape_cast %get3A_1317 : vector<1x1x16xf32> to vector<16xf32>
        %mul3A_1319 = arith.mulf %get3A_281, %get3A_1318 : vector<16xf32>
        %add3A_1320 = arith.addf %add3A_1311, %mul3A_1319 : vector<16xf32>
        %get3A_1321 = arith.constant 0 : i32
        %get3A_1322 = arith.constant 12 : i32
        %get3A_1323 = arith.index_cast %get3A_1321 : i32 to index
        %get3A_1324 = arith.index_cast %get3A_1322 : i32 to index
        %get3A_1325 = arith.index_cast %mul3A_1277 : i32 to index
        %get3A_1326 = tpu.vector_load %arg9[%get3A_1323, %get3A_1324, %get3A_1325] {strides = array<i32>} : memref<2x64x512xf32, #tpu.memory_space<vmem>>, vector<1x1x16xf32>,
        %get3A_1327 = vector.shape_cast %get3A_1326 : vector<1x1x16xf32> to vector<16xf32>
        %mul3A_1328 = arith.mulf %get3A_288, %get3A_1327 : vector<16xf32>
        %add3A_1329 = arith.addf %add3A_1320, %mul3A_1328 : vector<16xf32>
        %get3A_1330 = arith.constant 0 : i32
        %get3A_1331 = arith.constant 13 : i32
        %get3A_1332 = arith.index_cast %get3A_1330 : i32 to index
        %get3A_1333 = arith.index_cast %get3A_1331 : i32 to index
        %get3A_1334 = arith.index_cast %mul3A_1277 : i32 to index
        %get3A_1335 = tpu.vector_load %arg9[%get3A_1332, %get3A_1333, %get3A_1334] {strides = array<i32>} : memref<2x64x512xf32, #tpu.memory_space<vmem>>, vector<1x1x16xf32>,
        %get3A_1336 = vector.shape_cast %get3A_1335 : vector<1x1x16xf32> to vector<16xf32>
        %mul3A_1337 = arith.mulf %get3A_295, %get3A_1336 : vector<16xf32>
        %add3A_1338 = arith.addf %add3A_1329, %mul3A_1337 : vector<16xf32>
        %get3A_1339 = arith.constant 0 : i32
        %get3A_1340 = arith.constant 14 : i32
        %get3A_1341 = arith.index_cast %get3A_1339 : i32 to index
        %get3A_1342 = arith.index_cast %get3A_1340 : i32 to index
        %get3A_1343 = arith.index_cast %mul3A_1277 : i32 to index
        %get3A_1344 = tpu.vector_load %arg9[%get3A_1341, %get3A_1342, %get3A_1343] {strides = array<i32>} : memref<2x64x512xf32, #tpu.memory_space<vmem>>, vector<1x1x16xf32>,
        %get3A_1345 = vector.shape_cast %get3A_1344 : vector<1x1x16xf32> to vector<16xf32>
        %mul3A_1346 = arith.mulf %get3A_302, %get3A_1345 : vector<16xf32>
        %add3A_1347 = arith.addf %add3A_1338, %mul3A_1346 : vector<16xf32>
        %get3A_1348 = arith.constant 0 : i32
        %get3A_1349 = arith.constant 15 : i32
        %get3A_1350 = arith.index_cast %get3A_1348 : i32 to index
        %get3A_1351 = arith.index_cast %get3A_1349 : i32 to index
        %get3A_1352 = arith.index_cast %mul3A_1277 : i32 to index
        %get3A_1353 = tpu.vector_load %arg9[%get3A_1350, %get3A_1351, %get3A_1352] {strides = array<i32>} : memref<2x64x512xf32, #tpu.memory_space<vmem>>, vector<1x1x16xf32>,
        %get3A_1354 = vector.shape_cast %get3A_1353 : vector<1x1x16xf32> to vector<16xf32>
        %mul3A_1355 = arith.mulf %get3A_309, %get3A_1354 : vector<16xf32>
        %add3A_1356 = arith.addf %add3A_1347, %mul3A_1355 : vector<16xf32>
        %swap3A = arith.constant 0 : i32
        %swap3A_1357 = arith.constant 1 : i32
        %swap3A_1358 = arith.index_cast %swap3A : i32 to index
        %swap3A_1359 = arith.index_cast %swap3A_1357 : i32 to index
        %swap3A_1360 = arith.index_cast %mul3A_1277 : i32 to index
        %swap3A_1361 = tpu.vector_load %arg10[%swap3A_1358, %swap3A_1359, %swap3A_1360] {strides = array<i32>} : memref<2x8x512xf32, #tpu.memory_space<vmem>>, vector<1x1x16xf32>,
        %swap3A_1362 = vector.shape_cast %swap3A_1361 : vector<1x1x16xf32> to vector<16xf32>
        %swap3A_1363 = vector.shape_cast %add3A_1356 : vector<16xf32> to vector<1x1x16xf32>
        tpu.vector_store %arg10[%swap3A_1358, %swap3A_1359, %swap3A_1360], %swap3A_1363 {strides = array<i32>} : memref<2x8x512xf32, #tpu.memory_space<vmem>>, vector<1x1x16xf32>,
        %scan3A_1364 = arith.constant 0 : i32
        scf.yield %scan3A_1364 : i32
      }
      %scan3A_316 = arith.constant 32 : i32
      %get3A_317 = arith.constant 0 : i32
      %get3A_318 = arith.constant 2 : i32
      %get3A_319 = arith.index_cast %get3A_317 : i32 to index
      %get3A_320 = arith.index_cast %get3A_318 : i32 to index
      %get3A_321 = arith.constant 0 : index
      %get3A_322 = tpu.vector_load %arg7[%get3A_319, %get3A_320, %get3A_321] {strides = array<i32>} : memref<2x8x128xf32, #tpu.memory_space<vmem>>, vector<1x1x16xf32>,
      %get3A_323 = vector.shape_cast %get3A_322 : vector<1x1x16xf32> to vector<16xf32>
      %get3A_324 = arith.constant 0 : i32
      %get3A_325 = arith.constant 2 : i32
      %get3A_326 = arith.index_cast %get3A_324 : i32 to index
      %get3A_327 = arith.index_cast %get3A_325 : i32 to index
      %get3A_328 = arith.constant 16 : index
      %get3A_329 = tpu.vector_load %arg7[%get3A_326, %get3A_327, %get3A_328] {strides = array<i32>} : memref<2x8x128xf32, #tpu.memory_space<vmem>>, vector<1x1x16xf32>,
      %get3A_330 = vector.shape_cast %get3A_329 : vector<1x1x16xf32> to vector<16xf32>
      %get3A_331 = arith.constant 0 : i32
      %get3A_332 = arith.constant 2 : i32
      %get3A_333 = arith.index_cast %get3A_331 : i32 to index
      %get3A_334 = arith.index_cast %get3A_332 : i32 to index
      %get3A_335 = arith.constant 32 : index
      %get3A_336 = tpu.vector_load %arg7[%get3A_333, %get3A_334, %get3A_335] {strides = array<i32>} : memref<2x8x128xf32, #tpu.memory_space<vmem>>, vector<1x1x16xf32>,
      %get3A_337 = vector.shape_cast %get3A_336 : vector<1x1x16xf32> to vector<16xf32>
      %get3A_338 = arith.constant 0 : i32
      %get3A_339 = arith.constant 2 : i32
      %get3A_340 = arith.index_cast %get3A_338 : i32 to index
      %get3A_341 = arith.index_cast %get3A_339 : i32 to index
      %get3A_342 = arith.constant 48 : index
      %get3A_343 = tpu.vector_load %arg7[%get3A_340, %get3A_341, %get3A_342] {strides = array<i32>} : memref<2x8x128xf32, #tpu.memory_space<vmem>>, vector<1x1x16xf32>,
      %get3A_344 = vector.shape_cast %get3A_343 : vector<1x1x16xf32> to vector<16xf32>
      %get3A_345 = arith.constant 0 : i32
      %get3A_346 = arith.constant 2 : i32
      %get3A_347 = arith.index_cast %get3A_345 : i32 to index
      %get3A_348 = arith.index_cast %get3A_346 : i32 to index
      %get3A_349 = arith.constant 64 : index
      %get3A_350 = tpu.vector_load %arg7[%get3A_347, %get3A_348, %get3A_349] {strides = array<i32>} : memref<2x8x128xf32, #tpu.memory_space<vmem>>, vector<1x1x16xf32>,
      %get3A_351 = vector.shape_cast %get3A_350 : vector<1x1x16xf32> to vector<16xf32>
      %get3A_352 = arith.constant 0 : i32
      %get3A_353 = arith.constant 2 : i32
      %get3A_354 = arith.index_cast %get3A_352 : i32 to index
      %get3A_355 = arith.index_cast %get3A_353 : i32 to index
      %get3A_356 = arith.constant 80 : index
      %get3A_357 = tpu.vector_load %arg7[%get3A_354, %get3A_355, %get3A_356] {strides = array<i32>} : memref<2x8x128xf32, #tpu.memory_space<vmem>>, vector<1x1x16xf32>,
      %get3A_358 = vector.shape_cast %get3A_357 : vector<1x1x16xf32> to vector<16xf32>
      %get3A_359 = arith.constant 0 : i32
      %get3A_360 = arith.constant 2 : i32
      %get3A_361 = arith.index_cast %get3A_359 : i32 to index
      %get3A_362 = arith.index_cast %get3A_360 : i32 to index
      %get3A_363 = arith.constant 96 : index
      %get3A_364 = tpu.vector_load %arg7[%get3A_361, %get3A_362, %get3A_363] {strides = array<i32>} : memref<2x8x128xf32, #tpu.memory_space<vmem>>, vector<1x1x16xf32>,
      %get3A_365 = vector.shape_cast %get3A_364 : vector<1x1x16xf32> to vector<16xf32>
      %get3A_366 = arith.constant 0 : i32
      %get3A_367 = arith.constant 2 : i32
      %get3A_368 = arith.index_cast %get3A_366 : i32 to index
      %get3A_369 = arith.index_cast %get3A_367 : i32 to index
      %get3A_370 = arith.constant 112 : index
      %get3A_371 = tpu.vector_load %arg7[%get3A_368, %get3A_369, %get3A_370] {strides = array<i32>} : memref<2x8x128xf32, #tpu.memory_space<vmem>>, vector<1x1x16xf32>,
      %get3A_372 = vector.shape_cast %get3A_371 : vector<1x1x16xf32> to vector<16xf32>
      %scan3A_373 = arith.constant 0 : i32
      %scan3A_374 = arith.constant 0 : i32
      %scan3A_375 = arith.constant 32 : i32
      %scan3A_376 = arith.addi %scan3A_374, %scan3A_375 : i32
      %scan3A_377 = arith.constant 1 : i32
      %scan3A_378 = scf.for %scan3A_1274 = %scan3A_374 to %scan3A_376 step %scan3A_377 iter_args(%scan3A_1275 = %scan3A_373) -> (i32)  : i32 {
        %mul3A_1276 = arith.constant 16 : i32
        %mul3A_1277 = arith.muli %scan3A_1274, %mul3A_1276 : i32
        %get3A_1278 = arith.constant 0 : i32
        %get3A_1279 = arith.constant 2 : i32
        %get3A_1280 = arith.index_cast %get3A_1278 : i32 to index
        %get3A_1281 = arith.index_cast %get3A_1279 : i32 to index
        %get3A_1282 = arith.index_cast %mul3A_1277 : i32 to index
        %get3A_1283 = tpu.vector_load %arg8[%get3A_1280, %get3A_1281, %get3A_1282] {strides = array<i32>} : memref<2x8x512xf32, #tpu.memory_space<vmem>>, vector<1x1x16xf32>,
        %get3A_1284 = vector.shape_cast %get3A_1283 : vector<1x1x16xf32> to vector<16xf32>
        %get3A_1285 = arith.constant 0 : i32
        %get3A_1286 = arith.constant 16 : i32
        %get3A_1287 = arith.index_cast %get3A_1285 : i32 to index
        %get3A_1288 = arith.index_cast %get3A_1286 : i32 to index
        %get3A_1289 = arith.index_cast %mul3A_1277 : i32 to index
        %get3A_1290 = tpu.vector_load %arg9[%get3A_1287, %get3A_1288, %get3A_1289] {strides = array<i32>} : memref<2x64x512xf32, #tpu.memory_space<vmem>>, vector<1x1x16xf32>,
        %get3A_1291 = vector.shape_cast %get3A_1290 : vector<1x1x16xf32> to vector<16xf32>
        %mul3A_1292 = arith.mulf %get3A_323, %get3A_1291 : vector<16xf32>
        %add3A_1293 = arith.addf %get3A_1284, %mul3A_1292 : vector<16xf32>
        %get3A_1294 = arith.constant 0 : i32
        %get3A_1295 = arith.constant 17 : i32
        %get3A_1296 = arith.index_cast %get3A_1294 : i32 to index
        %get3A_1297 = arith.index_cast %get3A_1295 : i32 to index
        %get3A_1298 = arith.index_cast %mul3A_1277 : i32 to index
        %get3A_1299 = tpu.vector_load %arg9[%get3A_1296, %get3A_1297, %get3A_1298] {strides = array<i32>} : memref<2x64x512xf32, #tpu.memory_space<vmem>>, vector<1x1x16xf32>,
        %get3A_1300 = vector.shape_cast %get3A_1299 : vector<1x1x16xf32> to vector<16xf32>
        %mul3A_1301 = arith.mulf %get3A_330, %get3A_1300 : vector<16xf32>
        %add3A_1302 = arith.addf %add3A_1293, %mul3A_1301 : vector<16xf32>
        %get3A_1303 = arith.constant 0 : i32
        %get3A_1304 = arith.constant 18 : i32
        %get3A_1305 = arith.index_cast %get3A_1303 : i32 to index
        %get3A_1306 = arith.index_cast %get3A_1304 : i32 to index
        %get3A_1307 = arith.index_cast %mul3A_1277 : i32 to index
        %get3A_1308 = tpu.vector_load %arg9[%get3A_1305, %get3A_1306, %get3A_1307] {strides = array<i32>} : memref<2x64x512xf32, #tpu.memory_space<vmem>>, vector<1x1x16xf32>,
        %get3A_1309 = vector.shape_cast %get3A_1308 : vector<1x1x16xf32> to vector<16xf32>
        %mul3A_1310 = arith.mulf %get3A_337, %get3A_1309 : vector<16xf32>
        %add3A_1311 = arith.addf %add3A_1302, %mul3A_1310 : vector<16xf32>
        %get3A_1312 = arith.constant 0 : i32
        %get3A_1313 = arith.constant 19 : i32
        %get3A_1314 = arith.index_cast %get3A_1312 : i32 to index
        %get3A_1315 = arith.index_cast %get3A_1313 : i32 to index
        %get3A_1316 = arith.index_cast %mul3A_1277 : i32 to index
        %get3A_1317 = tpu.vector_load %arg9[%get3A_1314, %get3A_1315, %get3A_1316] {strides = array<i32>} : memref<2x64x512xf32, #tpu.memory_space<vmem>>, vector<1x1x16xf32>,
        %get3A_1318 = vector.shape_cast %get3A_1317 : vector<1x1x16xf32> to vector<16xf32>
        %mul3A_1319 = arith.mulf %get3A_344, %get3A_1318 : vector<16xf32>
        %add3A_1320 = arith.addf %add3A_1311, %mul3A_1319 : vector<16xf32>
        %get3A_1321 = arith.constant 0 : i32
        %get3A_1322 = arith.constant 20 : i32
        %get3A_1323 = arith.index_cast %get3A_1321 : i32 to index
        %get3A_1324 = arith.index_cast %get3A_1322 : i32 to index
        %get3A_1325 = arith.index_cast %mul3A_1277 : i32 to index
        %get3A_1326 = tpu.vector_load %arg9[%get3A_1323, %get3A_1324, %get3A_1325] {strides = array<i32>} : memref<2x64x512xf32, #tpu.memory_space<vmem>>, vector<1x1x16xf32>,
        %get3A_1327 = vector.shape_cast %get3A_1326 : vector<1x1x16xf32> to vector<16xf32>
        %mul3A_1328 = arith.mulf %get3A_351, %get3A_1327 : vector<16xf32>
        %add3A_1329 = arith.addf %add3A_1320, %mul3A_1328 : vector<16xf32>
        %get3A_1330 = arith.constant 0 : i32
        %get3A_1331 = arith.constant 21 : i32
        %get3A_1332 = arith.index_cast %get3A_1330 : i32 to index
        %get3A_1333 = arith.index_cast %get3A_1331 : i32 to index
        %get3A_1334 = arith.index_cast %mul3A_1277 : i32 to index
        %get3A_1335 = tpu.vector_load %arg9[%get3A_1332, %get3A_1333, %get3A_1334] {strides = array<i32>} : memref<2x64x512xf32, #tpu.memory_space<vmem>>, vector<1x1x16xf32>,
        %get3A_1336 = vector.shape_cast %get3A_1335 : vector<1x1x16xf32> to vector<16xf32>
        %mul3A_1337 = arith.mulf %get3A_358, %get3A_1336 : vector<16xf32>
        %add3A_1338 = arith.addf %add3A_1329, %mul3A_1337 : vector<16xf32>
        %get3A_1339 = arith.constant 0 : i32
        %get3A_1340 = arith.constant 22 : i32
        %get3A_1341 = arith.index_cast %get3A_1339 : i32 to index
        %get3A_1342 = arith.index_cast %get3A_1340 : i32 to index
        %get3A_1343 = arith.index_cast %mul3A_1277 : i32 to index
        %get3A_1344 = tpu.vector_load %arg9[%get3A_1341, %get3A_1342, %get3A_1343] {strides = array<i32>} : memref<2x64x512xf32, #tpu.memory_space<vmem>>, vector<1x1x16xf32>,
        %get3A_1345 = vector.shape_cast %get3A_1344 : vector<1x1x16xf32> to vector<16xf32>
        %mul3A_1346 = arith.mulf %get3A_365, %get3A_1345 : vector<16xf32>
        %add3A_1347 = arith.addf %add3A_1338, %mul3A_1346 : vector<16xf32>
        %get3A_1348 = arith.constant 0 : i32
        %get3A_1349 = arith.constant 23 : i32
        %get3A_1350 = arith.index_cast %get3A_1348 : i32 to index
        %get3A_1351 = arith.index_cast %get3A_1349 : i32 to index
        %get3A_1352 = arith.index_cast %mul3A_1277 : i32 to index
        %get3A_1353 = tpu.vector_load %arg9[%get3A_1350, %get3A_1351, %get3A_1352] {strides = array<i32>} : memref<2x64x512xf32, #tpu.memory_space<vmem>>, vector<1x1x16xf32>,
        %get3A_1354 = vector.shape_cast %get3A_1353 : vector<1x1x16xf32> to vector<16xf32>
        %mul3A_1355 = arith.mulf %get3A_372, %get3A_1354 : vector<16xf32>
        %add3A_1356 = arith.addf %add3A_1347, %mul3A_1355 : vector<16xf32>
        %swap3A = arith.constant 0 : i32
        %swap3A_1357 = arith.constant 2 : i32
        %swap3A_1358 = arith.index_cast %swap3A : i32 to index
        %swap3A_1359 = arith.index_cast %swap3A_1357 : i32 to index
        %swap3A_1360 = arith.index_cast %mul3A_1277 : i32 to index
        %swap3A_1361 = tpu.vector_load %arg10[%swap3A_1358, %swap3A_1359, %swap3A_1360] {strides = array<i32>} : memref<2x8x512xf32, #tpu.memory_space<vmem>>, vector<1x1x16xf32>,
        %swap3A_1362 = vector.shape_cast %swap3A_1361 : vector<1x1x16xf32> to vector<16xf32>
        %swap3A_1363 = vector.shape_cast %add3A_1356 : vector<16xf32> to vector<1x1x16xf32>
        tpu.vector_store %arg10[%swap3A_1358, %swap3A_1359, %swap3A_1360], %swap3A_1363 {strides = array<i32>} : memref<2x8x512xf32, #tpu.memory_space<vmem>>, vector<1x1x16xf32>,
        %scan3A_1364 = arith.constant 0 : i32
        scf.yield %scan3A_1364 : i32
      }
      %scan3A_379 = arith.constant 32 : i32
      %get3A_380 = arith.constant 0 : i32
      %get3A_381 = arith.constant 3 : i32
      %get3A_382 = arith.index_cast %get3A_380 : i32 to index
      %get3A_383 = arith.index_cast %get3A_381 : i32 to index
      %get3A_384 = arith.constant 0 : index
      %get3A_385 = tpu.vector_load %arg7[%get3A_382, %get3A_383, %get3A_384] {strides = array<i32>} : memref<2x8x128xf32, #tpu.memory_space<vmem>>, vector<1x1x16xf32>,
      %get3A_386 = vector.shape_cast %get3A_385 : vector<1x1x16xf32> to vector<16xf32>
      %get3A_387 = arith.constant 0 : i32
      %get3A_388 = arith.constant 3 : i32
      %get3A_389 = arith.index_cast %get3A_387 : i32 to index
      %get3A_390 = arith.index_cast %get3A_388 : i32 to index
      %get3A_391 = arith.constant 16 : index
      %get3A_392 = tpu.vector_load %arg7[%get3A_389, %get3A_390, %get3A_391] {strides = array<i32>} : memref<2x8x128xf32, #tpu.memory_space<vmem>>, vector<1x1x16xf32>,
      %get3A_393 = vector.shape_cast %get3A_392 : vector<1x1x16xf32> to vector<16xf32>
      %get3A_394 = arith.constant 0 : i32
      %get3A_395 = arith.constant 3 : i32
      %get3A_396 = arith.index_cast %get3A_394 : i32 to index
      %get3A_397 = arith.index_cast %get3A_395 : i32 to index
      %get3A_398 = arith.constant 32 : index
      %get3A_399 = tpu.vector_load %arg7[%get3A_396, %get3A_397, %get3A_398] {strides = array<i32>} : memref<2x8x128xf32, #tpu.memory_space<vmem>>, vector<1x1x16xf32>,
      %get3A_400 = vector.shape_cast %get3A_399 : vector<1x1x16xf32> to vector<16xf32>
      %get3A_401 = arith.constant 0 : i32
      %get3A_402 = arith.constant 3 : i32
      %get3A_403 = arith.index_cast %get3A_401 : i32 to index
      %get3A_404 = arith.index_cast %get3A_402 : i32 to index
      %get3A_405 = arith.constant 48 : index
      %get3A_406 = tpu.vector_load %arg7[%get3A_403, %get3A_404, %get3A_405] {strides = array<i32>} : memref<2x8x128xf32, #tpu.memory_space<vmem>>, vector<1x1x16xf32>,
      %get3A_407 = vector.shape_cast %get3A_406 : vector<1x1x16xf32> to vector<16xf32>
      %get3A_408 = arith.constant 0 : i32
      %get3A_409 = arith.constant 3 : i32
      %get3A_410 = arith.index_cast %get3A_408 : i32 to index
      %get3A_411 = arith.index_cast %get3A_409 : i32 to index
      %get3A_412 = arith.constant 64 : index
      %get3A_413 = tpu.vector_load %arg7[%get3A_410, %get3A_411, %get3A_412] {strides = array<i32>} : memref<2x8x128xf32, #tpu.memory_space<vmem>>, vector<1x1x16xf32>,
      %get3A_414 = vector.shape_cast %get3A_413 : vector<1x1x16xf32> to vector<16xf32>
      %get3A_415 = arith.constant 0 : i32
      %get3A_416 = arith.constant 3 : i32
      %get3A_417 = arith.index_cast %get3A_415 : i32 to index
      %get3A_418 = arith.index_cast %get3A_416 : i32 to index
      %get3A_419 = arith.constant 80 : index
      %get3A_420 = tpu.vector_load %arg7[%get3A_417, %get3A_418, %get3A_419] {strides = array<i32>} : memref<2x8x128xf32, #tpu.memory_space<vmem>>, vector<1x1x16xf32>,
      %get3A_421 = vector.shape_cast %get3A_420 : vector<1x1x16xf32> to vector<16xf32>
      %get3A_422 = arith.constant 0 : i32
      %get3A_423 = arith.constant 3 : i32
      %get3A_424 = arith.index_cast %get3A_422 : i32 to index
      %get3A_425 = arith.index_cast %get3A_423 : i32 to index
      %get3A_426 = arith.constant 96 : index
      %get3A_427 = tpu.vector_load %arg7[%get3A_424, %get3A_425, %get3A_426] {strides = array<i32>} : memref<2x8x128xf32, #tpu.memory_space<vmem>>, vector<1x1x16xf32>,
      %get3A_428 = vector.shape_cast %get3A_427 : vector<1x1x16xf32> to vector<16xf32>
      %get3A_429 = arith.constant 0 : i32
      %get3A_430 = arith.constant 3 : i32
      %get3A_431 = arith.index_cast %get3A_429 : i32 to index
      %get3A_432 = arith.index_cast %get3A_430 : i32 to index
      %get3A_433 = arith.constant 112 : index
      %get3A_434 = tpu.vector_load %arg7[%get3A_431, %get3A_432, %get3A_433] {strides = array<i32>} : memref<2x8x128xf32, #tpu.memory_space<vmem>>, vector<1x1x16xf32>,
      %get3A_435 = vector.shape_cast %get3A_434 : vector<1x1x16xf32> to vector<16xf32>
      %scan3A_436 = arith.constant 0 : i32
      %scan3A_437 = arith.constant 0 : i32
      %scan3A_438 = arith.constant 32 : i32
      %scan3A_439 = arith.addi %scan3A_437, %scan3A_438 : i32
      %scan3A_440 = arith.constant 1 : i32
      %scan3A_441 = scf.for %scan3A_1274 = %scan3A_437 to %scan3A_439 step %scan3A_440 iter_args(%scan3A_1275 = %scan3A_436) -> (i32)  : i32 {
        %mul3A_1276 = arith.constant 16 : i32
        %mul3A_1277 = arith.muli %scan3A_1274, %mul3A_1276 : i32
        %get3A_1278 = arith.constant 0 : i32
        %get3A_1279 = arith.constant 3 : i32
        %get3A_1280 = arith.index_cast %get3A_1278 : i32 to index
        %get3A_1281 = arith.index_cast %get3A_1279 : i32 to index
        %get3A_1282 = arith.index_cast %mul3A_1277 : i32 to index
        %get3A_1283 = tpu.vector_load %arg8[%get3A_1280, %get3A_1281, %get3A_1282] {strides = array<i32>} : memref<2x8x512xf32, #tpu.memory_space<vmem>>, vector<1x1x16xf32>,
        %get3A_1284 = vector.shape_cast %get3A_1283 : vector<1x1x16xf32> to vector<16xf32>
        %get3A_1285 = arith.constant 0 : i32
        %get3A_1286 = arith.constant 24 : i32
        %get3A_1287 = arith.index_cast %get3A_1285 : i32 to index
        %get3A_1288 = arith.index_cast %get3A_1286 : i32 to index
        %get3A_1289 = arith.index_cast %mul3A_1277 : i32 to index
        %get3A_1290 = tpu.vector_load %arg9[%get3A_1287, %get3A_1288, %get3A_1289] {strides = array<i32>} : memref<2x64x512xf32, #tpu.memory_space<vmem>>, vector<1x1x16xf32>,
        %get3A_1291 = vector.shape_cast %get3A_1290 : vector<1x1x16xf32> to vector<16xf32>
        %mul3A_1292 = arith.mulf %get3A_386, %get3A_1291 : vector<16xf32>
        %add3A_1293 = arith.addf %get3A_1284, %mul3A_1292 : vector<16xf32>
        %get3A_1294 = arith.constant 0 : i32
        %get3A_1295 = arith.constant 25 : i32
        %get3A_1296 = arith.index_cast %get3A_1294 : i32 to index
        %get3A_1297 = arith.index_cast %get3A_1295 : i32 to index
        %get3A_1298 = arith.index_cast %mul3A_1277 : i32 to index
        %get3A_1299 = tpu.vector_load %arg9[%get3A_1296, %get3A_1297, %get3A_1298] {strides = array<i32>} : memref<2x64x512xf32, #tpu.memory_space<vmem>>, vector<1x1x16xf32>,
        %get3A_1300 = vector.shape_cast %get3A_1299 : vector<1x1x16xf32> to vector<16xf32>
        %mul3A_1301 = arith.mulf %get3A_393, %get3A_1300 : vector<16xf32>
        %add3A_1302 = arith.addf %add3A_1293, %mul3A_1301 : vector<16xf32>
        %get3A_1303 = arith.constant 0 : i32
        %get3A_1304 = arith.constant 26 : i32
        %get3A_1305 = arith.index_cast %get3A_1303 : i32 to index
        %get3A_1306 = arith.index_cast %get3A_1304 : i32 to index
        %get3A_1307 = arith.index_cast %mul3A_1277 : i32 to index
        %get3A_1308 = tpu.vector_load %arg9[%get3A_1305, %get3A_1306, %get3A_1307] {strides = array<i32>} : memref<2x64x512xf32, #tpu.memory_space<vmem>>, vector<1x1x16xf32>,
        %get3A_1309 = vector.shape_cast %get3A_1308 : vector<1x1x16xf32> to vector<16xf32>
        %mul3A_1310 = arith.mulf %get3A_400, %get3A_1309 : vector<16xf32>
        %add3A_1311 = arith.addf %add3A_1302, %mul3A_1310 : vector<16xf32>
        %get3A_1312 = arith.constant 0 : i32
        %get3A_1313 = arith.constant 27 : i32
        %get3A_1314 = arith.index_cast %get3A_1312 : i32 to index
        %get3A_1315 = arith.index_cast %get3A_1313 : i32 to index
        %get3A_1316 = arith.index_cast %mul3A_1277 : i32 to index
        %get3A_1317 = tpu.vector_load %arg9[%get3A_1314, %get3A_1315, %get3A_1316] {strides = array<i32>} : memref<2x64x512xf32, #tpu.memory_space<vmem>>, vector<1x1x16xf32>,
        %get3A_1318 = vector.shape_cast %get3A_1317 : vector<1x1x16xf32> to vector<16xf32>
        %mul3A_1319 = arith.mulf %get3A_407, %get3A_1318 : vector<16xf32>
        %add3A_1320 = arith.addf %add3A_1311, %mul3A_1319 : vector<16xf32>
        %get3A_1321 = arith.constant 0 : i32
        %get3A_1322 = arith.constant 28 : i32
        %get3A_1323 = arith.index_cast %get3A_1321 : i32 to index
        %get3A_1324 = arith.index_cast %get3A_1322 : i32 to index
        %get3A_1325 = arith.index_cast %mul3A_1277 : i32 to index
        %get3A_1326 = tpu.vector_load %arg9[%get3A_1323, %get3A_1324, %get3A_1325] {strides = array<i32>} : memref<2x64x512xf32, #tpu.memory_space<vmem>>, vector<1x1x16xf32>,
        %get3A_1327 = vector.shape_cast %get3A_1326 : vector<1x1x16xf32> to vector<16xf32>
        %mul3A_1328 = arith.mulf %get3A_414, %get3A_1327 : vector<16xf32>
        %add3A_1329 = arith.addf %add3A_1320, %mul3A_1328 : vector<16xf32>
        %get3A_1330 = arith.constant 0 : i32
        %get3A_1331 = arith.constant 29 : i32
        %get3A_1332 = arith.index_cast %get3A_1330 : i32 to index
        %get3A_1333 = arith.index_cast %get3A_1331 : i32 to index
        %get3A_1334 = arith.index_cast %mul3A_1277 : i32 to index
        %get3A_1335 = tpu.vector_load %arg9[%get3A_1332, %get3A_1333, %get3A_1334] {strides = array<i32>} : memref<2x64x512xf32, #tpu.memory_space<vmem>>, vector<1x1x16xf32>,
        %get3A_1336 = vector.shape_cast %get3A_1335 : vector<1x1x16xf32> to vector<16xf32>
        %mul3A_1337 = arith.mulf %get3A_421, %get3A_1336 : vector<16xf32>
        %add3A_1338 = arith.addf %add3A_1329, %mul3A_1337 : vector<16xf32>
        %get3A_1339 = arith.constant 0 : i32
        %get3A_1340 = arith.constant 30 : i32
        %get3A_1341 = arith.index_cast %get3A_1339 : i32 to index
        %get3A_1342 = arith.index_cast %get3A_1340 : i32 to index
        %get3A_1343 = arith.index_cast %mul3A_1277 : i32 to index
        %get3A_1344 = tpu.vector_load %arg9[%get3A_1341, %get3A_1342, %get3A_1343] {strides = array<i32>} : memref<2x64x512xf32, #tpu.memory_space<vmem>>, vector<1x1x16xf32>,
        %get3A_1345 = vector.shape_cast %get3A_1344 : vector<1x1x16xf32> to vector<16xf32>
        %mul3A_1346 = arith.mulf %get3A_428, %get3A_1345 : vector<16xf32>
        %add3A_1347 = arith.addf %add3A_1338, %mul3A_1346 : vector<16xf32>
        %get3A_1348 = arith.constant 0 : i32
        %get3A_1349 = arith.constant 31 : i32
        %get3A_1350 = arith.index_cast %get3A_1348 : i32 to index
        %get3A_1351 = arith.index_cast %get3A_1349 : i32 to index
        %get3A_1352 = arith.index_cast %mul3A_1277 : i32 to index
        %get3A_1353 = tpu.vector_load %arg9[%get3A_1350, %get3A_1351, %get3A_1352] {strides = array<i32>} : memref<2x64x512xf32, #tpu.memory_space<vmem>>, vector<1x1x16xf32>,
        %get3A_1354 = vector.shape_cast %get3A_1353 : vector<1x1x16xf32> to vector<16xf32>
        %mul3A_1355 = arith.mulf %get3A_435, %get3A_1354 : vector<16xf32>
        %add3A_1356 = arith.addf %add3A_1347, %mul3A_1355 : vector<16xf32>
        %swap3A = arith.constant 0 : i32
        %swap3A_1357 = arith.constant 3 : i32
        %swap3A_1358 = arith.index_cast %swap3A : i32 to index
        %swap3A_1359 = arith.index_cast %swap3A_1357 : i32 to index
        %swap3A_1360 = arith.index_cast %mul3A_1277 : i32 to index
        %swap3A_1361 = tpu.vector_load %arg10[%swap3A_1358, %swap3A_1359, %swap3A_1360] {strides = array<i32>} : memref<2x8x512xf32, #tpu.memory_space<vmem>>, vector<1x1x16xf32>,
        %swap3A_1362 = vector.shape_cast %swap3A_1361 : vector<1x1x16xf32> to vector<16xf32>
        %swap3A_1363 = vector.shape_cast %add3A_1356 : vector<16xf32> to vector<1x1x16xf32>
        tpu.vector_store %arg10[%swap3A_1358, %swap3A_1359, %swap3A_1360], %swap3A_1363 {strides = array<i32>} : memref<2x8x512xf32, #tpu.memory_space<vmem>>, vector<1x1x16xf32>,
        %scan3A_1364 = arith.constant 0 : i32
        scf.yield %scan3A_1364 : i32
      }
      %scan3A_442 = arith.constant 32 : i32
      %get3A_443 = arith.constant 0 : i32
      %get3A_444 = arith.constant 4 : i32
      %get3A_445 = arith.index_cast %get3A_443 : i32 to index
      %get3A_446 = arith.index_cast %get3A_444 : i32 to index
      %get3A_447 = arith.constant 0 : index
      %get3A_448 = tpu.vector_load %arg7[%get3A_445, %get3A_446, %get3A_447] {strides = array<i32>} : memref<2x8x128xf32, #tpu.memory_space<vmem>>, vector<1x1x16xf32>,
      %get3A_449 = vector.shape_cast %get3A_448 : vector<1x1x16xf32> to vector<16xf32>
      %get3A_450 = arith.constant 0 : i32
      %get3A_451 = arith.constant 4 : i32
      %get3A_452 = arith.index_cast %get3A_450 : i32 to index
      %get3A_453 = arith.index_cast %get3A_451 : i32 to index
      %get3A_454 = arith.constant 16 : index
      %get3A_455 = tpu.vector_load %arg7[%get3A_452, %get3A_453, %get3A_454] {strides = array<i32>} : memref<2x8x128xf32, #tpu.memory_space<vmem>>, vector<1x1x16xf32>,
      %get3A_456 = vector.shape_cast %get3A_455 : vector<1x1x16xf32> to vector<16xf32>
      %get3A_457 = arith.constant 0 : i32
      %get3A_458 = arith.constant 4 : i32
      %get3A_459 = arith.index_cast %get3A_457 : i32 to index
      %get3A_460 = arith.index_cast %get3A_458 : i32 to index
      %get3A_461 = arith.constant 32 : index
      %get3A_462 = tpu.vector_load %arg7[%get3A_459, %get3A_460, %get3A_461] {strides = array<i32>} : memref<2x8x128xf32, #tpu.memory_space<vmem>>, vector<1x1x16xf32>,
      %get3A_463 = vector.shape_cast %get3A_462 : vector<1x1x16xf32> to vector<16xf32>
      %get3A_464 = arith.constant 0 : i32
      %get3A_465 = arith.constant 4 : i32
      %get3A_466 = arith.index_cast %get3A_464 : i32 to index
      %get3A_467 = arith.index_cast %get3A_465 : i32 to index
      %get3A_468 = arith.constant 48 : index
      %get3A_469 = tpu.vector_load %arg7[%get3A_466, %get3A_467, %get3A_468] {strides = array<i32>} : memref<2x8x128xf32, #tpu.memory_space<vmem>>, vector<1x1x16xf32>,
      %get3A_470 = vector.shape_cast %get3A_469 : vector<1x1x16xf32> to vector<16xf32>
      %get3A_471 = arith.constant 0 : i32
      %get3A_472 = arith.constant 4 : i32
      %get3A_473 = arith.index_cast %get3A_471 : i32 to index
      %get3A_474 = arith.index_cast %get3A_472 : i32 to index
      %get3A_475 = arith.constant 64 : index
      %get3A_476 = tpu.vector_load %arg7[%get3A_473, %get3A_474, %get3A_475] {strides = array<i32>} : memref<2x8x128xf32, #tpu.memory_space<vmem>>, vector<1x1x16xf32>,
      %get3A_477 = vector.shape_cast %get3A_476 : vector<1x1x16xf32> to vector<16xf32>
      %get3A_478 = arith.constant 0 : i32
      %get3A_479 = arith.constant 4 : i32
      %get3A_480 = arith.index_cast %get3A_478 : i32 to index
      %get3A_481 = arith.index_cast %get3A_479 : i32 to index
      %get3A_482 = arith.constant 80 : index
      %get3A_483 = tpu.vector_load %arg7[%get3A_480, %get3A_481, %get3A_482] {strides = array<i32>} : memref<2x8x128xf32, #tpu.memory_space<vmem>>, vector<1x1x16xf32>,
      %get3A_484 = vector.shape_cast %get3A_483 : vector<1x1x16xf32> to vector<16xf32>
      %get3A_485 = arith.constant 0 : i32
      %get3A_486 = arith.constant 4 : i32
      %get3A_487 = arith.index_cast %get3A_485 : i32 to index
      %get3A_488 = arith.index_cast %get3A_486 : i32 to index
      %get3A_489 = arith.constant 96 : index
      %get3A_490 = tpu.vector_load %arg7[%get3A_487, %get3A_488, %get3A_489] {strides = array<i32>} : memref<2x8x128xf32, #tpu.memory_space<vmem>>, vector<1x1x16xf32>,
      %get3A_491 = vector.shape_cast %get3A_490 : vector<1x1x16xf32> to vector<16xf32>
      %get3A_492 = arith.constant 0 : i32
      %get3A_493 = arith.constant 4 : i32
      %get3A_494 = arith.index_cast %get3A_492 : i32 to index
      %get3A_495 = arith.index_cast %get3A_493 : i32 to index
      %get3A_496 = arith.constant 112 : index
      %get3A_497 = tpu.vector_load %arg7[%get3A_494, %get3A_495, %get3A_496] {strides = array<i32>} : memref<2x8x128xf32, #tpu.memory_space<vmem>>, vector<1x1x16xf32>,
      %get3A_498 = vector.shape_cast %get3A_497 : vector<1x1x16xf32> to vector<16xf32>
      %scan3A_499 = arith.constant 0 : i32
      %scan3A_500 = arith.constant 0 : i32
      %scan3A_501 = arith.constant 32 : i32
      %scan3A_502 = arith.addi %scan3A_500, %scan3A_501 : i32
      %scan3A_503 = arith.constant 1 : i32
      %scan3A_504 = scf.for %scan3A_1274 = %scan3A_500 to %scan3A_502 step %scan3A_503 iter_args(%scan3A_1275 = %scan3A_499) -> (i32)  : i32 {
        %mul3A_1276 = arith.constant 16 : i32
        %mul3A_1277 = arith.muli %scan3A_1274, %mul3A_1276 : i32
        %get3A_1278 = arith.constant 0 : i32
        %get3A_1279 = arith.constant 4 : i32
        %get3A_1280 = arith.index_cast %get3A_1278 : i32 to index
        %get3A_1281 = arith.index_cast %get3A_1279 : i32 to index
        %get3A_1282 = arith.index_cast %mul3A_1277 : i32 to index
        %get3A_1283 = tpu.vector_load %arg8[%get3A_1280, %get3A_1281, %get3A_1282] {strides = array<i32>} : memref<2x8x512xf32, #tpu.memory_space<vmem>>, vector<1x1x16xf32>,
        %get3A_1284 = vector.shape_cast %get3A_1283 : vector<1x1x16xf32> to vector<16xf32>
        %get3A_1285 = arith.constant 0 : i32
        %get3A_1286 = arith.constant 32 : i32
        %get3A_1287 = arith.index_cast %get3A_1285 : i32 to index
        %get3A_1288 = arith.index_cast %get3A_1286 : i32 to index
        %get3A_1289 = arith.index_cast %mul3A_1277 : i32 to index
        %get3A_1290 = tpu.vector_load %arg9[%get3A_1287, %get3A_1288, %get3A_1289] {strides = array<i32>} : memref<2x64x512xf32, #tpu.memory_space<vmem>>, vector<1x1x16xf32>,
        %get3A_1291 = vector.shape_cast %get3A_1290 : vector<1x1x16xf32> to vector<16xf32>
        %mul3A_1292 = arith.mulf %get3A_449, %get3A_1291 : vector<16xf32>
        %add3A_1293 = arith.addf %get3A_1284, %mul3A_1292 : vector<16xf32>
        %get3A_1294 = arith.constant 0 : i32
        %get3A_1295 = arith.constant 33 : i32
        %get3A_1296 = arith.index_cast %get3A_1294 : i32 to index
        %get3A_1297 = arith.index_cast %get3A_1295 : i32 to index
        %get3A_1298 = arith.index_cast %mul3A_1277 : i32 to index
        %get3A_1299 = tpu.vector_load %arg9[%get3A_1296, %get3A_1297, %get3A_1298] {strides = array<i32>} : memref<2x64x512xf32, #tpu.memory_space<vmem>>, vector<1x1x16xf32>,
        %get3A_1300 = vector.shape_cast %get3A_1299 : vector<1x1x16xf32> to vector<16xf32>
        %mul3A_1301 = arith.mulf %get3A_456, %get3A_1300 : vector<16xf32>
        %add3A_1302 = arith.addf %add3A_1293, %mul3A_1301 : vector<16xf32>
        %get3A_1303 = arith.constant 0 : i32
        %get3A_1304 = arith.constant 34 : i32
        %get3A_1305 = arith.index_cast %get3A_1303 : i32 to index
        %get3A_1306 = arith.index_cast %get3A_1304 : i32 to index
        %get3A_1307 = arith.index_cast %mul3A_1277 : i32 to index
        %get3A_1308 = tpu.vector_load %arg9[%get3A_1305, %get3A_1306, %get3A_1307] {strides = array<i32>} : memref<2x64x512xf32, #tpu.memory_space<vmem>>, vector<1x1x16xf32>,
        %get3A_1309 = vector.shape_cast %get3A_1308 : vector<1x1x16xf32> to vector<16xf32>
        %mul3A_1310 = arith.mulf %get3A_463, %get3A_1309 : vector<16xf32>
        %add3A_1311 = arith.addf %add3A_1302, %mul3A_1310 : vector<16xf32>
        %get3A_1312 = arith.constant 0 : i32
        %get3A_1313 = arith.constant 35 : i32
        %get3A_1314 = arith.index_cast %get3A_1312 : i32 to index
        %get3A_1315 = arith.index_cast %get3A_1313 : i32 to index
        %get3A_1316 = arith.index_cast %mul3A_1277 : i32 to index
        %get3A_1317 = tpu.vector_load %arg9[%get3A_1314, %get3A_1315, %get3A_1316] {strides = array<i32>} : memref<2x64x512xf32, #tpu.memory_space<vmem>>, vector<1x1x16xf32>,
        %get3A_1318 = vector.shape_cast %get3A_1317 : vector<1x1x16xf32> to vector<16xf32>
        %mul3A_1319 = arith.mulf %get3A_470, %get3A_1318 : vector<16xf32>
        %add3A_1320 = arith.addf %add3A_1311, %mul3A_1319 : vector<16xf32>
        %get3A_1321 = arith.constant 0 : i32
        %get3A_1322 = arith.constant 36 : i32
        %get3A_1323 = arith.index_cast %get3A_1321 : i32 to index
        %get3A_1324 = arith.index_cast %get3A_1322 : i32 to index
        %get3A_1325 = arith.index_cast %mul3A_1277 : i32 to index
        %get3A_1326 = tpu.vector_load %arg9[%get3A_1323, %get3A_1324, %get3A_1325] {strides = array<i32>} : memref<2x64x512xf32, #tpu.memory_space<vmem>>, vector<1x1x16xf32>,
        %get3A_1327 = vector.shape_cast %get3A_1326 : vector<1x1x16xf32> to vector<16xf32>
        %mul3A_1328 = arith.mulf %get3A_477, %get3A_1327 : vector<16xf32>
        %add3A_1329 = arith.addf %add3A_1320, %mul3A_1328 : vector<16xf32>
        %get3A_1330 = arith.constant 0 : i32
        %get3A_1331 = arith.constant 37 : i32
        %get3A_1332 = arith.index_cast %get3A_1330 : i32 to index
        %get3A_1333 = arith.index_cast %get3A_1331 : i32 to index
        %get3A_1334 = arith.index_cast %mul3A_1277 : i32 to index
        %get3A_1335 = tpu.vector_load %arg9[%get3A_1332, %get3A_1333, %get3A_1334] {strides = array<i32>} : memref<2x64x512xf32, #tpu.memory_space<vmem>>, vector<1x1x16xf32>,
        %get3A_1336 = vector.shape_cast %get3A_1335 : vector<1x1x16xf32> to vector<16xf32>
        %mul3A_1337 = arith.mulf %get3A_484, %get3A_1336 : vector<16xf32>
        %add3A_1338 = arith.addf %add3A_1329, %mul3A_1337 : vector<16xf32>
        %get3A_1339 = arith.constant 0 : i32
        %get3A_1340 = arith.constant 38 : i32
        %get3A_1341 = arith.index_cast %get3A_1339 : i32 to index
        %get3A_1342 = arith.index_cast %get3A_1340 : i32 to index
        %get3A_1343 = arith.index_cast %mul3A_1277 : i32 to index
        %get3A_1344 = tpu.vector_load %arg9[%get3A_1341, %get3A_1342, %get3A_1343] {strides = array<i32>} : memref<2x64x512xf32, #tpu.memory_space<vmem>>, vector<1x1x16xf32>,
        %get3A_1345 = vector.shape_cast %get3A_1344 : vector<1x1x16xf32> to vector<16xf32>
        %mul3A_1346 = arith.mulf %get3A_491, %get3A_1345 : vector<16xf32>
        %add3A_1347 = arith.addf %add3A_1338, %mul3A_1346 : vector<16xf32>
        %get3A_1348 = arith.constant 0 : i32
        %get3A_1349 = arith.constant 39 : i32
        %get3A_1350 = arith.index_cast %get3A_1348 : i32 to index
        %get3A_1351 = arith.index_cast %get3A_1349 : i32 to index
        %get3A_1352 = arith.index_cast %mul3A_1277 : i32 to index
        %get3A_1353 = tpu.vector_load %arg9[%get3A_1350, %get3A_1351, %get3A_1352] {strides = array<i32>} : memref<2x64x512xf32, #tpu.memory_space<vmem>>, vector<1x1x16xf32>,
        %get3A_1354 = vector.shape_cast %get3A_1353 : vector<1x1x16xf32> to vector<16xf32>
        %mul3A_1355 = arith.mulf %get3A_498, %get3A_1354 : vector<16xf32>
        %add3A_1356 = arith.addf %add3A_1347, %mul3A_1355 : vector<16xf32>
        %swap3A = arith.constant 0 : i32
        %swap3A_1357 = arith.constant 4 : i32
        %swap3A_1358 = arith.index_cast %swap3A : i32 to index
        %swap3A_1359 = arith.index_cast %swap3A_1357 : i32 to index
        %swap3A_1360 = arith.index_cast %mul3A_1277 : i32 to index
        %swap3A_1361 = tpu.vector_load %arg10[%swap3A_1358, %swap3A_1359, %swap3A_1360] {strides = array<i32>} : memref<2x8x512xf32, #tpu.memory_space<vmem>>, vector<1x1x16xf32>,
        %swap3A_1362 = vector.shape_cast %swap3A_1361 : vector<1x1x16xf32> to vector<16xf32>
        %swap3A_1363 = vector.shape_cast %add3A_1356 : vector<16xf32> to vector<1x1x16xf32>
        tpu.vector_store %arg10[%swap3A_1358, %swap3A_1359, %swap3A_1360], %swap3A_1363 {strides = array<i32>} : memref<2x8x512xf32, #tpu.memory_space<vmem>>, vector<1x1x16xf32>,
        %scan3A_1364 = arith.constant 0 : i32
        scf.yield %scan3A_1364 : i32
      }
      %scan3A_505 = arith.constant 32 : i32
      %get3A_506 = arith.constant 0 : i32
      %get3A_507 = arith.constant 5 : i32
      %get3A_508 = arith.index_cast %get3A_506 : i32 to index
      %get3A_509 = arith.index_cast %get3A_507 : i32 to index
      %get3A_510 = arith.constant 0 : index
      %get3A_511 = tpu.vector_load %arg7[%get3A_508, %get3A_509, %get3A_510] {strides = array<i32>} : memref<2x8x128xf32, #tpu.memory_space<vmem>>, vector<1x1x16xf32>,
      %get3A_512 = vector.shape_cast %get3A_511 : vector<1x1x16xf32> to vector<16xf32>
      %get3A_513 = arith.constant 0 : i32
      %get3A_514 = arith.constant 5 : i32
      %get3A_515 = arith.index_cast %get3A_513 : i32 to index
      %get3A_516 = arith.index_cast %get3A_514 : i32 to index
      %get3A_517 = arith.constant 16 : index
      %get3A_518 = tpu.vector_load %arg7[%get3A_515, %get3A_516, %get3A_517] {strides = array<i32>} : memref<2x8x128xf32, #tpu.memory_space<vmem>>, vector<1x1x16xf32>,
      %get3A_519 = vector.shape_cast %get3A_518 : vector<1x1x16xf32> to vector<16xf32>
      %get3A_520 = arith.constant 0 : i32
      %get3A_521 = arith.constant 5 : i32
      %get3A_522 = arith.index_cast %get3A_520 : i32 to index
      %get3A_523 = arith.index_cast %get3A_521 : i32 to index
      %get3A_524 = arith.constant 32 : index
      %get3A_525 = tpu.vector_load %arg7[%get3A_522, %get3A_523, %get3A_524] {strides = array<i32>} : memref<2x8x128xf32, #tpu.memory_space<vmem>>, vector<1x1x16xf32>,
      %get3A_526 = vector.shape_cast %get3A_525 : vector<1x1x16xf32> to vector<16xf32>
      %get3A_527 = arith.constant 0 : i32
      %get3A_528 = arith.constant 5 : i32
      %get3A_529 = arith.index_cast %get3A_527 : i32 to index
      %get3A_530 = arith.index_cast %get3A_528 : i32 to index
      %get3A_531 = arith.constant 48 : index
      %get3A_532 = tpu.vector_load %arg7[%get3A_529, %get3A_530, %get3A_531] {strides = array<i32>} : memref<2x8x128xf32, #tpu.memory_space<vmem>>, vector<1x1x16xf32>,
      %get3A_533 = vector.shape_cast %get3A_532 : vector<1x1x16xf32> to vector<16xf32>
      %get3A_534 = arith.constant 0 : i32
      %get3A_535 = arith.constant 5 : i32
      %get3A_536 = arith.index_cast %get3A_534 : i32 to index
      %get3A_537 = arith.index_cast %get3A_535 : i32 to index
      %get3A_538 = arith.constant 64 : index
      %get3A_539 = tpu.vector_load %arg7[%get3A_536, %get3A_537, %get3A_538] {strides = array<i32>} : memref<2x8x128xf32, #tpu.memory_space<vmem>>, vector<1x1x16xf32>,
      %get3A_540 = vector.shape_cast %get3A_539 : vector<1x1x16xf32> to vector<16xf32>
      %get3A_541 = arith.constant 0 : i32
      %get3A_542 = arith.constant 5 : i32
      %get3A_543 = arith.index_cast %get3A_541 : i32 to index
      %get3A_544 = arith.index_cast %get3A_542 : i32 to index
      %get3A_545 = arith.constant 80 : index
      %get3A_546 = tpu.vector_load %arg7[%get3A_543, %get3A_544, %get3A_545] {strides = array<i32>} : memref<2x8x128xf32, #tpu.memory_space<vmem>>, vector<1x1x16xf32>,
      %get3A_547 = vector.shape_cast %get3A_546 : vector<1x1x16xf32> to vector<16xf32>
      %get3A_548 = arith.constant 0 : i32
      %get3A_549 = arith.constant 5 : i32
      %get3A_550 = arith.index_cast %get3A_548 : i32 to index
      %get3A_551 = arith.index_cast %get3A_549 : i32 to index
      %get3A_552 = arith.constant 96 : index
      %get3A_553 = tpu.vector_load %arg7[%get3A_550, %get3A_551, %get3A_552] {strides = array<i32>} : memref<2x8x128xf32, #tpu.memory_space<vmem>>, vector<1x1x16xf32>,
      %get3A_554 = vector.shape_cast %get3A_553 : vector<1x1x16xf32> to vector<16xf32>
      %get3A_555 = arith.constant 0 : i32
      %get3A_556 = arith.constant 5 : i32
      %get3A_557 = arith.index_cast %get3A_555 : i32 to index
      %get3A_558 = arith.index_cast %get3A_556 : i32 to index
      %get3A_559 = arith.constant 112 : index
      %get3A_560 = tpu.vector_load %arg7[%get3A_557, %get3A_558, %get3A_559] {strides = array<i32>} : memref<2x8x128xf32, #tpu.memory_space<vmem>>, vector<1x1x16xf32>,
      %get3A_561 = vector.shape_cast %get3A_560 : vector<1x1x16xf32> to vector<16xf32>
      %scan3A_562 = arith.constant 0 : i32
      %scan3A_563 = arith.constant 0 : i32
      %scan3A_564 = arith.constant 32 : i32
      %scan3A_565 = arith.addi %scan3A_563, %scan3A_564 : i32
      %scan3A_566 = arith.constant 1 : i32
      %scan3A_567 = scf.for %scan3A_1274 = %scan3A_563 to %scan3A_565 step %scan3A_566 iter_args(%scan3A_1275 = %scan3A_562) -> (i32)  : i32 {
        %mul3A_1276 = arith.constant 16 : i32
        %mul3A_1277 = arith.muli %scan3A_1274, %mul3A_1276 : i32
        %get3A_1278 = arith.constant 0 : i32
        %get3A_1279 = arith.constant 5 : i32
        %get3A_1280 = arith.index_cast %get3A_1278 : i32 to index
        %get3A_1281 = arith.index_cast %get3A_1279 : i32 to index
        %get3A_1282 = arith.index_cast %mul3A_1277 : i32 to index
        %get3A_1283 = tpu.vector_load %arg8[%get3A_1280, %get3A_1281, %get3A_1282] {strides = array<i32>} : memref<2x8x512xf32, #tpu.memory_space<vmem>>, vector<1x1x16xf32>,
        %get3A_1284 = vector.shape_cast %get3A_1283 : vector<1x1x16xf32> to vector<16xf32>
        %get3A_1285 = arith.constant 0 : i32
        %get3A_1286 = arith.constant 40 : i32
        %get3A_1287 = arith.index_cast %get3A_1285 : i32 to index
        %get3A_1288 = arith.index_cast %get3A_1286 : i32 to index
        %get3A_1289 = arith.index_cast %mul3A_1277 : i32 to index
        %get3A_1290 = tpu.vector_load %arg9[%get3A_1287, %get3A_1288, %get3A_1289] {strides = array<i32>} : memref<2x64x512xf32, #tpu.memory_space<vmem>>, vector<1x1x16xf32>,
        %get3A_1291 = vector.shape_cast %get3A_1290 : vector<1x1x16xf32> to vector<16xf32>
        %mul3A_1292 = arith.mulf %get3A_512, %get3A_1291 : vector<16xf32>
        %add3A_1293 = arith.addf %get3A_1284, %mul3A_1292 : vector<16xf32>
        %get3A_1294 = arith.constant 0 : i32
        %get3A_1295 = arith.constant 41 : i32
        %get3A_1296 = arith.index_cast %get3A_1294 : i32 to index
        %get3A_1297 = arith.index_cast %get3A_1295 : i32 to index
        %get3A_1298 = arith.index_cast %mul3A_1277 : i32 to index
        %get3A_1299 = tpu.vector_load %arg9[%get3A_1296, %get3A_1297, %get3A_1298] {strides = array<i32>} : memref<2x64x512xf32, #tpu.memory_space<vmem>>, vector<1x1x16xf32>,
        %get3A_1300 = vector.shape_cast %get3A_1299 : vector<1x1x16xf32> to vector<16xf32>
        %mul3A_1301 = arith.mulf %get3A_519, %get3A_1300 : vector<16xf32>
        %add3A_1302 = arith.addf %add3A_1293, %mul3A_1301 : vector<16xf32>
        %get3A_1303 = arith.constant 0 : i32
        %get3A_1304 = arith.constant 42 : i32
        %get3A_1305 = arith.index_cast %get3A_1303 : i32 to index
        %get3A_1306 = arith.index_cast %get3A_1304 : i32 to index
        %get3A_1307 = arith.index_cast %mul3A_1277 : i32 to index
        %get3A_1308 = tpu.vector_load %arg9[%get3A_1305, %get3A_1306, %get3A_1307] {strides = array<i32>} : memref<2x64x512xf32, #tpu.memory_space<vmem>>, vector<1x1x16xf32>,
        %get3A_1309 = vector.shape_cast %get3A_1308 : vector<1x1x16xf32> to vector<16xf32>
        %mul3A_1310 = arith.mulf %get3A_526, %get3A_1309 : vector<16xf32>
        %add3A_1311 = arith.addf %add3A_1302, %mul3A_1310 : vector<16xf32>
        %get3A_1312 = arith.constant 0 : i32
        %get3A_1313 = arith.constant 43 : i32
        %get3A_1314 = arith.index_cast %get3A_1312 : i32 to index
        %get3A_1315 = arith.index_cast %get3A_1313 : i32 to index
        %get3A_1316 = arith.index_cast %mul3A_1277 : i32 to index
        %get3A_1317 = tpu.vector_load %arg9[%get3A_1314, %get3A_1315, %get3A_1316] {strides = array<i32>} : memref<2x64x512xf32, #tpu.memory_space<vmem>>, vector<1x1x16xf32>,
        %get3A_1318 = vector.shape_cast %get3A_1317 : vector<1x1x16xf32> to vector<16xf32>
        %mul3A_1319 = arith.mulf %get3A_533, %get3A_1318 : vector<16xf32>
        %add3A_1320 = arith.addf %add3A_1311, %mul3A_1319 : vector<16xf32>
        %get3A_1321 = arith.constant 0 : i32
        %get3A_1322 = arith.constant 44 : i32
        %get3A_1323 = arith.index_cast %get3A_1321 : i32 to index
        %get3A_1324 = arith.index_cast %get3A_1322 : i32 to index
        %get3A_1325 = arith.index_cast %mul3A_1277 : i32 to index
        %get3A_1326 = tpu.vector_load %arg9[%get3A_1323, %get3A_1324, %get3A_1325] {strides = array<i32>} : memref<2x64x512xf32, #tpu.memory_space<vmem>>, vector<1x1x16xf32>,
        %get3A_1327 = vector.shape_cast %get3A_1326 : vector<1x1x16xf32> to vector<16xf32>
        %mul3A_1328 = arith.mulf %get3A_540, %get3A_1327 : vector<16xf32>
        %add3A_1329 = arith.addf %add3A_1320, %mul3A_1328 : vector<16xf32>
        %get3A_1330 = arith.constant 0 : i32
        %get3A_1331 = arith.constant 45 : i32
        %get3A_1332 = arith.index_cast %get3A_1330 : i32 to index
        %get3A_1333 = arith.index_cast %get3A_1331 : i32 to index
        %get3A_1334 = arith.index_cast %mul3A_1277 : i32 to index
        %get3A_1335 = tpu.vector_load %arg9[%get3A_1332, %get3A_1333, %get3A_1334] {strides = array<i32>} : memref<2x64x512xf32, #tpu.memory_space<vmem>>, vector<1x1x16xf32>,
        %get3A_1336 = vector.shape_cast %get3A_1335 : vector<1x1x16xf32> to vector<16xf32>
        %mul3A_1337 = arith.mulf %get3A_547, %get3A_1336 : vector<16xf32>
        %add3A_1338 = arith.addf %add3A_1329, %mul3A_1337 : vector<16xf32>
        %get3A_1339 = arith.constant 0 : i32
        %get3A_1340 = arith.constant 46 : i32
        %get3A_1341 = arith.index_cast %get3A_1339 : i32 to index
        %get3A_1342 = arith.index_cast %get3A_1340 : i32 to index
        %get3A_1343 = arith.index_cast %mul3A_1277 : i32 to index
        %get3A_1344 = tpu.vector_load %arg9[%get3A_1341, %get3A_1342, %get3A_1343] {strides = array<i32>} : memref<2x64x512xf32, #tpu.memory_space<vmem>>, vector<1x1x16xf32>,
        %get3A_1345 = vector.shape_cast %get3A_1344 : vector<1x1x16xf32> to vector<16xf32>
        %mul3A_1346 = arith.mulf %get3A_554, %get3A_1345 : vector<16xf32>
        %add3A_1347 = arith.addf %add3A_1338, %mul3A_1346 : vector<16xf32>
        %get3A_1348 = arith.constant 0 : i32
        %get3A_1349 = arith.constant 47 : i32
        %get3A_1350 = arith.index_cast %get3A_1348 : i32 to index
        %get3A_1351 = arith.index_cast %get3A_1349 : i32 to index
        %get3A_1352 = arith.index_cast %mul3A_1277 : i32 to index
        %get3A_1353 = tpu.vector_load %arg9[%get3A_1350, %get3A_1351, %get3A_1352] {strides = array<i32>} : memref<2x64x512xf32, #tpu.memory_space<vmem>>, vector<1x1x16xf32>,
        %get3A_1354 = vector.shape_cast %get3A_1353 : vector<1x1x16xf32> to vector<16xf32>
        %mul3A_1355 = arith.mulf %get3A_561, %get3A_1354 : vector<16xf32>
        %add3A_1356 = arith.addf %add3A_1347, %mul3A_1355 : vector<16xf32>
        %swap3A = arith.constant 0 : i32
        %swap3A_1357 = arith.constant 5 : i32
        %swap3A_1358 = arith.index_cast %swap3A : i32 to index
        %swap3A_1359 = arith.index_cast %swap3A_1357 : i32 to index
        %swap3A_1360 = arith.index_cast %mul3A_1277 : i32 to index
        %swap3A_1361 = tpu.vector_load %arg10[%swap3A_1358, %swap3A_1359, %swap3A_1360] {strides = array<i32>} : memref<2x8x512xf32, #tpu.memory_space<vmem>>, vector<1x1x16xf32>,
        %swap3A_1362 = vector.shape_cast %swap3A_1361 : vector<1x1x16xf32> to vector<16xf32>
        %swap3A_1363 = vector.shape_cast %add3A_1356 : vector<16xf32> to vector<1x1x16xf32>
        tpu.vector_store %arg10[%swap3A_1358, %swap3A_1359, %swap3A_1360], %swap3A_1363 {strides = array<i32>} : memref<2x8x512xf32, #tpu.memory_space<vmem>>, vector<1x1x16xf32>,
        %scan3A_1364 = arith.constant 0 : i32
        scf.yield %scan3A_1364 : i32
      }
      %scan3A_568 = arith.constant 32 : i32
      %get3A_569 = arith.constant 0 : i32
      %get3A_570 = arith.constant 6 : i32
      %get3A_571 = arith.index_cast %get3A_569 : i32 to index
      %get3A_572 = arith.index_cast %get3A_570 : i32 to index
      %get3A_573 = arith.constant 0 : index
      %get3A_574 = tpu.vector_load %arg7[%get3A_571, %get3A_572, %get3A_573] {strides = array<i32>} : memref<2x8x128xf32, #tpu.memory_space<vmem>>, vector<1x1x16xf32>,
      %get3A_575 = vector.shape_cast %get3A_574 : vector<1x1x16xf32> to vector<16xf32>
      %get3A_576 = arith.constant 0 : i32
      %get3A_577 = arith.constant 6 : i32
      %get3A_578 = arith.index_cast %get3A_576 : i32 to index
      %get3A_579 = arith.index_cast %get3A_577 : i32 to index
      %get3A_580 = arith.constant 16 : index
      %get3A_581 = tpu.vector_load %arg7[%get3A_578, %get3A_579, %get3A_580] {strides = array<i32>} : memref<2x8x128xf32, #tpu.memory_space<vmem>>, vector<1x1x16xf32>,
      %get3A_582 = vector.shape_cast %get3A_581 : vector<1x1x16xf32> to vector<16xf32>
      %get3A_583 = arith.constant 0 : i32
      %get3A_584 = arith.constant 6 : i32
      %get3A_585 = arith.index_cast %get3A_583 : i32 to index
      %get3A_586 = arith.index_cast %get3A_584 : i32 to index
      %get3A_587 = arith.constant 32 : index
      %get3A_588 = tpu.vector_load %arg7[%get3A_585, %get3A_586, %get3A_587] {strides = array<i32>} : memref<2x8x128xf32, #tpu.memory_space<vmem>>, vector<1x1x16xf32>,
      %get3A_589 = vector.shape_cast %get3A_588 : vector<1x1x16xf32> to vector<16xf32>
      %get3A_590 = arith.constant 0 : i32
      %get3A_591 = arith.constant 6 : i32
      %get3A_592 = arith.index_cast %get3A_590 : i32 to index
      %get3A_593 = arith.index_cast %get3A_591 : i32 to index
      %get3A_594 = arith.constant 48 : index
      %get3A_595 = tpu.vector_load %arg7[%get3A_592, %get3A_593, %get3A_594] {strides = array<i32>} : memref<2x8x128xf32, #tpu.memory_space<vmem>>, vector<1x1x16xf32>,
      %get3A_596 = vector.shape_cast %get3A_595 : vector<1x1x16xf32> to vector<16xf32>
      %get3A_597 = arith.constant 0 : i32
      %get3A_598 = arith.constant 6 : i32
      %get3A_599 = arith.index_cast %get3A_597 : i32 to index
      %get3A_600 = arith.index_cast %get3A_598 : i32 to index
      %get3A_601 = arith.constant 64 : index
      %get3A_602 = tpu.vector_load %arg7[%get3A_599, %get3A_600, %get3A_601] {strides = array<i32>} : memref<2x8x128xf32, #tpu.memory_space<vmem>>, vector<1x1x16xf32>,
      %get3A_603 = vector.shape_cast %get3A_602 : vector<1x1x16xf32> to vector<16xf32>
      %get3A_604 = arith.constant 0 : i32
      %get3A_605 = arith.constant 6 : i32
      %get3A_606 = arith.index_cast %get3A_604 : i32 to index
      %get3A_607 = arith.index_cast %get3A_605 : i32 to index
      %get3A_608 = arith.constant 80 : index
      %get3A_609 = tpu.vector_load %arg7[%get3A_606, %get3A_607, %get3A_608] {strides = array<i32>} : memref<2x8x128xf32, #tpu.memory_space<vmem>>, vector<1x1x16xf32>,
      %get3A_610 = vector.shape_cast %get3A_609 : vector<1x1x16xf32> to vector<16xf32>
      %get3A_611 = arith.constant 0 : i32
      %get3A_612 = arith.constant 6 : i32
      %get3A_613 = arith.index_cast %get3A_611 : i32 to index
      %get3A_614 = arith.index_cast %get3A_612 : i32 to index
      %get3A_615 = arith.constant 96 : index
      %get3A_616 = tpu.vector_load %arg7[%get3A_613, %get3A_614, %get3A_615] {strides = array<i32>} : memref<2x8x128xf32, #tpu.memory_space<vmem>>, vector<1x1x16xf32>,
      %get3A_617 = vector.shape_cast %get3A_616 : vector<1x1x16xf32> to vector<16xf32>
      %get3A_618 = arith.constant 0 : i32
      %get3A_619 = arith.constant 6 : i32
      %get3A_620 = arith.index_cast %get3A_618 : i32 to index
      %get3A_621 = arith.index_cast %get3A_619 : i32 to index
      %get3A_622 = arith.constant 112 : index
      %get3A_623 = tpu.vector_load %arg7[%get3A_620, %get3A_621, %get3A_622] {strides = array<i32>} : memref<2x8x128xf32, #tpu.memory_space<vmem>>, vector<1x1x16xf32>,
      %get3A_624 = vector.shape_cast %get3A_623 : vector<1x1x16xf32> to vector<16xf32>
      %scan3A_625 = arith.constant 0 : i32
      %scan3A_626 = arith.constant 0 : i32
      %scan3A_627 = arith.constant 32 : i32
      %scan3A_628 = arith.addi %scan3A_626, %scan3A_627 : i32
      %scan3A_629 = arith.constant 1 : i32
      %scan3A_630 = scf.for %scan3A_1274 = %scan3A_626 to %scan3A_628 step %scan3A_629 iter_args(%scan3A_1275 = %scan3A_625) -> (i32)  : i32 {
        %mul3A_1276 = arith.constant 16 : i32
        %mul3A_1277 = arith.muli %scan3A_1274, %mul3A_1276 : i32
        %get3A_1278 = arith.constant 0 : i32
        %get3A_1279 = arith.constant 6 : i32
        %get3A_1280 = arith.index_cast %get3A_1278 : i32 to index
        %get3A_1281 = arith.index_cast %get3A_1279 : i32 to index
        %get3A_1282 = arith.index_cast %mul3A_1277 : i32 to index
        %get3A_1283 = tpu.vector_load %arg8[%get3A_1280, %get3A_1281, %get3A_1282] {strides = array<i32>} : memref<2x8x512xf32, #tpu.memory_space<vmem>>, vector<1x1x16xf32>,
        %get3A_1284 = vector.shape_cast %get3A_1283 : vector<1x1x16xf32> to vector<16xf32>
        %get3A_1285 = arith.constant 0 : i32
        %get3A_1286 = arith.constant 48 : i32
        %get3A_1287 = arith.index_cast %get3A_1285 : i32 to index
        %get3A_1288 = arith.index_cast %get3A_1286 : i32 to index
        %get3A_1289 = arith.index_cast %mul3A_1277 : i32 to index
        %get3A_1290 = tpu.vector_load %arg9[%get3A_1287, %get3A_1288, %get3A_1289] {strides = array<i32>} : memref<2x64x512xf32, #tpu.memory_space<vmem>>, vector<1x1x16xf32>,
        %get3A_1291 = vector.shape_cast %get3A_1290 : vector<1x1x16xf32> to vector<16xf32>
        %mul3A_1292 = arith.mulf %get3A_575, %get3A_1291 : vector<16xf32>
        %add3A_1293 = arith.addf %get3A_1284, %mul3A_1292 : vector<16xf32>
        %get3A_1294 = arith.constant 0 : i32
        %get3A_1295 = arith.constant 49 : i32
        %get3A_1296 = arith.index_cast %get3A_1294 : i32 to index
        %get3A_1297 = arith.index_cast %get3A_1295 : i32 to index
        %get3A_1298 = arith.index_cast %mul3A_1277 : i32 to index
        %get3A_1299 = tpu.vector_load %arg9[%get3A_1296, %get3A_1297, %get3A_1298] {strides = array<i32>} : memref<2x64x512xf32, #tpu.memory_space<vmem>>, vector<1x1x16xf32>,
        %get3A_1300 = vector.shape_cast %get3A_1299 : vector<1x1x16xf32> to vector<16xf32>
        %mul3A_1301 = arith.mulf %get3A_582, %get3A_1300 : vector<16xf32>
        %add3A_1302 = arith.addf %add3A_1293, %mul3A_1301 : vector<16xf32>
        %get3A_1303 = arith.constant 0 : i32
        %get3A_1304 = arith.constant 50 : i32
        %get3A_1305 = arith.index_cast %get3A_1303 : i32 to index
        %get3A_1306 = arith.index_cast %get3A_1304 : i32 to index
        %get3A_1307 = arith.index_cast %mul3A_1277 : i32 to index
        %get3A_1308 = tpu.vector_load %arg9[%get3A_1305, %get3A_1306, %get3A_1307] {strides = array<i32>} : memref<2x64x512xf32, #tpu.memory_space<vmem>>, vector<1x1x16xf32>,
        %get3A_1309 = vector.shape_cast %get3A_1308 : vector<1x1x16xf32> to vector<16xf32>
        %mul3A_1310 = arith.mulf %get3A_589, %get3A_1309 : vector<16xf32>
        %add3A_1311 = arith.addf %add3A_1302, %mul3A_1310 : vector<16xf32>
        %get3A_1312 = arith.constant 0 : i32
        %get3A_1313 = arith.constant 51 : i32
        %get3A_1314 = arith.index_cast %get3A_1312 : i32 to index
        %get3A_1315 = arith.index_cast %get3A_1313 : i32 to index
        %get3A_1316 = arith.index_cast %mul3A_1277 : i32 to index
        %get3A_1317 = tpu.vector_load %arg9[%get3A_1314, %get3A_1315, %get3A_1316] {strides = array<i32>} : memref<2x64x512xf32, #tpu.memory_space<vmem>>, vector<1x1x16xf32>,
        %get3A_1318 = vector.shape_cast %get3A_1317 : vector<1x1x16xf32> to vector<16xf32>
        %mul3A_1319 = arith.mulf %get3A_596, %get3A_1318 : vector<16xf32>
        %add3A_1320 = arith.addf %add3A_1311, %mul3A_1319 : vector<16xf32>
        %get3A_1321 = arith.constant 0 : i32
        %get3A_1322 = arith.constant 52 : i32
        %get3A_1323 = arith.index_cast %get3A_1321 : i32 to index
        %get3A_1324 = arith.index_cast %get3A_1322 : i32 to index
        %get3A_1325 = arith.index_cast %mul3A_1277 : i32 to index
        %get3A_1326 = tpu.vector_load %arg9[%get3A_1323, %get3A_1324, %get3A_1325] {strides = array<i32>} : memref<2x64x512xf32, #tpu.memory_space<vmem>>, vector<1x1x16xf32>,
        %get3A_1327 = vector.shape_cast %get3A_1326 : vector<1x1x16xf32> to vector<16xf32>
        %mul3A_1328 = arith.mulf %get3A_603, %get3A_1327 : vector<16xf32>
        %add3A_1329 = arith.addf %add3A_1320, %mul3A_1328 : vector<16xf32>
        %get3A_1330 = arith.constant 0 : i32
        %get3A_1331 = arith.constant 53 : i32
        %get3A_1332 = arith.index_cast %get3A_1330 : i32 to index
        %get3A_1333 = arith.index_cast %get3A_1331 : i32 to index
        %get3A_1334 = arith.index_cast %mul3A_1277 : i32 to index
        %get3A_1335 = tpu.vector_load %arg9[%get3A_1332, %get3A_1333, %get3A_1334] {strides = array<i32>} : memref<2x64x512xf32, #tpu.memory_space<vmem>>, vector<1x1x16xf32>,
        %get3A_1336 = vector.shape_cast %get3A_1335 : vector<1x1x16xf32> to vector<16xf32>
        %mul3A_1337 = arith.mulf %get3A_610, %get3A_1336 : vector<16xf32>
        %add3A_1338 = arith.addf %add3A_1329, %mul3A_1337 : vector<16xf32>
        %get3A_1339 = arith.constant 0 : i32
        %get3A_1340 = arith.constant 54 : i32
        %get3A_1341 = arith.index_cast %get3A_1339 : i32 to index
        %get3A_1342 = arith.index_cast %get3A_1340 : i32 to index
        %get3A_1343 = arith.index_cast %mul3A_1277 : i32 to index
        %get3A_1344 = tpu.vector_load %arg9[%get3A_1341, %get3A_1342, %get3A_1343] {strides = array<i32>} : memref<2x64x512xf32, #tpu.memory_space<vmem>>, vector<1x1x16xf32>,
        %get3A_1345 = vector.shape_cast %get3A_1344 : vector<1x1x16xf32> to vector<16xf32>
        %mul3A_1346 = arith.mulf %get3A_617, %get3A_1345 : vector<16xf32>
        %add3A_1347 = arith.addf %add3A_1338, %mul3A_1346 : vector<16xf32>
        %get3A_1348 = arith.constant 0 : i32
        %get3A_1349 = arith.constant 55 : i32
        %get3A_1350 = arith.index_cast %get3A_1348 : i32 to index
        %get3A_1351 = arith.index_cast %get3A_1349 : i32 to index
        %get3A_1352 = arith.index_cast %mul3A_1277 : i32 to index
        %get3A_1353 = tpu.vector_load %arg9[%get3A_1350, %get3A_1351, %get3A_1352] {strides = array<i32>} : memref<2x64x512xf32, #tpu.memory_space<vmem>>, vector<1x1x16xf32>,
        %get3A_1354 = vector.shape_cast %get3A_1353 : vector<1x1x16xf32> to vector<16xf32>
        %mul3A_1355 = arith.mulf %get3A_624, %get3A_1354 : vector<16xf32>
        %add3A_1356 = arith.addf %add3A_1347, %mul3A_1355 : vector<16xf32>
        %swap3A = arith.constant 0 : i32
        %swap3A_1357 = arith.constant 6 : i32
        %swap3A_1358 = arith.index_cast %swap3A : i32 to index
        %swap3A_1359 = arith.index_cast %swap3A_1357 : i32 to index
        %swap3A_1360 = arith.index_cast %mul3A_1277 : i32 to index
        %swap3A_1361 = tpu.vector_load %arg10[%swap3A_1358, %swap3A_1359, %swap3A_1360] {strides = array<i32>} : memref<2x8x512xf32, #tpu.memory_space<vmem>>, vector<1x1x16xf32>,
        %swap3A_1362 = vector.shape_cast %swap3A_1361 : vector<1x1x16xf32> to vector<16xf32>
        %swap3A_1363 = vector.shape_cast %add3A_1356 : vector<16xf32> to vector<1x1x16xf32>
        tpu.vector_store %arg10[%swap3A_1358, %swap3A_1359, %swap3A_1360], %swap3A_1363 {strides = array<i32>} : memref<2x8x512xf32, #tpu.memory_space<vmem>>, vector<1x1x16xf32>,
        %scan3A_1364 = arith.constant 0 : i32
        scf.yield %scan3A_1364 : i32
      }
      %scan3A_631 = arith.constant 32 : i32
      %get3A_632 = arith.constant 0 : i32
      %get3A_633 = arith.constant 7 : i32
      %get3A_634 = arith.index_cast %get3A_632 : i32 to index
      %get3A_635 = arith.index_cast %get3A_633 : i32 to index
      %get3A_636 = arith.constant 0 : index
      %get3A_637 = tpu.vector_load %arg7[%get3A_634, %get3A_635, %get3A_636] {strides = array<i32>} : memref<2x8x128xf32, #tpu.memory_space<vmem>>, vector<1x1x16xf32>,
      %get3A_638 = vector.shape_cast %get3A_637 : vector<1x1x16xf32> to vector<16xf32>
      %get3A_639 = arith.constant 0 : i32
      %get3A_640 = arith.constant 7 : i32
      %get3A_641 = arith.index_cast %get3A_639 : i32 to index
      %get3A_642 = arith.index_cast %get3A_640 : i32 to index
      %get3A_643 = arith.constant 16 : index
      %get3A_644 = tpu.vector_load %arg7[%get3A_641, %get3A_642, %get3A_643] {strides = array<i32>} : memref<2x8x128xf32, #tpu.memory_space<vmem>>, vector<1x1x16xf32>,
      %get3A_645 = vector.shape_cast %get3A_644 : vector<1x1x16xf32> to vector<16xf32>
      %get3A_646 = arith.constant 0 : i32
      %get3A_647 = arith.constant 7 : i32
      %get3A_648 = arith.index_cast %get3A_646 : i32 to index
      %get3A_649 = arith.index_cast %get3A_647 : i32 to index
      %get3A_650 = arith.constant 32 : index
      %get3A_651 = tpu.vector_load %arg7[%get3A_648, %get3A_649, %get3A_650] {strides = array<i32>} : memref<2x8x128xf32, #tpu.memory_space<vmem>>, vector<1x1x16xf32>,
      %get3A_652 = vector.shape_cast %get3A_651 : vector<1x1x16xf32> to vector<16xf32>
      %get3A_653 = arith.constant 0 : i32
      %get3A_654 = arith.constant 7 : i32
      %get3A_655 = arith.index_cast %get3A_653 : i32 to index
      %get3A_656 = arith.index_cast %get3A_654 : i32 to index
      %get3A_657 = arith.constant 48 : index
      %get3A_658 = tpu.vector_load %arg7[%get3A_655, %get3A_656, %get3A_657] {strides = array<i32>} : memref<2x8x128xf32, #tpu.memory_space<vmem>>, vector<1x1x16xf32>,
      %get3A_659 = vector.shape_cast %get3A_658 : vector<1x1x16xf32> to vector<16xf32>
      %get3A_660 = arith.constant 0 : i32
      %get3A_661 = arith.constant 7 : i32
      %get3A_662 = arith.index_cast %get3A_660 : i32 to index
      %get3A_663 = arith.index_cast %get3A_661 : i32 to index
      %get3A_664 = arith.constant 64 : index
      %get3A_665 = tpu.vector_load %arg7[%get3A_662, %get3A_663, %get3A_664] {strides = array<i32>} : memref<2x8x128xf32, #tpu.memory_space<vmem>>, vector<1x1x16xf32>,
      %get3A_666 = vector.shape_cast %get3A_665 : vector<1x1x16xf32> to vector<16xf32>
      %get3A_667 = arith.constant 0 : i32
      %get3A_668 = arith.constant 7 : i32
      %get3A_669 = arith.index_cast %get3A_667 : i32 to index
      %get3A_670 = arith.index_cast %get3A_668 : i32 to index
      %get3A_671 = arith.constant 80 : index
      %get3A_672 = tpu.vector_load %arg7[%get3A_669, %get3A_670, %get3A_671] {strides = array<i32>} : memref<2x8x128xf32, #tpu.memory_space<vmem>>, vector<1x1x16xf32>,
      %get3A_673 = vector.shape_cast %get3A_672 : vector<1x1x16xf32> to vector<16xf32>
      %get3A_674 = arith.constant 0 : i32
      %get3A_675 = arith.constant 7 : i32
      %get3A_676 = arith.index_cast %get3A_674 : i32 to index
      %get3A_677 = arith.index_cast %get3A_675 : i32 to index
      %get3A_678 = arith.constant 96 : index
      %get3A_679 = tpu.vector_load %arg7[%get3A_676, %get3A_677, %get3A_678] {strides = array<i32>} : memref<2x8x128xf32, #tpu.memory_space<vmem>>, vector<1x1x16xf32>,
      %get3A_680 = vector.shape_cast %get3A_679 : vector<1x1x16xf32> to vector<16xf32>
      %get3A_681 = arith.constant 0 : i32
      %get3A_682 = arith.constant 7 : i32
      %get3A_683 = arith.index_cast %get3A_681 : i32 to index
      %get3A_684 = arith.index_cast %get3A_682 : i32 to index
      %get3A_685 = arith.constant 112 : index
      %get3A_686 = tpu.vector_load %arg7[%get3A_683, %get3A_684, %get3A_685] {strides = array<i32>} : memref<2x8x128xf32, #tpu.memory_space<vmem>>, vector<1x1x16xf32>,
      %get3A_687 = vector.shape_cast %get3A_686 : vector<1x1x16xf32> to vector<16xf32>
      %scan3A_688 = arith.constant 0 : i32
      %scan3A_689 = arith.constant 0 : i32
      %scan3A_690 = arith.constant 32 : i32
      %scan3A_691 = arith.addi %scan3A_689, %scan3A_690 : i32
      %scan3A_692 = arith.constant 1 : i32
      %scan3A_693 = scf.for %scan3A_1274 = %scan3A_689 to %scan3A_691 step %scan3A_692 iter_args(%scan3A_1275 = %scan3A_688) -> (i32)  : i32 {
        %mul3A_1276 = arith.constant 16 : i32
        %mul3A_1277 = arith.muli %scan3A_1274, %mul3A_1276 : i32
        %get3A_1278 = arith.constant 0 : i32
        %get3A_1279 = arith.constant 7 : i32
        %get3A_1280 = arith.index_cast %get3A_1278 : i32 to index
        %get3A_1281 = arith.index_cast %get3A_1279 : i32 to index
        %get3A_1282 = arith.index_cast %mul3A_1277 : i32 to index
        %get3A_1283 = tpu.vector_load %arg8[%get3A_1280, %get3A_1281, %get3A_1282] {strides = array<i32>} : memref<2x8x512xf32, #tpu.memory_space<vmem>>, vector<1x1x16xf32>,
        %get3A_1284 = vector.shape_cast %get3A_1283 : vector<1x1x16xf32> to vector<16xf32>
        %get3A_1285 = arith.constant 0 : i32
        %get3A_1286 = arith.constant 56 : i32
        %get3A_1287 = arith.index_cast %get3A_1285 : i32 to index
        %get3A_1288 = arith.index_cast %get3A_1286 : i32 to index
        %get3A_1289 = arith.index_cast %mul3A_1277 : i32 to index
        %get3A_1290 = tpu.vector_load %arg9[%get3A_1287, %get3A_1288, %get3A_1289] {strides = array<i32>} : memref<2x64x512xf32, #tpu.memory_space<vmem>>, vector<1x1x16xf32>,
        %get3A_1291 = vector.shape_cast %get3A_1290 : vector<1x1x16xf32> to vector<16xf32>
        %mul3A_1292 = arith.mulf %get3A_638, %get3A_1291 : vector<16xf32>
        %add3A_1293 = arith.addf %get3A_1284, %mul3A_1292 : vector<16xf32>
        %get3A_1294 = arith.constant 0 : i32
        %get3A_1295 = arith.constant 57 : i32
        %get3A_1296 = arith.index_cast %get3A_1294 : i32 to index
        %get3A_1297 = arith.index_cast %get3A_1295 : i32 to index
        %get3A_1298 = arith.index_cast %mul3A_1277 : i32 to index
        %get3A_1299 = tpu.vector_load %arg9[%get3A_1296, %get3A_1297, %get3A_1298] {strides = array<i32>} : memref<2x64x512xf32, #tpu.memory_space<vmem>>, vector<1x1x16xf32>,
        %get3A_1300 = vector.shape_cast %get3A_1299 : vector<1x1x16xf32> to vector<16xf32>
        %mul3A_1301 = arith.mulf %get3A_645, %get3A_1300 : vector<16xf32>
        %add3A_1302 = arith.addf %add3A_1293, %mul3A_1301 : vector<16xf32>
        %get3A_1303 = arith.constant 0 : i32
        %get3A_1304 = arith.constant 58 : i32
        %get3A_1305 = arith.index_cast %get3A_1303 : i32 to index
        %get3A_1306 = arith.index_cast %get3A_1304 : i32 to index
        %get3A_1307 = arith.index_cast %mul3A_1277 : i32 to index
        %get3A_1308 = tpu.vector_load %arg9[%get3A_1305, %get3A_1306, %get3A_1307] {strides = array<i32>} : memref<2x64x512xf32, #tpu.memory_space<vmem>>, vector<1x1x16xf32>,
        %get3A_1309 = vector.shape_cast %get3A_1308 : vector<1x1x16xf32> to vector<16xf32>
        %mul3A_1310 = arith.mulf %get3A_652, %get3A_1309 : vector<16xf32>
        %add3A_1311 = arith.addf %add3A_1302, %mul3A_1310 : vector<16xf32>
        %get3A_1312 = arith.constant 0 : i32
        %get3A_1313 = arith.constant 59 : i32
        %get3A_1314 = arith.index_cast %get3A_1312 : i32 to index
        %get3A_1315 = arith.index_cast %get3A_1313 : i32 to index
        %get3A_1316 = arith.index_cast %mul3A_1277 : i32 to index
        %get3A_1317 = tpu.vector_load %arg9[%get3A_1314, %get3A_1315, %get3A_1316] {strides = array<i32>} : memref<2x64x512xf32, #tpu.memory_space<vmem>>, vector<1x1x16xf32>,
        %get3A_1318 = vector.shape_cast %get3A_1317 : vector<1x1x16xf32> to vector<16xf32>
        %mul3A_1319 = arith.mulf %get3A_659, %get3A_1318 : vector<16xf32>
        %add3A_1320 = arith.addf %add3A_1311, %mul3A_1319 : vector<16xf32>
        %get3A_1321 = arith.constant 0 : i32
        %get3A_1322 = arith.constant 60 : i32
        %get3A_1323 = arith.index_cast %get3A_1321 : i32 to index
        %get3A_1324 = arith.index_cast %get3A_1322 : i32 to index
        %get3A_1325 = arith.index_cast %mul3A_1277 : i32 to index
        %get3A_1326 = tpu.vector_load %arg9[%get3A_1323, %get3A_1324, %get3A_1325] {strides = array<i32>} : memref<2x64x512xf32, #tpu.memory_space<vmem>>, vector<1x1x16xf32>,
        %get3A_1327 = vector.shape_cast %get3A_1326 : vector<1x1x16xf32> to vector<16xf32>
        %mul3A_1328 = arith.mulf %get3A_666, %get3A_1327 : vector<16xf32>
        %add3A_1329 = arith.addf %add3A_1320, %mul3A_1328 : vector<16xf32>
        %get3A_1330 = arith.constant 0 : i32
        %get3A_1331 = arith.constant 61 : i32
        %get3A_1332 = arith.index_cast %get3A_1330 : i32 to index
        %get3A_1333 = arith.index_cast %get3A_1331 : i32 to index
        %get3A_1334 = arith.index_cast %mul3A_1277 : i32 to index
        %get3A_1335 = tpu.vector_load %arg9[%get3A_1332, %get3A_1333, %get3A_1334] {strides = array<i32>} : memref<2x64x512xf32, #tpu.memory_space<vmem>>, vector<1x1x16xf32>,
        %get3A_1336 = vector.shape_cast %get3A_1335 : vector<1x1x16xf32> to vector<16xf32>
        %mul3A_1337 = arith.mulf %get3A_673, %get3A_1336 : vector<16xf32>
        %add3A_1338 = arith.addf %add3A_1329, %mul3A_1337 : vector<16xf32>
        %get3A_1339 = arith.constant 0 : i32
        %get3A_1340 = arith.constant 62 : i32
        %get3A_1341 = arith.index_cast %get3A_1339 : i32 to index
        %get3A_1342 = arith.index_cast %get3A_1340 : i32 to index
        %get3A_1343 = arith.index_cast %mul3A_1277 : i32 to index
        %get3A_1344 = tpu.vector_load %arg9[%get3A_1341, %get3A_1342, %get3A_1343] {strides = array<i32>} : memref<2x64x512xf32, #tpu.memory_space<vmem>>, vector<1x1x16xf32>,
        %get3A_1345 = vector.shape_cast %get3A_1344 : vector<1x1x16xf32> to vector<16xf32>
        %mul3A_1346 = arith.mulf %get3A_680, %get3A_1345 : vector<16xf32>
        %add3A_1347 = arith.addf %add3A_1338, %mul3A_1346 : vector<16xf32>
        %get3A_1348 = arith.constant 0 : i32
        %get3A_1349 = arith.constant 63 : i32
        %get3A_1350 = arith.index_cast %get3A_1348 : i32 to index
        %get3A_1351 = arith.index_cast %get3A_1349 : i32 to index
        %get3A_1352 = arith.index_cast %mul3A_1277 : i32 to index
        %get3A_1353 = tpu.vector_load %arg9[%get3A_1350, %get3A_1351, %get3A_1352] {strides = array<i32>} : memref<2x64x512xf32, #tpu.memory_space<vmem>>, vector<1x1x16xf32>,
        %get3A_1354 = vector.shape_cast %get3A_1353 : vector<1x1x16xf32> to vector<16xf32>
        %mul3A_1355 = arith.mulf %get3A_687, %get3A_1354 : vector<16xf32>
        %add3A_1356 = arith.addf %add3A_1347, %mul3A_1355 : vector<16xf32>
        %swap3A = arith.constant 0 : i32
        %swap3A_1357 = arith.constant 7 : i32
        %swap3A_1358 = arith.index_cast %swap3A : i32 to index
        %swap3A_1359 = arith.index_cast %swap3A_1357 : i32 to index
        %swap3A_1360 = arith.index_cast %mul3A_1277 : i32 to index
        %swap3A_1361 = tpu.vector_load %arg10[%swap3A_1358, %swap3A_1359, %swap3A_1360] {strides = array<i32>} : memref<2x8x512xf32, #tpu.memory_space<vmem>>, vector<1x1x16xf32>,
        %swap3A_1362 = vector.shape_cast %swap3A_1361 : vector<1x1x16xf32> to vector<16xf32>
        %swap3A_1363 = vector.shape_cast %add3A_1356 : vector<16xf32> to vector<1x1x16xf32>
        tpu.vector_store %arg10[%swap3A_1358, %swap3A_1359, %swap3A_1360], %swap3A_1363 {strides = array<i32>} : memref<2x8x512xf32, #tpu.memory_space<vmem>>, vector<1x1x16xf32>,
        %scan3A_1364 = arith.constant 0 : i32
        scf.yield %scan3A_1364 : i32
      }
      %scan3A_694 = arith.constant 32 : i32
      %mul3A_695 = arith.constant 8 : i32
      %mul3A_696 = arith.muli %add3A_171, %mul3A_695 : i32
      %add3A_697 = arith.addi %mul3A_2, %mul3A_696 : i32
      %dma_start3A_698 = arith.constant 0 : i32
      %dma_start3A_699 = arith.constant 0 : i32
      %dma_start3A_700 = arith.constant 0 : i32
      %dma_start3A_701 = tpu.memref_slice %arg10[%dma_start3A_698, %dma_start3A_699, %dma_start3A_700] : memref<2x8x512xf32, #tpu.memory_space<vmem>> -> memref<1x8x512xf32, #tpu.memory_space<vmem>>
      %dma_start3A_702 = tpu.memref_squeeze %dma_start3A_701 : memref<1x8x512xf32, #tpu.memory_space<vmem>> -> memref<8x512xf32, #tpu.memory_space<vmem>>
      %dma_start3A_703 = arith.constant 0 : i32
      %dma_start3A_704 = tpu.memref_slice %arg5[%add3A_697, %dma_start3A_703] : memref<8192x512xf32, #tpu.memory_space<hbm>> -> memref<8x512xf32, #tpu.memory_space<hbm>>
      %dma_start3A_705 = arith.constant 0 : i32
      %dma_start3A_706 = tpu.memref_slice %arg5[%add3A_697, %dma_start3A_705] : memref<8192x512xf32, #tpu.memory_space<hbm>> -> memref<8x512xf32, #tpu.memory_space<hbm>>
      %dma_start3A_707 = arith.constant 0 : i32
      %dma_start3A_708 = arith.constant 0 : i32
      %dma_start3A_709 = tpu.memref_slice %arg10[%dma_start3A_698, %dma_start3A_707, %dma_start3A_708] : memref<2x8x512xf32, #tpu.memory_space<vmem>> -> memref<1x8x512xf32, #tpu.memory_space<vmem>>
      %dma_start3A_710 = tpu.memref_squeeze %dma_start3A_709 : memref<1x8x512xf32, #tpu.memory_space<vmem>> -> memref<8x512xf32, #tpu.memory_space<vmem>>
      tpu.enqueue_dma source(%dma_start3A_710 : memref<8x512xf32, #tpu.memory_space<vmem>>) target(%dma_start3A_706 : memref<8x512xf32, #tpu.memory_space<hbm>>) target_semaphore(%arg15 : memref<!tpu.dma_semaphore, #tpu.memory_space<semaphore_mem>>)
      %add3A_711 = arith.constant 2 : i32
      %add3A_712 = arith.addi %add3A_171, %add3A_711 : i32
      %lt3A_713 = arith.constant 32 : i32
      %lt3A_714 = arith.cmpi slt, %add3A_712, %lt3A_713 : i32
      %convert_element_type3A_715 = arith.extui %lt3A_714 : i1 to i32
      %cond3A_716 = arith.constant 0 : i32
      %cond3A_717 = arith.cmpi ne, %convert_element_type3A_715, %cond3A_716 : i32
      scf.if %cond3A_717 {
        %add3A_1274 = arith.constant 2 : i32
        %add3A_1275 = arith.addi %add3A_171, %add3A_1274 : i32
        %mul3A_1276 = arith.constant 8 : i32
        %mul3A_1277 = arith.muli %add3A_1275, %mul3A_1276 : i32
        %add3A_1278 = arith.addi %mul3A_2, %mul3A_1277 : i32
        %mul3A_1279 = arith.constant 8 : i32
        %mul3A_1280 = arith.muli %add3A_1278, %mul3A_1279 : i32
        %dma_start3A_1281 = arith.constant 0 : i32
        %dma_start3A_1282 = arith.constant 0 : i32
        %dma_start3A_1283 = tpu.memref_slice %arg6[%dma_start3A_1281, %dma_start3A_1282] : memref<2x64xi32, #tpu.memory_space<vmem>> -> memref<1x64xi32, #tpu.memory_space<vmem>>
        %dma_start3A_1284 = tpu.memref_squeeze %dma_start3A_1283 : memref<1x64xi32, #tpu.memory_space<vmem>> -> memref<64xi32, #tpu.memory_space<vmem>>
        %dma_start3A_1285 = tpu.memref_slice %arg3[%mul3A_1280] : memref<65536xi32, #tpu.memory_space<hbm>> -> memref<64xi32, #tpu.memory_space<hbm>>
        %dma_start3A_1286 = arith.constant 0 : i32
        %dma_start3A_1287 = tpu.memref_slice %arg6[%dma_start3A_1281, %dma_start3A_1286] : memref<2x64xi32, #tpu.memory_space<vmem>> -> memref<1x64xi32, #tpu.memory_space<vmem>>
        %dma_start3A_1288 = tpu.memref_squeeze %dma_start3A_1287 : memref<1x64xi32, #tpu.memory_space<vmem>> -> memref<64xi32, #tpu.memory_space<vmem>>
        %dma_start3A_1289 = tpu.memref_slice %arg3[%mul3A_1280] : memref<65536xi32, #tpu.memory_space<hbm>> -> memref<64xi32, #tpu.memory_space<hbm>>
        tpu.enqueue_dma source(%dma_start3A_1289 : memref<64xi32, #tpu.memory_space<hbm>>) target(%dma_start3A_1288 : memref<64xi32, #tpu.memory_space<vmem>>) target_semaphore(%arg11 : memref<!tpu.dma_semaphore, #tpu.memory_space<semaphore_mem>>)
        %dma_start3A_1290 = arith.constant 0 : i32
        %dma_start3A_1291 = arith.constant 0 : i32
        %dma_start3A_1292 = arith.constant 0 : i32
        %dma_start3A_1293 = tpu.memref_slice %arg7[%dma_start3A_1290, %dma_start3A_1291, %dma_start3A_1292] : memref<2x8x128xf32, #tpu.memory_space<vmem>> -> memref<1x8x128xf32, #tpu.memory_space<vmem>>
        %dma_start3A_1294 = tpu.memref_squeeze %dma_start3A_1293 : memref<1x8x128xf32, #tpu.memory_space<vmem>> -> memref<8x128xf32, #tpu.memory_space<vmem>>
        %dma_start3A_1295 = arith.constant 0 : i32
        %dma_start3A_1296 = tpu.memref_slice %arg4[%add3A_1278, %dma_start3A_1295] : memref<8192x128xf32, #tpu.memory_space<hbm>> -> memref<8x128xf32, #tpu.memory_space<hbm>>
        %dma_start3A_1297 = arith.constant 0 : i32
        %dma_start3A_1298 = arith.constant 0 : i32
        %dma_start3A_1299 = tpu.memref_slice %arg7[%dma_start3A_1290, %dma_start3A_1297, %dma_start3A_1298] : memref<2x8x128xf32, #tpu.memory_space<vmem>> -> memref<1x8x128xf32, #tpu.memory_space<vmem>>
        %dma_start3A_1300 = tpu.memref_squeeze %dma_start3A_1299 : memref<1x8x128xf32, #tpu.memory_space<vmem>> -> memref<8x128xf32, #tpu.memory_space<vmem>>
        %dma_start3A_1301 = arith.constant 0 : i32
        %dma_start3A_1302 = tpu.memref_slice %arg4[%add3A_1278, %dma_start3A_1301] : memref<8192x128xf32, #tpu.memory_space<hbm>> -> memref<8x128xf32, #tpu.memory_space<hbm>>
        tpu.enqueue_dma source(%dma_start3A_1302 : memref<8x128xf32, #tpu.memory_space<hbm>>) target(%dma_start3A_1300 : memref<8x128xf32, #tpu.memory_space<vmem>>) target_semaphore(%arg11 : memref<!tpu.dma_semaphore, #tpu.memory_space<semaphore_mem>>)
        %dma_start3A_1303 = arith.constant 0 : i32
        %dma_start3A_1304 = arith.constant 0 : i32
        %dma_start3A_1305 = arith.constant 0 : i32
        %dma_start3A_1306 = tpu.memref_slice %arg8[%dma_start3A_1303, %dma_start3A_1304, %dma_start3A_1305] : memref<2x8x512xf32, #tpu.memory_space<vmem>> -> memref<1x8x512xf32, #tpu.memory_space<vmem>>
        %dma_start3A_1307 = tpu.memref_squeeze %dma_start3A_1306 : memref<1x8x512xf32, #tpu.memory_space<vmem>> -> memref<8x512xf32, #tpu.memory_space<vmem>>
        %dma_start3A_1308 = arith.constant 0 : i32
        %dma_start3A_1309 = tpu.memref_slice %arg2[%add3A_1278, %dma_start3A_1308] : memref<8192x512xf32, #tpu.memory_space<hbm>> -> memref<8x512xf32, #tpu.memory_space<hbm>>
        %dma_start3A_1310 = arith.constant 0 : i32
        %dma_start3A_1311 = arith.constant 0 : i32
        %dma_start3A_1312 = tpu.memref_slice %arg8[%dma_start3A_1303, %dma_start3A_1310, %dma_start3A_1311] : memref<2x8x512xf32, #tpu.memory_space<vmem>> -> memref<1x8x512xf32, #tpu.memory_space<vmem>>
        %dma_start3A_1313 = tpu.memref_squeeze %dma_start3A_1312 : memref<1x8x512xf32, #tpu.memory_space<vmem>> -> memref<8x512xf32, #tpu.memory_space<vmem>>
        %dma_start3A_1314 = arith.constant 0 : i32
        %dma_start3A_1315 = tpu.memref_slice %arg2[%add3A_1278, %dma_start3A_1314] : memref<8192x512xf32, #tpu.memory_space<hbm>> -> memref<8x512xf32, #tpu.memory_space<hbm>>
        tpu.enqueue_dma source(%dma_start3A_1315 : memref<8x512xf32, #tpu.memory_space<hbm>>) target(%dma_start3A_1313 : memref<8x512xf32, #tpu.memory_space<vmem>>) target_semaphore(%arg11 : memref<!tpu.dma_semaphore, #tpu.memory_space<semaphore_mem>>)
      } else {
      }
      %mul3A_718 = arith.constant 2 : i32
      %mul3A_719 = arith.muli %mul3A_718, %scan3A_166 : i32
      %add3A_720 = arith.constant 1 : i32
      %add3A_721 = arith.addi %mul3A_719, %add3A_720 : i32
      %add3A_722 = arith.constant 1 : i32
      %add3A_723 = arith.addi %add3A_721, %add3A_722 : i32
      %lt3A_724 = arith.constant 32 : i32
      %lt3A_725 = arith.cmpi slt, %add3A_723, %lt3A_724 : i32
      %convert_element_type3A_726 = arith.extui %lt3A_725 : i1 to i32
      %cond3A_727 = arith.constant 0 : i32
      %cond3A_728 = arith.cmpi ne, %convert_element_type3A_726, %cond3A_727 : i32
      scf.if %cond3A_728 {
        %add3A_1274 = arith.constant 1 : i32
        %add3A_1275 = arith.addi %add3A_721, %add3A_1274 : i32
        %mul3A_1276 = arith.constant 8 : i32
        %mul3A_1277 = arith.muli %add3A_1275, %mul3A_1276 : i32
        %add3A_1278 = arith.addi %mul3A_2, %mul3A_1277 : i32
        %mul3A_1279 = arith.constant 8 : i32
        %mul3A_1280 = arith.muli %add3A_1278, %mul3A_1279 : i32
        %dma_wait3A_1281 = arith.constant 0 : i32
        %dma_wait3A_1282 = arith.constant 0 : i32
        %dma_wait3A_1283 = tpu.memref_slice %arg6[%dma_wait3A_1281, %dma_wait3A_1282] : memref<2x64xi32, #tpu.memory_space<vmem>> -> memref<1x64xi32, #tpu.memory_space<vmem>>
        %dma_wait3A_1284 = tpu.memref_squeeze %dma_wait3A_1283 : memref<1x64xi32, #tpu.memory_space<vmem>> -> memref<64xi32, #tpu.memory_space<vmem>>
        %dma_wait3A_1285 = tpu.memref_slice %arg3[%mul3A_1280] : memref<65536xi32, #tpu.memory_space<hbm>> -> memref<64xi32, #tpu.memory_space<hbm>>
        %dma_wait3A_1286 = arith.constant 0 : i32
        %dma_wait3A_1287 = tpu.memref_slice %arg6[%dma_wait3A_1281, %dma_wait3A_1286] : memref<2x64xi32, #tpu.memory_space<vmem>> -> memref<1x64xi32, #tpu.memory_space<vmem>>
        %dma_wait3A_1288 = tpu.memref_squeeze %dma_wait3A_1287 : memref<1x64xi32, #tpu.memory_space<vmem>> -> memref<64xi32, #tpu.memory_space<vmem>>
        %dma_wait3A_1289 = tpu.memref_slice %arg3[%mul3A_1280] : memref<65536xi32, #tpu.memory_space<hbm>> -> memref<64xi32, #tpu.memory_space<hbm>>
        tpu.wait_dma2 semaphore(%arg11 : memref<!tpu.dma_semaphore, #tpu.memory_space<semaphore_mem>>) src(%dma_wait3A_1289 : memref<64xi32, #tpu.memory_space<hbm>>) dst(%dma_wait3A_1288 : memref<64xi32, #tpu.memory_space<vmem>>)
        %dma_wait3A_1290 = arith.constant 0 : i32
        %dma_wait3A_1291 = arith.constant 0 : i32
        %dma_wait3A_1292 = arith.constant 0 : i32
        %dma_wait3A_1293 = tpu.memref_slice %arg7[%dma_wait3A_1290, %dma_wait3A_1291, %dma_wait3A_1292] : memref<2x8x128xf32, #tpu.memory_space<vmem>> -> memref<1x8x128xf32, #tpu.memory_space<vmem>>
        %dma_wait3A_1294 = tpu.memref_squeeze %dma_wait3A_1293 : memref<1x8x128xf32, #tpu.memory_space<vmem>> -> memref<8x128xf32, #tpu.memory_space<vmem>>
        %dma_wait3A_1295 = arith.constant 0 : i32
        %dma_wait3A_1296 = tpu.memref_slice %arg4[%add3A_1278, %dma_wait3A_1295] : memref<8192x128xf32, #tpu.memory_space<hbm>> -> memref<8x128xf32, #tpu.memory_space<hbm>>
        %dma_wait3A_1297 = arith.constant 0 : i32
        %dma_wait3A_1298 = arith.constant 0 : i32
        %dma_wait3A_1299 = tpu.memref_slice %arg7[%dma_wait3A_1290, %dma_wait3A_1297, %dma_wait3A_1298] : memref<2x8x128xf32, #tpu.memory_space<vmem>> -> memref<1x8x128xf32, #tpu.memory_space<vmem>>
        %dma_wait3A_1300 = tpu.memref_squeeze %dma_wait3A_1299 : memref<1x8x128xf32, #tpu.memory_space<vmem>> -> memref<8x128xf32, #tpu.memory_space<vmem>>
        %dma_wait3A_1301 = arith.constant 0 : i32
        %dma_wait3A_1302 = tpu.memref_slice %arg4[%add3A_1278, %dma_wait3A_1301] : memref<8192x128xf32, #tpu.memory_space<hbm>> -> memref<8x128xf32, #tpu.memory_space<hbm>>
        tpu.wait_dma2 semaphore(%arg11 : memref<!tpu.dma_semaphore, #tpu.memory_space<semaphore_mem>>) src(%dma_wait3A_1302 : memref<8x128xf32, #tpu.memory_space<hbm>>) dst(%dma_wait3A_1300 : memref<8x128xf32, #tpu.memory_space<vmem>>)
        %dma_wait3A_1303 = arith.constant 0 : i32
        %dma_wait3A_1304 = arith.constant 0 : i32
        %dma_wait3A_1305 = arith.constant 0 : i32
        %dma_wait3A_1306 = tpu.memref_slice %arg8[%dma_wait3A_1303, %dma_wait3A_1304, %dma_wait3A_1305] : memref<2x8x512xf32, #tpu.memory_space<vmem>> -> memref<1x8x512xf32, #tpu.memory_space<vmem>>
        %dma_wait3A_1307 = tpu.memref_squeeze %dma_wait3A_1306 : memref<1x8x512xf32, #tpu.memory_space<vmem>> -> memref<8x512xf32, #tpu.memory_space<vmem>>
        %dma_wait3A_1308 = arith.constant 0 : i32
        %dma_wait3A_1309 = tpu.memref_slice %arg2[%add3A_1278, %dma_wait3A_1308] : memref<8192x512xf32, #tpu.memory_space<hbm>> -> memref<8x512xf32, #tpu.memory_space<hbm>>
        %dma_wait3A_1310 = arith.constant 0 : i32
        %dma_wait3A_1311 = arith.constant 0 : i32
        %dma_wait3A_1312 = tpu.memref_slice %arg8[%dma_wait3A_1303, %dma_wait3A_1310, %dma_wait3A_1311] : memref<2x8x512xf32, #tpu.memory_space<vmem>> -> memref<1x8x512xf32, #tpu.memory_space<vmem>>
        %dma_wait3A_1313 = tpu.memref_squeeze %dma_wait3A_1312 : memref<1x8x512xf32, #tpu.memory_space<vmem>> -> memref<8x512xf32, #tpu.memory_space<vmem>>
        %dma_wait3A_1314 = arith.constant 0 : i32
        %dma_wait3A_1315 = tpu.memref_slice %arg2[%add3A_1278, %dma_wait3A_1314] : memref<8192x512xf32, #tpu.memory_space<hbm>> -> memref<8x512xf32, #tpu.memory_space<hbm>>
        tpu.wait_dma2 semaphore(%arg11 : memref<!tpu.dma_semaphore, #tpu.memory_space<semaphore_mem>>) src(%dma_wait3A_1315 : memref<8x512xf32, #tpu.memory_space<hbm>>) dst(%dma_wait3A_1313 : memref<8x512xf32, #tpu.memory_space<vmem>>)
        %dma_start3A_1316 = arith.constant 0 : i32
        %dma_start3A_1317 = arith.constant 0 : i32
        %dma_start3A_1318 = arith.constant 0 : i32
        %dma_start3A_1319 = arith.constant 0 : i32
        %dma_start3A_1320 = tpu.memref_slice %arg9[%dma_start3A_1317, %dma_start3A_1318, %dma_start3A_1319] : memref<2x64x512xf32, #tpu.memory_space<vmem>> -> memref<1x64x512xf32, #tpu.memory_space<vmem>>
        %dma_start3A_1321 = tpu.memref_squeeze %dma_start3A_1320 : memref<1x64x512xf32, #tpu.memory_space<vmem>> -> memref<64x512xf32, #tpu.memory_space<vmem>>
        %dma_start3A_1322 = arith.constant 0 : i32
        %dma_start3A_1323 = tpu.memref_slice %arg6[%dma_start3A_1316, %dma_start3A_1322] : memref<2x64xi32, #tpu.memory_space<vmem>> -> memref<1x64xi32, #tpu.memory_space<vmem>>
        %dma_start3A_1324 = tpu.memref_squeeze %dma_start3A_1323 : memref<1x64xi32, #tpu.memory_space<vmem>> -> memref<64xi32, #tpu.memory_space<vmem>>
        %dma_start3A_1325 = arith.constant 0 : i32
        %dma_start3A_1326 = arith.constant 0 : i32
        %dma_start3A_1327 = tpu.memref_slice %arg2[%dma_start3A_1325, %dma_start3A_1326] : memref<8192x512xf32, #tpu.memory_space<hbm>> -> memref<8192x512xf32, #tpu.memory_space<hbm>>
        tpu.enqueue_indirect_dma source(%dma_start3A_1327 : memref<8192x512xf32, #tpu.memory_space<hbm>>) target(%dma_start3A_1321 : memref<64x512xf32, #tpu.memory_space<vmem>>) offsets(%dma_start3A_1324 : memref<64xi32, #tpu.memory_space<vmem>>) semaphore(%arg13 : memref<!tpu.dma_semaphore, #tpu.memory_space<semaphore_mem>>)
      } else {
      }
      %dma_wait3A_729 = arith.constant 1 : i32
      %dma_wait3A_730 = arith.constant 1 : i32
      %dma_wait3A_731 = arith.constant 0 : i32
      %dma_wait3A_732 = arith.constant 0 : i32
      %dma_wait3A_733 = tpu.memref_slice %arg9[%dma_wait3A_730, %dma_wait3A_731, %dma_wait3A_732] : memref<2x64x512xf32, #tpu.memory_space<vmem>> -> memref<1x64x512xf32, #tpu.memory_space<vmem>>
      %dma_wait3A_734 = tpu.memref_squeeze %dma_wait3A_733 : memref<1x64x512xf32, #tpu.memory_space<vmem>> -> memref<64x512xf32, #tpu.memory_space<vmem>>
      %dma_wait3A_735 = arith.constant 0 : i32
      %dma_wait3A_736 = tpu.memref_slice %arg6[%dma_wait3A_729, %dma_wait3A_735] : memref<2x64xi32, #tpu.memory_space<vmem>> -> memref<1x64xi32, #tpu.memory_space<vmem>>
      %dma_wait3A_737 = tpu.memref_squeeze %dma_wait3A_736 : memref<1x64xi32, #tpu.memory_space<vmem>> -> memref<64xi32, #tpu.memory_space<vmem>>
      %dma_wait3A_738 = arith.constant 0 : i32
      %dma_wait3A_739 = arith.constant 0 : i32
      %dma_wait3A_740 = tpu.memref_slice %arg2[%dma_wait3A_738, %dma_wait3A_739] : memref<8192x512xf32, #tpu.memory_space<hbm>> -> memref<8192x512xf32, #tpu.memory_space<hbm>>
      tpu.wait_indirect_dma semaphore(%arg14 : memref<!tpu.dma_semaphore, #tpu.memory_space<semaphore_mem>>) src(%dma_wait3A_740 : memref<8192x512xf32, #tpu.memory_space<hbm>>) dst(%dma_wait3A_734 : memref<64x512xf32, #tpu.memory_space<vmem>>)
      %ge3A_741 = arith.constant 2 : i32
      %ge3A_742 = arith.cmpi sge, %add3A_721, %ge3A_741 : i32
      %convert_element_type3A_743 = arith.extui %ge3A_742 : i1 to i32
      %cond3A_744 = arith.constant 0 : i32
      %cond3A_745 = arith.cmpi ne, %convert_element_type3A_743, %cond3A_744 : i32
      scf.if %cond3A_745 {
        %sub3A = arith.constant 2 : i32
        %sub3A_1274 = arith.subi %add3A_721, %sub3A : i32
        %mul3A_1275 = arith.constant 8 : i32
        %mul3A_1276 = arith.muli %sub3A_1274, %mul3A_1275 : i32
        %add3A_1277 = arith.addi %mul3A_2, %mul3A_1276 : i32
        %dma_wait3A_1278 = arith.constant 1 : i32
        %dma_wait3A_1279 = arith.constant 0 : i32
        %dma_wait3A_1280 = arith.constant 0 : i32
        %dma_wait3A_1281 = tpu.memref_slice %arg10[%dma_wait3A_1278, %dma_wait3A_1279, %dma_wait3A_1280] : memref<2x8x512xf32, #tpu.memory_space<vmem>> -> memref<1x8x512xf32, #tpu.memory_space<vmem>>
        %dma_wait3A_1282 = tpu.memref_squeeze %dma_wait3A_1281 : memref<1x8x512xf32, #tpu.memory_space<vmem>> -> memref<8x512xf32, #tpu.memory_space<vmem>>
        %dma_wait3A_1283 = arith.constant 0 : i32
        %dma_wait3A_1284 = tpu.memref_slice %arg5[%add3A_1277, %dma_wait3A_1283] : memref<8192x512xf32, #tpu.memory_space<hbm>> -> memref<8x512xf32, #tpu.memory_space<hbm>>
        %dma_wait3A_1285 = arith.constant 0 : i32
        %dma_wait3A_1286 = tpu.memref_slice %arg5[%add3A_1277, %dma_wait3A_1285] : memref<8192x512xf32, #tpu.memory_space<hbm>> -> memref<8x512xf32, #tpu.memory_space<hbm>>
        %dma_wait3A_1287 = arith.constant 0 : i32
        %dma_wait3A_1288 = arith.constant 0 : i32
        %dma_wait3A_1289 = tpu.memref_slice %arg10[%dma_wait3A_1278, %dma_wait3A_1287, %dma_wait3A_1288] : memref<2x8x512xf32, #tpu.memory_space<vmem>> -> memref<1x8x512xf32, #tpu.memory_space<vmem>>
        %dma_wait3A_1290 = tpu.memref_squeeze %dma_wait3A_1289 : memref<1x8x512xf32, #tpu.memory_space<vmem>> -> memref<8x512xf32, #tpu.memory_space<vmem>>
        tpu.wait_dma2 semaphore(%arg16 : memref<!tpu.dma_semaphore, #tpu.memory_space<semaphore_mem>>) src(%dma_wait3A_1290 : memref<8x512xf32, #tpu.memory_space<vmem>>) dst(%dma_wait3A_1286 : memref<8x512xf32, #tpu.memory_space<hbm>>)
      } else {
      }
      %get3A_746 = arith.constant 1 : i32
      %get3A_747 = arith.constant 0 : i32
      %get3A_748 = arith.index_cast %get3A_746 : i32 to index
      %get3A_749 = arith.index_cast %get3A_747 : i32 to index
      %get3A_750 = arith.constant 0 : index
      %get3A_751 = tpu.vector_load %arg7[%get3A_748, %get3A_749, %get3A_750] {strides = array<i32>} : memref<2x8x128xf32, #tpu.memory_space<vmem>>, vector<1x1x16xf32>,
      %get3A_752 = vector.shape_cast %get3A_751 : vector<1x1x16xf32> to vector<16xf32>
      %get3A_753 = arith.constant 1 : i32
      %get3A_754 = arith.constant 0 : i32
      %get3A_755 = arith.index_cast %get3A_753 : i32 to index
      %get3A_756 = arith.index_cast %get3A_754 : i32 to index
      %get3A_757 = arith.constant 16 : index
      %get3A_758 = tpu.vector_load %arg7[%get3A_755, %get3A_756, %get3A_757] {strides = array<i32>} : memref<2x8x128xf32, #tpu.memory_space<vmem>>, vector<1x1x16xf32>,
      %get3A_759 = vector.shape_cast %get3A_758 : vector<1x1x16xf32> to vector<16xf32>
      %get3A_760 = arith.constant 1 : i32
      %get3A_761 = arith.constant 0 : i32
      %get3A_762 = arith.index_cast %get3A_760 : i32 to index
      %get3A_763 = arith.index_cast %get3A_761 : i32 to index
      %get3A_764 = arith.constant 32 : index
      %get3A_765 = tpu.vector_load %arg7[%get3A_762, %get3A_763, %get3A_764] {strides = array<i32>} : memref<2x8x128xf32, #tpu.memory_space<vmem>>, vector<1x1x16xf32>,
      %get3A_766 = vector.shape_cast %get3A_765 : vector<1x1x16xf32> to vector<16xf32>
      %get3A_767 = arith.constant 1 : i32
      %get3A_768 = arith.constant 0 : i32
      %get3A_769 = arith.index_cast %get3A_767 : i32 to index
      %get3A_770 = arith.index_cast %get3A_768 : i32 to index
      %get3A_771 = arith.constant 48 : index
      %get3A_772 = tpu.vector_load %arg7[%get3A_769, %get3A_770, %get3A_771] {strides = array<i32>} : memref<2x8x128xf32, #tpu.memory_space<vmem>>, vector<1x1x16xf32>,
      %get3A_773 = vector.shape_cast %get3A_772 : vector<1x1x16xf32> to vector<16xf32>
      %get3A_774 = arith.constant 1 : i32
      %get3A_775 = arith.constant 0 : i32
      %get3A_776 = arith.index_cast %get3A_774 : i32 to index
      %get3A_777 = arith.index_cast %get3A_775 : i32 to index
      %get3A_778 = arith.constant 64 : index
      %get3A_779 = tpu.vector_load %arg7[%get3A_776, %get3A_777, %get3A_778] {strides = array<i32>} : memref<2x8x128xf32, #tpu.memory_space<vmem>>, vector<1x1x16xf32>,
      %get3A_780 = vector.shape_cast %get3A_779 : vector<1x1x16xf32> to vector<16xf32>
      %get3A_781 = arith.constant 1 : i32
      %get3A_782 = arith.constant 0 : i32
      %get3A_783 = arith.index_cast %get3A_781 : i32 to index
      %get3A_784 = arith.index_cast %get3A_782 : i32 to index
      %get3A_785 = arith.constant 80 : index
      %get3A_786 = tpu.vector_load %arg7[%get3A_783, %get3A_784, %get3A_785] {strides = array<i32>} : memref<2x8x128xf32, #tpu.memory_space<vmem>>, vector<1x1x16xf32>,
      %get3A_787 = vector.shape_cast %get3A_786 : vector<1x1x16xf32> to vector<16xf32>
      %get3A_788 = arith.constant 1 : i32
      %get3A_789 = arith.constant 0 : i32
      %get3A_790 = arith.index_cast %get3A_788 : i32 to index
      %get3A_791 = arith.index_cast %get3A_789 : i32 to index
      %get3A_792 = arith.constant 96 : index
      %get3A_793 = tpu.vector_load %arg7[%get3A_790, %get3A_791, %get3A_792] {strides = array<i32>} : memref<2x8x128xf32, #tpu.memory_space<vmem>>, vector<1x1x16xf32>,
      %get3A_794 = vector.shape_cast %get3A_793 : vector<1x1x16xf32> to vector<16xf32>
      %get3A_795 = arith.constant 1 : i32
      %get3A_796 = arith.constant 0 : i32
      %get3A_797 = arith.index_cast %get3A_795 : i32 to index
      %get3A_798 = arith.index_cast %get3A_796 : i32 to index
      %get3A_799 = arith.constant 112 : index
      %get3A_800 = tpu.vector_load %arg7[%get3A_797, %get3A_798, %get3A_799] {strides = array<i32>} : memref<2x8x128xf32, #tpu.memory_space<vmem>>, vector<1x1x16xf32>,
      %get3A_801 = vector.shape_cast %get3A_800 : vector<1x1x16xf32> to vector<16xf32>
      %scan3A_802 = arith.constant 0 : i32
      %scan3A_803 = arith.constant 0 : i32
      %scan3A_804 = arith.constant 32 : i32
      %scan3A_805 = arith.addi %scan3A_803, %scan3A_804 : i32
      %scan3A_806 = arith.constant 1 : i32
      %scan3A_807 = scf.for %scan3A_1274 = %scan3A_803 to %scan3A_805 step %scan3A_806 iter_args(%scan3A_1275 = %scan3A_802) -> (i32)  : i32 {
        %mul3A_1276 = arith.constant 16 : i32
        %mul3A_1277 = arith.muli %scan3A_1274, %mul3A_1276 : i32
        %get3A_1278 = arith.constant 1 : i32
        %get3A_1279 = arith.constant 0 : i32
        %get3A_1280 = arith.index_cast %get3A_1278 : i32 to index
        %get3A_1281 = arith.index_cast %get3A_1279 : i32 to index
        %get3A_1282 = arith.index_cast %mul3A_1277 : i32 to index
        %get3A_1283 = tpu.vector_load %arg8[%get3A_1280, %get3A_1281, %get3A_1282] {strides = array<i32>} : memref<2x8x512xf32, #tpu.memory_space<vmem>>, vector<1x1x16xf32>,
        %get3A_1284 = vector.shape_cast %get3A_1283 : vector<1x1x16xf32> to vector<16xf32>
        %get3A_1285 = arith.constant 1 : i32
        %get3A_1286 = arith.constant 0 : i32
        %get3A_1287 = arith.index_cast %get3A_1285 : i32 to index
        %get3A_1288 = arith.index_cast %get3A_1286 : i32 to index
        %get3A_1289 = arith.index_cast %mul3A_1277 : i32 to index
        %get3A_1290 = tpu.vector_load %arg9[%get3A_1287, %get3A_1288, %get3A_1289] {strides = array<i32>} : memref<2x64x512xf32, #tpu.memory_space<vmem>>, vector<1x1x16xf32>,
        %get3A_1291 = vector.shape_cast %get3A_1290 : vector<1x1x16xf32> to vector<16xf32>
        %mul3A_1292 = arith.mulf %get3A_752, %get3A_1291 : vector<16xf32>
        %add3A_1293 = arith.addf %get3A_1284, %mul3A_1292 : vector<16xf32>
        %get3A_1294 = arith.constant 1 : i32
        %get3A_1295 = arith.constant 1 : i32
        %get3A_1296 = arith.index_cast %get3A_1294 : i32 to index
        %get3A_1297 = arith.index_cast %get3A_1295 : i32 to index
        %get3A_1298 = arith.index_cast %mul3A_1277 : i32 to index
        %get3A_1299 = tpu.vector_load %arg9[%get3A_1296, %get3A_1297, %get3A_1298] {strides = array<i32>} : memref<2x64x512xf32, #tpu.memory_space<vmem>>, vector<1x1x16xf32>,
        %get3A_1300 = vector.shape_cast %get3A_1299 : vector<1x1x16xf32> to vector<16xf32>
        %mul3A_1301 = arith.mulf %get3A_759, %get3A_1300 : vector<16xf32>
        %add3A_1302 = arith.addf %add3A_1293, %mul3A_1301 : vector<16xf32>
        %get3A_1303 = arith.constant 1 : i32
        %get3A_1304 = arith.constant 2 : i32
        %get3A_1305 = arith.index_cast %get3A_1303 : i32 to index
        %get3A_1306 = arith.index_cast %get3A_1304 : i32 to index
        %get3A_1307 = arith.index_cast %mul3A_1277 : i32 to index
        %get3A_1308 = tpu.vector_load %arg9[%get3A_1305, %get3A_1306, %get3A_1307] {strides = array<i32>} : memref<2x64x512xf32, #tpu.memory_space<vmem>>, vector<1x1x16xf32>,
        %get3A_1309 = vector.shape_cast %get3A_1308 : vector<1x1x16xf32> to vector<16xf32>
        %mul3A_1310 = arith.mulf %get3A_766, %get3A_1309 : vector<16xf32>
        %add3A_1311 = arith.addf %add3A_1302, %mul3A_1310 : vector<16xf32>
        %get3A_1312 = arith.constant 1 : i32
        %get3A_1313 = arith.constant 3 : i32
        %get3A_1314 = arith.index_cast %get3A_1312 : i32 to index
        %get3A_1315 = arith.index_cast %get3A_1313 : i32 to index
        %get3A_1316 = arith.index_cast %mul3A_1277 : i32 to index
        %get3A_1317 = tpu.vector_load %arg9[%get3A_1314, %get3A_1315, %get3A_1316] {strides = array<i32>} : memref<2x64x512xf32, #tpu.memory_space<vmem>>, vector<1x1x16xf32>,
        %get3A_1318 = vector.shape_cast %get3A_1317 : vector<1x1x16xf32> to vector<16xf32>
        %mul3A_1319 = arith.mulf %get3A_773, %get3A_1318 : vector<16xf32>
        %add3A_1320 = arith.addf %add3A_1311, %mul3A_1319 : vector<16xf32>
        %get3A_1321 = arith.constant 1 : i32
        %get3A_1322 = arith.constant 4 : i32
        %get3A_1323 = arith.index_cast %get3A_1321 : i32 to index
        %get3A_1324 = arith.index_cast %get3A_1322 : i32 to index
        %get3A_1325 = arith.index_cast %mul3A_1277 : i32 to index
        %get3A_1326 = tpu.vector_load %arg9[%get3A_1323, %get3A_1324, %get3A_1325] {strides = array<i32>} : memref<2x64x512xf32, #tpu.memory_space<vmem>>, vector<1x1x16xf32>,
        %get3A_1327 = vector.shape_cast %get3A_1326 : vector<1x1x16xf32> to vector<16xf32>
        %mul3A_1328 = arith.mulf %get3A_780, %get3A_1327 : vector<16xf32>
        %add3A_1329 = arith.addf %add3A_1320, %mul3A_1328 : vector<16xf32>
        %get3A_1330 = arith.constant 1 : i32
        %get3A_1331 = arith.constant 5 : i32
        %get3A_1332 = arith.index_cast %get3A_1330 : i32 to index
        %get3A_1333 = arith.index_cast %get3A_1331 : i32 to index
        %get3A_1334 = arith.index_cast %mul3A_1277 : i32 to index
        %get3A_1335 = tpu.vector_load %arg9[%get3A_1332, %get3A_1333, %get3A_1334] {strides = array<i32>} : memref<2x64x512xf32, #tpu.memory_space<vmem>>, vector<1x1x16xf32>,
        %get3A_1336 = vector.shape_cast %get3A_1335 : vector<1x1x16xf32> to vector<16xf32>
        %mul3A_1337 = arith.mulf %get3A_787, %get3A_1336 : vector<16xf32>
        %add3A_1338 = arith.addf %add3A_1329, %mul3A_1337 : vector<16xf32>
        %get3A_1339 = arith.constant 1 : i32
        %get3A_1340 = arith.constant 6 : i32
        %get3A_1341 = arith.index_cast %get3A_1339 : i32 to index
        %get3A_1342 = arith.index_cast %get3A_1340 : i32 to index
        %get3A_1343 = arith.index_cast %mul3A_1277 : i32 to index
        %get3A_1344 = tpu.vector_load %arg9[%get3A_1341, %get3A_1342, %get3A_1343] {strides = array<i32>} : memref<2x64x512xf32, #tpu.memory_space<vmem>>, vector<1x1x16xf32>,
        %get3A_1345 = vector.shape_cast %get3A_1344 : vector<1x1x16xf32> to vector<16xf32>
        %mul3A_1346 = arith.mulf %get3A_794, %get3A_1345 : vector<16xf32>
        %add3A_1347 = arith.addf %add3A_1338, %mul3A_1346 : vector<16xf32>
        %get3A_1348 = arith.constant 1 : i32
        %get3A_1349 = arith.constant 7 : i32
        %get3A_1350 = arith.index_cast %get3A_1348 : i32 to index
        %get3A_1351 = arith.index_cast %get3A_1349 : i32 to index
        %get3A_1352 = arith.index_cast %mul3A_1277 : i32 to index
        %get3A_1353 = tpu.vector_load %arg9[%get3A_1350, %get3A_1351, %get3A_1352] {strides = array<i32>} : memref<2x64x512xf32, #tpu.memory_space<vmem>>, vector<1x1x16xf32>,
        %get3A_1354 = vector.shape_cast %get3A_1353 : vector<1x1x16xf32> to vector<16xf32>
        %mul3A_1355 = arith.mulf %get3A_801, %get3A_1354 : vector<16xf32>
        %add3A_1356 = arith.addf %add3A_1347, %mul3A_1355 : vector<16xf32>
        %swap3A = arith.constant 1 : i32
        %swap3A_1357 = arith.constant 0 : i32
        %swap3A_1358 = arith.index_cast %swap3A : i32 to index
        %swap3A_1359 = arith.index_cast %swap3A_1357 : i32 to index
        %swap3A_1360 = arith.index_cast %mul3A_1277 : i32 to index
        %swap3A_1361 = tpu.vector_load %arg10[%swap3A_1358, %swap3A_1359, %swap3A_1360] {strides = array<i32>} : memref<2x8x512xf32, #tpu.memory_space<vmem>>, vector<1x1x16xf32>,
        %swap3A_1362 = vector.shape_cast %swap3A_1361 : vector<1x1x16xf32> to vector<16xf32>
        %swap3A_1363 = vector.shape_cast %add3A_1356 : vector<16xf32> to vector<1x1x16xf32>
        tpu.vector_store %arg10[%swap3A_1358, %swap3A_1359, %swap3A_1360], %swap3A_1363 {strides = array<i32>} : memref<2x8x512xf32, #tpu.memory_space<vmem>>, vector<1x1x16xf32>,
        %scan3A_1364 = arith.constant 0 : i32
        scf.yield %scan3A_1364 : i32
      }
      %scan3A_808 = arith.constant 32 : i32
      %get3A_809 = arith.constant 1 : i32
      %get3A_810 = arith.constant 1 : i32
      %get3A_811 = arith.index_cast %get3A_809 : i32 to index
      %get3A_812 = arith.index_cast %get3A_810 : i32 to index
      %get3A_813 = arith.constant 0 : index
      %get3A_814 = tpu.vector_load %arg7[%get3A_811, %get3A_812, %get3A_813] {strides = array<i32>} : memref<2x8x128xf32, #tpu.memory_space<vmem>>, vector<1x1x16xf32>,
      %get3A_815 = vector.shape_cast %get3A_814 : vector<1x1x16xf32> to vector<16xf32>
      %get3A_816 = arith.constant 1 : i32
      %get3A_817 = arith.constant 1 : i32
      %get3A_818 = arith.index_cast %get3A_816 : i32 to index
      %get3A_819 = arith.index_cast %get3A_817 : i32 to index
      %get3A_820 = arith.constant 16 : index
      %get3A_821 = tpu.vector_load %arg7[%get3A_818, %get3A_819, %get3A_820] {strides = array<i32>} : memref<2x8x128xf32, #tpu.memory_space<vmem>>, vector<1x1x16xf32>,
      %get3A_822 = vector.shape_cast %get3A_821 : vector<1x1x16xf32> to vector<16xf32>
      %get3A_823 = arith.constant 1 : i32
      %get3A_824 = arith.constant 1 : i32
      %get3A_825 = arith.index_cast %get3A_823 : i32 to index
      %get3A_826 = arith.index_cast %get3A_824 : i32 to index
      %get3A_827 = arith.constant 32 : index
      %get3A_828 = tpu.vector_load %arg7[%get3A_825, %get3A_826, %get3A_827] {strides = array<i32>} : memref<2x8x128xf32, #tpu.memory_space<vmem>>, vector<1x1x16xf32>,
      %get3A_829 = vector.shape_cast %get3A_828 : vector<1x1x16xf32> to vector<16xf32>
      %get3A_830 = arith.constant 1 : i32
      %get3A_831 = arith.constant 1 : i32
      %get3A_832 = arith.index_cast %get3A_830 : i32 to index
      %get3A_833 = arith.index_cast %get3A_831 : i32 to index
      %get3A_834 = arith.constant 48 : index
      %get3A_835 = tpu.vector_load %arg7[%get3A_832, %get3A_833, %get3A_834] {strides = array<i32>} : memref<2x8x128xf32, #tpu.memory_space<vmem>>, vector<1x1x16xf32>,
      %get3A_836 = vector.shape_cast %get3A_835 : vector<1x1x16xf32> to vector<16xf32>
      %get3A_837 = arith.constant 1 : i32
      %get3A_838 = arith.constant 1 : i32
      %get3A_839 = arith.index_cast %get3A_837 : i32 to index
      %get3A_840 = arith.index_cast %get3A_838 : i32 to index
      %get3A_841 = arith.constant 64 : index
      %get3A_842 = tpu.vector_load %arg7[%get3A_839, %get3A_840, %get3A_841] {strides = array<i32>} : memref<2x8x128xf32, #tpu.memory_space<vmem>>, vector<1x1x16xf32>,
      %get3A_843 = vector.shape_cast %get3A_842 : vector<1x1x16xf32> to vector<16xf32>
      %get3A_844 = arith.constant 1 : i32
      %get3A_845 = arith.constant 1 : i32
      %get3A_846 = arith.index_cast %get3A_844 : i32 to index
      %get3A_847 = arith.index_cast %get3A_845 : i32 to index
      %get3A_848 = arith.constant 80 : index
      %get3A_849 = tpu.vector_load %arg7[%get3A_846, %get3A_847, %get3A_848] {strides = array<i32>} : memref<2x8x128xf32, #tpu.memory_space<vmem>>, vector<1x1x16xf32>,
      %get3A_850 = vector.shape_cast %get3A_849 : vector<1x1x16xf32> to vector<16xf32>
      %get3A_851 = arith.constant 1 : i32
      %get3A_852 = arith.constant 1 : i32
      %get3A_853 = arith.index_cast %get3A_851 : i32 to index
      %get3A_854 = arith.index_cast %get3A_852 : i32 to index
      %get3A_855 = arith.constant 96 : index
      %get3A_856 = tpu.vector_load %arg7[%get3A_853, %get3A_854, %get3A_855] {strides = array<i32>} : memref<2x8x128xf32, #tpu.memory_space<vmem>>, vector<1x1x16xf32>,
      %get3A_857 = vector.shape_cast %get3A_856 : vector<1x1x16xf32> to vector<16xf32>
      %get3A_858 = arith.constant 1 : i32
      %get3A_859 = arith.constant 1 : i32
      %get3A_860 = arith.index_cast %get3A_858 : i32 to index
      %get3A_861 = arith.index_cast %get3A_859 : i32 to index
      %get3A_862 = arith.constant 112 : index
      %get3A_863 = tpu.vector_load %arg7[%get3A_860, %get3A_861, %get3A_862] {strides = array<i32>} : memref<2x8x128xf32, #tpu.memory_space<vmem>>, vector<1x1x16xf32>,
      %get3A_864 = vector.shape_cast %get3A_863 : vector<1x1x16xf32> to vector<16xf32>
      %scan3A_865 = arith.constant 0 : i32
      %scan3A_866 = arith.constant 0 : i32
      %scan3A_867 = arith.constant 32 : i32
      %scan3A_868 = arith.addi %scan3A_866, %scan3A_867 : i32
      %scan3A_869 = arith.constant 1 : i32
      %scan3A_870 = scf.for %scan3A_1274 = %scan3A_866 to %scan3A_868 step %scan3A_869 iter_args(%scan3A_1275 = %scan3A_865) -> (i32)  : i32 {
        %mul3A_1276 = arith.constant 16 : i32
        %mul3A_1277 = arith.muli %scan3A_1274, %mul3A_1276 : i32
        %get3A_1278 = arith.constant 1 : i32
        %get3A_1279 = arith.constant 1 : i32
        %get3A_1280 = arith.index_cast %get3A_1278 : i32 to index
        %get3A_1281 = arith.index_cast %get3A_1279 : i32 to index
        %get3A_1282 = arith.index_cast %mul3A_1277 : i32 to index
        %get3A_1283 = tpu.vector_load %arg8[%get3A_1280, %get3A_1281, %get3A_1282] {strides = array<i32>} : memref<2x8x512xf32, #tpu.memory_space<vmem>>, vector<1x1x16xf32>,
        %get3A_1284 = vector.shape_cast %get3A_1283 : vector<1x1x16xf32> to vector<16xf32>
        %get3A_1285 = arith.constant 1 : i32
        %get3A_1286 = arith.constant 8 : i32
        %get3A_1287 = arith.index_cast %get3A_1285 : i32 to index
        %get3A_1288 = arith.index_cast %get3A_1286 : i32 to index
        %get3A_1289 = arith.index_cast %mul3A_1277 : i32 to index
        %get3A_1290 = tpu.vector_load %arg9[%get3A_1287, %get3A_1288, %get3A_1289] {strides = array<i32>} : memref<2x64x512xf32, #tpu.memory_space<vmem>>, vector<1x1x16xf32>,
        %get3A_1291 = vector.shape_cast %get3A_1290 : vector<1x1x16xf32> to vector<16xf32>
        %mul3A_1292 = arith.mulf %get3A_815, %get3A_1291 : vector<16xf32>
        %add3A_1293 = arith.addf %get3A_1284, %mul3A_1292 : vector<16xf32>
        %get3A_1294 = arith.constant 1 : i32
        %get3A_1295 = arith.constant 9 : i32
        %get3A_1296 = arith.index_cast %get3A_1294 : i32 to index
        %get3A_1297 = arith.index_cast %get3A_1295 : i32 to index
        %get3A_1298 = arith.index_cast %mul3A_1277 : i32 to index
        %get3A_1299 = tpu.vector_load %arg9[%get3A_1296, %get3A_1297, %get3A_1298] {strides = array<i32>} : memref<2x64x512xf32, #tpu.memory_space<vmem>>, vector<1x1x16xf32>,
        %get3A_1300 = vector.shape_cast %get3A_1299 : vector<1x1x16xf32> to vector<16xf32>
        %mul3A_1301 = arith.mulf %get3A_822, %get3A_1300 : vector<16xf32>
        %add3A_1302 = arith.addf %add3A_1293, %mul3A_1301 : vector<16xf32>
        %get3A_1303 = arith.constant 1 : i32
        %get3A_1304 = arith.constant 10 : i32
        %get3A_1305 = arith.index_cast %get3A_1303 : i32 to index
        %get3A_1306 = arith.index_cast %get3A_1304 : i32 to index
        %get3A_1307 = arith.index_cast %mul3A_1277 : i32 to index
        %get3A_1308 = tpu.vector_load %arg9[%get3A_1305, %get3A_1306, %get3A_1307] {strides = array<i32>} : memref<2x64x512xf32, #tpu.memory_space<vmem>>, vector<1x1x16xf32>,
        %get3A_1309 = vector.shape_cast %get3A_1308 : vector<1x1x16xf32> to vector<16xf32>
        %mul3A_1310 = arith.mulf %get3A_829, %get3A_1309 : vector<16xf32>
        %add3A_1311 = arith.addf %add3A_1302, %mul3A_1310 : vector<16xf32>
        %get3A_1312 = arith.constant 1 : i32
        %get3A_1313 = arith.constant 11 : i32
        %get3A_1314 = arith.index_cast %get3A_1312 : i32 to index
        %get3A_1315 = arith.index_cast %get3A_1313 : i32 to index
        %get3A_1316 = arith.index_cast %mul3A_1277 : i32 to index
        %get3A_1317 = tpu.vector_load %arg9[%get3A_1314, %get3A_1315, %get3A_1316] {strides = array<i32>} : memref<2x64x512xf32, #tpu.memory_space<vmem>>, vector<1x1x16xf32>,
        %get3A_1318 = vector.shape_cast %get3A_1317 : vector<1x1x16xf32> to vector<16xf32>
        %mul3A_1319 = arith.mulf %get3A_836, %get3A_1318 : vector<16xf32>
        %add3A_1320 = arith.addf %add3A_1311, %mul3A_1319 : vector<16xf32>
        %get3A_1321 = arith.constant 1 : i32
        %get3A_1322 = arith.constant 12 : i32
        %get3A_1323 = arith.index_cast %get3A_1321 : i32 to index
        %get3A_1324 = arith.index_cast %get3A_1322 : i32 to index
        %get3A_1325 = arith.index_cast %mul3A_1277 : i32 to index
        %get3A_1326 = tpu.vector_load %arg9[%get3A_1323, %get3A_1324, %get3A_1325] {strides = array<i32>} : memref<2x64x512xf32, #tpu.memory_space<vmem>>, vector<1x1x16xf32>,
        %get3A_1327 = vector.shape_cast %get3A_1326 : vector<1x1x16xf32> to vector<16xf32>
        %mul3A_1328 = arith.mulf %get3A_843, %get3A_1327 : vector<16xf32>
        %add3A_1329 = arith.addf %add3A_1320, %mul3A_1328 : vector<16xf32>
        %get3A_1330 = arith.constant 1 : i32
        %get3A_1331 = arith.constant 13 : i32
        %get3A_1332 = arith.index_cast %get3A_1330 : i32 to index
        %get3A_1333 = arith.index_cast %get3A_1331 : i32 to index
        %get3A_1334 = arith.index_cast %mul3A_1277 : i32 to index
        %get3A_1335 = tpu.vector_load %arg9[%get3A_1332, %get3A_1333, %get3A_1334] {strides = array<i32>} : memref<2x64x512xf32, #tpu.memory_space<vmem>>, vector<1x1x16xf32>,
        %get3A_1336 = vector.shape_cast %get3A_1335 : vector<1x1x16xf32> to vector<16xf32>
        %mul3A_1337 = arith.mulf %get3A_850, %get3A_1336 : vector<16xf32>
        %add3A_1338 = arith.addf %add3A_1329, %mul3A_1337 : vector<16xf32>
        %get3A_1339 = arith.constant 1 : i32
        %get3A_1340 = arith.constant 14 : i32
        %get3A_1341 = arith.index_cast %get3A_1339 : i32 to index
        %get3A_1342 = arith.index_cast %get3A_1340 : i32 to index
        %get3A_1343 = arith.index_cast %mul3A_1277 : i32 to index
        %get3A_1344 = tpu.vector_load %arg9[%get3A_1341, %get3A_1342, %get3A_1343] {strides = array<i32>} : memref<2x64x512xf32, #tpu.memory_space<vmem>>, vector<1x1x16xf32>,
        %get3A_1345 = vector.shape_cast %get3A_1344 : vector<1x1x16xf32> to vector<16xf32>
        %mul3A_1346 = arith.mulf %get3A_857, %get3A_1345 : vector<16xf32>
        %add3A_1347 = arith.addf %add3A_1338, %mul3A_1346 : vector<16xf32>
        %get3A_1348 = arith.constant 1 : i32
        %get3A_1349 = arith.constant 15 : i32
        %get3A_1350 = arith.index_cast %get3A_1348 : i32 to index
        %get3A_1351 = arith.index_cast %get3A_1349 : i32 to index
        %get3A_1352 = arith.index_cast %mul3A_1277 : i32 to index
        %get3A_1353 = tpu.vector_load %arg9[%get3A_1350, %get3A_1351, %get3A_1352] {strides = array<i32>} : memref<2x64x512xf32, #tpu.memory_space<vmem>>, vector<1x1x16xf32>,
        %get3A_1354 = vector.shape_cast %get3A_1353 : vector<1x1x16xf32> to vector<16xf32>
        %mul3A_1355 = arith.mulf %get3A_864, %get3A_1354 : vector<16xf32>
        %add3A_1356 = arith.addf %add3A_1347, %mul3A_1355 : vector<16xf32>
        %swap3A = arith.constant 1 : i32
        %swap3A_1357 = arith.constant 1 : i32
        %swap3A_1358 = arith.index_cast %swap3A : i32 to index
        %swap3A_1359 = arith.index_cast %swap3A_1357 : i32 to index
        %swap3A_1360 = arith.index_cast %mul3A_1277 : i32 to index
        %swap3A_1361 = tpu.vector_load %arg10[%swap3A_1358, %swap3A_1359, %swap3A_1360] {strides = array<i32>} : memref<2x8x512xf32, #tpu.memory_space<vmem>>, vector<1x1x16xf32>,
        %swap3A_1362 = vector.shape_cast %swap3A_1361 : vector<1x1x16xf32> to vector<16xf32>
        %swap3A_1363 = vector.shape_cast %add3A_1356 : vector<16xf32> to vector<1x1x16xf32>
        tpu.vector_store %arg10[%swap3A_1358, %swap3A_1359, %swap3A_1360], %swap3A_1363 {strides = array<i32>} : memref<2x8x512xf32, #tpu.memory_space<vmem>>, vector<1x1x16xf32>,
        %scan3A_1364 = arith.constant 0 : i32
        scf.yield %scan3A_1364 : i32
      }
      %scan3A_871 = arith.constant 32 : i32
      %get3A_872 = arith.constant 1 : i32
      %get3A_873 = arith.constant 2 : i32
      %get3A_874 = arith.index_cast %get3A_872 : i32 to index
      %get3A_875 = arith.index_cast %get3A_873 : i32 to index
      %get3A_876 = arith.constant 0 : index
      %get3A_877 = tpu.vector_load %arg7[%get3A_874, %get3A_875, %get3A_876] {strides = array<i32>} : memref<2x8x128xf32, #tpu.memory_space<vmem>>, vector<1x1x16xf32>,
      %get3A_878 = vector.shape_cast %get3A_877 : vector<1x1x16xf32> to vector<16xf32>
      %get3A_879 = arith.constant 1 : i32
      %get3A_880 = arith.constant 2 : i32
      %get3A_881 = arith.index_cast %get3A_879 : i32 to index
      %get3A_882 = arith.index_cast %get3A_880 : i32 to index
      %get3A_883 = arith.constant 16 : index
      %get3A_884 = tpu.vector_load %arg7[%get3A_881, %get3A_882, %get3A_883] {strides = array<i32>} : memref<2x8x128xf32, #tpu.memory_space<vmem>>, vector<1x1x16xf32>,
      %get3A_885 = vector.shape_cast %get3A_884 : vector<1x1x16xf32> to vector<16xf32>
      %get3A_886 = arith.constant 1 : i32
      %get3A_887 = arith.constant 2 : i32
      %get3A_888 = arith.index_cast %get3A_886 : i32 to index
      %get3A_889 = arith.index_cast %get3A_887 : i32 to index
      %get3A_890 = arith.constant 32 : index
      %get3A_891 = tpu.vector_load %arg7[%get3A_888, %get3A_889, %get3A_890] {strides = array<i32>} : memref<2x8x128xf32, #tpu.memory_space<vmem>>, vector<1x1x16xf32>,
      %get3A_892 = vector.shape_cast %get3A_891 : vector<1x1x16xf32> to vector<16xf32>
      %get3A_893 = arith.constant 1 : i32
      %get3A_894 = arith.constant 2 : i32
      %get3A_895 = arith.index_cast %get3A_893 : i32 to index
      %get3A_896 = arith.index_cast %get3A_894 : i32 to index
      %get3A_897 = arith.constant 48 : index
      %get3A_898 = tpu.vector_load %arg7[%get3A_895, %get3A_896, %get3A_897] {strides = array<i32>} : memref<2x8x128xf32, #tpu.memory_space<vmem>>, vector<1x1x16xf32>,
      %get3A_899 = vector.shape_cast %get3A_898 : vector<1x1x16xf32> to vector<16xf32>
      %get3A_900 = arith.constant 1 : i32
      %get3A_901 = arith.constant 2 : i32
      %get3A_902 = arith.index_cast %get3A_900 : i32 to index
      %get3A_903 = arith.index_cast %get3A_901 : i32 to index
      %get3A_904 = arith.constant 64 : index
      %get3A_905 = tpu.vector_load %arg7[%get3A_902, %get3A_903, %get3A_904] {strides = array<i32>} : memref<2x8x128xf32, #tpu.memory_space<vmem>>, vector<1x1x16xf32>,
      %get3A_906 = vector.shape_cast %get3A_905 : vector<1x1x16xf32> to vector<16xf32>
      %get3A_907 = arith.constant 1 : i32
      %get3A_908 = arith.constant 2 : i32
      %get3A_909 = arith.index_cast %get3A_907 : i32 to index
      %get3A_910 = arith.index_cast %get3A_908 : i32 to index
      %get3A_911 = arith.constant 80 : index
      %get3A_912 = tpu.vector_load %arg7[%get3A_909, %get3A_910, %get3A_911] {strides = array<i32>} : memref<2x8x128xf32, #tpu.memory_space<vmem>>, vector<1x1x16xf32>,
      %get3A_913 = vector.shape_cast %get3A_912 : vector<1x1x16xf32> to vector<16xf32>
      %get3A_914 = arith.constant 1 : i32
      %get3A_915 = arith.constant 2 : i32
      %get3A_916 = arith.index_cast %get3A_914 : i32 to index
      %get3A_917 = arith.index_cast %get3A_915 : i32 to index
      %get3A_918 = arith.constant 96 : index
      %get3A_919 = tpu.vector_load %arg7[%get3A_916, %get3A_917, %get3A_918] {strides = array<i32>} : memref<2x8x128xf32, #tpu.memory_space<vmem>>, vector<1x1x16xf32>,
      %get3A_920 = vector.shape_cast %get3A_919 : vector<1x1x16xf32> to vector<16xf32>
      %get3A_921 = arith.constant 1 : i32
      %get3A_922 = arith.constant 2 : i32
      %get3A_923 = arith.index_cast %get3A_921 : i32 to index
      %get3A_924 = arith.index_cast %get3A_922 : i32 to index
      %get3A_925 = arith.constant 112 : index
      %get3A_926 = tpu.vector_load %arg7[%get3A_923, %get3A_924, %get3A_925] {strides = array<i32>} : memref<2x8x128xf32, #tpu.memory_space<vmem>>, vector<1x1x16xf32>,
      %get3A_927 = vector.shape_cast %get3A_926 : vector<1x1x16xf32> to vector<16xf32>
      %scan3A_928 = arith.constant 0 : i32
      %scan3A_929 = arith.constant 0 : i32
      %scan3A_930 = arith.constant 32 : i32
      %scan3A_931 = arith.addi %scan3A_929, %scan3A_930 : i32
      %scan3A_932 = arith.constant 1 : i32
      %scan3A_933 = scf.for %scan3A_1274 = %scan3A_929 to %scan3A_931 step %scan3A_932 iter_args(%scan3A_1275 = %scan3A_928) -> (i32)  : i32 {
        %mul3A_1276 = arith.constant 16 : i32
        %mul3A_1277 = arith.muli %scan3A_1274, %mul3A_1276 : i32
        %get3A_1278 = arith.constant 1 : i32
        %get3A_1279 = arith.constant 2 : i32
        %get3A_1280 = arith.index_cast %get3A_1278 : i32 to index
        %get3A_1281 = arith.index_cast %get3A_1279 : i32 to index
        %get3A_1282 = arith.index_cast %mul3A_1277 : i32 to index
        %get3A_1283 = tpu.vector_load %arg8[%get3A_1280, %get3A_1281, %get3A_1282] {strides = array<i32>} : memref<2x8x512xf32, #tpu.memory_space<vmem>>, vector<1x1x16xf32>,
        %get3A_1284 = vector.shape_cast %get3A_1283 : vector<1x1x16xf32> to vector<16xf32>
        %get3A_1285 = arith.constant 1 : i32
        %get3A_1286 = arith.constant 16 : i32
        %get3A_1287 = arith.index_cast %get3A_1285 : i32 to index
        %get3A_1288 = arith.index_cast %get3A_1286 : i32 to index
        %get3A_1289 = arith.index_cast %mul3A_1277 : i32 to index
        %get3A_1290 = tpu.vector_load %arg9[%get3A_1287, %get3A_1288, %get3A_1289] {strides = array<i32>} : memref<2x64x512xf32, #tpu.memory_space<vmem>>, vector<1x1x16xf32>,
        %get3A_1291 = vector.shape_cast %get3A_1290 : vector<1x1x16xf32> to vector<16xf32>
        %mul3A_1292 = arith.mulf %get3A_878, %get3A_1291 : vector<16xf32>
        %add3A_1293 = arith.addf %get3A_1284, %mul3A_1292 : vector<16xf32>
        %get3A_1294 = arith.constant 1 : i32
        %get3A_1295 = arith.constant 17 : i32
        %get3A_1296 = arith.index_cast %get3A_1294 : i32 to index
        %get3A_1297 = arith.index_cast %get3A_1295 : i32 to index
        %get3A_1298 = arith.index_cast %mul3A_1277 : i32 to index
        %get3A_1299 = tpu.vector_load %arg9[%get3A_1296, %get3A_1297, %get3A_1298] {strides = array<i32>} : memref<2x64x512xf32, #tpu.memory_space<vmem>>, vector<1x1x16xf32>,
        %get3A_1300 = vector.shape_cast %get3A_1299 : vector<1x1x16xf32> to vector<16xf32>
        %mul3A_1301 = arith.mulf %get3A_885, %get3A_1300 : vector<16xf32>
        %add3A_1302 = arith.addf %add3A_1293, %mul3A_1301 : vector<16xf32>
        %get3A_1303 = arith.constant 1 : i32
        %get3A_1304 = arith.constant 18 : i32
        %get3A_1305 = arith.index_cast %get3A_1303 : i32 to index
        %get3A_1306 = arith.index_cast %get3A_1304 : i32 to index
        %get3A_1307 = arith.index_cast %mul3A_1277 : i32 to index
        %get3A_1308 = tpu.vector_load %arg9[%get3A_1305, %get3A_1306, %get3A_1307] {strides = array<i32>} : memref<2x64x512xf32, #tpu.memory_space<vmem>>, vector<1x1x16xf32>,
        %get3A_1309 = vector.shape_cast %get3A_1308 : vector<1x1x16xf32> to vector<16xf32>
        %mul3A_1310 = arith.mulf %get3A_892, %get3A_1309 : vector<16xf32>
        %add3A_1311 = arith.addf %add3A_1302, %mul3A_1310 : vector<16xf32>
        %get3A_1312 = arith.constant 1 : i32
        %get3A_1313 = arith.constant 19 : i32
        %get3A_1314 = arith.index_cast %get3A_1312 : i32 to index
        %get3A_1315 = arith.index_cast %get3A_1313 : i32 to index
        %get3A_1316 = arith.index_cast %mul3A_1277 : i32 to index
        %get3A_1317 = tpu.vector_load %arg9[%get3A_1314, %get3A_1315, %get3A_1316] {strides = array<i32>} : memref<2x64x512xf32, #tpu.memory_space<vmem>>, vector<1x1x16xf32>,
        %get3A_1318 = vector.shape_cast %get3A_1317 : vector<1x1x16xf32> to vector<16xf32>
        %mul3A_1319 = arith.mulf %get3A_899, %get3A_1318 : vector<16xf32>
        %add3A_1320 = arith.addf %add3A_1311, %mul3A_1319 : vector<16xf32>
        %get3A_1321 = arith.constant 1 : i32
        %get3A_1322 = arith.constant 20 : i32
        %get3A_1323 = arith.index_cast %get3A_1321 : i32 to index
        %get3A_1324 = arith.index_cast %get3A_1322 : i32 to index
        %get3A_1325 = arith.index_cast %mul3A_1277 : i32 to index
        %get3A_1326 = tpu.vector_load %arg9[%get3A_1323, %get3A_1324, %get3A_1325] {strides = array<i32>} : memref<2x64x512xf32, #tpu.memory_space<vmem>>, vector<1x1x16xf32>,
        %get3A_1327 = vector.shape_cast %get3A_1326 : vector<1x1x16xf32> to vector<16xf32>
        %mul3A_1328 = arith.mulf %get3A_906, %get3A_1327 : vector<16xf32>
        %add3A_1329 = arith.addf %add3A_1320, %mul3A_1328 : vector<16xf32>
        %get3A_1330 = arith.constant 1 : i32
        %get3A_1331 = arith.constant 21 : i32
        %get3A_1332 = arith.index_cast %get3A_1330 : i32 to index
        %get3A_1333 = arith.index_cast %get3A_1331 : i32 to index
        %get3A_1334 = arith.index_cast %mul3A_1277 : i32 to index
        %get3A_1335 = tpu.vector_load %arg9[%get3A_1332, %get3A_1333, %get3A_1334] {strides = array<i32>} : memref<2x64x512xf32, #tpu.memory_space<vmem>>, vector<1x1x16xf32>,
        %get3A_1336 = vector.shape_cast %get3A_1335 : vector<1x1x16xf32> to vector<16xf32>
        %mul3A_1337 = arith.mulf %get3A_913, %get3A_1336 : vector<16xf32>
        %add3A_1338 = arith.addf %add3A_1329, %mul3A_1337 : vector<16xf32>
        %get3A_1339 = arith.constant 1 : i32
        %get3A_1340 = arith.constant 22 : i32
        %get3A_1341 = arith.index_cast %get3A_1339 : i32 to index
        %get3A_1342 = arith.index_cast %get3A_1340 : i32 to index
        %get3A_1343 = arith.index_cast %mul3A_1277 : i32 to index
        %get3A_1344 = tpu.vector_load %arg9[%get3A_1341, %get3A_1342, %get3A_1343] {strides = array<i32>} : memref<2x64x512xf32, #tpu.memory_space<vmem>>, vector<1x1x16xf32>,
        %get3A_1345 = vector.shape_cast %get3A_1344 : vector<1x1x16xf32> to vector<16xf32>
        %mul3A_1346 = arith.mulf %get3A_920, %get3A_1345 : vector<16xf32>
        %add3A_1347 = arith.addf %add3A_1338, %mul3A_1346 : vector<16xf32>
        %get3A_1348 = arith.constant 1 : i32
        %get3A_1349 = arith.constant 23 : i32
        %get3A_1350 = arith.index_cast %get3A_1348 : i32 to index
        %get3A_1351 = arith.index_cast %get3A_1349 : i32 to index
        %get3A_1352 = arith.index_cast %mul3A_1277 : i32 to index
        %get3A_1353 = tpu.vector_load %arg9[%get3A_1350, %get3A_1351, %get3A_1352] {strides = array<i32>} : memref<2x64x512xf32, #tpu.memory_space<vmem>>, vector<1x1x16xf32>,
        %get3A_1354 = vector.shape_cast %get3A_1353 : vector<1x1x16xf32> to vector<16xf32>
        %mul3A_1355 = arith.mulf %get3A_927, %get3A_1354 : vector<16xf32>
        %add3A_1356 = arith.addf %add3A_1347, %mul3A_1355 : vector<16xf32>
        %swap3A = arith.constant 1 : i32
        %swap3A_1357 = arith.constant 2 : i32
        %swap3A_1358 = arith.index_cast %swap3A : i32 to index
        %swap3A_1359 = arith.index_cast %swap3A_1357 : i32 to index
        %swap3A_1360 = arith.index_cast %mul3A_1277 : i32 to index
        %swap3A_1361 = tpu.vector_load %arg10[%swap3A_1358, %swap3A_1359, %swap3A_1360] {strides = array<i32>} : memref<2x8x512xf32, #tpu.memory_space<vmem>>, vector<1x1x16xf32>,
        %swap3A_1362 = vector.shape_cast %swap3A_1361 : vector<1x1x16xf32> to vector<16xf32>
        %swap3A_1363 = vector.shape_cast %add3A_1356 : vector<16xf32> to vector<1x1x16xf32>
        tpu.vector_store %arg10[%swap3A_1358, %swap3A_1359, %swap3A_1360], %swap3A_1363 {strides = array<i32>} : memref<2x8x512xf32, #tpu.memory_space<vmem>>, vector<1x1x16xf32>,
        %scan3A_1364 = arith.constant 0 : i32
        scf.yield %scan3A_1364 : i32
      }
      %scan3A_934 = arith.constant 32 : i32
      %get3A_935 = arith.constant 1 : i32
      %get3A_936 = arith.constant 3 : i32
      %get3A_937 = arith.index_cast %get3A_935 : i32 to index
      %get3A_938 = arith.index_cast %get3A_936 : i32 to index
      %get3A_939 = arith.constant 0 : index
      %get3A_940 = tpu.vector_load %arg7[%get3A_937, %get3A_938, %get3A_939] {strides = array<i32>} : memref<2x8x128xf32, #tpu.memory_space<vmem>>, vector<1x1x16xf32>,
      %get3A_941 = vector.shape_cast %get3A_940 : vector<1x1x16xf32> to vector<16xf32>
      %get3A_942 = arith.constant 1 : i32
      %get3A_943 = arith.constant 3 : i32
      %get3A_944 = arith.index_cast %get3A_942 : i32 to index
      %get3A_945 = arith.index_cast %get3A_943 : i32 to index
      %get3A_946 = arith.constant 16 : index
      %get3A_947 = tpu.vector_load %arg7[%get3A_944, %get3A_945, %get3A_946] {strides = array<i32>} : memref<2x8x128xf32, #tpu.memory_space<vmem>>, vector<1x1x16xf32>,
      %get3A_948 = vector.shape_cast %get3A_947 : vector<1x1x16xf32> to vector<16xf32>
      %get3A_949 = arith.constant 1 : i32
      %get3A_950 = arith.constant 3 : i32
      %get3A_951 = arith.index_cast %get3A_949 : i32 to index
      %get3A_952 = arith.index_cast %get3A_950 : i32 to index
      %get3A_953 = arith.constant 32 : index
      %get3A_954 = tpu.vector_load %arg7[%get3A_951, %get3A_952, %get3A_953] {strides = array<i32>} : memref<2x8x128xf32, #tpu.memory_space<vmem>>, vector<1x1x16xf32>,
      %get3A_955 = vector.shape_cast %get3A_954 : vector<1x1x16xf32> to vector<16xf32>
      %get3A_956 = arith.constant 1 : i32
      %get3A_957 = arith.constant 3 : i32
      %get3A_958 = arith.index_cast %get3A_956 : i32 to index
      %get3A_959 = arith.index_cast %get3A_957 : i32 to index
      %get3A_960 = arith.constant 48 : index
      %get3A_961 = tpu.vector_load %arg7[%get3A_958, %get3A_959, %get3A_960] {strides = array<i32>} : memref<2x8x128xf32, #tpu.memory_space<vmem>>, vector<1x1x16xf32>,
      %get3A_962 = vector.shape_cast %get3A_961 : vector<1x1x16xf32> to vector<16xf32>
      %get3A_963 = arith.constant 1 : i32
      %get3A_964 = arith.constant 3 : i32
      %get3A_965 = arith.index_cast %get3A_963 : i32 to index
      %get3A_966 = arith.index_cast %get3A_964 : i32 to index
      %get3A_967 = arith.constant 64 : index
      %get3A_968 = tpu.vector_load %arg7[%get3A_965, %get3A_966, %get3A_967] {strides = array<i32>} : memref<2x8x128xf32, #tpu.memory_space<vmem>>, vector<1x1x16xf32>,
      %get3A_969 = vector.shape_cast %get3A_968 : vector<1x1x16xf32> to vector<16xf32>
      %get3A_970 = arith.constant 1 : i32
      %get3A_971 = arith.constant 3 : i32
      %get3A_972 = arith.index_cast %get3A_970 : i32 to index
      %get3A_973 = arith.index_cast %get3A_971 : i32 to index
      %get3A_974 = arith.constant 80 : index
      %get3A_975 = tpu.vector_load %arg7[%get3A_972, %get3A_973, %get3A_974] {strides = array<i32>} : memref<2x8x128xf32, #tpu.memory_space<vmem>>, vector<1x1x16xf32>,
      %get3A_976 = vector.shape_cast %get3A_975 : vector<1x1x16xf32> to vector<16xf32>
      %get3A_977 = arith.constant 1 : i32
      %get3A_978 = arith.constant 3 : i32
      %get3A_979 = arith.index_cast %get3A_977 : i32 to index
      %get3A_980 = arith.index_cast %get3A_978 : i32 to index
      %get3A_981 = arith.constant 96 : index
      %get3A_982 = tpu.vector_load %arg7[%get3A_979, %get3A_980, %get3A_981] {strides = array<i32>} : memref<2x8x128xf32, #tpu.memory_space<vmem>>, vector<1x1x16xf32>,
      %get3A_983 = vector.shape_cast %get3A_982 : vector<1x1x16xf32> to vector<16xf32>
      %get3A_984 = arith.constant 1 : i32
      %get3A_985 = arith.constant 3 : i32
      %get3A_986 = arith.index_cast %get3A_984 : i32 to index
      %get3A_987 = arith.index_cast %get3A_985 : i32 to index
      %get3A_988 = arith.constant 112 : index
      %get3A_989 = tpu.vector_load %arg7[%get3A_986, %get3A_987, %get3A_988] {strides = array<i32>} : memref<2x8x128xf32, #tpu.memory_space<vmem>>, vector<1x1x16xf32>,
      %get3A_990 = vector.shape_cast %get3A_989 : vector<1x1x16xf32> to vector<16xf32>
      %scan3A_991 = arith.constant 0 : i32
      %scan3A_992 = arith.constant 0 : i32
      %scan3A_993 = arith.constant 32 : i32
      %scan3A_994 = arith.addi %scan3A_992, %scan3A_993 : i32
      %scan3A_995 = arith.constant 1 : i32
      %scan3A_996 = scf.for %scan3A_1274 = %scan3A_992 to %scan3A_994 step %scan3A_995 iter_args(%scan3A_1275 = %scan3A_991) -> (i32)  : i32 {
        %mul3A_1276 = arith.constant 16 : i32
        %mul3A_1277 = arith.muli %scan3A_1274, %mul3A_1276 : i32
        %get3A_1278 = arith.constant 1 : i32
        %get3A_1279 = arith.constant 3 : i32
        %get3A_1280 = arith.index_cast %get3A_1278 : i32 to index
        %get3A_1281 = arith.index_cast %get3A_1279 : i32 to index
        %get3A_1282 = arith.index_cast %mul3A_1277 : i32 to index
        %get3A_1283 = tpu.vector_load %arg8[%get3A_1280, %get3A_1281, %get3A_1282] {strides = array<i32>} : memref<2x8x512xf32, #tpu.memory_space<vmem>>, vector<1x1x16xf32>,
        %get3A_1284 = vector.shape_cast %get3A_1283 : vector<1x1x16xf32> to vector<16xf32>
        %get3A_1285 = arith.constant 1 : i32
        %get3A_1286 = arith.constant 24 : i32
        %get3A_1287 = arith.index_cast %get3A_1285 : i32 to index
        %get3A_1288 = arith.index_cast %get3A_1286 : i32 to index
        %get3A_1289 = arith.index_cast %mul3A_1277 : i32 to index
        %get3A_1290 = tpu.vector_load %arg9[%get3A_1287, %get3A_1288, %get3A_1289] {strides = array<i32>} : memref<2x64x512xf32, #tpu.memory_space<vmem>>, vector<1x1x16xf32>,
        %get3A_1291 = vector.shape_cast %get3A_1290 : vector<1x1x16xf32> to vector<16xf32>
        %mul3A_1292 = arith.mulf %get3A_941, %get3A_1291 : vector<16xf32>
        %add3A_1293 = arith.addf %get3A_1284, %mul3A_1292 : vector<16xf32>
        %get3A_1294 = arith.constant 1 : i32
        %get3A_1295 = arith.constant 25 : i32
        %get3A_1296 = arith.index_cast %get3A_1294 : i32 to index
        %get3A_1297 = arith.index_cast %get3A_1295 : i32 to index
        %get3A_1298 = arith.index_cast %mul3A_1277 : i32 to index
        %get3A_1299 = tpu.vector_load %arg9[%get3A_1296, %get3A_1297, %get3A_1298] {strides = array<i32>} : memref<2x64x512xf32, #tpu.memory_space<vmem>>, vector<1x1x16xf32>,
        %get3A_1300 = vector.shape_cast %get3A_1299 : vector<1x1x16xf32> to vector<16xf32>
        %mul3A_1301 = arith.mulf %get3A_948, %get3A_1300 : vector<16xf32>
        %add3A_1302 = arith.addf %add3A_1293, %mul3A_1301 : vector<16xf32>
        %get3A_1303 = arith.constant 1 : i32
        %get3A_1304 = arith.constant 26 : i32
        %get3A_1305 = arith.index_cast %get3A_1303 : i32 to index
        %get3A_1306 = arith.index_cast %get3A_1304 : i32 to index
        %get3A_1307 = arith.index_cast %mul3A_1277 : i32 to index
        %get3A_1308 = tpu.vector_load %arg9[%get3A_1305, %get3A_1306, %get3A_1307] {strides = array<i32>} : memref<2x64x512xf32, #tpu.memory_space<vmem>>, vector<1x1x16xf32>,
        %get3A_1309 = vector.shape_cast %get3A_1308 : vector<1x1x16xf32> to vector<16xf32>
        %mul3A_1310 = arith.mulf %get3A_955, %get3A_1309 : vector<16xf32>
        %add3A_1311 = arith.addf %add3A_1302, %mul3A_1310 : vector<16xf32>
        %get3A_1312 = arith.constant 1 : i32
        %get3A_1313 = arith.constant 27 : i32
        %get3A_1314 = arith.index_cast %get3A_1312 : i32 to index
        %get3A_1315 = arith.index_cast %get3A_1313 : i32 to index
        %get3A_1316 = arith.index_cast %mul3A_1277 : i32 to index
        %get3A_1317 = tpu.vector_load %arg9[%get3A_1314, %get3A_1315, %get3A_1316] {strides = array<i32>} : memref<2x64x512xf32, #tpu.memory_space<vmem>>, vector<1x1x16xf32>,
        %get3A_1318 = vector.shape_cast %get3A_1317 : vector<1x1x16xf32> to vector<16xf32>
        %mul3A_1319 = arith.mulf %get3A_962, %get3A_1318 : vector<16xf32>
        %add3A_1320 = arith.addf %add3A_1311, %mul3A_1319 : vector<16xf32>
        %get3A_1321 = arith.constant 1 : i32
        %get3A_1322 = arith.constant 28 : i32
        %get3A_1323 = arith.index_cast %get3A_1321 : i32 to index
        %get3A_1324 = arith.index_cast %get3A_1322 : i32 to index
        %get3A_1325 = arith.index_cast %mul3A_1277 : i32 to index
        %get3A_1326 = tpu.vector_load %arg9[%get3A_1323, %get3A_1324, %get3A_1325] {strides = array<i32>} : memref<2x64x512xf32, #tpu.memory_space<vmem>>, vector<1x1x16xf32>,
        %get3A_1327 = vector.shape_cast %get3A_1326 : vector<1x1x16xf32> to vector<16xf32>
        %mul3A_1328 = arith.mulf %get3A_969, %get3A_1327 : vector<16xf32>
        %add3A_1329 = arith.addf %add3A_1320, %mul3A_1328 : vector<16xf32>
        %get3A_1330 = arith.constant 1 : i32
        %get3A_1331 = arith.constant 29 : i32
        %get3A_1332 = arith.index_cast %get3A_1330 : i32 to index
        %get3A_1333 = arith.index_cast %get3A_1331 : i32 to index
        %get3A_1334 = arith.index_cast %mul3A_1277 : i32 to index
        %get3A_1335 = tpu.vector_load %arg9[%get3A_1332, %get3A_1333, %get3A_1334] {strides = array<i32>} : memref<2x64x512xf32, #tpu.memory_space<vmem>>, vector<1x1x16xf32>,
        %get3A_1336 = vector.shape_cast %get3A_1335 : vector<1x1x16xf32> to vector<16xf32>
        %mul3A_1337 = arith.mulf %get3A_976, %get3A_1336 : vector<16xf32>
        %add3A_1338 = arith.addf %add3A_1329, %mul3A_1337 : vector<16xf32>
        %get3A_1339 = arith.constant 1 : i32
        %get3A_1340 = arith.constant 30 : i32
        %get3A_1341 = arith.index_cast %get3A_1339 : i32 to index
        %get3A_1342 = arith.index_cast %get3A_1340 : i32 to index
        %get3A_1343 = arith.index_cast %mul3A_1277 : i32 to index
        %get3A_1344 = tpu.vector_load %arg9[%get3A_1341, %get3A_1342, %get3A_1343] {strides = array<i32>} : memref<2x64x512xf32, #tpu.memory_space<vmem>>, vector<1x1x16xf32>,
        %get3A_1345 = vector.shape_cast %get3A_1344 : vector<1x1x16xf32> to vector<16xf32>
        %mul3A_1346 = arith.mulf %get3A_983, %get3A_1345 : vector<16xf32>
        %add3A_1347 = arith.addf %add3A_1338, %mul3A_1346 : vector<16xf32>
        %get3A_1348 = arith.constant 1 : i32
        %get3A_1349 = arith.constant 31 : i32
        %get3A_1350 = arith.index_cast %get3A_1348 : i32 to index
        %get3A_1351 = arith.index_cast %get3A_1349 : i32 to index
        %get3A_1352 = arith.index_cast %mul3A_1277 : i32 to index
        %get3A_1353 = tpu.vector_load %arg9[%get3A_1350, %get3A_1351, %get3A_1352] {strides = array<i32>} : memref<2x64x512xf32, #tpu.memory_space<vmem>>, vector<1x1x16xf32>,
        %get3A_1354 = vector.shape_cast %get3A_1353 : vector<1x1x16xf32> to vector<16xf32>
        %mul3A_1355 = arith.mulf %get3A_990, %get3A_1354 : vector<16xf32>
        %add3A_1356 = arith.addf %add3A_1347, %mul3A_1355 : vector<16xf32>
        %swap3A = arith.constant 1 : i32
        %swap3A_1357 = arith.constant 3 : i32
        %swap3A_1358 = arith.index_cast %swap3A : i32 to index
        %swap3A_1359 = arith.index_cast %swap3A_1357 : i32 to index
        %swap3A_1360 = arith.index_cast %mul3A_1277 : i32 to index
        %swap3A_1361 = tpu.vector_load %arg10[%swap3A_1358, %swap3A_1359, %swap3A_1360] {strides = array<i32>} : memref<2x8x512xf32, #tpu.memory_space<vmem>>, vector<1x1x16xf32>,
        %swap3A_1362 = vector.shape_cast %swap3A_1361 : vector<1x1x16xf32> to vector<16xf32>
        %swap3A_1363 = vector.shape_cast %add3A_1356 : vector<16xf32> to vector<1x1x16xf32>
        tpu.vector_store %arg10[%swap3A_1358, %swap3A_1359, %swap3A_1360], %swap3A_1363 {strides = array<i32>} : memref<2x8x512xf32, #tpu.memory_space<vmem>>, vector<1x1x16xf32>,
        %scan3A_1364 = arith.constant 0 : i32
        scf.yield %scan3A_1364 : i32
      }
      %scan3A_997 = arith.constant 32 : i32
      %get3A_998 = arith.constant 1 : i32
      %get3A_999 = arith.constant 4 : i32
      %get3A_1000 = arith.index_cast %get3A_998 : i32 to index
      %get3A_1001 = arith.index_cast %get3A_999 : i32 to index
      %get3A_1002 = arith.constant 0 : index
      %get3A_1003 = tpu.vector_load %arg7[%get3A_1000, %get3A_1001, %get3A_1002] {strides = array<i32>} : memref<2x8x128xf32, #tpu.memory_space<vmem>>, vector<1x1x16xf32>,
      %get3A_1004 = vector.shape_cast %get3A_1003 : vector<1x1x16xf32> to vector<16xf32>
      %get3A_1005 = arith.constant 1 : i32
      %get3A_1006 = arith.constant 4 : i32
      %get3A_1007 = arith.index_cast %get3A_1005 : i32 to index
      %get3A_1008 = arith.index_cast %get3A_1006 : i32 to index
      %get3A_1009 = arith.constant 16 : index
      %get3A_1010 = tpu.vector_load %arg7[%get3A_1007, %get3A_1008, %get3A_1009] {strides = array<i32>} : memref<2x8x128xf32, #tpu.memory_space<vmem>>, vector<1x1x16xf32>,
      %get3A_1011 = vector.shape_cast %get3A_1010 : vector<1x1x16xf32> to vector<16xf32>
      %get3A_1012 = arith.constant 1 : i32
      %get3A_1013 = arith.constant 4 : i32
      %get3A_1014 = arith.index_cast %get3A_1012 : i32 to index
      %get3A_1015 = arith.index_cast %get3A_1013 : i32 to index
      %get3A_1016 = arith.constant 32 : index
      %get3A_1017 = tpu.vector_load %arg7[%get3A_1014, %get3A_1015, %get3A_1016] {strides = array<i32>} : memref<2x8x128xf32, #tpu.memory_space<vmem>>, vector<1x1x16xf32>,
      %get3A_1018 = vector.shape_cast %get3A_1017 : vector<1x1x16xf32> to vector<16xf32>
      %get3A_1019 = arith.constant 1 : i32
      %get3A_1020 = arith.constant 4 : i32
      %get3A_1021 = arith.index_cast %get3A_1019 : i32 to index
      %get3A_1022 = arith.index_cast %get3A_1020 : i32 to index
      %get3A_1023 = arith.constant 48 : index
      %get3A_1024 = tpu.vector_load %arg7[%get3A_1021, %get3A_1022, %get3A_1023] {strides = array<i32>} : memref<2x8x128xf32, #tpu.memory_space<vmem>>, vector<1x1x16xf32>,
      %get3A_1025 = vector.shape_cast %get3A_1024 : vector<1x1x16xf32> to vector<16xf32>
      %get3A_1026 = arith.constant 1 : i32
      %get3A_1027 = arith.constant 4 : i32
      %get3A_1028 = arith.index_cast %get3A_1026 : i32 to index
      %get3A_1029 = arith.index_cast %get3A_1027 : i32 to index
      %get3A_1030 = arith.constant 64 : index
      %get3A_1031 = tpu.vector_load %arg7[%get3A_1028, %get3A_1029, %get3A_1030] {strides = array<i32>} : memref<2x8x128xf32, #tpu.memory_space<vmem>>, vector<1x1x16xf32>,
      %get3A_1032 = vector.shape_cast %get3A_1031 : vector<1x1x16xf32> to vector<16xf32>
      %get3A_1033 = arith.constant 1 : i32
      %get3A_1034 = arith.constant 4 : i32
      %get3A_1035 = arith.index_cast %get3A_1033 : i32 to index
      %get3A_1036 = arith.index_cast %get3A_1034 : i32 to index
      %get3A_1037 = arith.constant 80 : index
      %get3A_1038 = tpu.vector_load %arg7[%get3A_1035, %get3A_1036, %get3A_1037] {strides = array<i32>} : memref<2x8x128xf32, #tpu.memory_space<vmem>>, vector<1x1x16xf32>,
      %get3A_1039 = vector.shape_cast %get3A_1038 : vector<1x1x16xf32> to vector<16xf32>
      %get3A_1040 = arith.constant 1 : i32
      %get3A_1041 = arith.constant 4 : i32
      %get3A_1042 = arith.index_cast %get3A_1040 : i32 to index
      %get3A_1043 = arith.index_cast %get3A_1041 : i32 to index
      %get3A_1044 = arith.constant 96 : index
      %get3A_1045 = tpu.vector_load %arg7[%get3A_1042, %get3A_1043, %get3A_1044] {strides = array<i32>} : memref<2x8x128xf32, #tpu.memory_space<vmem>>, vector<1x1x16xf32>,
      %get3A_1046 = vector.shape_cast %get3A_1045 : vector<1x1x16xf32> to vector<16xf32>
      %get3A_1047 = arith.constant 1 : i32
      %get3A_1048 = arith.constant 4 : i32
      %get3A_1049 = arith.index_cast %get3A_1047 : i32 to index
      %get3A_1050 = arith.index_cast %get3A_1048 : i32 to index
      %get3A_1051 = arith.constant 112 : index
      %get3A_1052 = tpu.vector_load %arg7[%get3A_1049, %get3A_1050, %get3A_1051] {strides = array<i32>} : memref<2x8x128xf32, #tpu.memory_space<vmem>>, vector<1x1x16xf32>,
      %get3A_1053 = vector.shape_cast %get3A_1052 : vector<1x1x16xf32> to vector<16xf32>
      %scan3A_1054 = arith.constant 0 : i32
      %scan3A_1055 = arith.constant 0 : i32
      %scan3A_1056 = arith.constant 32 : i32
      %scan3A_1057 = arith.addi %scan3A_1055, %scan3A_1056 : i32
      %scan3A_1058 = arith.constant 1 : i32
      %scan3A_1059 = scf.for %scan3A_1274 = %scan3A_1055 to %scan3A_1057 step %scan3A_1058 iter_args(%scan3A_1275 = %scan3A_1054) -> (i32)  : i32 {
        %mul3A_1276 = arith.constant 16 : i32
        %mul3A_1277 = arith.muli %scan3A_1274, %mul3A_1276 : i32
        %get3A_1278 = arith.constant 1 : i32
        %get3A_1279 = arith.constant 4 : i32
        %get3A_1280 = arith.index_cast %get3A_1278 : i32 to index
        %get3A_1281 = arith.index_cast %get3A_1279 : i32 to index
        %get3A_1282 = arith.index_cast %mul3A_1277 : i32 to index
        %get3A_1283 = tpu.vector_load %arg8[%get3A_1280, %get3A_1281, %get3A_1282] {strides = array<i32>} : memref<2x8x512xf32, #tpu.memory_space<vmem>>, vector<1x1x16xf32>,
        %get3A_1284 = vector.shape_cast %get3A_1283 : vector<1x1x16xf32> to vector<16xf32>
        %get3A_1285 = arith.constant 1 : i32
        %get3A_1286 = arith.constant 32 : i32
        %get3A_1287 = arith.index_cast %get3A_1285 : i32 to index
        %get3A_1288 = arith.index_cast %get3A_1286 : i32 to index
        %get3A_1289 = arith.index_cast %mul3A_1277 : i32 to index
        %get3A_1290 = tpu.vector_load %arg9[%get3A_1287, %get3A_1288, %get3A_1289] {strides = array<i32>} : memref<2x64x512xf32, #tpu.memory_space<vmem>>, vector<1x1x16xf32>,
        %get3A_1291 = vector.shape_cast %get3A_1290 : vector<1x1x16xf32> to vector<16xf32>
        %mul3A_1292 = arith.mulf %get3A_1004, %get3A_1291 : vector<16xf32>
        %add3A_1293 = arith.addf %get3A_1284, %mul3A_1292 : vector<16xf32>
        %get3A_1294 = arith.constant 1 : i32
        %get3A_1295 = arith.constant 33 : i32
        %get3A_1296 = arith.index_cast %get3A_1294 : i32 to index
        %get3A_1297 = arith.index_cast %get3A_1295 : i32 to index
        %get3A_1298 = arith.index_cast %mul3A_1277 : i32 to index
        %get3A_1299 = tpu.vector_load %arg9[%get3A_1296, %get3A_1297, %get3A_1298] {strides = array<i32>} : memref<2x64x512xf32, #tpu.memory_space<vmem>>, vector<1x1x16xf32>,
        %get3A_1300 = vector.shape_cast %get3A_1299 : vector<1x1x16xf32> to vector<16xf32>
        %mul3A_1301 = arith.mulf %get3A_1011, %get3A_1300 : vector<16xf32>
        %add3A_1302 = arith.addf %add3A_1293, %mul3A_1301 : vector<16xf32>
        %get3A_1303 = arith.constant 1 : i32
        %get3A_1304 = arith.constant 34 : i32
        %get3A_1305 = arith.index_cast %get3A_1303 : i32 to index
        %get3A_1306 = arith.index_cast %get3A_1304 : i32 to index
        %get3A_1307 = arith.index_cast %mul3A_1277 : i32 to index
        %get3A_1308 = tpu.vector_load %arg9[%get3A_1305, %get3A_1306, %get3A_1307] {strides = array<i32>} : memref<2x64x512xf32, #tpu.memory_space<vmem>>, vector<1x1x16xf32>,
        %get3A_1309 = vector.shape_cast %get3A_1308 : vector<1x1x16xf32> to vector<16xf32>
        %mul3A_1310 = arith.mulf %get3A_1018, %get3A_1309 : vector<16xf32>
        %add3A_1311 = arith.addf %add3A_1302, %mul3A_1310 : vector<16xf32>
        %get3A_1312 = arith.constant 1 : i32
        %get3A_1313 = arith.constant 35 : i32
        %get3A_1314 = arith.index_cast %get3A_1312 : i32 to index
        %get3A_1315 = arith.index_cast %get3A_1313 : i32 to index
        %get3A_1316 = arith.index_cast %mul3A_1277 : i32 to index
        %get3A_1317 = tpu.vector_load %arg9[%get3A_1314, %get3A_1315, %get3A_1316] {strides = array<i32>} : memref<2x64x512xf32, #tpu.memory_space<vmem>>, vector<1x1x16xf32>,
        %get3A_1318 = vector.shape_cast %get3A_1317 : vector<1x1x16xf32> to vector<16xf32>
        %mul3A_1319 = arith.mulf %get3A_1025, %get3A_1318 : vector<16xf32>
        %add3A_1320 = arith.addf %add3A_1311, %mul3A_1319 : vector<16xf32>
        %get3A_1321 = arith.constant 1 : i32
        %get3A_1322 = arith.constant 36 : i32
        %get3A_1323 = arith.index_cast %get3A_1321 : i32 to index
        %get3A_1324 = arith.index_cast %get3A_1322 : i32 to index
        %get3A_1325 = arith.index_cast %mul3A_1277 : i32 to index
        %get3A_1326 = tpu.vector_load %arg9[%get3A_1323, %get3A_1324, %get3A_1325] {strides = array<i32>} : memref<2x64x512xf32, #tpu.memory_space<vmem>>, vector<1x1x16xf32>,
        %get3A_1327 = vector.shape_cast %get3A_1326 : vector<1x1x16xf32> to vector<16xf32>
        %mul3A_1328 = arith.mulf %get3A_1032, %get3A_1327 : vector<16xf32>
        %add3A_1329 = arith.addf %add3A_1320, %mul3A_1328 : vector<16xf32>
        %get3A_1330 = arith.constant 1 : i32
        %get3A_1331 = arith.constant 37 : i32
        %get3A_1332 = arith.index_cast %get3A_1330 : i32 to index
        %get3A_1333 = arith.index_cast %get3A_1331 : i32 to index
        %get3A_1334 = arith.index_cast %mul3A_1277 : i32 to index
        %get3A_1335 = tpu.vector_load %arg9[%get3A_1332, %get3A_1333, %get3A_1334] {strides = array<i32>} : memref<2x64x512xf32, #tpu.memory_space<vmem>>, vector<1x1x16xf32>,
        %get3A_1336 = vector.shape_cast %get3A_1335 : vector<1x1x16xf32> to vector<16xf32>
        %mul3A_1337 = arith.mulf %get3A_1039, %get3A_1336 : vector<16xf32>
        %add3A_1338 = arith.addf %add3A_1329, %mul3A_1337 : vector<16xf32>
        %get3A_1339 = arith.constant 1 : i32
        %get3A_1340 = arith.constant 38 : i32
        %get3A_1341 = arith.index_cast %get3A_1339 : i32 to index
        %get3A_1342 = arith.index_cast %get3A_1340 : i32 to index
        %get3A_1343 = arith.index_cast %mul3A_1277 : i32 to index
        %get3A_1344 = tpu.vector_load %arg9[%get3A_1341, %get3A_1342, %get3A_1343] {strides = array<i32>} : memref<2x64x512xf32, #tpu.memory_space<vmem>>, vector<1x1x16xf32>,
        %get3A_1345 = vector.shape_cast %get3A_1344 : vector<1x1x16xf32> to vector<16xf32>
        %mul3A_1346 = arith.mulf %get3A_1046, %get3A_1345 : vector<16xf32>
        %add3A_1347 = arith.addf %add3A_1338, %mul3A_1346 : vector<16xf32>
        %get3A_1348 = arith.constant 1 : i32
        %get3A_1349 = arith.constant 39 : i32
        %get3A_1350 = arith.index_cast %get3A_1348 : i32 to index
        %get3A_1351 = arith.index_cast %get3A_1349 : i32 to index
        %get3A_1352 = arith.index_cast %mul3A_1277 : i32 to index
        %get3A_1353 = tpu.vector_load %arg9[%get3A_1350, %get3A_1351, %get3A_1352] {strides = array<i32>} : memref<2x64x512xf32, #tpu.memory_space<vmem>>, vector<1x1x16xf32>,
        %get3A_1354 = vector.shape_cast %get3A_1353 : vector<1x1x16xf32> to vector<16xf32>
        %mul3A_1355 = arith.mulf %get3A_1053, %get3A_1354 : vector<16xf32>
        %add3A_1356 = arith.addf %add3A_1347, %mul3A_1355 : vector<16xf32>
        %swap3A = arith.constant 1 : i32
        %swap3A_1357 = arith.constant 4 : i32
        %swap3A_1358 = arith.index_cast %swap3A : i32 to index
        %swap3A_1359 = arith.index_cast %swap3A_1357 : i32 to index
        %swap3A_1360 = arith.index_cast %mul3A_1277 : i32 to index
        %swap3A_1361 = tpu.vector_load %arg10[%swap3A_1358, %swap3A_1359, %swap3A_1360] {strides = array<i32>} : memref<2x8x512xf32, #tpu.memory_space<vmem>>, vector<1x1x16xf32>,
        %swap3A_1362 = vector.shape_cast %swap3A_1361 : vector<1x1x16xf32> to vector<16xf32>
        %swap3A_1363 = vector.shape_cast %add3A_1356 : vector<16xf32> to vector<1x1x16xf32>
        tpu.vector_store %arg10[%swap3A_1358, %swap3A_1359, %swap3A_1360], %swap3A_1363 {strides = array<i32>} : memref<2x8x512xf32, #tpu.memory_space<vmem>>, vector<1x1x16xf32>,
        %scan3A_1364 = arith.constant 0 : i32
        scf.yield %scan3A_1364 : i32
      }
      %scan3A_1060 = arith.constant 32 : i32
      %get3A_1061 = arith.constant 1 : i32
      %get3A_1062 = arith.constant 5 : i32
      %get3A_1063 = arith.index_cast %get3A_1061 : i32 to index
      %get3A_1064 = arith.index_cast %get3A_1062 : i32 to index
      %get3A_1065 = arith.constant 0 : index
      %get3A_1066 = tpu.vector_load %arg7[%get3A_1063, %get3A_1064, %get3A_1065] {strides = array<i32>} : memref<2x8x128xf32, #tpu.memory_space<vmem>>, vector<1x1x16xf32>,
      %get3A_1067 = vector.shape_cast %get3A_1066 : vector<1x1x16xf32> to vector<16xf32>
      %get3A_1068 = arith.constant 1 : i32
      %get3A_1069 = arith.constant 5 : i32
      %get3A_1070 = arith.index_cast %get3A_1068 : i32 to index
      %get3A_1071 = arith.index_cast %get3A_1069 : i32 to index
      %get3A_1072 = arith.constant 16 : index
      %get3A_1073 = tpu.vector_load %arg7[%get3A_1070, %get3A_1071, %get3A_1072] {strides = array<i32>} : memref<2x8x128xf32, #tpu.memory_space<vmem>>, vector<1x1x16xf32>,
      %get3A_1074 = vector.shape_cast %get3A_1073 : vector<1x1x16xf32> to vector<16xf32>
      %get3A_1075 = arith.constant 1 : i32
      %get3A_1076 = arith.constant 5 : i32
      %get3A_1077 = arith.index_cast %get3A_1075 : i32 to index
      %get3A_1078 = arith.index_cast %get3A_1076 : i32 to index
      %get3A_1079 = arith.constant 32 : index
      %get3A_1080 = tpu.vector_load %arg7[%get3A_1077, %get3A_1078, %get3A_1079] {strides = array<i32>} : memref<2x8x128xf32, #tpu.memory_space<vmem>>, vector<1x1x16xf32>,
      %get3A_1081 = vector.shape_cast %get3A_1080 : vector<1x1x16xf32> to vector<16xf32>
      %get3A_1082 = arith.constant 1 : i32
      %get3A_1083 = arith.constant 5 : i32
      %get3A_1084 = arith.index_cast %get3A_1082 : i32 to index
      %get3A_1085 = arith.index_cast %get3A_1083 : i32 to index
      %get3A_1086 = arith.constant 48 : index
      %get3A_1087 = tpu.vector_load %arg7[%get3A_1084, %get3A_1085, %get3A_1086] {strides = array<i32>} : memref<2x8x128xf32, #tpu.memory_space<vmem>>, vector<1x1x16xf32>,
      %get3A_1088 = vector.shape_cast %get3A_1087 : vector<1x1x16xf32> to vector<16xf32>
      %get3A_1089 = arith.constant 1 : i32
      %get3A_1090 = arith.constant 5 : i32
      %get3A_1091 = arith.index_cast %get3A_1089 : i32 to index
      %get3A_1092 = arith.index_cast %get3A_1090 : i32 to index
      %get3A_1093 = arith.constant 64 : index
      %get3A_1094 = tpu.vector_load %arg7[%get3A_1091, %get3A_1092, %get3A_1093] {strides = array<i32>} : memref<2x8x128xf32, #tpu.memory_space<vmem>>, vector<1x1x16xf32>,
      %get3A_1095 = vector.shape_cast %get3A_1094 : vector<1x1x16xf32> to vector<16xf32>
      %get3A_1096 = arith.constant 1 : i32
      %get3A_1097 = arith.constant 5 : i32
      %get3A_1098 = arith.index_cast %get3A_1096 : i32 to index
      %get3A_1099 = arith.index_cast %get3A_1097 : i32 to index
      %get3A_1100 = arith.constant 80 : index
      %get3A_1101 = tpu.vector_load %arg7[%get3A_1098, %get3A_1099, %get3A_1100] {strides = array<i32>} : memref<2x8x128xf32, #tpu.memory_space<vmem>>, vector<1x1x16xf32>,
      %get3A_1102 = vector.shape_cast %get3A_1101 : vector<1x1x16xf32> to vector<16xf32>
      %get3A_1103 = arith.constant 1 : i32
      %get3A_1104 = arith.constant 5 : i32
      %get3A_1105 = arith.index_cast %get3A_1103 : i32 to index
      %get3A_1106 = arith.index_cast %get3A_1104 : i32 to index
      %get3A_1107 = arith.constant 96 : index
      %get3A_1108 = tpu.vector_load %arg7[%get3A_1105, %get3A_1106, %get3A_1107] {strides = array<i32>} : memref<2x8x128xf32, #tpu.memory_space<vmem>>, vector<1x1x16xf32>,
      %get3A_1109 = vector.shape_cast %get3A_1108 : vector<1x1x16xf32> to vector<16xf32>
      %get3A_1110 = arith.constant 1 : i32
      %get3A_1111 = arith.constant 5 : i32
      %get3A_1112 = arith.index_cast %get3A_1110 : i32 to index
      %get3A_1113 = arith.index_cast %get3A_1111 : i32 to index
      %get3A_1114 = arith.constant 112 : index
      %get3A_1115 = tpu.vector_load %arg7[%get3A_1112, %get3A_1113, %get3A_1114] {strides = array<i32>} : memref<2x8x128xf32, #tpu.memory_space<vmem>>, vector<1x1x16xf32>,
      %get3A_1116 = vector.shape_cast %get3A_1115 : vector<1x1x16xf32> to vector<16xf32>
      %scan3A_1117 = arith.constant 0 : i32
      %scan3A_1118 = arith.constant 0 : i32
      %scan3A_1119 = arith.constant 32 : i32
      %scan3A_1120 = arith.addi %scan3A_1118, %scan3A_1119 : i32
      %scan3A_1121 = arith.constant 1 : i32
      %scan3A_1122 = scf.for %scan3A_1274 = %scan3A_1118 to %scan3A_1120 step %scan3A_1121 iter_args(%scan3A_1275 = %scan3A_1117) -> (i32)  : i32 {
        %mul3A_1276 = arith.constant 16 : i32
        %mul3A_1277 = arith.muli %scan3A_1274, %mul3A_1276 : i32
        %get3A_1278 = arith.constant 1 : i32
        %get3A_1279 = arith.constant 5 : i32
        %get3A_1280 = arith.index_cast %get3A_1278 : i32 to index
        %get3A_1281 = arith.index_cast %get3A_1279 : i32 to index
        %get3A_1282 = arith.index_cast %mul3A_1277 : i32 to index
        %get3A_1283 = tpu.vector_load %arg8[%get3A_1280, %get3A_1281, %get3A_1282] {strides = array<i32>} : memref<2x8x512xf32, #tpu.memory_space<vmem>>, vector<1x1x16xf32>,
        %get3A_1284 = vector.shape_cast %get3A_1283 : vector<1x1x16xf32> to vector<16xf32>
        %get3A_1285 = arith.constant 1 : i32
        %get3A_1286 = arith.constant 40 : i32
        %get3A_1287 = arith.index_cast %get3A_1285 : i32 to index
        %get3A_1288 = arith.index_cast %get3A_1286 : i32 to index
        %get3A_1289 = arith.index_cast %mul3A_1277 : i32 to index
        %get3A_1290 = tpu.vector_load %arg9[%get3A_1287, %get3A_1288, %get3A_1289] {strides = array<i32>} : memref<2x64x512xf32, #tpu.memory_space<vmem>>, vector<1x1x16xf32>,
        %get3A_1291 = vector.shape_cast %get3A_1290 : vector<1x1x16xf32> to vector<16xf32>
        %mul3A_1292 = arith.mulf %get3A_1067, %get3A_1291 : vector<16xf32>
        %add3A_1293 = arith.addf %get3A_1284, %mul3A_1292 : vector<16xf32>
        %get3A_1294 = arith.constant 1 : i32
        %get3A_1295 = arith.constant 41 : i32
        %get3A_1296 = arith.index_cast %get3A_1294 : i32 to index
        %get3A_1297 = arith.index_cast %get3A_1295 : i32 to index
        %get3A_1298 = arith.index_cast %mul3A_1277 : i32 to index
        %get3A_1299 = tpu.vector_load %arg9[%get3A_1296, %get3A_1297, %get3A_1298] {strides = array<i32>} : memref<2x64x512xf32, #tpu.memory_space<vmem>>, vector<1x1x16xf32>,
        %get3A_1300 = vector.shape_cast %get3A_1299 : vector<1x1x16xf32> to vector<16xf32>
        %mul3A_1301 = arith.mulf %get3A_1074, %get3A_1300 : vector<16xf32>
        %add3A_1302 = arith.addf %add3A_1293, %mul3A_1301 : vector<16xf32>
        %get3A_1303 = arith.constant 1 : i32
        %get3A_1304 = arith.constant 42 : i32
        %get3A_1305 = arith.index_cast %get3A_1303 : i32 to index
        %get3A_1306 = arith.index_cast %get3A_1304 : i32 to index
        %get3A_1307 = arith.index_cast %mul3A_1277 : i32 to index
        %get3A_1308 = tpu.vector_load %arg9[%get3A_1305, %get3A_1306, %get3A_1307] {strides = array<i32>} : memref<2x64x512xf32, #tpu.memory_space<vmem>>, vector<1x1x16xf32>,
        %get3A_1309 = vector.shape_cast %get3A_1308 : vector<1x1x16xf32> to vector<16xf32>
        %mul3A_1310 = arith.mulf %get3A_1081, %get3A_1309 : vector<16xf32>
        %add3A_1311 = arith.addf %add3A_1302, %mul3A_1310 : vector<16xf32>
        %get3A_1312 = arith.constant 1 : i32
        %get3A_1313 = arith.constant 43 : i32
        %get3A_1314 = arith.index_cast %get3A_1312 : i32 to index
        %get3A_1315 = arith.index_cast %get3A_1313 : i32 to index
        %get3A_1316 = arith.index_cast %mul3A_1277 : i32 to index
        %get3A_1317 = tpu.vector_load %arg9[%get3A_1314, %get3A_1315, %get3A_1316] {strides = array<i32>} : memref<2x64x512xf32, #tpu.memory_space<vmem>>, vector<1x1x16xf32>,
        %get3A_1318 = vector.shape_cast %get3A_1317 : vector<1x1x16xf32> to vector<16xf32>
        %mul3A_1319 = arith.mulf %get3A_1088, %get3A_1318 : vector<16xf32>
        %add3A_1320 = arith.addf %add3A_1311, %mul3A_1319 : vector<16xf32>
        %get3A_1321 = arith.constant 1 : i32
        %get3A_1322 = arith.constant 44 : i32
        %get3A_1323 = arith.index_cast %get3A_1321 : i32 to index
        %get3A_1324 = arith.index_cast %get3A_1322 : i32 to index
        %get3A_1325 = arith.index_cast %mul3A_1277 : i32 to index
        %get3A_1326 = tpu.vector_load %arg9[%get3A_1323, %get3A_1324, %get3A_1325] {strides = array<i32>} : memref<2x64x512xf32, #tpu.memory_space<vmem>>, vector<1x1x16xf32>,
        %get3A_1327 = vector.shape_cast %get3A_1326 : vector<1x1x16xf32> to vector<16xf32>
        %mul3A_1328 = arith.mulf %get3A_1095, %get3A_1327 : vector<16xf32>
        %add3A_1329 = arith.addf %add3A_1320, %mul3A_1328 : vector<16xf32>
        %get3A_1330 = arith.constant 1 : i32
        %get3A_1331 = arith.constant 45 : i32
        %get3A_1332 = arith.index_cast %get3A_1330 : i32 to index
        %get3A_1333 = arith.index_cast %get3A_1331 : i32 to index
        %get3A_1334 = arith.index_cast %mul3A_1277 : i32 to index
        %get3A_1335 = tpu.vector_load %arg9[%get3A_1332, %get3A_1333, %get3A_1334] {strides = array<i32>} : memref<2x64x512xf32, #tpu.memory_space<vmem>>, vector<1x1x16xf32>,
        %get3A_1336 = vector.shape_cast %get3A_1335 : vector<1x1x16xf32> to vector<16xf32>
        %mul3A_1337 = arith.mulf %get3A_1102, %get3A_1336 : vector<16xf32>
        %add3A_1338 = arith.addf %add3A_1329, %mul3A_1337 : vector<16xf32>
        %get3A_1339 = arith.constant 1 : i32
        %get3A_1340 = arith.constant 46 : i32
        %get3A_1341 = arith.index_cast %get3A_1339 : i32 to index
        %get3A_1342 = arith.index_cast %get3A_1340 : i32 to index
        %get3A_1343 = arith.index_cast %mul3A_1277 : i32 to index
        %get3A_1344 = tpu.vector_load %arg9[%get3A_1341, %get3A_1342, %get3A_1343] {strides = array<i32>} : memref<2x64x512xf32, #tpu.memory_space<vmem>>, vector<1x1x16xf32>,
        %get3A_1345 = vector.shape_cast %get3A_1344 : vector<1x1x16xf32> to vector<16xf32>
        %mul3A_1346 = arith.mulf %get3A_1109, %get3A_1345 : vector<16xf32>
        %add3A_1347 = arith.addf %add3A_1338, %mul3A_1346 : vector<16xf32>
        %get3A_1348 = arith.constant 1 : i32
        %get3A_1349 = arith.constant 47 : i32
        %get3A_1350 = arith.index_cast %get3A_1348 : i32 to index
        %get3A_1351 = arith.index_cast %get3A_1349 : i32 to index
        %get3A_1352 = arith.index_cast %mul3A_1277 : i32 to index
        %get3A_1353 = tpu.vector_load %arg9[%get3A_1350, %get3A_1351, %get3A_1352] {strides = array<i32>} : memref<2x64x512xf32, #tpu.memory_space<vmem>>, vector<1x1x16xf32>,
        %get3A_1354 = vector.shape_cast %get3A_1353 : vector<1x1x16xf32> to vector<16xf32>
        %mul3A_1355 = arith.mulf %get3A_1116, %get3A_1354 : vector<16xf32>
        %add3A_1356 = arith.addf %add3A_1347, %mul3A_1355 : vector<16xf32>
        %swap3A = arith.constant 1 : i32
        %swap3A_1357 = arith.constant 5 : i32
        %swap3A_1358 = arith.index_cast %swap3A : i32 to index
        %swap3A_1359 = arith.index_cast %swap3A_1357 : i32 to index
        %swap3A_1360 = arith.index_cast %mul3A_1277 : i32 to index
        %swap3A_1361 = tpu.vector_load %arg10[%swap3A_1358, %swap3A_1359, %swap3A_1360] {strides = array<i32>} : memref<2x8x512xf32, #tpu.memory_space<vmem>>, vector<1x1x16xf32>,
        %swap3A_1362 = vector.shape_cast %swap3A_1361 : vector<1x1x16xf32> to vector<16xf32>
        %swap3A_1363 = vector.shape_cast %add3A_1356 : vector<16xf32> to vector<1x1x16xf32>
        tpu.vector_store %arg10[%swap3A_1358, %swap3A_1359, %swap3A_1360], %swap3A_1363 {strides = array<i32>} : memref<2x8x512xf32, #tpu.memory_space<vmem>>, vector<1x1x16xf32>,
        %scan3A_1364 = arith.constant 0 : i32
        scf.yield %scan3A_1364 : i32
      }
      %scan3A_1123 = arith.constant 32 : i32
      %get3A_1124 = arith.constant 1 : i32
      %get3A_1125 = arith.constant 6 : i32
      %get3A_1126 = arith.index_cast %get3A_1124 : i32 to index
      %get3A_1127 = arith.index_cast %get3A_1125 : i32 to index
      %get3A_1128 = arith.constant 0 : index
      %get3A_1129 = tpu.vector_load %arg7[%get3A_1126, %get3A_1127, %get3A_1128] {strides = array<i32>} : memref<2x8x128xf32, #tpu.memory_space<vmem>>, vector<1x1x16xf32>,
      %get3A_1130 = vector.shape_cast %get3A_1129 : vector<1x1x16xf32> to vector<16xf32>
      %get3A_1131 = arith.constant 1 : i32
      %get3A_1132 = arith.constant 6 : i32
      %get3A_1133 = arith.index_cast %get3A_1131 : i32 to index
      %get3A_1134 = arith.index_cast %get3A_1132 : i32 to index
      %get3A_1135 = arith.constant 16 : index
      %get3A_1136 = tpu.vector_load %arg7[%get3A_1133, %get3A_1134, %get3A_1135] {strides = array<i32>} : memref<2x8x128xf32, #tpu.memory_space<vmem>>, vector<1x1x16xf32>,
      %get3A_1137 = vector.shape_cast %get3A_1136 : vector<1x1x16xf32> to vector<16xf32>
      %get3A_1138 = arith.constant 1 : i32
      %get3A_1139 = arith.constant 6 : i32
      %get3A_1140 = arith.index_cast %get3A_1138 : i32 to index
      %get3A_1141 = arith.index_cast %get3A_1139 : i32 to index
      %get3A_1142 = arith.constant 32 : index
      %get3A_1143 = tpu.vector_load %arg7[%get3A_1140, %get3A_1141, %get3A_1142] {strides = array<i32>} : memref<2x8x128xf32, #tpu.memory_space<vmem>>, vector<1x1x16xf32>,
      %get3A_1144 = vector.shape_cast %get3A_1143 : vector<1x1x16xf32> to vector<16xf32>
      %get3A_1145 = arith.constant 1 : i32
      %get3A_1146 = arith.constant 6 : i32
      %get3A_1147 = arith.index_cast %get3A_1145 : i32 to index
      %get3A_1148 = arith.index_cast %get3A_1146 : i32 to index
      %get3A_1149 = arith.constant 48 : index
      %get3A_1150 = tpu.vector_load %arg7[%get3A_1147, %get3A_1148, %get3A_1149] {strides = array<i32>} : memref<2x8x128xf32, #tpu.memory_space<vmem>>, vector<1x1x16xf32>,
      %get3A_1151 = vector.shape_cast %get3A_1150 : vector<1x1x16xf32> to vector<16xf32>
      %get3A_1152 = arith.constant 1 : i32
      %get3A_1153 = arith.constant 6 : i32
      %get3A_1154 = arith.index_cast %get3A_1152 : i32 to index
      %get3A_1155 = arith.index_cast %get3A_1153 : i32 to index
      %get3A_1156 = arith.constant 64 : index
      %get3A_1157 = tpu.vector_load %arg7[%get3A_1154, %get3A_1155, %get3A_1156] {strides = array<i32>} : memref<2x8x128xf32, #tpu.memory_space<vmem>>, vector<1x1x16xf32>,
      %get3A_1158 = vector.shape_cast %get3A_1157 : vector<1x1x16xf32> to vector<16xf32>
      %get3A_1159 = arith.constant 1 : i32
      %get3A_1160 = arith.constant 6 : i32
      %get3A_1161 = arith.index_cast %get3A_1159 : i32 to index
      %get3A_1162 = arith.index_cast %get3A_1160 : i32 to index
      %get3A_1163 = arith.constant 80 : index
      %get3A_1164 = tpu.vector_load %arg7[%get3A_1161, %get3A_1162, %get3A_1163] {strides = array<i32>} : memref<2x8x128xf32, #tpu.memory_space<vmem>>, vector<1x1x16xf32>,
      %get3A_1165 = vector.shape_cast %get3A_1164 : vector<1x1x16xf32> to vector<16xf32>
      %get3A_1166 = arith.constant 1 : i32
      %get3A_1167 = arith.constant 6 : i32
      %get3A_1168 = arith.index_cast %get3A_1166 : i32 to index
      %get3A_1169 = arith.index_cast %get3A_1167 : i32 to index
      %get3A_1170 = arith.constant 96 : index
      %get3A_1171 = tpu.vector_load %arg7[%get3A_1168, %get3A_1169, %get3A_1170] {strides = array<i32>} : memref<2x8x128xf32, #tpu.memory_space<vmem>>, vector<1x1x16xf32>,
      %get3A_1172 = vector.shape_cast %get3A_1171 : vector<1x1x16xf32> to vector<16xf32>
      %get3A_1173 = arith.constant 1 : i32
      %get3A_1174 = arith.constant 6 : i32
      %get3A_1175 = arith.index_cast %get3A_1173 : i32 to index
      %get3A_1176 = arith.index_cast %get3A_1174 : i32 to index
      %get3A_1177 = arith.constant 112 : index
      %get3A_1178 = tpu.vector_load %arg7[%get3A_1175, %get3A_1176, %get3A_1177] {strides = array<i32>} : memref<2x8x128xf32, #tpu.memory_space<vmem>>, vector<1x1x16xf32>,
      %get3A_1179 = vector.shape_cast %get3A_1178 : vector<1x1x16xf32> to vector<16xf32>
      %scan3A_1180 = arith.constant 0 : i32
      %scan3A_1181 = arith.constant 0 : i32
      %scan3A_1182 = arith.constant 32 : i32
      %scan3A_1183 = arith.addi %scan3A_1181, %scan3A_1182 : i32
      %scan3A_1184 = arith.constant 1 : i32
      %scan3A_1185 = scf.for %scan3A_1274 = %scan3A_1181 to %scan3A_1183 step %scan3A_1184 iter_args(%scan3A_1275 = %scan3A_1180) -> (i32)  : i32 {
        %mul3A_1276 = arith.constant 16 : i32
        %mul3A_1277 = arith.muli %scan3A_1274, %mul3A_1276 : i32
        %get3A_1278 = arith.constant 1 : i32
        %get3A_1279 = arith.constant 6 : i32
        %get3A_1280 = arith.index_cast %get3A_1278 : i32 to index
        %get3A_1281 = arith.index_cast %get3A_1279 : i32 to index
        %get3A_1282 = arith.index_cast %mul3A_1277 : i32 to index
        %get3A_1283 = tpu.vector_load %arg8[%get3A_1280, %get3A_1281, %get3A_1282] {strides = array<i32>} : memref<2x8x512xf32, #tpu.memory_space<vmem>>, vector<1x1x16xf32>,
        %get3A_1284 = vector.shape_cast %get3A_1283 : vector<1x1x16xf32> to vector<16xf32>
        %get3A_1285 = arith.constant 1 : i32
        %get3A_1286 = arith.constant 48 : i32
        %get3A_1287 = arith.index_cast %get3A_1285 : i32 to index
        %get3A_1288 = arith.index_cast %get3A_1286 : i32 to index
        %get3A_1289 = arith.index_cast %mul3A_1277 : i32 to index
        %get3A_1290 = tpu.vector_load %arg9[%get3A_1287, %get3A_1288, %get3A_1289] {strides = array<i32>} : memref<2x64x512xf32, #tpu.memory_space<vmem>>, vector<1x1x16xf32>,
        %get3A_1291 = vector.shape_cast %get3A_1290 : vector<1x1x16xf32> to vector<16xf32>
        %mul3A_1292 = arith.mulf %get3A_1130, %get3A_1291 : vector<16xf32>
        %add3A_1293 = arith.addf %get3A_1284, %mul3A_1292 : vector<16xf32>
        %get3A_1294 = arith.constant 1 : i32
        %get3A_1295 = arith.constant 49 : i32
        %get3A_1296 = arith.index_cast %get3A_1294 : i32 to index
        %get3A_1297 = arith.index_cast %get3A_1295 : i32 to index
        %get3A_1298 = arith.index_cast %mul3A_1277 : i32 to index
        %get3A_1299 = tpu.vector_load %arg9[%get3A_1296, %get3A_1297, %get3A_1298] {strides = array<i32>} : memref<2x64x512xf32, #tpu.memory_space<vmem>>, vector<1x1x16xf32>,
        %get3A_1300 = vector.shape_cast %get3A_1299 : vector<1x1x16xf32> to vector<16xf32>
        %mul3A_1301 = arith.mulf %get3A_1137, %get3A_1300 : vector<16xf32>
        %add3A_1302 = arith.addf %add3A_1293, %mul3A_1301 : vector<16xf32>
        %get3A_1303 = arith.constant 1 : i32
        %get3A_1304 = arith.constant 50 : i32
        %get3A_1305 = arith.index_cast %get3A_1303 : i32 to index
        %get3A_1306 = arith.index_cast %get3A_1304 : i32 to index
        %get3A_1307 = arith.index_cast %mul3A_1277 : i32 to index
        %get3A_1308 = tpu.vector_load %arg9[%get3A_1305, %get3A_1306, %get3A_1307] {strides = array<i32>} : memref<2x64x512xf32, #tpu.memory_space<vmem>>, vector<1x1x16xf32>,
        %get3A_1309 = vector.shape_cast %get3A_1308 : vector<1x1x16xf32> to vector<16xf32>
        %mul3A_1310 = arith.mulf %get3A_1144, %get3A_1309 : vector<16xf32>
        %add3A_1311 = arith.addf %add3A_1302, %mul3A_1310 : vector<16xf32>
        %get3A_1312 = arith.constant 1 : i32
        %get3A_1313 = arith.constant 51 : i32
        %get3A_1314 = arith.index_cast %get3A_1312 : i32 to index
        %get3A_1315 = arith.index_cast %get3A_1313 : i32 to index
        %get3A_1316 = arith.index_cast %mul3A_1277 : i32 to index
        %get3A_1317 = tpu.vector_load %arg9[%get3A_1314, %get3A_1315, %get3A_1316] {strides = array<i32>} : memref<2x64x512xf32, #tpu.memory_space<vmem>>, vector<1x1x16xf32>,
        %get3A_1318 = vector.shape_cast %get3A_1317 : vector<1x1x16xf32> to vector<16xf32>
        %mul3A_1319 = arith.mulf %get3A_1151, %get3A_1318 : vector<16xf32>
        %add3A_1320 = arith.addf %add3A_1311, %mul3A_1319 : vector<16xf32>
        %get3A_1321 = arith.constant 1 : i32
        %get3A_1322 = arith.constant 52 : i32
        %get3A_1323 = arith.index_cast %get3A_1321 : i32 to index
        %get3A_1324 = arith.index_cast %get3A_1322 : i32 to index
        %get3A_1325 = arith.index_cast %mul3A_1277 : i32 to index
        %get3A_1326 = tpu.vector_load %arg9[%get3A_1323, %get3A_1324, %get3A_1325] {strides = array<i32>} : memref<2x64x512xf32, #tpu.memory_space<vmem>>, vector<1x1x16xf32>,
        %get3A_1327 = vector.shape_cast %get3A_1326 : vector<1x1x16xf32> to vector<16xf32>
        %mul3A_1328 = arith.mulf %get3A_1158, %get3A_1327 : vector<16xf32>
        %add3A_1329 = arith.addf %add3A_1320, %mul3A_1328 : vector<16xf32>
        %get3A_1330 = arith.constant 1 : i32
        %get3A_1331 = arith.constant 53 : i32
        %get3A_1332 = arith.index_cast %get3A_1330 : i32 to index
        %get3A_1333 = arith.index_cast %get3A_1331 : i32 to index
        %get3A_1334 = arith.index_cast %mul3A_1277 : i32 to index
        %get3A_1335 = tpu.vector_load %arg9[%get3A_1332, %get3A_1333, %get3A_1334] {strides = array<i32>} : memref<2x64x512xf32, #tpu.memory_space<vmem>>, vector<1x1x16xf32>,
        %get3A_1336 = vector.shape_cast %get3A_1335 : vector<1x1x16xf32> to vector<16xf32>
        %mul3A_1337 = arith.mulf %get3A_1165, %get3A_1336 : vector<16xf32>
        %add3A_1338 = arith.addf %add3A_1329, %mul3A_1337 : vector<16xf32>
        %get3A_1339 = arith.constant 1 : i32
        %get3A_1340 = arith.constant 54 : i32
        %get3A_1341 = arith.index_cast %get3A_1339 : i32 to index
        %get3A_1342 = arith.index_cast %get3A_1340 : i32 to index
        %get3A_1343 = arith.index_cast %mul3A_1277 : i32 to index
        %get3A_1344 = tpu.vector_load %arg9[%get3A_1341, %get3A_1342, %get3A_1343] {strides = array<i32>} : memref<2x64x512xf32, #tpu.memory_space<vmem>>, vector<1x1x16xf32>,
        %get3A_1345 = vector.shape_cast %get3A_1344 : vector<1x1x16xf32> to vector<16xf32>
        %mul3A_1346 = arith.mulf %get3A_1172, %get3A_1345 : vector<16xf32>
        %add3A_1347 = arith.addf %add3A_1338, %mul3A_1346 : vector<16xf32>
        %get3A_1348 = arith.constant 1 : i32
        %get3A_1349 = arith.constant 55 : i32
        %get3A_1350 = arith.index_cast %get3A_1348 : i32 to index
        %get3A_1351 = arith.index_cast %get3A_1349 : i32 to index
        %get3A_1352 = arith.index_cast %mul3A_1277 : i32 to index
        %get3A_1353 = tpu.vector_load %arg9[%get3A_1350, %get3A_1351, %get3A_1352] {strides = array<i32>} : memref<2x64x512xf32, #tpu.memory_space<vmem>>, vector<1x1x16xf32>,
        %get3A_1354 = vector.shape_cast %get3A_1353 : vector<1x1x16xf32> to vector<16xf32>
        %mul3A_1355 = arith.mulf %get3A_1179, %get3A_1354 : vector<16xf32>
        %add3A_1356 = arith.addf %add3A_1347, %mul3A_1355 : vector<16xf32>
        %swap3A = arith.constant 1 : i32
        %swap3A_1357 = arith.constant 6 : i32
        %swap3A_1358 = arith.index_cast %swap3A : i32 to index
        %swap3A_1359 = arith.index_cast %swap3A_1357 : i32 to index
        %swap3A_1360 = arith.index_cast %mul3A_1277 : i32 to index
        %swap3A_1361 = tpu.vector_load %arg10[%swap3A_1358, %swap3A_1359, %swap3A_1360] {strides = array<i32>} : memref<2x8x512xf32, #tpu.memory_space<vmem>>, vector<1x1x16xf32>,
        %swap3A_1362 = vector.shape_cast %swap3A_1361 : vector<1x1x16xf32> to vector<16xf32>
        %swap3A_1363 = vector.shape_cast %add3A_1356 : vector<16xf32> to vector<1x1x16xf32>
        tpu.vector_store %arg10[%swap3A_1358, %swap3A_1359, %swap3A_1360], %swap3A_1363 {strides = array<i32>} : memref<2x8x512xf32, #tpu.memory_space<vmem>>, vector<1x1x16xf32>,
        %scan3A_1364 = arith.constant 0 : i32
        scf.yield %scan3A_1364 : i32
      }
      %scan3A_1186 = arith.constant 32 : i32
      %get3A_1187 = arith.constant 1 : i32
      %get3A_1188 = arith.constant 7 : i32
      %get3A_1189 = arith.index_cast %get3A_1187 : i32 to index
      %get3A_1190 = arith.index_cast %get3A_1188 : i32 to index
      %get3A_1191 = arith.constant 0 : index
      %get3A_1192 = tpu.vector_load %arg7[%get3A_1189, %get3A_1190, %get3A_1191] {strides = array<i32>} : memref<2x8x128xf32, #tpu.memory_space<vmem>>, vector<1x1x16xf32>,
      %get3A_1193 = vector.shape_cast %get3A_1192 : vector<1x1x16xf32> to vector<16xf32>
      %get3A_1194 = arith.constant 1 : i32
      %get3A_1195 = arith.constant 7 : i32
      %get3A_1196 = arith.index_cast %get3A_1194 : i32 to index
      %get3A_1197 = arith.index_cast %get3A_1195 : i32 to index
      %get3A_1198 = arith.constant 16 : index
      %get3A_1199 = tpu.vector_load %arg7[%get3A_1196, %get3A_1197, %get3A_1198] {strides = array<i32>} : memref<2x8x128xf32, #tpu.memory_space<vmem>>, vector<1x1x16xf32>,
      %get3A_1200 = vector.shape_cast %get3A_1199 : vector<1x1x16xf32> to vector<16xf32>
      %get3A_1201 = arith.constant 1 : i32
      %get3A_1202 = arith.constant 7 : i32
      %get3A_1203 = arith.index_cast %get3A_1201 : i32 to index
      %get3A_1204 = arith.index_cast %get3A_1202 : i32 to index
      %get3A_1205 = arith.constant 32 : index
      %get3A_1206 = tpu.vector_load %arg7[%get3A_1203, %get3A_1204, %get3A_1205] {strides = array<i32>} : memref<2x8x128xf32, #tpu.memory_space<vmem>>, vector<1x1x16xf32>,
      %get3A_1207 = vector.shape_cast %get3A_1206 : vector<1x1x16xf32> to vector<16xf32>
      %get3A_1208 = arith.constant 1 : i32
      %get3A_1209 = arith.constant 7 : i32
      %get3A_1210 = arith.index_cast %get3A_1208 : i32 to index
      %get3A_1211 = arith.index_cast %get3A_1209 : i32 to index
      %get3A_1212 = arith.constant 48 : index
      %get3A_1213 = tpu.vector_load %arg7[%get3A_1210, %get3A_1211, %get3A_1212] {strides = array<i32>} : memref<2x8x128xf32, #tpu.memory_space<vmem>>, vector<1x1x16xf32>,
      %get3A_1214 = vector.shape_cast %get3A_1213 : vector<1x1x16xf32> to vector<16xf32>
      %get3A_1215 = arith.constant 1 : i32
      %get3A_1216 = arith.constant 7 : i32
      %get3A_1217 = arith.index_cast %get3A_1215 : i32 to index
      %get3A_1218 = arith.index_cast %get3A_1216 : i32 to index
      %get3A_1219 = arith.constant 64 : index
      %get3A_1220 = tpu.vector_load %arg7[%get3A_1217, %get3A_1218, %get3A_1219] {strides = array<i32>} : memref<2x8x128xf32, #tpu.memory_space<vmem>>, vector<1x1x16xf32>,
      %get3A_1221 = vector.shape_cast %get3A_1220 : vector<1x1x16xf32> to vector<16xf32>
      %get3A_1222 = arith.constant 1 : i32
      %get3A_1223 = arith.constant 7 : i32
      %get3A_1224 = arith.index_cast %get3A_1222 : i32 to index
      %get3A_1225 = arith.index_cast %get3A_1223 : i32 to index
      %get3A_1226 = arith.constant 80 : index
      %get3A_1227 = tpu.vector_load %arg7[%get3A_1224, %get3A_1225, %get3A_1226] {strides = array<i32>} : memref<2x8x128xf32, #tpu.memory_space<vmem>>, vector<1x1x16xf32>,
      %get3A_1228 = vector.shape_cast %get3A_1227 : vector<1x1x16xf32> to vector<16xf32>
      %get3A_1229 = arith.constant 1 : i32
      %get3A_1230 = arith.constant 7 : i32
      %get3A_1231 = arith.index_cast %get3A_1229 : i32 to index
      %get3A_1232 = arith.index_cast %get3A_1230 : i32 to index
      %get3A_1233 = arith.constant 96 : index
      %get3A_1234 = tpu.vector_load %arg7[%get3A_1231, %get3A_1232, %get3A_1233] {strides = array<i32>} : memref<2x8x128xf32, #tpu.memory_space<vmem>>, vector<1x1x16xf32>,
      %get3A_1235 = vector.shape_cast %get3A_1234 : vector<1x1x16xf32> to vector<16xf32>
      %get3A_1236 = arith.constant 1 : i32
      %get3A_1237 = arith.constant 7 : i32
      %get3A_1238 = arith.index_cast %get3A_1236 : i32 to index
      %get3A_1239 = arith.index_cast %get3A_1237 : i32 to index
      %get3A_1240 = arith.constant 112 : index
      %get3A_1241 = tpu.vector_load %arg7[%get3A_1238, %get3A_1239, %get3A_1240] {strides = array<i32>} : memref<2x8x128xf32, #tpu.memory_space<vmem>>, vector<1x1x16xf32>,
      %get3A_1242 = vector.shape_cast %get3A_1241 : vector<1x1x16xf32> to vector<16xf32>
      %scan3A_1243 = arith.constant 0 : i32
      %scan3A_1244 = arith.constant 0 : i32
      %scan3A_1245 = arith.constant 32 : i32
      %scan3A_1246 = arith.addi %scan3A_1244, %scan3A_1245 : i32
      %scan3A_1247 = arith.constant 1 : i32
      %scan3A_1248 = scf.for %scan3A_1274 = %scan3A_1244 to %scan3A_1246 step %scan3A_1247 iter_args(%scan3A_1275 = %scan3A_1243) -> (i32)  : i32 {
        %mul3A_1276 = arith.constant 16 : i32
        %mul3A_1277 = arith.muli %scan3A_1274, %mul3A_1276 : i32
        %get3A_1278 = arith.constant 1 : i32
        %get3A_1279 = arith.constant 7 : i32
        %get3A_1280 = arith.index_cast %get3A_1278 : i32 to index
        %get3A_1281 = arith.index_cast %get3A_1279 : i32 to index
        %get3A_1282 = arith.index_cast %mul3A_1277 : i32 to index
        %get3A_1283 = tpu.vector_load %arg8[%get3A_1280, %get3A_1281, %get3A_1282] {strides = array<i32>} : memref<2x8x512xf32, #tpu.memory_space<vmem>>, vector<1x1x16xf32>,
        %get3A_1284 = vector.shape_cast %get3A_1283 : vector<1x1x16xf32> to vector<16xf32>
        %get3A_1285 = arith.constant 1 : i32
        %get3A_1286 = arith.constant 56 : i32
        %get3A_1287 = arith.index_cast %get3A_1285 : i32 to index
        %get3A_1288 = arith.index_cast %get3A_1286 : i32 to index
        %get3A_1289 = arith.index_cast %mul3A_1277 : i32 to index
        %get3A_1290 = tpu.vector_load %arg9[%get3A_1287, %get3A_1288, %get3A_1289] {strides = array<i32>} : memref<2x64x512xf32, #tpu.memory_space<vmem>>, vector<1x1x16xf32>,
        %get3A_1291 = vector.shape_cast %get3A_1290 : vector<1x1x16xf32> to vector<16xf32>
        %mul3A_1292 = arith.mulf %get3A_1193, %get3A_1291 : vector<16xf32>
        %add3A_1293 = arith.addf %get3A_1284, %mul3A_1292 : vector<16xf32>
        %get3A_1294 = arith.constant 1 : i32
        %get3A_1295 = arith.constant 57 : i32
        %get3A_1296 = arith.index_cast %get3A_1294 : i32 to index
        %get3A_1297 = arith.index_cast %get3A_1295 : i32 to index
        %get3A_1298 = arith.index_cast %mul3A_1277 : i32 to index
        %get3A_1299 = tpu.vector_load %arg9[%get3A_1296, %get3A_1297, %get3A_1298] {strides = array<i32>} : memref<2x64x512xf32, #tpu.memory_space<vmem>>, vector<1x1x16xf32>,
        %get3A_1300 = vector.shape_cast %get3A_1299 : vector<1x1x16xf32> to vector<16xf32>
        %mul3A_1301 = arith.mulf %get3A_1200, %get3A_1300 : vector<16xf32>
        %add3A_1302 = arith.addf %add3A_1293, %mul3A_1301 : vector<16xf32>
        %get3A_1303 = arith.constant 1 : i32
        %get3A_1304 = arith.constant 58 : i32
        %get3A_1305 = arith.index_cast %get3A_1303 : i32 to index
        %get3A_1306 = arith.index_cast %get3A_1304 : i32 to index
        %get3A_1307 = arith.index_cast %mul3A_1277 : i32 to index
        %get3A_1308 = tpu.vector_load %arg9[%get3A_1305, %get3A_1306, %get3A_1307] {strides = array<i32>} : memref<2x64x512xf32, #tpu.memory_space<vmem>>, vector<1x1x16xf32>,
        %get3A_1309 = vector.shape_cast %get3A_1308 : vector<1x1x16xf32> to vector<16xf32>
        %mul3A_1310 = arith.mulf %get3A_1207, %get3A_1309 : vector<16xf32>
        %add3A_1311 = arith.addf %add3A_1302, %mul3A_1310 : vector<16xf32>
        %get3A_1312 = arith.constant 1 : i32
        %get3A_1313 = arith.constant 59 : i32
        %get3A_1314 = arith.index_cast %get3A_1312 : i32 to index
        %get3A_1315 = arith.index_cast %get3A_1313 : i32 to index
        %get3A_1316 = arith.index_cast %mul3A_1277 : i32 to index
        %get3A_1317 = tpu.vector_load %arg9[%get3A_1314, %get3A_1315, %get3A_1316] {strides = array<i32>} : memref<2x64x512xf32, #tpu.memory_space<vmem>>, vector<1x1x16xf32>,
        %get3A_1318 = vector.shape_cast %get3A_1317 : vector<1x1x16xf32> to vector<16xf32>
        %mul3A_1319 = arith.mulf %get3A_1214, %get3A_1318 : vector<16xf32>
        %add3A_1320 = arith.addf %add3A_1311, %mul3A_1319 : vector<16xf32>
        %get3A_1321 = arith.constant 1 : i32
        %get3A_1322 = arith.constant 60 : i32
        %get3A_1323 = arith.index_cast %get3A_1321 : i32 to index
        %get3A_1324 = arith.index_cast %get3A_1322 : i32 to index
        %get3A_1325 = arith.index_cast %mul3A_1277 : i32 to index
        %get3A_1326 = tpu.vector_load %arg9[%get3A_1323, %get3A_1324, %get3A_1325] {strides = array<i32>} : memref<2x64x512xf32, #tpu.memory_space<vmem>>, vector<1x1x16xf32>,
        %get3A_1327 = vector.shape_cast %get3A_1326 : vector<1x1x16xf32> to vector<16xf32>
        %mul3A_1328 = arith.mulf %get3A_1221, %get3A_1327 : vector<16xf32>
        %add3A_1329 = arith.addf %add3A_1320, %mul3A_1328 : vector<16xf32>
        %get3A_1330 = arith.constant 1 : i32
        %get3A_1331 = arith.constant 61 : i32
        %get3A_1332 = arith.index_cast %get3A_1330 : i32 to index
        %get3A_1333 = arith.index_cast %get3A_1331 : i32 to index
        %get3A_1334 = arith.index_cast %mul3A_1277 : i32 to index
        %get3A_1335 = tpu.vector_load %arg9[%get3A_1332, %get3A_1333, %get3A_1334] {strides = array<i32>} : memref<2x64x512xf32, #tpu.memory_space<vmem>>, vector<1x1x16xf32>,
        %get3A_1336 = vector.shape_cast %get3A_1335 : vector<1x1x16xf32> to vector<16xf32>
        %mul3A_1337 = arith.mulf %get3A_1228, %get3A_1336 : vector<16xf32>
        %add3A_1338 = arith.addf %add3A_1329, %mul3A_1337 : vector<16xf32>
        %get3A_1339 = arith.constant 1 : i32
        %get3A_1340 = arith.constant 62 : i32
        %get3A_1341 = arith.index_cast %get3A_1339 : i32 to index
        %get3A_1342 = arith.index_cast %get3A_1340 : i32 to index
        %get3A_1343 = arith.index_cast %mul3A_1277 : i32 to index
        %get3A_1344 = tpu.vector_load %arg9[%get3A_1341, %get3A_1342, %get3A_1343] {strides = array<i32>} : memref<2x64x512xf32, #tpu.memory_space<vmem>>, vector<1x1x16xf32>,
        %get3A_1345 = vector.shape_cast %get3A_1344 : vector<1x1x16xf32> to vector<16xf32>
        %mul3A_1346 = arith.mulf %get3A_1235, %get3A_1345 : vector<16xf32>
        %add3A_1347 = arith.addf %add3A_1338, %mul3A_1346 : vector<16xf32>
        %get3A_1348 = arith.constant 1 : i32
        %get3A_1349 = arith.constant 63 : i32
        %get3A_1350 = arith.index_cast %get3A_1348 : i32 to index
        %get3A_1351 = arith.index_cast %get3A_1349 : i32 to index
        %get3A_1352 = arith.index_cast %mul3A_1277 : i32 to index
        %get3A_1353 = tpu.vector_load %arg9[%get3A_1350, %get3A_1351, %get3A_1352] {strides = array<i32>} : memref<2x64x512xf32, #tpu.memory_space<vmem>>, vector<1x1x16xf32>,
        %get3A_1354 = vector.shape_cast %get3A_1353 : vector<1x1x16xf32> to vector<16xf32>
        %mul3A_1355 = arith.mulf %get3A_1242, %get3A_1354 : vector<16xf32>
        %add3A_1356 = arith.addf %add3A_1347, %mul3A_1355 : vector<16xf32>
        %swap3A = arith.constant 1 : i32
        %swap3A_1357 = arith.constant 7 : i32
        %swap3A_1358 = arith.index_cast %swap3A : i32 to index
        %swap3A_1359 = arith.index_cast %swap3A_1357 : i32 to index
        %swap3A_1360 = arith.index_cast %mul3A_1277 : i32 to index
        %swap3A_1361 = tpu.vector_load %arg10[%swap3A_1358, %swap3A_1359, %swap3A_1360] {strides = array<i32>} : memref<2x8x512xf32, #tpu.memory_space<vmem>>, vector<1x1x16xf32>,
        %swap3A_1362 = vector.shape_cast %swap3A_1361 : vector<1x1x16xf32> to vector<16xf32>
        %swap3A_1363 = vector.shape_cast %add3A_1356 : vector<16xf32> to vector<1x1x16xf32>
        tpu.vector_store %arg10[%swap3A_1358, %swap3A_1359, %swap3A_1360], %swap3A_1363 {strides = array<i32>} : memref<2x8x512xf32, #tpu.memory_space<vmem>>, vector<1x1x16xf32>,
        %scan3A_1364 = arith.constant 0 : i32
        scf.yield %scan3A_1364 : i32
      }
      %scan3A_1249 = arith.constant 32 : i32
      %mul3A_1250 = arith.constant 8 : i32
      %mul3A_1251 = arith.muli %add3A_721, %mul3A_1250 : i32
      %add3A_1252 = arith.addi %mul3A_2, %mul3A_1251 : i32
      %dma_start3A_1253 = arith.constant 1 : i32
      %dma_start3A_1254 = arith.constant 0 : i32
      %dma_start3A_1255 = arith.constant 0 : i32
      %dma_start3A_1256 = tpu.memref_slice %arg10[%dma_start3A_1253, %dma_start3A_1254, %dma_start3A_1255] : memref<2x8x512xf32, #tpu.memory_space<vmem>> -> memref<1x8x512xf32, #tpu.memory_space<vmem>>
      %dma_start3A_1257 = tpu.memref_squeeze %dma_start3A_1256 : memref<1x8x512xf32, #tpu.memory_space<vmem>> -> memref<8x512xf32, #tpu.memory_space<vmem>>
      %dma_start3A_1258 = arith.constant 0 : i32
      %dma_start3A_1259 = tpu.memref_slice %arg5[%add3A_1252, %dma_start3A_1258] : memref<8192x512xf32, #tpu.memory_space<hbm>> -> memref<8x512xf32, #tpu.memory_space<hbm>>
      %dma_start3A_1260 = arith.constant 0 : i32
      %dma_start3A_1261 = tpu.memref_slice %arg5[%add3A_1252, %dma_start3A_1260] : memref<8192x512xf32, #tpu.memory_space<hbm>> -> memref<8x512xf32, #tpu.memory_space<hbm>>
      %dma_start3A_1262 = arith.constant 0 : i32
      %dma_start3A_1263 = arith.constant 0 : i32
      %dma_start3A_1264 = tpu.memref_slice %arg10[%dma_start3A_1253, %dma_start3A_1262, %dma_start3A_1263] : memref<2x8x512xf32, #tpu.memory_space<vmem>> -> memref<1x8x512xf32, #tpu.memory_space<vmem>>
      %dma_start3A_1265 = tpu.memref_squeeze %dma_start3A_1264 : memref<1x8x512xf32, #tpu.memory_space<vmem>> -> memref<8x512xf32, #tpu.memory_space<vmem>>
      tpu.enqueue_dma source(%dma_start3A_1265 : memref<8x512xf32, #tpu.memory_space<vmem>>) target(%dma_start3A_1261 : memref<8x512xf32, #tpu.memory_space<hbm>>) target_semaphore(%arg16 : memref<!tpu.dma_semaphore, #tpu.memory_space<semaphore_mem>>)
      %add3A_1266 = arith.constant 2 : i32
      %add3A_1267 = arith.addi %add3A_721, %add3A_1266 : i32
      %lt3A_1268 = arith.constant 32 : i32
      %lt3A_1269 = arith.cmpi slt, %add3A_1267, %lt3A_1268 : i32
      %convert_element_type3A_1270 = arith.extui %lt3A_1269 : i1 to i32
      %cond3A_1271 = arith.constant 0 : i32
      %cond3A_1272 = arith.cmpi ne, %convert_element_type3A_1270, %cond3A_1271 : i32
      scf.if %cond3A_1272 {
        %add3A_1274 = arith.constant 2 : i32
        %add3A_1275 = arith.addi %add3A_721, %add3A_1274 : i32
        %mul3A_1276 = arith.constant 8 : i32
        %mul3A_1277 = arith.muli %add3A_1275, %mul3A_1276 : i32
        %add3A_1278 = arith.addi %mul3A_2, %mul3A_1277 : i32
        %mul3A_1279 = arith.constant 8 : i32
        %mul3A_1280 = arith.muli %add3A_1278, %mul3A_1279 : i32
        %dma_start3A_1281 = arith.constant 1 : i32
        %dma_start3A_1282 = arith.constant 0 : i32
        %dma_start3A_1283 = tpu.memref_slice %arg6[%dma_start3A_1281, %dma_start3A_1282] : memref<2x64xi32, #tpu.memory_space<vmem>> -> memref<1x64xi32, #tpu.memory_space<vmem>>
        %dma_start3A_1284 = tpu.memref_squeeze %dma_start3A_1283 : memref<1x64xi32, #tpu.memory_space<vmem>> -> memref<64xi32, #tpu.memory_space<vmem>>
        %dma_start3A_1285 = tpu.memref_slice %arg3[%mul3A_1280] : memref<65536xi32, #tpu.memory_space<hbm>> -> memref<64xi32, #tpu.memory_space<hbm>>
        %dma_start3A_1286 = arith.constant 0 : i32
        %dma_start3A_1287 = tpu.memref_slice %arg6[%dma_start3A_1281, %dma_start3A_1286] : memref<2x64xi32, #tpu.memory_space<vmem>> -> memref<1x64xi32, #tpu.memory_space<vmem>>
        %dma_start3A_1288 = tpu.memref_squeeze %dma_start3A_1287 : memref<1x64xi32, #tpu.memory_space<vmem>> -> memref<64xi32, #tpu.memory_space<vmem>>
        %dma_start3A_1289 = tpu.memref_slice %arg3[%mul3A_1280] : memref<65536xi32, #tpu.memory_space<hbm>> -> memref<64xi32, #tpu.memory_space<hbm>>
        tpu.enqueue_dma source(%dma_start3A_1289 : memref<64xi32, #tpu.memory_space<hbm>>) target(%dma_start3A_1288 : memref<64xi32, #tpu.memory_space<vmem>>) target_semaphore(%arg12 : memref<!tpu.dma_semaphore, #tpu.memory_space<semaphore_mem>>)
        %dma_start3A_1290 = arith.constant 1 : i32
        %dma_start3A_1291 = arith.constant 0 : i32
        %dma_start3A_1292 = arith.constant 0 : i32
        %dma_start3A_1293 = tpu.memref_slice %arg7[%dma_start3A_1290, %dma_start3A_1291, %dma_start3A_1292] : memref<2x8x128xf32, #tpu.memory_space<vmem>> -> memref<1x8x128xf32, #tpu.memory_space<vmem>>
        %dma_start3A_1294 = tpu.memref_squeeze %dma_start3A_1293 : memref<1x8x128xf32, #tpu.memory_space<vmem>> -> memref<8x128xf32, #tpu.memory_space<vmem>>
        %dma_start3A_1295 = arith.constant 0 : i32
        %dma_start3A_1296 = tpu.memref_slice %arg4[%add3A_1278, %dma_start3A_1295] : memref<8192x128xf32, #tpu.memory_space<hbm>> -> memref<8x128xf32, #tpu.memory_space<hbm>>
        %dma_start3A_1297 = arith.constant 0 : i32
        %dma_start3A_1298 = arith.constant 0 : i32
        %dma_start3A_1299 = tpu.memref_slice %arg7[%dma_start3A_1290, %dma_start3A_1297, %dma_start3A_1298] : memref<2x8x128xf32, #tpu.memory_space<vmem>> -> memref<1x8x128xf32, #tpu.memory_space<vmem>>
        %dma_start3A_1300 = tpu.memref_squeeze %dma_start3A_1299 : memref<1x8x128xf32, #tpu.memory_space<vmem>> -> memref<8x128xf32, #tpu.memory_space<vmem>>
        %dma_start3A_1301 = arith.constant 0 : i32
        %dma_start3A_1302 = tpu.memref_slice %arg4[%add3A_1278, %dma_start3A_1301] : memref<8192x128xf32, #tpu.memory_space<hbm>> -> memref<8x128xf32, #tpu.memory_space<hbm>>
        tpu.enqueue_dma source(%dma_start3A_1302 : memref<8x128xf32, #tpu.memory_space<hbm>>) target(%dma_start3A_1300 : memref<8x128xf32, #tpu.memory_space<vmem>>) target_semaphore(%arg12 : memref<!tpu.dma_semaphore, #tpu.memory_space<semaphore_mem>>)
        %dma_start3A_1303 = arith.constant 1 : i32
        %dma_start3A_1304 = arith.constant 0 : i32
        %dma_start3A_1305 = arith.constant 0 : i32
        %dma_start3A_1306 = tpu.memref_slice %arg8[%dma_start3A_1303, %dma_start3A_1304, %dma_start3A_1305] : memref<2x8x512xf32, #tpu.memory_space<vmem>> -> memref<1x8x512xf32, #tpu.memory_space<vmem>>
        %dma_start3A_1307 = tpu.memref_squeeze %dma_start3A_1306 : memref<1x8x512xf32, #tpu.memory_space<vmem>> -> memref<8x512xf32, #tpu.memory_space<vmem>>
        %dma_start3A_1308 = arith.constant 0 : i32
        %dma_start3A_1309 = tpu.memref_slice %arg2[%add3A_1278, %dma_start3A_1308] : memref<8192x512xf32, #tpu.memory_space<hbm>> -> memref<8x512xf32, #tpu.memory_space<hbm>>
        %dma_start3A_1310 = arith.constant 0 : i32
        %dma_start3A_1311 = arith.constant 0 : i32
        %dma_start3A_1312 = tpu.memref_slice %arg8[%dma_start3A_1303, %dma_start3A_1310, %dma_start3A_1311] : memref<2x8x512xf32, #tpu.memory_space<vmem>> -> memref<1x8x512xf32, #tpu.memory_space<vmem>>
        %dma_start3A_1313 = tpu.memref_squeeze %dma_start3A_1312 : memref<1x8x512xf32, #tpu.memory_space<vmem>> -> memref<8x512xf32, #tpu.memory_space<vmem>>
        %dma_start3A_1314 = arith.constant 0 : i32
        %dma_start3A_1315 = tpu.memref_slice %arg2[%add3A_1278, %dma_start3A_1314] : memref<8192x512xf32, #tpu.memory_space<hbm>> -> memref<8x512xf32, #tpu.memory_space<hbm>>
        tpu.enqueue_dma source(%dma_start3A_1315 : memref<8x512xf32, #tpu.memory_space<hbm>>) target(%dma_start3A_1313 : memref<8x512xf32, #tpu.memory_space<vmem>>) target_semaphore(%arg12 : memref<!tpu.dma_semaphore, #tpu.memory_space<semaphore_mem>>)
      } else {
      }
      %scan3A_1273 = arith.constant 0 : i32
      scf.yield %scan3A_1273 : i32
    }
    %scan3A_135 = arith.constant 16 : i32
    %add3A_136 = arith.constant 240 : i32
    %add3A_137 = arith.addi %mul3A_2, %add3A_136 : i32
    %dma_wait3A_138 = arith.constant 0 : i32
    %dma_wait3A_139 = arith.constant 0 : i32
    %dma_wait3A_140 = arith.constant 0 : i32
    %dma_wait3A_141 = tpu.memref_slice %arg10[%dma_wait3A_138, %dma_wait3A_139, %dma_wait3A_140] : memref<2x8x512xf32, #tpu.memory_space<vmem>> -> memref<1x8x512xf32, #tpu.memory_space<vmem>>
    %dma_wait3A_142 = tpu.memref_squeeze %dma_wait3A_141 : memref<1x8x512xf32, #tpu.memory_space<vmem>> -> memref<8x512xf32, #tpu.memory_space<vmem>>
    %dma_wait3A_143 = arith.constant 0 : i32
    %dma_wait3A_144 = tpu.memref_slice %arg5[%add3A_137, %dma_wait3A_143] : memref<8192x512xf32, #tpu.memory_space<hbm>> -> memref<8x512xf32, #tpu.memory_space<hbm>>
    %dma_wait3A_145 = arith.constant 0 : i32
    %dma_wait3A_146 = tpu.memref_slice %arg5[%add3A_137, %dma_wait3A_145] : memref<8192x512xf32, #tpu.memory_space<hbm>> -> memref<8x512xf32, #tpu.memory_space<hbm>>
    %dma_wait3A_147 = arith.constant 0 : i32
    %dma_wait3A_148 = arith.constant 0 : i32
    %dma_wait3A_149 = tpu.memref_slice %arg10[%dma_wait3A_138, %dma_wait3A_147, %dma_wait3A_148] : memref<2x8x512xf32, #tpu.memory_space<vmem>> -> memref<1x8x512xf32, #tpu.memory_space<vmem>>
    %dma_wait3A_150 = tpu.memref_squeeze %dma_wait3A_149 : memref<1x8x512xf32, #tpu.memory_space<vmem>> -> memref<8x512xf32, #tpu.memory_space<vmem>>
    tpu.wait_dma2 semaphore(%arg15 : memref<!tpu.dma_semaphore, #tpu.memory_space<semaphore_mem>>) src(%dma_wait3A_150 : memref<8x512xf32, #tpu.memory_space<vmem>>) dst(%dma_wait3A_146 : memref<8x512xf32, #tpu.memory_space<hbm>>)
    %add3A_151 = arith.constant 248 : i32
    %add3A_152 = arith.addi %mul3A_2, %add3A_151 : i32
    %dma_wait3A_153 = arith.constant 1 : i32
    %dma_wait3A_154 = arith.constant 0 : i32
    %dma_wait3A_155 = arith.constant 0 : i32
    %dma_wait3A_156 = tpu.memref_slice %arg10[%dma_wait3A_153, %dma_wait3A_154, %dma_wait3A_155] : memref<2x8x512xf32, #tpu.memory_space<vmem>> -> memref<1x8x512xf32, #tpu.memory_space<vmem>>
    %dma_wait3A_157 = tpu.memref_squeeze %dma_wait3A_156 : memref<1x8x512xf32, #tpu.memory_space<vmem>> -> memref<8x512xf32, #tpu.memory_space<vmem>>
    %dma_wait3A_158 = arith.constant 0 : i32
    %dma_wait3A_159 = tpu.memref_slice %arg5[%add3A_152, %dma_wait3A_158] : memref<8192x512xf32, #tpu.memory_space<hbm>> -> memref<8x512xf32, #tpu.memory_space<hbm>>
    %dma_wait3A_160 = arith.constant 0 : i32
    %dma_wait3A_161 = tpu.memref_slice %arg5[%add3A_152, %dma_wait3A_160] : memref<8192x512xf32, #tpu.memory_space<hbm>> -> memref<8x512xf32, #tpu.memory_space<hbm>>
    %dma_wait3A_162 = arith.constant 0 : i32
    %dma_wait3A_163 = arith.constant 0 : i32
    %dma_wait3A_164 = tpu.memref_slice %arg10[%dma_wait3A_153, %dma_wait3A_162, %dma_wait3A_163] : memref<2x8x512xf32, #tpu.memory_space<vmem>> -> memref<1x8x512xf32, #tpu.memory_space<vmem>>
    %dma_wait3A_165 = tpu.memref_squeeze %dma_wait3A_164 : memref<1x8x512xf32, #tpu.memory_space<vmem>> -> memref<8x512xf32, #tpu.memory_space<vmem>>
    tpu.wait_dma2 semaphore(%arg16 : memref<!tpu.dma_semaphore, #tpu.memory_space<semaphore_mem>>) src(%dma_wait3A_165 : memref<8x512xf32, #tpu.memory_space<vmem>>) dst(%dma_wait3A_161 : memref<8x512xf32, #tpu.memory_space<hbm>>)
    return
  }
}

module attributes {stable_mosaic.version = 14 : i64} {
  func.func @_topk_body(%arg0: i32, %arg1: memref<256x128xf32, #tpu.memory_space<vmem>>, %arg2: memref<128x8192xf32, #tpu.memory_space<vmem>>, %arg3: memref<256x8xf32, #tpu.memory_space<vmem>>, %arg4: memref<256x8xi32, #tpu.memory_space<vmem>>, %arg5: memref<256x128xf32, #tpu.memory_space<vmem>>, %arg6: memref<1x8192xf32, #tpu.memory_space<vmem>>) attributes {dimension_semantics = [#tpu.dimension_semantics<arbitrary>], iteration_bounds = array<i64: 32>, scalar_prefetch = 0 : i64, scratch_operands = 1 : i64, tpu.core_type = #tpu.core_type<tc>, window_params = [{transform_indices = @transform_0, window_bounds = array<i64: 256, 128>}, {pipeline_mode = #tpu.pipeline_mode<synchronous>, transform_indices = @transform_1, window_bounds = array<i64: 128, 8192>}, {transform_indices = @transform_2, window_bounds = array<i64: 256, 8>}, {transform_indices = @transform_3, window_bounds = array<i64: 256, 8>}, {transform_indices = @transform_4, window_bounds = array<i64: 256, 128>}]} {
    %get3A = arith.constant 0 : index
    %get3A_0 = arith.constant 0 : index
    %get3A_1 = vector.load %arg1[%get3A, %get3A_0] : memref<256x128xf32, #tpu.memory_space<vmem>>, vector<256x128xf32>
    %get3A_2 = arith.constant 0 : index
    %get3A_3 = arith.constant 0 : index
    %get3A_4 = vector.load %arg2[%get3A_2, %get3A_3] : memref<128x8192xf32, #tpu.memory_space<vmem>>, vector<128x8192xf32>
    %mul3A = arith.mulf %get3A_1, %get3A_1 : vector<256x128xf32>
    %reduce_sum3A = arith.constant dense<0.000000e+00> : vector<256xf32>
    %reduce_sum3A_5 = vector.multi_reduction <add>, %mul3A, %reduce_sum3A [1] : vector<256x128xf32> to vector<256xf32>
    %broadcast_in_dim3A = vector.shape_cast %reduce_sum3A_5 : vector<256xf32> to vector<256x1xf32>
    %eq3A = arith.constant 0 : i32
    %eq3A_6 = arith.cmpi eq, %arg0, %eq3A : i32
    %convert_element_type3A = arith.extui %eq3A_6 : i1 to i32
    %cond3A = arith.constant 0 : i32
    %cond3A_7 = arith.cmpi ne, %convert_element_type3A, %cond3A : i32
    scf.if %cond3A_7 {
      %mul3A_293 = arith.mulf %get3A_4, %get3A_4 : vector<128x8192xf32>
      %reduce_sum3A_294 = arith.constant dense<0.000000e+00> : vector<8192xf32>
      %reduce_sum3A_295 = vector.multi_reduction <add>, %mul3A_293, %reduce_sum3A_294 [0] : vector<128x8192xf32> to vector<8192xf32>
      %broadcast_in_dim3A_296 = vector.shape_cast %reduce_sum3A_295 : vector<8192xf32> to vector<1x8192xf32>
      %swap3A_297 = arith.constant 0 : index
      %swap3A_298 = arith.constant 0 : index
      %swap3A_299 = vector.load %arg6[%swap3A_297, %swap3A_298] : memref<1x8192xf32, #tpu.memory_space<vmem>>, vector<1x8192xf32>
      tpu.vector_store %arg6[%swap3A_297, %swap3A_298], %broadcast_in_dim3A_296 {strides = array<i32>} : memref<1x8192xf32, #tpu.memory_space<vmem>>, vector<1x8192xf32>,
    } else {
    }
    %get3A_8 = arith.constant 0 : index
    %get3A_9 = arith.constant 0 : index
    %get3A_10 = vector.load %arg6[%get3A_8, %get3A_9] : memref<1x8192xf32, #tpu.memory_space<vmem>>, vector<1x8192xf32>
    %dot_general3A = arith.constant dense<0.000000e+00> : vector<256x8192xf32>
    %dot_general3A_11 = tpu.matmul %get3A_1, %get3A_4, %dot_general3A {dimension_numbers = #tpu.dot_dimension_numbers<[1], [0], [0], [1], [0, 0, 1, 1], [], []>, transpose_lhs_hint = false} : vector<256x128xf32>, vector<128x8192xf32>, vector<256x8192xf32> -> vector<256x8192xf32>
    %add3A = vector.broadcast %broadcast_in_dim3A : vector<256x1xf32> to vector<256x8192xf32>
    %add3A_12 = vector.broadcast %get3A_10 : vector<1x8192xf32> to vector<256x8192xf32>
    %add3A_13 = arith.addf %add3A, %add3A_12 : vector<256x8192xf32>
    %mul3A_14 = arith.constant 2.000000e+00 : f32
    %mul3A_15 = vector.broadcast %mul3A_14 : f32 to vector<256x8192xf32>
    %mul3A_16 = arith.mulf %mul3A_15, %dot_general3A_11 : vector<256x8192xf32>
    %sub3A = arith.subf %add3A_13, %mul3A_16 : vector<256x8192xf32>
    %iota3A = tpu.iota {dimensions = array<i32: 1>} : vector<256x8192xi32>
    %iota3A_17 = tpu.iota {dimensions = array<i32: 0>} : vector<256x8192xi32>
    %mul3A_18 = arith.constant 256 : i32
    %mul3A_19 = arith.muli %arg0, %mul3A_18 : i32
    %add3A_20 = vector.broadcast %mul3A_19 : i32 to vector<256x8192xi32>
    %add3A_21 = arith.addi %iota3A_17, %add3A_20 : vector<256x8192xi32>
    %add3A_22 = arith.constant 0 : i32
    %add3A_23 = vector.broadcast %add3A_22 : i32 to vector<256x8192xi32>
    %add3A_24 = arith.addi %add3A_21, %add3A_23 : vector<256x8192xi32>
    %eq3A_25 = arith.cmpi eq, %iota3A, %add3A_24 : vector<256x8192xi32>
    %jit3A = arith.constant 1.000000e+10 : f32
    %broadcast_in_dim3A_26 = vector.broadcast %jit3A : f32 to vector<256x8192xf32>
    %select_n3A = arith.select %eq3A_25, %broadcast_in_dim3A_26, %sub3A : vector<256x8192xi1>, vector<256x8192xf32>
    %reduce_min3A = arith.constant dense<0x7F800000> : vector<256xf32>
    %reduce_min3A_27 = vector.multi_reduction <minimumf>, %select_n3A, %reduce_min3A [1] : vector<256x8192xf32> to vector<256xf32>
    %broadcast_in_dim3A_28 = vector.shape_cast %reduce_min3A_27 : vector<256xf32> to vector<256x1xf32>
    %sub3A_29 = arith.constant 1.000000e+00 : f32
    %sub3A_30 = vector.broadcast %sub3A_29 : f32 to vector<256x1xf32>
    %sub3A_31 = arith.subf %broadcast_in_dim3A_28, %sub3A_30 : vector<256x1xf32>
    %sub3A_32 = vector.broadcast %sub3A_31 : vector<256x1xf32> to vector<256x8192xf32>
    %sub3A_33 = arith.subf %select_n3A, %sub3A_32 : vector<256x8192xf32>
    %bitcast_convert_type3A = tpu.bitcast %sub3A_33 : vector<256x8192xf32> -> vector<256x8192xi32>
    %and3A = arith.constant -8192 : i32
    %and3A_34 = vector.broadcast %and3A : i32 to vector<256x8192xi32>
    %and3A_35 = arith.andi %bitcast_convert_type3A, %and3A_34 : vector<256x8192xi32>
    %or3A = arith.ori %and3A_35, %iota3A : vector<256x8192xi32>
    %bitcast3A = tpu.bitcast %or3A : vector<256x8192xi32> -> vector<256x8192xf32>
    %reduce_min3A_36 = arith.constant dense<0x7F800000> : vector<256xf32>
    %reduce_min3A_37 = vector.multi_reduction <minimumf>, %bitcast3A, %reduce_min3A_36 [1] : vector<256x8192xf32> to vector<256xf32>
    %broadcast_in_dim3A_38 = vector.shape_cast %reduce_min3A_37 : vector<256xf32> to vector<256x1xf32>
    %bitcast_convert_type3A_39 = tpu.bitcast %broadcast_in_dim3A_38 : vector<256x1xf32> -> vector<256x1xi32>
    %sub3A_40 = arith.constant 1.000000e+00 : f32
    %sub3A_41 = vector.broadcast %sub3A_40 : f32 to vector<256x1xf32>
    %sub3A_42 = arith.subf %broadcast_in_dim3A_28, %sub3A_41 : vector<256x1xf32>
    %and3A_43 = arith.constant -8192 : i32
    %and3A_44 = vector.broadcast %and3A_43 : i32 to vector<256x1xi32>
    %and3A_45 = arith.andi %bitcast_convert_type3A_39, %and3A_44 : vector<256x1xi32>
    %bitcast3A_46 = tpu.bitcast %and3A_45 : vector<256x1xi32> -> vector<256x1xf32>
    %add3A_47 = arith.addf %sub3A_42, %bitcast3A_46 : vector<256x1xf32>
    %and3A_48 = arith.constant 8191 : i32
    %and3A_49 = vector.broadcast %and3A_48 : i32 to vector<256x1xi32>
    %and3A_50 = arith.andi %bitcast_convert_type3A_39, %and3A_49 : vector<256x1xi32>
    %eq3A_51 = vector.broadcast %broadcast_in_dim3A_38 : vector<256x1xf32> to vector<256x8192xf32>
    %eq3A_52 = arith.cmpf oeq, %bitcast3A, %eq3A_51 : vector<256x8192xf32>
    %jit3A_53 = arith.constant 3.000000e+38 : f32
    %broadcast_in_dim3A_54 = vector.broadcast %jit3A_53 : f32 to vector<256x8192xf32>
    %select_n3A_55 = arith.select %eq3A_52, %broadcast_in_dim3A_54, %bitcast3A : vector<256x8192xi1>, vector<256x8192xf32>
    %reduce_min3A_56 = arith.constant dense<0x7F800000> : vector<256xf32>
    %reduce_min3A_57 = vector.multi_reduction <minimumf>, %select_n3A_55, %reduce_min3A_56 [1] : vector<256x8192xf32> to vector<256xf32>
    %broadcast_in_dim3A_58 = vector.shape_cast %reduce_min3A_57 : vector<256xf32> to vector<256x1xf32>
    %bitcast_convert_type3A_59 = tpu.bitcast %broadcast_in_dim3A_58 : vector<256x1xf32> -> vector<256x1xi32>
    %sub3A_60 = arith.constant 1.000000e+00 : f32
    %sub3A_61 = vector.broadcast %sub3A_60 : f32 to vector<256x1xf32>
    %sub3A_62 = arith.subf %broadcast_in_dim3A_28, %sub3A_61 : vector<256x1xf32>
    %and3A_63 = arith.constant -8192 : i32
    %and3A_64 = vector.broadcast %and3A_63 : i32 to vector<256x1xi32>
    %and3A_65 = arith.andi %bitcast_convert_type3A_59, %and3A_64 : vector<256x1xi32>
    %bitcast3A_66 = tpu.bitcast %and3A_65 : vector<256x1xi32> -> vector<256x1xf32>
    %add3A_67 = arith.addf %sub3A_62, %bitcast3A_66 : vector<256x1xf32>
    %and3A_68 = arith.constant 8191 : i32
    %and3A_69 = vector.broadcast %and3A_68 : i32 to vector<256x1xi32>
    %and3A_70 = arith.andi %bitcast_convert_type3A_59, %and3A_69 : vector<256x1xi32>
    %eq3A_71 = vector.broadcast %broadcast_in_dim3A_58 : vector<256x1xf32> to vector<256x8192xf32>
    %eq3A_72 = arith.cmpf oeq, %select_n3A_55, %eq3A_71 : vector<256x8192xf32>
    %jit3A_73 = arith.constant 3.000000e+38 : f32
    %broadcast_in_dim3A_74 = vector.broadcast %jit3A_73 : f32 to vector<256x8192xf32>
    %select_n3A_75 = arith.select %eq3A_72, %broadcast_in_dim3A_74, %select_n3A_55 : vector<256x8192xi1>, vector<256x8192xf32>
    %reduce_min3A_76 = arith.constant dense<0x7F800000> : vector<256xf32>
    %reduce_min3A_77 = vector.multi_reduction <minimumf>, %select_n3A_75, %reduce_min3A_76 [1] : vector<256x8192xf32> to vector<256xf32>
    %broadcast_in_dim3A_78 = vector.shape_cast %reduce_min3A_77 : vector<256xf32> to vector<256x1xf32>
    %bitcast_convert_type3A_79 = tpu.bitcast %broadcast_in_dim3A_78 : vector<256x1xf32> -> vector<256x1xi32>
    %sub3A_80 = arith.constant 1.000000e+00 : f32
    %sub3A_81 = vector.broadcast %sub3A_80 : f32 to vector<256x1xf32>
    %sub3A_82 = arith.subf %broadcast_in_dim3A_28, %sub3A_81 : vector<256x1xf32>
    %and3A_83 = arith.constant -8192 : i32
    %and3A_84 = vector.broadcast %and3A_83 : i32 to vector<256x1xi32>
    %and3A_85 = arith.andi %bitcast_convert_type3A_79, %and3A_84 : vector<256x1xi32>
    %bitcast3A_86 = tpu.bitcast %and3A_85 : vector<256x1xi32> -> vector<256x1xf32>
    %add3A_87 = arith.addf %sub3A_82, %bitcast3A_86 : vector<256x1xf32>
    %and3A_88 = arith.constant 8191 : i32
    %and3A_89 = vector.broadcast %and3A_88 : i32 to vector<256x1xi32>
    %and3A_90 = arith.andi %bitcast_convert_type3A_79, %and3A_89 : vector<256x1xi32>
    %eq3A_91 = vector.broadcast %broadcast_in_dim3A_78 : vector<256x1xf32> to vector<256x8192xf32>
    %eq3A_92 = arith.cmpf oeq, %select_n3A_75, %eq3A_91 : vector<256x8192xf32>
    %jit3A_93 = arith.constant 3.000000e+38 : f32
    %broadcast_in_dim3A_94 = vector.broadcast %jit3A_93 : f32 to vector<256x8192xf32>
    %select_n3A_95 = arith.select %eq3A_92, %broadcast_in_dim3A_94, %select_n3A_75 : vector<256x8192xi1>, vector<256x8192xf32>
    %reduce_min3A_96 = arith.constant dense<0x7F800000> : vector<256xf32>
    %reduce_min3A_97 = vector.multi_reduction <minimumf>, %select_n3A_95, %reduce_min3A_96 [1] : vector<256x8192xf32> to vector<256xf32>
    %broadcast_in_dim3A_98 = vector.shape_cast %reduce_min3A_97 : vector<256xf32> to vector<256x1xf32>
    %bitcast_convert_type3A_99 = tpu.bitcast %broadcast_in_dim3A_98 : vector<256x1xf32> -> vector<256x1xi32>
    %sub3A_100 = arith.constant 1.000000e+00 : f32
    %sub3A_101 = vector.broadcast %sub3A_100 : f32 to vector<256x1xf32>
    %sub3A_102 = arith.subf %broadcast_in_dim3A_28, %sub3A_101 : vector<256x1xf32>
    %and3A_103 = arith.constant -8192 : i32
    %and3A_104 = vector.broadcast %and3A_103 : i32 to vector<256x1xi32>
    %and3A_105 = arith.andi %bitcast_convert_type3A_99, %and3A_104 : vector<256x1xi32>
    %bitcast3A_106 = tpu.bitcast %and3A_105 : vector<256x1xi32> -> vector<256x1xf32>
    %add3A_107 = arith.addf %sub3A_102, %bitcast3A_106 : vector<256x1xf32>
    %and3A_108 = arith.constant 8191 : i32
    %and3A_109 = vector.broadcast %and3A_108 : i32 to vector<256x1xi32>
    %and3A_110 = arith.andi %bitcast_convert_type3A_99, %and3A_109 : vector<256x1xi32>
    %eq3A_111 = vector.broadcast %broadcast_in_dim3A_98 : vector<256x1xf32> to vector<256x8192xf32>
    %eq3A_112 = arith.cmpf oeq, %select_n3A_95, %eq3A_111 : vector<256x8192xf32>
    %jit3A_113 = arith.constant 3.000000e+38 : f32
    %broadcast_in_dim3A_114 = vector.broadcast %jit3A_113 : f32 to vector<256x8192xf32>
    %select_n3A_115 = arith.select %eq3A_112, %broadcast_in_dim3A_114, %select_n3A_95 : vector<256x8192xi1>, vector<256x8192xf32>
    %reduce_min3A_116 = arith.constant dense<0x7F800000> : vector<256xf32>
    %reduce_min3A_117 = vector.multi_reduction <minimumf>, %select_n3A_115, %reduce_min3A_116 [1] : vector<256x8192xf32> to vector<256xf32>
    %broadcast_in_dim3A_118 = vector.shape_cast %reduce_min3A_117 : vector<256xf32> to vector<256x1xf32>
    %bitcast_convert_type3A_119 = tpu.bitcast %broadcast_in_dim3A_118 : vector<256x1xf32> -> vector<256x1xi32>
    %sub3A_120 = arith.constant 1.000000e+00 : f32
    %sub3A_121 = vector.broadcast %sub3A_120 : f32 to vector<256x1xf32>
    %sub3A_122 = arith.subf %broadcast_in_dim3A_28, %sub3A_121 : vector<256x1xf32>
    %and3A_123 = arith.constant -8192 : i32
    %and3A_124 = vector.broadcast %and3A_123 : i32 to vector<256x1xi32>
    %and3A_125 = arith.andi %bitcast_convert_type3A_119, %and3A_124 : vector<256x1xi32>
    %bitcast3A_126 = tpu.bitcast %and3A_125 : vector<256x1xi32> -> vector<256x1xf32>
    %add3A_127 = arith.addf %sub3A_122, %bitcast3A_126 : vector<256x1xf32>
    %and3A_128 = arith.constant 8191 : i32
    %and3A_129 = vector.broadcast %and3A_128 : i32 to vector<256x1xi32>
    %and3A_130 = arith.andi %bitcast_convert_type3A_119, %and3A_129 : vector<256x1xi32>
    %eq3A_131 = vector.broadcast %broadcast_in_dim3A_118 : vector<256x1xf32> to vector<256x8192xf32>
    %eq3A_132 = arith.cmpf oeq, %select_n3A_115, %eq3A_131 : vector<256x8192xf32>
    %jit3A_133 = arith.constant 3.000000e+38 : f32
    %broadcast_in_dim3A_134 = vector.broadcast %jit3A_133 : f32 to vector<256x8192xf32>
    %select_n3A_135 = arith.select %eq3A_132, %broadcast_in_dim3A_134, %select_n3A_115 : vector<256x8192xi1>, vector<256x8192xf32>
    %reduce_min3A_136 = arith.constant dense<0x7F800000> : vector<256xf32>
    %reduce_min3A_137 = vector.multi_reduction <minimumf>, %select_n3A_135, %reduce_min3A_136 [1] : vector<256x8192xf32> to vector<256xf32>
    %broadcast_in_dim3A_138 = vector.shape_cast %reduce_min3A_137 : vector<256xf32> to vector<256x1xf32>
    %bitcast_convert_type3A_139 = tpu.bitcast %broadcast_in_dim3A_138 : vector<256x1xf32> -> vector<256x1xi32>
    %sub3A_140 = arith.constant 1.000000e+00 : f32
    %sub3A_141 = vector.broadcast %sub3A_140 : f32 to vector<256x1xf32>
    %sub3A_142 = arith.subf %broadcast_in_dim3A_28, %sub3A_141 : vector<256x1xf32>
    %and3A_143 = arith.constant -8192 : i32
    %and3A_144 = vector.broadcast %and3A_143 : i32 to vector<256x1xi32>
    %and3A_145 = arith.andi %bitcast_convert_type3A_139, %and3A_144 : vector<256x1xi32>
    %bitcast3A_146 = tpu.bitcast %and3A_145 : vector<256x1xi32> -> vector<256x1xf32>
    %add3A_147 = arith.addf %sub3A_142, %bitcast3A_146 : vector<256x1xf32>
    %and3A_148 = arith.constant 8191 : i32
    %and3A_149 = vector.broadcast %and3A_148 : i32 to vector<256x1xi32>
    %and3A_150 = arith.andi %bitcast_convert_type3A_139, %and3A_149 : vector<256x1xi32>
    %eq3A_151 = vector.broadcast %broadcast_in_dim3A_138 : vector<256x1xf32> to vector<256x8192xf32>
    %eq3A_152 = arith.cmpf oeq, %select_n3A_135, %eq3A_151 : vector<256x8192xf32>
    %jit3A_153 = arith.constant 3.000000e+38 : f32
    %broadcast_in_dim3A_154 = vector.broadcast %jit3A_153 : f32 to vector<256x8192xf32>
    %select_n3A_155 = arith.select %eq3A_152, %broadcast_in_dim3A_154, %select_n3A_135 : vector<256x8192xi1>, vector<256x8192xf32>
    %reduce_min3A_156 = arith.constant dense<0x7F800000> : vector<256xf32>
    %reduce_min3A_157 = vector.multi_reduction <minimumf>, %select_n3A_155, %reduce_min3A_156 [1] : vector<256x8192xf32> to vector<256xf32>
    %broadcast_in_dim3A_158 = vector.shape_cast %reduce_min3A_157 : vector<256xf32> to vector<256x1xf32>
    %bitcast_convert_type3A_159 = tpu.bitcast %broadcast_in_dim3A_158 : vector<256x1xf32> -> vector<256x1xi32>
    %sub3A_160 = arith.constant 1.000000e+00 : f32
    %sub3A_161 = vector.broadcast %sub3A_160 : f32 to vector<256x1xf32>
    %sub3A_162 = arith.subf %broadcast_in_dim3A_28, %sub3A_161 : vector<256x1xf32>
    %and3A_163 = arith.constant -8192 : i32
    %and3A_164 = vector.broadcast %and3A_163 : i32 to vector<256x1xi32>
    %and3A_165 = arith.andi %bitcast_convert_type3A_159, %and3A_164 : vector<256x1xi32>
    %bitcast3A_166 = tpu.bitcast %and3A_165 : vector<256x1xi32> -> vector<256x1xf32>
    %add3A_167 = arith.addf %sub3A_162, %bitcast3A_166 : vector<256x1xf32>
    %and3A_168 = arith.constant 8191 : i32
    %and3A_169 = vector.broadcast %and3A_168 : i32 to vector<256x1xi32>
    %and3A_170 = arith.andi %bitcast_convert_type3A_159, %and3A_169 : vector<256x1xi32>
    %eq3A_171 = vector.broadcast %broadcast_in_dim3A_158 : vector<256x1xf32> to vector<256x8192xf32>
    %eq3A_172 = arith.cmpf oeq, %select_n3A_155, %eq3A_171 : vector<256x8192xf32>
    %jit3A_173 = arith.constant 3.000000e+38 : f32
    %broadcast_in_dim3A_174 = vector.broadcast %jit3A_173 : f32 to vector<256x8192xf32>
    %select_n3A_175 = arith.select %eq3A_172, %broadcast_in_dim3A_174, %select_n3A_155 : vector<256x8192xi1>, vector<256x8192xf32>
    %reduce_min3A_176 = arith.constant dense<0x7F800000> : vector<256xf32>
    %reduce_min3A_177 = vector.multi_reduction <minimumf>, %select_n3A_175, %reduce_min3A_176 [1] : vector<256x8192xf32> to vector<256xf32>
    %broadcast_in_dim3A_178 = vector.shape_cast %reduce_min3A_177 : vector<256xf32> to vector<256x1xf32>
    %bitcast_convert_type3A_179 = tpu.bitcast %broadcast_in_dim3A_178 : vector<256x1xf32> -> vector<256x1xi32>
    %sub3A_180 = arith.constant 1.000000e+00 : f32
    %sub3A_181 = vector.broadcast %sub3A_180 : f32 to vector<256x1xf32>
    %sub3A_182 = arith.subf %broadcast_in_dim3A_28, %sub3A_181 : vector<256x1xf32>
    %and3A_183 = arith.constant -8192 : i32
    %and3A_184 = vector.broadcast %and3A_183 : i32 to vector<256x1xi32>
    %and3A_185 = arith.andi %bitcast_convert_type3A_179, %and3A_184 : vector<256x1xi32>
    %bitcast3A_186 = tpu.bitcast %and3A_185 : vector<256x1xi32> -> vector<256x1xf32>
    %add3A_187 = arith.addf %sub3A_182, %bitcast3A_186 : vector<256x1xf32>
    %and3A_188 = arith.constant 8191 : i32
    %and3A_189 = vector.broadcast %and3A_188 : i32 to vector<256x1xi32>
    %and3A_190 = arith.andi %bitcast_convert_type3A_179, %and3A_189 : vector<256x1xi32>
    %concatenate3A = tpu.concatenate %add3A_47, %add3A_67, %add3A_87, %add3A_107, %add3A_127, %add3A_147, %add3A_167, %add3A_187 in 1 : vector<256x1xf32>, vector<256x1xf32>, vector<256x1xf32>, vector<256x1xf32>, vector<256x1xf32>, vector<256x1xf32>, vector<256x1xf32>, vector<256x1xf32> -> vector<256x8xf32>
    %concatenate3A_191 = tpu.concatenate %and3A_50, %and3A_70, %and3A_90, %and3A_110, %and3A_130, %and3A_150, %and3A_170, %and3A_190 in 1 : vector<256x1xi32>, vector<256x1xi32>, vector<256x1xi32>, vector<256x1xi32>, vector<256x1xi32>, vector<256x1xi32>, vector<256x1xi32>, vector<256x1xi32> -> vector<256x8xi32>
    %swap3A = arith.constant 0 : index
    %swap3A_192 = arith.constant 0 : index
    %swap3A_193 = vector.load %arg3[%swap3A, %swap3A_192] : memref<256x8xf32, #tpu.memory_space<vmem>>, vector<256x8xf32>
    tpu.vector_store %arg3[%swap3A, %swap3A_192], %concatenate3A {strides = array<i32>} : memref<256x8xf32, #tpu.memory_space<vmem>>, vector<256x8xf32>,
    %swap3A_194 = arith.constant 0 : index
    %swap3A_195 = arith.constant 0 : index
    %swap3A_196 = vector.load %arg4[%swap3A_194, %swap3A_195] : memref<256x8xi32, #tpu.memory_space<vmem>>, vector<256x8xi32>
    tpu.vector_store %arg4[%swap3A_194, %swap3A_195], %concatenate3A_191 {strides = array<i32>} : memref<256x8xi32, #tpu.memory_space<vmem>>, vector<256x8xi32>,
    %slice3A = vector.extract_strided_slice %concatenate3A {offsets = [0, 0], sizes = [256, 1], strides = [1, 1]} : vector<256x8xf32> to vector<256x1xf32>
    %sub3A_197 = vector.broadcast %slice3A : vector<256x1xf32> to vector<256x8xf32>
    %sub3A_198 = arith.subf %sub3A_197, %concatenate3A : vector<256x8xf32>
    %exp3A = math.exp %sub3A_198 : vector<256x8xf32>
    %reduce_sum3A_199 = arith.constant dense<0.000000e+00> : vector<256xf32>
    %reduce_sum3A_200 = vector.multi_reduction <add>, %exp3A, %reduce_sum3A_199 [1] : vector<256x8xf32> to vector<256xf32>
    %broadcast_in_dim3A_201 = vector.shape_cast %reduce_sum3A_200 : vector<256xf32> to vector<256x1xf32>
    %div3A = vector.broadcast %broadcast_in_dim3A_201 : vector<256x1xf32> to vector<256x8xf32>
    %div3A_202 = arith.divf %exp3A, %div3A : vector<256x8xf32>
    %iota3A_203 = tpu.iota {dimensions = array<i32: 1>} : vector<256x128xi32>
    %jit3A_204 = arith.constant 16 : i32
    %div3A_205 = vector.broadcast %jit3A_204 : i32 to vector<256x128xi32>
    %div3A_206 = arith.divsi %iota3A_203, %div3A_205 : vector<256x128xi32>
    %sign3A = arith.constant 0 : i32
    %sign3A_207 = vector.broadcast %sign3A : i32 to vector<256x128xi32>
    %sign3A_208 = arith.cmpi sgt, %iota3A_203, %sign3A_207 : vector<256x128xi32>
    %sign3A_209 = arith.extui %sign3A_208 : vector<256x128xi1> to vector<256x128xi32>
    %sign3A_210 = arith.constant 0 : i32
    %sign3A_211 = vector.broadcast %sign3A_210 : i32 to vector<256x128xi32>
    %sign3A_212 = arith.cmpi slt, %iota3A_203, %sign3A_211 : vector<256x128xi32>
    %sign3A_213 = arith.extui %sign3A_212 : vector<256x128xi1> to vector<256x128xi32>
    %sign3A_214 = arith.subi %sign3A_209, %sign3A_213 : vector<256x128xi32>
    %sign3A_215 = arith.constant 0 : i32
    %sign3A_216 = arith.cmpi sgt, %jit3A_204, %sign3A_215 : i32
    %sign3A_217 = arith.extui %sign3A_216 : i1 to i32
    %sign3A_218 = arith.constant 0 : i32
    %sign3A_219 = arith.cmpi slt, %jit3A_204, %sign3A_218 : i32
    %sign3A_220 = arith.extui %sign3A_219 : i1 to i32
    %sign3A_221 = arith.subi %sign3A_217, %sign3A_220 : i32
    %ne3A = vector.broadcast %sign3A_221 : i32 to vector<256x128xi32>
    %ne3A_222 = arith.cmpi ne, %sign3A_214, %ne3A : vector<256x128xi32>
    %rem3A = vector.broadcast %jit3A_204 : i32 to vector<256x128xi32>
    %rem3A_223 = arith.remsi %iota3A_203, %rem3A : vector<256x128xi32>
    %ne3A_224 = arith.constant 0 : i32
    %ne3A_225 = vector.broadcast %ne3A_224 : i32 to vector<256x128xi32>
    %ne3A_226 = arith.cmpi ne, %rem3A_223, %ne3A_225 : vector<256x128xi32>
    %and3A_227 = arith.andi %ne3A_222, %ne3A_226 : vector<256x128xi1>
    %sub3A_228 = arith.constant 1 : i32
    %sub3A_229 = vector.broadcast %sub3A_228 : i32 to vector<256x128xi32>
    %sub3A_230 = arith.subi %div3A_206, %sub3A_229 : vector<256x128xi32>
    %select_n3A_231 = arith.select %and3A_227, %sub3A_230, %div3A_206 : vector<256x128xi1>, vector<256x128xi32>
    %broadcast_in_dim3A_232 = arith.constant 0.000000e+00 : f32
    %broadcast_in_dim3A_233 = vector.broadcast %broadcast_in_dim3A_232 : f32 to vector<256x128xf32>
    %eq3A_234 = arith.constant 0 : i32
    %eq3A_235 = vector.broadcast %eq3A_234 : i32 to vector<256x128xi32>
    %eq3A_236 = arith.cmpi eq, %select_n3A_231, %eq3A_235 : vector<256x128xi32>
    %slice3A_237 = vector.extract_strided_slice %div3A_202 {offsets = [0, 0], sizes = [256, 1], strides = [1, 1]} : vector<256x8xf32> to vector<256x1xf32>
    %broadcast_in_dim3A_238 = vector.shape_cast %slice3A_237 : vector<256x1xf32> to vector<256x1xf32>
    %broadcast_in_dim3A_239 = vector.broadcast %broadcast_in_dim3A_238 : vector<256x1xf32> to vector<256x128xf32>
    %select_n3A_240 = arith.select %eq3A_236, %broadcast_in_dim3A_239, %broadcast_in_dim3A_233 : vector<256x128xi1>, vector<256x128xf32>
    %eq3A_241 = arith.constant 1 : i32
    %eq3A_242 = vector.broadcast %eq3A_241 : i32 to vector<256x128xi32>
    %eq3A_243 = arith.cmpi eq, %select_n3A_231, %eq3A_242 : vector<256x128xi32>
    %slice3A_244 = vector.extract_strided_slice %div3A_202 {offsets = [0, 1], sizes = [256, 1], strides = [1, 1]} : vector<256x8xf32> to vector<256x1xf32>
    %broadcast_in_dim3A_245 = vector.shape_cast %slice3A_244 : vector<256x1xf32> to vector<256x1xf32>
    %broadcast_in_dim3A_246 = vector.broadcast %broadcast_in_dim3A_245 : vector<256x1xf32> to vector<256x128xf32>
    %select_n3A_247 = arith.select %eq3A_243, %broadcast_in_dim3A_246, %select_n3A_240 : vector<256x128xi1>, vector<256x128xf32>
    %eq3A_248 = arith.constant 2 : i32
    %eq3A_249 = vector.broadcast %eq3A_248 : i32 to vector<256x128xi32>
    %eq3A_250 = arith.cmpi eq, %select_n3A_231, %eq3A_249 : vector<256x128xi32>
    %slice3A_251 = vector.extract_strided_slice %div3A_202 {offsets = [0, 2], sizes = [256, 1], strides = [1, 1]} : vector<256x8xf32> to vector<256x1xf32>
    %broadcast_in_dim3A_252 = vector.shape_cast %slice3A_251 : vector<256x1xf32> to vector<256x1xf32>
    %broadcast_in_dim3A_253 = vector.broadcast %broadcast_in_dim3A_252 : vector<256x1xf32> to vector<256x128xf32>
    %select_n3A_254 = arith.select %eq3A_250, %broadcast_in_dim3A_253, %select_n3A_247 : vector<256x128xi1>, vector<256x128xf32>
    %eq3A_255 = arith.constant 3 : i32
    %eq3A_256 = vector.broadcast %eq3A_255 : i32 to vector<256x128xi32>
    %eq3A_257 = arith.cmpi eq, %select_n3A_231, %eq3A_256 : vector<256x128xi32>
    %slice3A_258 = vector.extract_strided_slice %div3A_202 {offsets = [0, 3], sizes = [256, 1], strides = [1, 1]} : vector<256x8xf32> to vector<256x1xf32>
    %broadcast_in_dim3A_259 = vector.shape_cast %slice3A_258 : vector<256x1xf32> to vector<256x1xf32>
    %broadcast_in_dim3A_260 = vector.broadcast %broadcast_in_dim3A_259 : vector<256x1xf32> to vector<256x128xf32>
    %select_n3A_261 = arith.select %eq3A_257, %broadcast_in_dim3A_260, %select_n3A_254 : vector<256x128xi1>, vector<256x128xf32>
    %eq3A_262 = arith.constant 4 : i32
    %eq3A_263 = vector.broadcast %eq3A_262 : i32 to vector<256x128xi32>
    %eq3A_264 = arith.cmpi eq, %select_n3A_231, %eq3A_263 : vector<256x128xi32>
    %slice3A_265 = vector.extract_strided_slice %div3A_202 {offsets = [0, 4], sizes = [256, 1], strides = [1, 1]} : vector<256x8xf32> to vector<256x1xf32>
    %broadcast_in_dim3A_266 = vector.shape_cast %slice3A_265 : vector<256x1xf32> to vector<256x1xf32>
    %broadcast_in_dim3A_267 = vector.broadcast %broadcast_in_dim3A_266 : vector<256x1xf32> to vector<256x128xf32>
    %select_n3A_268 = arith.select %eq3A_264, %broadcast_in_dim3A_267, %select_n3A_261 : vector<256x128xi1>, vector<256x128xf32>
    %eq3A_269 = arith.constant 5 : i32
    %eq3A_270 = vector.broadcast %eq3A_269 : i32 to vector<256x128xi32>
    %eq3A_271 = arith.cmpi eq, %select_n3A_231, %eq3A_270 : vector<256x128xi32>
    %slice3A_272 = vector.extract_strided_slice %div3A_202 {offsets = [0, 5], sizes = [256, 1], strides = [1, 1]} : vector<256x8xf32> to vector<256x1xf32>
    %broadcast_in_dim3A_273 = vector.shape_cast %slice3A_272 : vector<256x1xf32> to vector<256x1xf32>
    %broadcast_in_dim3A_274 = vector.broadcast %broadcast_in_dim3A_273 : vector<256x1xf32> to vector<256x128xf32>
    %select_n3A_275 = arith.select %eq3A_271, %broadcast_in_dim3A_274, %select_n3A_268 : vector<256x128xi1>, vector<256x128xf32>
    %eq3A_276 = arith.constant 6 : i32
    %eq3A_277 = vector.broadcast %eq3A_276 : i32 to vector<256x128xi32>
    %eq3A_278 = arith.cmpi eq, %select_n3A_231, %eq3A_277 : vector<256x128xi32>
    %slice3A_279 = vector.extract_strided_slice %div3A_202 {offsets = [0, 6], sizes = [256, 1], strides = [1, 1]} : vector<256x8xf32> to vector<256x1xf32>
    %broadcast_in_dim3A_280 = vector.shape_cast %slice3A_279 : vector<256x1xf32> to vector<256x1xf32>
    %broadcast_in_dim3A_281 = vector.broadcast %broadcast_in_dim3A_280 : vector<256x1xf32> to vector<256x128xf32>
    %select_n3A_282 = arith.select %eq3A_278, %broadcast_in_dim3A_281, %select_n3A_275 : vector<256x128xi1>, vector<256x128xf32>
    %eq3A_283 = arith.constant 7 : i32
    %eq3A_284 = vector.broadcast %eq3A_283 : i32 to vector<256x128xi32>
    %eq3A_285 = arith.cmpi eq, %select_n3A_231, %eq3A_284 : vector<256x128xi32>
    %slice3A_286 = vector.extract_strided_slice %div3A_202 {offsets = [0, 7], sizes = [256, 1], strides = [1, 1]} : vector<256x8xf32> to vector<256x1xf32>
    %broadcast_in_dim3A_287 = vector.shape_cast %slice3A_286 : vector<256x1xf32> to vector<256x1xf32>
    %broadcast_in_dim3A_288 = vector.broadcast %broadcast_in_dim3A_287 : vector<256x1xf32> to vector<256x128xf32>
    %select_n3A_289 = arith.select %eq3A_285, %broadcast_in_dim3A_288, %select_n3A_282 : vector<256x128xi1>, vector<256x128xf32>
    %swap3A_290 = arith.constant 0 : index
    %swap3A_291 = arith.constant 0 : index
    %swap3A_292 = vector.load %arg5[%swap3A_290, %swap3A_291] : memref<256x128xf32, #tpu.memory_space<vmem>>, vector<256x128xf32>
    tpu.vector_store %arg5[%swap3A_290, %swap3A_291], %select_n3A_289 {strides = array<i32>} : memref<256x128xf32, #tpu.memory_space<vmem>>, vector<256x128xf32>,
    return
  }
  func.func @transform_0(%arg0: i32) -> (i32, i32) {
    %c0_i32 = arith.constant 0 : i32
    %c0_i32_0 = arith.constant 0 : i32
    return %arg0, %c0_i32 : i32, i32
  }
  func.func @transform_1(%arg0: i32) -> (i32, i32) {
    %c0_i32 = arith.constant 0 : i32
    %c0_i32_0 = arith.constant 0 : i32
    %c0_i32_1 = arith.constant 0 : i32
    return %c0_i32, %c0_i32_0 : i32, i32
  }
  func.func @transform_2(%arg0: i32) -> (i32, i32) {
    %c0_i32 = arith.constant 0 : i32
    %c0_i32_0 = arith.constant 0 : i32
    return %arg0, %c0_i32 : i32, i32
  }
  func.func @transform_3(%arg0: i32) -> (i32, i32) {
    %c0_i32 = arith.constant 0 : i32
    %c0_i32_0 = arith.constant 0 : i32
    return %arg0, %c0_i32 : i32, i32
  }
  func.func @transform_4(%arg0: i32) -> (i32, i32) {
    %c0_i32 = arith.constant 0 : i32
    %c0_i32_0 = arith.constant 0 : i32
    return %arg0, %c0_i32 : i32, i32
  }
}

</mosaic_0001>

<sc_bundles>
// kernel: kernel.4.cloned.1.call-start
scs
__scs_entry_jumppad:
0x0: {  	(pc) =	sbr.rel $0x88, $3  }
0x1: {  	(tag) =	ssettag $0x0;
	lr =	simm.s32 $0x1  }
0x2: {  	[smem:$0x3F9D] =	sst lr;
	_ =	strace $0xD0000000  }
0x3: {  	_ = 	snop  }
0x4: {  	_ = 	snop  }
0x5: {  	_ = 	snop  }
0x6: {  	_ = 	snop  }
0x7: {  	_ = 	snop  }
__scs_overlays_trampoline_lowered:
0x8: {  	[smem:$0x3FAC] =	sst s0  }
0x9: {  	[smem:$0x3FAD] =	sst s1  }
0xa: {  	[smem:$0x3FAE] =	sst s2  }
0xb: {  	[smem:$0x3FAF] =	sst s3  }
0xc: {  	[smem:$0x3FB0] =	sst s4  }
0xd: {  	[smem:$0x3FB1] =	sst s5  }
0xe: {  	[smem:$0x3FB2] =	sst s6  }
0xf: {  	[smem:$0x3FB3] =	sst s7  }
0x10: {  	[smem:$0x3FB4] =	sst s8  }
0x11: {  	[smem:$0x3FB5] =	sst s9;
	s0 =	simm.s32 @!p0 $0x0  }
0x12: {  	s1 =	sld [smem:$0x3F9B];
	s0 =	simm.s32 @p0 $0x1  }
0x13: {  	[smem:$0x3FB6] =	sst s0;
	s0 =	simm.s32 @!p1 $0x0  }
0x14: {  	s2 =	sld [smem:$0x3F9A];
	s0 =	simm.s32 @p1 $0x1  }
0x15: {  	[smem:$0x3FB7] =	sst s0;
	s0 =	simm.s32 @!p2 $0x0  }
0x16: {  	s3 =	sld [smem:$0x3FDB];
	s0 =	simm.s32 @p2 $0x1  }
0x17: {  	s4 =	simm.s32 $0x1BF5;
	[smem:$0x3FB9] =	sst s0  }
0x18: {  	s0 =	sld [smem:$0x3F9C];
	_ =	swait.ge [sflag:s4], $0x0  }
0x19: {  	s7 =	sld [smem:$0x3F9D]  }
0x1a: {  	s8 =	sadd.s32 $0xFFFFE003, lr  }
0x1b: {  	s9 =	sadd.s32 $0xFFFFFEF7, lr;
	s5 =	simm.s32 $0xFFFFFFFF;
	p2 =	slt.u32 s8, $0xFFFFF086  }
0x1c: {  	p1 =	slt.u32 s9, $0xF7A;
	s5 =	simm.s32 @!p2 $0x0  }
0x1d: {  	s5 =	simm.s32 @p1 $0x1;
	p0 =	seq.s32 s7, s2  }
0x1e: {  	s7 =	smul.u32 @!p0 $0xF7A, s2;
	p2 =	seq.s32 @!p0 s5, $0x0  }
0x1f: {  	s9 =	smul.u32 $0xF7A, s1;
	s8 =	simm.s32 @!p0 $0x1BF5;
	p2 =	por !p2, p0  }
0x20: {  	[sflag:s8] =	ssyncset.s32 @!p0 $0xFFFFF086;
	s6 =	sadd.s32 @!p0 s3, s7;
	s7 =	simm.s32 @!p0 $0x108  }
0x21: {  	s3 =	sadd.s32 s3, s9;
	s6 =	sadd.s32 @!p0 $0x88, s6;
	s7 =	simm.s32 @p2 $0x1082  }
0x22: {  	[simem:s7], [sflag:s8] =	dma.local @!p0 [hbm:s6], $0xF7A  }
0x23: {  	s9 =	sor.u32 $0xD0000000, s2;
	s6 =	simm.s32 $0x108;
	_ =	swait.ge @!p0 [sflag:s8], $0x0  }
0x24: {  	s3 =	sadd.s32 $0x88, s3;
	s6 =	simm.s32 @!p1 $0x1082;
	[sflag:s4] =	ssyncset.s32 $0xFFFFF086  }
0x25: {  	[simem:s6], [sflag:s4] =	dma.local [hbm:s3], $0xF7A  }
0x26: {  	[smem:$0x3F9D] =	sst s1;
	(tag) =	ssettag s2;
	_ =	strace s9  }
0x27: {  	s1 =	sld [smem:$0x3FAD]  }
0x28: {  	s2 =	sld [smem:$0x3FAE]  }
0x29: {  	s4 =	sld [smem:$0x3FB0]  }
0x2a: {  	p0 =	seq.s32 s5, $0x0;
	s5 =	sld [smem:$0x3FB1]  }
0x2b: {  	s6 =	sld [smem:$0x3FB2]  }
0x2c: {  	s7 =	sld [smem:$0x3FB3]  }
0x2d: {  	s3 =	simm.s32 $0x108;
	s8 =	sld [smem:$0x3FB4]  }
0x2e: {  	s3 =	simm.s32 @!p0 $0x1082;
	s9 =	sld [smem:$0x3FB5]  }
0x2f: {  	lr =	sadd.s32 s0, s3;
	s0 =	sld [smem:$0x3FAC]  }
0x30: {  	s3 =	sld [smem:$0x3FAF]  }
0x31: {  	[smem:$0x3FB8] =	sst s10  }
0x32: {  	s10 =	sld [smem:$0x3FB6];
	_ =	sdelay $0x3  }
0x33: {  	p0 =	seq.s32 s10, $0x1;
	s10 =	sld [smem:$0x3FB8];
	_ =	sdelay $0x3  }
0x34: {  	[smem:$0x3FB8] =	sst s10  }
0x35: {  	s10 =	sld [smem:$0x3FB7];
	_ =	sdelay $0x3  }
0x36: {  	p1 =	seq.s32 s10, $0x1;
	s10 =	sld [smem:$0x3FB8];
	_ =	sdelay $0x3  }
0x37: {  	[smem:$0x3FB8] =	sst s10  }
0x38: {  	s10 =	sld [smem:$0x3FB9]  }
0x39: {  	_ = 	snop;
	(pc) =	sbr.ind lr, $3  }
0x3a: {  	_ = 	snop  }
0x3b: {  	_ = 	snop  }
0x3c: {  	p2 =	seq.s32 s10, $0x1;
	s10 =	sld [smem:$0x3FB8]  }
0x3d: {  	_ =	shalt  }
0x3e: {  	_ =	shalt  }
0x3f: {  	_ =	shalt  }
0x40: {  	_ =	shalt  }
0x41: {  	_ =	shalt  }
0x42: {  	_ =	shalt  }
0x43: {  	_ =	shalt  }
0x44: {  	_ =	shalt  }
0x45: {  	_ =	shalt  }
0x46: {  	_ =	shalt  }
0x47: {  	_ =	shalt  }
0x48: {  	_ =	shalt  }
0x49: {  	_ =	shalt  }
0x4a: {  	_ =	shalt  }
0x4b: {  	_ =	shalt  }
0x4c: {  	_ =	shalt  }
0x4d: {  	_ =	shalt  }
0x4e: {  	_ =	shalt  }
0x4f: {  	_ =	shalt  }
0x50: {  	_ =	shalt  }
0x51: {  	_ =	shalt  }
0x52: {  	_ =	shalt  }
0x53: {  	_ =	shalt  }
0x54: {  	_ =	shalt  }
0x55: {  	_ =	shalt  }
0x56: {  	_ =	shalt  }
0x57: {  	_ =	shalt  }
0x58: {  	_ =	shalt  }
0x59: {  	_ =	shalt  }
0x5a: {  	_ =	shalt  }
0x5b: {  	_ =	shalt  }
0x5c: {  	_ =	shalt  }
0x5d: {  	_ =	shalt  }
0x5e: {  	_ =	shalt  }
0x5f: {  	_ =	shalt  }
0x60: {  	_ =	shalt  }
0x61: {  	_ =	shalt  }
0x62: {  	_ =	shalt  }
0x63: {  	_ =	shalt  }
0x64: {  	_ =	shalt  }
0x65: {  	_ =	shalt  }
0x66: {  	_ =	shalt  }
0x67: {  	_ =	shalt  }
0x68: {  	_ =	shalt  }
0x69: {  	_ =	shalt  }
0x6a: {  	_ =	shalt  }
0x6b: {  	_ =	shalt  }
0x6c: {  	_ =	shalt  }
0x6d: {  	_ =	shalt  }
0x6e: {  	_ =	shalt  }
0x6f: {  	_ =	shalt  }
0x70: {  	_ =	shalt  }
0x71: {  	_ =	shalt  }
0x72: {  	_ =	shalt  }
0x73: {  	_ =	shalt  }
0x74: {  	_ =	shalt  }
0x75: {  	_ =	shalt  }
0x76: {  	_ =	shalt  }
0x77: {  	_ =	shalt  }
0x78: {  	_ =	shalt  }
0x79: {  	_ =	shalt  }
0x7a: {  	_ =	shalt  }
0x7b: {  	_ =	shalt  }
0x7c: {  	_ =	shalt  }
0x7d: {  	_ =	shalt  }
0x7e: {  	_ =	shalt  }
0x7f: {  	_ =	shalt  }
0x80: {  	_ =	shalt  }
0x81: {  	_ =	shalt  }
0x82: {  	_ =	shalt  }
0x83: {  	_ =	shalt  }
0x84: {  	_ =	shalt  }
0x85: {  	_ =	shalt  }
0x86: {  	_ =	shalt  }
0x87: {  	_ =	shalt  }
.Lfunc_end0:
.L_simem_size_0:
called_computation_lowered:
.L_overlay_start_0:
0x88: {  	s2 =	sld [smem:$0x3FD9]  }
0x89: {  	s3 =	sld [smem:$0x3FFE];
	_ =	sdelay $0x1  }
0x8a: {  	s1 =	srdreg.scid  }
0x8b: {  	s0 =	sand.u32 $0x1, s1  }
0x8c: {  	s14 =	sshll.u32 s0, $0xA;
	s2 =	sadd.s32 s3, s2  }
0x8d: {  	s2 =	sadd.s32 s2, s14  }
0x8e: {  	[smem:$0x3FC4] =	sst s2  }
0x8f: {  	_ = 	snop  }
0x90: {  	s2 =	sld [smem:$0x3FD0];
	_ =	sdelay $0x2  }
0x91: {  	s4 =	simm.s32 $0xA;
	s5 =	simm.s32 $0x10;
	s15 =	sld [smem:$0x3FC6]  }
0x92: {  	[smem:s5], [sflag:s4] =	dma.local [hbm:s2], $0x1  }
0x93: {  	_ =	swait.eq [sflag:s4], $0x1  }
0x94: {  	[sflag:s4] =	ssyncset.done $0x0  }
0x95: {  	[sflag:s4] =	ssyncadd.s32 $0xFFFFFFFF  }
0x96: {  	s16 =	sld [smem:$0x10];
	(tm) =	ssettm $0x1  }
0x97: {  	s17 =	sld [smem:$0x3FFB];
	_ =	sdelay $0x3  }
0x98: {  	_ =	strace s17  }
0x99: {  	s4 =	sld [smem:$0x3FFC];
	_ =	sdelay $0x3  }
0x9a: {  	_ =	strace s4  }
0x9b: {  	s4 =	sld [smem:$0x3FFD];
	_ =	sdelay $0x3  }
0x9c: {  	_ =	strace s4  }
0x9d: {  	_ =	strace $0x8FFFFFFF  }
0x9e: {  	s18 =	sld [smem:$0x3FDB];
	_ =	sdelay $0x1  }
0x9f: {  	s19 =	simm.s32 $_scs_section_size  }
0xa0: {  	s6 =	simm.s32 $_size__tile_overlayer_lowered;
	s7 =	simm.s32 $_tile_overlayer_lowered  }
0xa1: {  	s22 =	simm.s32 $0x1BFF;
	s21 =	sshll.u32 s7, $0x1;
	s4 =	sadd.s32 s19, s18  }
0xa2: {  	s8 =	simm.s32 $0x0;
	s20 =	sshll.u32 s6, $0x1;
	s6 =	sadd.s32 s21, s4  }
0xa3: {  	[timem:s8], [sflag:s22] =	dma.local [hbm:s6], s20  }
0xa4: {  	_ =	swait.ge [sflag:s22], s20  }
0xa5: {  	s5 =	ssub.s32 $0x0, s20;
	[sflag:s22] =	ssyncset.done $0x0  }
0xa6: {  	[sflag:s22] =	ssyncadd.s32 s5;
	_ =	sdelay $0x1  }
0xa7: {  	s23 =	simm.s32 $0x1B8B  }
0xa8: {  	_ =	swait.ge [sflag:s23], $0x1  }
0xa9: {  	[sflag:s23] =	ssyncset.done $0x0  }
0xaa: {  	s25 =	simm.s32 $0x1B8E;
	s24 =	sld [smem:$0x3FFE];
	[sflag:s23] =	ssyncadd.s32 $0xFFFFFFFF  }
0xab: {  	s26 =	simm.s32 $execute0_lowered;
	[smem:$0x3FD2] =	sst s25  }
0xac: {  	s6 =	sshll.u32 s26, $0x1;
	_ =	strace $0x80000046;
	[dreg:$0x1] =	wrdreg $0xFFFFFFFF  }
0xad: {  	s28 =	simm.s32 $_size_execute0_lowered;
	s4 =	sadd.s32 s4, s6;
	[dreg:$0x0] =	wrdreg $0x0  }
0xae: {  	s6 =	sshll.u32 s28, $0x1;
	[dreg:$0x2] =	wrdreg s4  }
0xaf: {  	[dreg:$0x3] =	wrdreg s6  }
0xb0: {  	[dreg:$0x4] =	wrdreg $0xC0  }
0xb1: {  	_ =	task [dreg:s8], $0x5FFFF  }
0xb2: {  	[dreg:$0x1] =	wrdreg $0xFFFFFFFF  }
0xb3: {  	[dreg:$0x0] =	wrdreg $0x60  }
0xb4: {  	[dreg:$0x2] =	wrdreg s15  }
0xb5: {  	[dreg:$0x3] =	wrdreg s24  }
0xb6: {  	[dreg:$0x4] =	wrdreg s16  }
0xb7: {  	[dreg:$0x5] =	wrdreg $0x9  }
0xb8: {  	_ =	task.clear_ibuf [dreg:s8], $0x6FFFF;
	_ =	strace $0x90000046  }
0xb9: {  	s29 =	simm.s32 $0x9;
	_ =	strace $0x80000048  }
0xba: {  	_ =	swait.ge [sflag:s29], $0x1  }
0xbb: {  	[sflag:s29] =	ssyncadd.s32 $0xFFFFFFFF  }
0xbc: {  	_ =	strace $0x90000048  }
0xbd: {  	_ =	sfence  }
0xbe: {  	s30 =	sld [smem:$0x0];
	_ =	sdelay $0x2  }
0xbf: {  	s31 =	sshll.u32 s1, $0xD;
	s1 =	sshrl.u32 s1, $0x2  }
0xc0: {  	s3 =	sand.u32 $0x4000, s31;
	s1 =	sadd.s32 s1, s30  }
0xc1: {  	s0 =	sor.u32 s3, s0;
	s1 =	sshll.u32 s1, $0x11  }
0xc2: {  	s0 =	sor.u32 s1, s0  }
0xc3: {  	s0 =	sadd.s32 $0x8F2B, s0  }
0xc4: {  	[sflag:s0] =	ssyncadd.remote.s32 $0x1  }
0xc5: {  	_ =	sfence.sel $0xFFFF  }
0xc6: {  	[dreg:$0x0] =	wrdreg $0xFFFFFFFF;
	(pc) =	sbr.abs _section_cstart, $3  }
0xc7: {  	[dreg:$0x1] =	wrdreg $0xFFFFFFFF  }
0xc8: {  	_ =	task.clear_ibuf [dreg:s8], $0x2FFFF;
	_ =	strace $0x9FFFFFFF  }
0xc9: {  	(tm) =	ssettm $0x7FFFFFFF  }
tec
execute0_lowered:
.L_overlay_start_1:
0x0: {  	(tag) =	ssettag $0x1  }
0x1: {  	s1 =	rddreg [dreg:$0x0]  }
0x2: {  	s0 =	rddreg [dreg:$0x1]  }
0x3: {  	s2 =	rddreg [dreg:$0x2];
	s3 =	simm.s32 $0x0;
	s4 =	srdreg.scid  }
0x4: {  	s6 =	stileid.u32;
	s19 =	simm.s32 $0x1;
	s16 =	simm.s32 $0x2  }
0x5: {  	s29 =	simm.s32 $0xF900;
	s30 =	simm.s32 $0x10100;
	s31 =	simm.s32 $0x10900  }
0x6: {  	s14 =	simm.s32 $0x4;
	s17 =	simm.s32 $0x0;
	[smem:$0x7FF] =	sst s3  }
0x7: {  	s5 =	sand.u32 $0x1, s4;
	s6 =	sshll.u32 s6, $0x1;
	s4 =	sadd.s32 $0x20A00, s0  }
0x8: {  	_ =	strace $0x80000047;
	s7 =	ssub.s32 $0x2, s5;
	s6 =	sor.u32 s5, s6  }
0x9: {  	s5 =	sadd.s32 $0xA00, s0;
	s23 =	sshrl.u32 s7, $0x1;
	s8 =	sshll.u32 s6, $0x8  }
0xa: {  	s25 =	sshll.u32 s6, $0xC;
	s6 =	sshll.u32 s6, $0xE;
	s0 =	ssub.s32 s7, s23  }
0xb: {  	s24 =	sadd.s32 s4, s8;
	s7 =	sadd.s32 s5, s25;
	s26 =	sor.u32 $0x8, s8  }
0xc: {  	s9 =	sadd.s32 s1, s6;
	s13 =	sadd.s32 s2, s6;
	s28 =	sor.u32 $0x10, s8  }
0xd: {  	s15 =	sor.u32 $0x18, s8;
	s2 =	simm.s32 $0x11900;
	[dreg:$0x4] =	wrdreg s24  }
0xe: {  	s6 =	simm.s32 $0x12100;
	s8 =	simm.s32 $0x12900;
	[dreg:$0x5] =	wrdreg s7  }
0xf: {  	[dreg:$0x6] =	wrdreg s9;
	s9 =	sadd.s32 $0x100, s1;
	s10 =	sshll.u32 s26, $0x4  }
.Ltmp0:
0x10: {  	s11 =	sadd.s32 s4, s26;
	[dreg:$0xa] =	wrdreg s28;
	(pc) =	sbr.rel .LBB2_1-.Ltmp0, $4  }
0x11: {  	s7 =	sshll.u32 s26, $0x6;
	s0 =	smax.u32 s0, $0x1;
	[dreg:$0x7] =	wrdreg s11  }
0x12: {  	v2 =	vlaneseq.u32;
	s10 =	sadd.s32 s5, s10;
	s7 =	sadd.s32 s1, s7;
	[dreg:$0xb] =	wrdreg s0  }
0x13: {  	vm0 =	vmmov $0xffff;
	v1 =	vshrl.u32 v2, $0x3;
	s0 =	simm.s32 $0x11100;
	s11 =	simm.s32 $0x13900;
	[dreg:$0x8] =	wrdreg s10  }
0x14: {  	v0 =	vand.u32 $0x7, v2;
	v2 =	vor.u32 $0x8, v2;
	v1 =	vmul.u32 $0x8, v1;
	[dreg:$0x9] =	wrdreg s7;
	s7 =	simm.s32 $0x3;
	s10 =	simm.s32 $0x6  }
.LBB2_40:
0x15: {  	s12 =	simm.s32 $0x5  }
0x16: {  	_ =	swait.ge [sflag:s12], $0x1000  }
0x17: {  	[sflag:s12] =	ssyncset.done $0x0  }
0x18: {  	[sflag:s12] =	ssyncadd.s32 $0xFFFFF000  }
0x19: {  	_ =	swait.ge [sflag:s10], $0x1000  }
0x1a: {  	s17 =	rddreg [dreg:$0xc]  }
0x1b: {  	s28 =	rddreg [dreg:$0xb];
	s17 =	sadd.s32 $0x1, s17  }
0x1c: {  	p0 =	sne.s32 s17, s28  }
.Ltmp1:
0x1d: {  	_ = 	snop;
	(pc) =	sbr.rel @!p0 .LBB2_41-.Ltmp1, $3  }
0x1e: {  	_ =	sdelay $0x1  }
0x1f: {  	[sflag:s10] =	ssyncset.done $0x0  }
0x20: {  	[sflag:s10] =	ssyncadd.s32 $0xFFFFF000  }
.LBB2_1:
0x21: {  	[dreg:$0xc] =	wrdreg s17  }
0x22: {  	s12 =	rddreg [dreg:$0x4]  }
0x23: {  	[tilespmem:s3], [sflag:$0x1] =	stream.linear.gather [hbm4b:s12+s3], $0x40, $0x38;
	[tilespmem:$0x14900] =	vst v63  }
0x24: {  	s22 =	rddreg [dreg:$0x5];
	s23 =	simm.s32 $0x100  }
0x25: {  	[tilespmem:s23], [sflag:$0x1] =	stream.linear.gather [hbm4b:s22+s3], $0x400, $0x38;
	[tilespmem:$0x14900] =	vst v63  }
0x26: {  	s24 =	rddreg [dreg:$0x6];
	s25 =	simm.s32 $0x900  }
0x27: {  	[tilespmem:s25], [sflag:$0x1] =	stream.linear.gather [hbm4b:s24+s3], $0x1000, $0x38;
	[tilespmem:$0x14900] =	vst v63  }
0x28: {  	_ =	swait.ge [sflag:s19], $0x40  }
0x29: {  	[sflag:s19] =	ssyncset.done $0x0  }
0x2a: {  	[sflag:s19] =	ssyncadd.s32 $0xFFFFFFC0  }
0x2b: {  	_ =	swait.ge [sflag:s19], $0x400  }
0x2c: {  	[sflag:s19] =	ssyncset.done $0x0  }
0x2d: {  	[sflag:s19] =	ssyncadd.s32 $0xFFFFFC00  }
0x2e: {  	_ =	swait.ge [sflag:s19], $0x1000  }
0x2f: {  	[sflag:s19] =	ssyncset.done $0x0  }
0x30: {  	[sflag:s19] =	ssyncadd.s32 $0xFFFFF000  }
0x31: {  	v3 =	vld [tilespmem:$0x0];
	_ =	sdelay $0x4  }
0x32: {  	v4 =	vshll.u32 v3, $0x2  }
0x33: {  	v3 =	vand.u32 $0x7, v3;
	v4 =	vand.u32 $0xFFFFFFE0, v4  }
0x34: {  	v3 =	vor.u32 v3, v4  }
0x35: {  	v4 =	vperm.xlane v3, v0;
	_ =	sdelay $0x1  }
0x36: {  	v4 =	vadd.s32 v1, v4;
	_ =	sdelay $0x1  }
0x37: {  	v3 =	vperm.xlane v3, v2;
	_ =	sdelay $0x1  }
0x38: {  	s26 =	simm.s32 $0x2900;
	v3 =	vadd.s32 v1, v3  }
0x39: {  	[tilespmem:s26], [sflag:$0x3] =	stream.indirect_vreg.gather [hbm4b:s1+s3], $0x80, v4, vm0, $0xb8;
	[tilespmem:$0x14900] =	vst v63  }
0x3a: {  	s28 =	simm.s32 $0x3100  }
0x3b: {  	[tilespmem:s28], [sflag:$0x3] =	stream.indirect_vreg.gather [hbm4b:s9+s3], $0x80, v4, vm0, $0xb8;
	[tilespmem:$0x14900] =	vst v63  }
0x3c: {  	s17 =	simm.s32 $0x3900  }
0x3d: {  	[tilespmem:s17], [sflag:$0x3] =	stream.indirect_vreg.gather [hbm4b:s1+s3], $0x80, v3, vm0, $0xb8;
	[tilespmem:$0x14900] =	vst v63  }
0x3e: {  	s18 =	simm.s32 $0x4100  }
0x3f: {  	[tilespmem:s18], [sflag:$0x3] =	stream.indirect_vreg.gather [hbm4b:s9+s3], $0x80, v3, vm0, $0xb8;
	[tilespmem:$0x14900] =	vst v63  }
0x40: {  	v3 =	vld [tilespmem:$0x10];
	_ =	sdelay $0x4  }
0x41: {  	v61 =	vshll.u32 v3, $0x2  }
0x42: {  	v3 =	vand.u32 $0x7, v3;
	v4 =	vand.u32 $0xFFFFFFE0, v61  }
0x43: {  	v3 =	vor.u32 v3, v4  }
0x44: {  	v4 =	vperm.xlane v3, v0;
	_ =	sdelay $0x1  }
0x45: {  	v4 =	vadd.s32 v1, v4;
	_ =	sdelay $0x1  }
0x46: {  	v3 =	vperm.xlane v3, v2;
	_ =	sdelay $0x1  }
0x47: {  	s20 =	simm.s32 $0x4900;
	v3 =	vadd.s32 v1, v3  }
0x48: {  	[tilespmem:s20], [sflag:$0x3] =	stream.indirect_vreg.gather [hbm4b:s1+s3], $0x80, v4, vm0, $0xb8;
	[tilespmem:$0x14900] =	vst v63  }
0x49: {  	s21 =	simm.s32 $0x5100  }
0x4a: {  	[tilespmem:s21], [sflag:$0x3] =	stream.indirect_vreg.gather [hbm4b:s9+s3], $0x80, v4, vm0, $0xb8;
	[tilespmem:$0x14900] =	vst v63  }
0x4b: {  	s22 =	simm.s32 $0x5900  }
0x4c: {  	[tilespmem:s22], [sflag:$0x3] =	stream.indirect_vreg.gather [hbm4b:s1+s3], $0x80, v3, vm0, $0xb8;
	[tilespmem:$0x14900] =	vst v63  }
0x4d: {  	s23 =	simm.s32 $0x6100  }
0x4e: {  	[tilespmem:s23], [sflag:$0x3] =	stream.indirect_vreg.gather [hbm4b:s9+s3], $0x80, v3, vm0, $0xb8;
	[tilespmem:$0x14900] =	vst v63  }
0x4f: {  	v3 =	vld [tilespmem:$0x20];
	_ =	sdelay $0x4  }
0x50: {  	v62 =	vshll.u32 v3, $0x2  }
0x51: {  	v3 =	vand.u32 $0x7, v3;
	v4 =	vand.u32 $0xFFFFFFE0, v62  }
0x52: {  	v3 =	vor.u32 v3, v4  }
0x53: {  	v4 =	vperm.xlane v3, v0;
	_ =	sdelay $0x1  }
0x54: {  	v4 =	vadd.s32 v1, v4;
	_ =	sdelay $0x1  }
0x55: {  	v3 =	vperm.xlane v3, v2;
	_ =	sdelay $0x1  }
0x56: {  	s24 =	simm.s32 $0x6900;
	v3 =	vadd.s32 v1, v3  }
0x57: {  	[tilespmem:s24], [sflag:$0x3] =	stream.indirect_vreg.gather [hbm4b:s1+s3], $0x80, v4, vm0, $0xb8;
	[tilespmem:$0x14900] =	vst v63  }
0x58: {  	s25 =	simm.s32 $0x7100  }
0x59: {  	[tilespmem:s25], [sflag:$0x3] =	stream.indirect_vreg.gather [hbm4b:s9+s3], $0x80, v4, vm0, $0xb8;
	[tilespmem:$0x14900] =	vst v63  }
0x5a: {  	s26 =	simm.s32 $0x7900  }
0x5b: {  	[tilespmem:s26], [sflag:$0x3] =	stream.indirect_vreg.gather [hbm4b:s1+s3], $0x80, v3, vm0, $0xb8;
	[tilespmem:$0x14900] =	vst v63  }
0x5c: {  	s28 =	simm.s32 $0x8100  }
0x5d: {  	[tilespmem:s28], [sflag:$0x3] =	stream.indirect_vreg.gather [hbm4b:s9+s3], $0x80, v3, vm0, $0xb8;
	[tilespmem:$0x14900] =	vst v63  }
0x5e: {  	v3 =	vld [tilespmem:$0x30];
	_ =	sdelay $0x4  }
0x5f: {  	v63 =	vshll.u32 v3, $0x2  }
0x60: {  	v3 =	vand.u32 $0x7, v3;
	v4 =	vand.u32 $0xFFFFFFE0, v63  }
0x61: {  	v3 =	vor.u32 v3, v4  }
0x62: {  	v4 =	vperm.xlane v3, v0;
	_ =	sdelay $0x1  }
0x63: {  	v4 =	vadd.s32 v1, v4;
	_ =	sdelay $0x1  }
0x64: {  	v3 =	vperm.xlane v3, v2;
	_ =	sdelay $0x1  }
0x65: {  	s17 =	simm.s32 $0x8900;
	v3 =	vadd.s32 v1, v3  }
0x66: {  	[tilespmem:s17], [sflag:$0x3] =	stream.indirect_vreg.gather [hbm4b:s1+s3], $0x80, v4, vm0, $0xb8;
	[tilespmem:$0x14900] =	vst v63  }
0x67: {  	s18 =	simm.s32 $0x9100  }
0x68: {  	[tilespmem:s18], [sflag:$0x3] =	stream.indirect_vreg.gather [hbm4b:s9+s3], $0x80, v4, vm0, $0xb8;
	[tilespmem:$0x14900] =	vst v63  }
0x69: {  	s20 =	simm.s32 $0x9900  }
0x6a: {  	[tilespmem:s20], [sflag:$0x3] =	stream.indirect_vreg.gather [hbm4b:s1+s3], $0x80, v3, vm0, $0xb8;
	[tilespmem:$0x14900] =	vst v63  }
0x6b: {  	s21 =	simm.s32 $0xA100  }
0x6c: {  	[tilespmem:s21], [sflag:$0x3] =	stream.indirect_vreg.gather [hbm4b:s9+s3], $0x80, v3, vm0, $0xb8;
	[tilespmem:$0x14900] =	vst v63  }
0x6d: {  	s22 =	rddreg [dreg:$0x7];
	s23 =	simm.s32 $0x80  }
0x6e: {  	[tilespmem:s23], [sflag:$0x2] =	stream.linear.gather [hbm4b:s22+s3], $0x40, $0x38;
	[tilespmem:$0x14900] =	vst v63  }
0x6f: {  	s24 =	rddreg [dreg:$0x8];
	s25 =	simm.s32 $0x500  }
0x70: {  	[tilespmem:s25], [sflag:$0x2] =	stream.linear.gather [hbm4b:s24+s3], $0x400, $0x38;
	[tilespmem:$0x14900] =	vst v63  }
0x71: {  	s12 =	simm.s32 $0x0;
	s26 =	rddreg [dreg:$0x9];
	s28 =	simm.s32 $0x1900  }
0x72: {  	[tilespmem:s28], [sflag:$0x2] =	stream.linear.gather [hbm4b:s26+s3], $0x1000, $0x38;
	[tilespmem:$0x14900] =	vst v63  }
.LBB2_2:
0x73: {  	_ =	swait.ge [sflag:s16], $0x40  }
0x74: {  	[sflag:s16] =	ssyncset.done $0x0  }
0x75: {  	[sflag:s16] =	ssyncadd.s32 $0xFFFFFFC0  }
0x76: {  	_ =	swait.ge [sflag:s16], $0x400  }
0x77: {  	[sflag:s16] =	ssyncset.done $0x0  }
0x78: {  	[sflag:s16] =	ssyncadd.s32 $0xFFFFFC00  }
0x79: {  	_ =	swait.ge [sflag:s16], $0x1000  }
0x7a: {  	[sflag:s16] =	ssyncset.done $0x0  }
0x7b: {  	[sflag:s16] =	ssyncadd.s32 $0xFFFFF000  }
0x7c: {  	v3 =	vld [tilespmem:$0x80];
	_ =	sdelay $0x4  }
0x7d: {  	v4 =	vshll.u32 v3, $0x2  }
0x7e: {  	v3 =	vand.u32 $0x7, v3;
	v4 =	vand.u32 $0xFFFFFFE0, v4  }
0x7f: {  	v3 =	vor.u32 v3, v4  }
0x80: {  	v4 =	vperm.xlane v3, v0;
	_ =	sdelay $0x1  }
0x81: {  	v4 =	vadd.s32 v1, v4;
	_ =	sdelay $0x1  }
0x82: {  	v3 =	vperm.xlane v3, v2;
	_ =	sdelay $0x1  }
0x83: {  	s17 =	simm.s32 $0xA900;
	v3 =	vadd.s32 v1, v3  }
0x84: {  	[tilespmem:s17], [sflag:$0x4] =	stream.indirect_vreg.gather [hbm4b:s1+s3], $0x80, v4, vm0, $0xb8;
	[tilespmem:$0x14900] =	vst v63  }
0x85: {  	s24 =	simm.s32 $0xB100  }
0x86: {  	[tilespmem:s24], [sflag:$0x4] =	stream.indirect_vreg.gather [hbm4b:s9+s3], $0x80, v4, vm0, $0xb8;
	[tilespmem:$0x14900] =	vst v63  }
0x87: {  	s25 =	simm.s32 $0xB900  }
0x88: {  	[tilespmem:s25], [sflag:$0x4] =	stream.indirect_vreg.gather [hbm4b:s1+s3], $0x80, v3, vm0, $0xb8;
	[tilespmem:$0x14900] =	vst v63  }
0x89: {  	s26 =	simm.s32 $0xC100  }
0x8a: {  	[tilespmem:s26], [sflag:$0x4] =	stream.indirect_vreg.gather [hbm4b:s9+s3], $0x80, v3, vm0, $0xb8;
	[tilespmem:$0x14900] =	vst v63  }
0x8b: {  	v3 =	vld [tilespmem:$0x90];
	_ =	sdelay $0x4  }
0x8c: {  	v4 =	vshll.u32 v3, $0x2  }
0x8d: {  	v3 =	vand.u32 $0x7, v3;
	v4 =	vand.u32 $0xFFFFFFE0, v4  }
0x8e: {  	v3 =	vor.u32 v3, v4  }
0x8f: {  	v4 =	vperm.xlane v3, v0;
	_ =	sdelay $0x1  }
0x90: {  	v4 =	vadd.s32 v1, v4;
	_ =	sdelay $0x1  }
0x91: {  	v3 =	vperm.xlane v3, v2;
	_ =	sdelay $0x1  }
0x92: {  	s18 =	simm.s32 $0xC900;
	v3 =	vadd.s32 v1, v3  }
0x93: {  	[tilespmem:s18], [sflag:$0x4] =	stream.indirect_vreg.gather [hbm4b:s1+s3], $0x80, v4, vm0, $0xb8;
	[tilespmem:$0x14900] =	vst v63  }
0x94: {  	s20 =	simm.s32 $0xD100  }
0x95: {  	[tilespmem:s20], [sflag:$0x4] =	stream.indirect_vreg.gather [hbm4b:s9+s3], $0x80, v4, vm0, $0xb8;
	[tilespmem:$0x14900] =	vst v63  }
0x96: {  	s21 =	simm.s32 $0xD900  }
0x97: {  	[tilespmem:s21], [sflag:$0x4] =	stream.indirect_vreg.gather [hbm4b:s1+s3], $0x80, v3, vm0, $0xb8;
	[tilespmem:$0x14900] =	vst v63  }
0x98: {  	s22 =	simm.s32 $0xE100  }
0x99: {  	[tilespmem:s22], [sflag:$0x4] =	stream.indirect_vreg.gather [hbm4b:s9+s3], $0x80, v3, vm0, $0xb8;
	[tilespmem:$0x14900] =	vst v63  }
0x9a: {  	v3 =	vld [tilespmem:$0xA0];
	_ =	sdelay $0x4  }
0x9b: {  	v4 =	vshll.u32 v3, $0x2  }
0x9c: {  	v3 =	vand.u32 $0x7, v3;
	v4 =	vand.u32 $0xFFFFFFE0, v4  }
0x9d: {  	v3 =	vor.u32 v3, v4  }
0x9e: {  	v4 =	vperm.xlane v3, v0;
	_ =	sdelay $0x1  }
0x9f: {  	v4 =	vadd.s32 v1, v4;
	_ =	sdelay $0x1  }
0xa0: {  	v3 =	vperm.xlane v3, v2;
	_ =	sdelay $0x1  }
0xa1: {  	s23 =	simm.s32 $0xE900;
	v3 =	vadd.s32 v1, v3  }
0xa2: {  	[tilespmem:s23], [sflag:$0x4] =	stream.indirect_vreg.gather [hbm4b:s1+s3], $0x80, v4, vm0, $0xb8;
	[tilespmem:$0x14900] =	vst v63  }
0xa3: {  	s24 =	simm.s32 $0xF100  }
0xa4: {  	[tilespmem:s24], [sflag:$0x4] =	stream.indirect_vreg.gather [hbm4b:s9+s3], $0x80, v4, vm0, $0xb8;
	[tilespmem:$0x14900] =	vst v63  }
0xa5: {  	_ = 	snop  }
0xa6: {  	[tilespmem:s29], [sflag:$0x4] =	stream.indirect_vreg.gather [hbm4b:s1+s3], $0x80, v3, vm0, $0xb8;
	[tilespmem:$0x14900] =	vst v63  }
0xa7: {  	_ = 	snop  }
0xa8: {  	[tilespmem:s30], [sflag:$0x4] =	stream.indirect_vreg.gather [hbm4b:s9+s3], $0x80, v3, vm0, $0xb8;
	[tilespmem:$0x14900] =	vst v63  }
0xa9: {  	v3 =	vld [tilespmem:$0xB0];
	_ =	sdelay $0x4  }
0xaa: {  	v4 =	vshll.u32 v3, $0x2  }
0xab: {  	v3 =	vand.u32 $0x7, v3;
	v4 =	vand.u32 $0xFFFFFFE0, v4  }
0xac: {  	v3 =	vor.u32 v3, v4  }
0xad: {  	v4 =	vperm.xlane v3, v0;
	_ =	sdelay $0x1  }
0xae: {  	v4 =	vadd.s32 v1, v4;
	_ =	sdelay $0x1  }
0xaf: {  	v3 =	vperm.xlane v3, v2;
	_ =	sdelay $0x1  }
0xb0: {  	v3 =	vadd.s32 v1, v3  }
0xb1: {  	[tilespmem:s31], [sflag:$0x4] =	stream.indirect_vreg.gather [hbm4b:s1+s3], $0x80, v4, vm0, $0xb8;
	[tilespmem:$0x14900] =	vst v63  }
0xb2: {  	_ = 	snop  }
0xb3: {  	[tilespmem:s0], [sflag:$0x4] =	stream.indirect_vreg.gather [hbm4b:s9+s3], $0x80, v4, vm0, $0xb8;
	[tilespmem:$0x14900] =	vst v63  }
0xb4: {  	_ = 	snop  }
0xb5: {  	[tilespmem:s2], [sflag:$0x4] =	stream.indirect_vreg.gather [hbm4b:s1+s3], $0x80, v3, vm0, $0xb8;
	[tilespmem:$0x14900] =	vst v63  }
0xb6: {  	_ = 	snop  }
0xb7: {  	[tilespmem:s6], [sflag:$0x4] =	stream.indirect_vreg.gather [hbm4b:s9+s3], $0x80, v3, vm0, $0xb8;
	[tilespmem:$0x14900] =	vst v63  }
0xb8: {  	_ =	swait.ge [sflag:s7], $0x8000  }
0xb9: {  	p0 =	seq.s32 s12, $0x0;
	[sflag:s7] =	ssyncset.done $0x0  }
0xba: {  	s17 =	simm.s32 @!p0 $0x5;
	[sflag:s7] =	ssyncadd.s32 $0xFFFF8000  }
0xbb: {  	_ =	swait.ge @!p0 [sflag:s17], $0x1000  }
0xbc: {  	[sflag:s17] =	ssyncset.done @!p0 $0x0  }
0xbd: {  	[sflag:s17] =	ssyncadd.s32 @!p0 $0xFFFFF000  }
0xbe: {  	v9 =	vld [tilespmem:$0x100]  }
0xbf: {  	v8 =	vld [tilespmem:$0x110]  }
0xc0: {  	v7 =	vld [tilespmem:$0x120]  }
0xc1: {  	s25 =	simm.s32 $0x0;
	v6 =	vld [tilespmem:$0x130]  }
0xc2: {  	s18 =	sand.u32 $0x70, s25;
	s20 =	sand.u32 $0xC00, s25;
	v4 =	vld [tilespmem:$0x140]  }
0xc3: {  	s20 =	sor.u32 s18, s20;
	v3 =	vld [tilespmem:$0x150]  }
0xc4: {  	v10 =	vld [tilespmem:s20+$0x2900]  }
0xc5: {  	v11 =	vld [tilespmem:s20+$0x900]  }
0xc6: {  	v12 =	vld [tilespmem:s20+$0x2980]  }
0xc7: {  	v5 =	vld [tilespmem:$0x160]  }
0xc8: {  	v13 =	vld [tilespmem:s20+$0x2A00]  }
0xc9: {  	v14 =	vld [tilespmem:s20+$0x2A80];
	v10 =	vmul.f32 v10, v9  }
0xca: {  	s21 =	simm.s32 $0x10;
	s22 =	simm.s32 $0x80;
	v15 =	vld [tilespmem:s20+$0x2C00]  }
0xcb: {  	s26 =	sand.u32 $0x70, s21;
	s23 =	sand.u32 $0xC00, s22;
	v16 =	vld [tilespmem:s20+$0x2B80];
	v10 =	vadd.f32 v10, v11;
	v11 =	vmul.f32 v12, v8  }
0xcc: {  	s18 =	sor.u32 s26, s23;
	v12 =	vld [tilespmem:s20+$0x2B00]  }
0xcd: {  	v17 =	vld [tilespmem:s18+$0x900];
	v13 =	vmul.f32 v13, v7;
	v10 =	vadd.f32 v11, v10  }
0xce: {  	v11 =	vld [tilespmem:s18+$0x2900]  }
0xcf: {  	v18 =	vld [tilespmem:s18+$0x2980];
	v14 =	vmul.f32 v14, v6;
	v13 =	vadd.f32 v13, v10  }
0xd0: {  	s17 =	sor.u32 s25, s25;
	v20 =	vld [tilespmem:s18+$0x2A00]  }
0xd1: {  	s17 =	sor.u32 $0x380, s17;
	v10 =	vld [tilespmem:$0x170];
	v13 =	vadd.f32 v14, v13;
	v14 =	vmul.f32 v12, v4  }
0xd2: {  	v12 =	vld [tilespmem:s17+$0x2900]  }
0xd3: {  	v19 =	vmul.f32 v16, v3;
	v11 =	vmul.f32 v11, v9;
	v14 =	vadd.f32 v14, v13  }
0xd4: {  	s23 =	simm.s32 $0x100;
	v15 =	vmul.f32 v15, v5;
	v13 =	vld [tilespmem:s18+$0x2A80]  }
0xd5: {  	s24 =	simm.s32 $0x20;
	s28 =	sand.u32 $0xC00, s23;
	v16 =	vadd.f32 v11, v17;
	v11 =	vld [tilespmem:s18+$0x2C00];
	v17 =	vmul.f32 v18, v8;
	v19 =	vadd.f32 v19, v14  }
0xd6: {  	s26 =	sand.u32 $0x70, s24;
	s25 =	simm.s32 $0x30;
	s17 =	sshll.u32 s12, $0x4;
	v18 =	vmul.f32 v20, v7;
	v14 =	vld [tilespmem:s18+$0x2B00]  }
.LBB2_3:
0xd7: {  	p1 =	sne.s32 s25, $0x1F0;
	s26 =	sor.u32 s26, s28;
	v16 =	vadd.f32 v17, v16;
	v17 =	vld [tilespmem:s18+$0x2B80];
	v15 =	vadd.f32 v15, v19;
	v12 =	vmul.f32 v12, v10  }
0xd8: {  	v19 =	vld [tilespmem:s26+$0x2900]  }
0xd9: {  	v20 =	vld [tilespmem:s26+$0x900];
	v16 =	vadd.f32 v18, v16;
	v13 =	vmul.f32 v13, v6;
	v12 =	vadd.f32 v12, v15  }
0xda: {  	s28 =	sor.u32 s22, s21;
	s22 =	smov.u32 s23;
	s21 =	smov.u32 s24;
	v18 =	vld [tilespmem:s26+$0x2980]  }
0xdb: {  	s24 =	sor.u32 $0x380, s28;
	v21 =	vld [tilespmem:s26+$0x2A00];
	v13 =	vadd.f32 v13, v16;
	v14 =	vmul.f32 v14, v4;
	[tilespmem:s20+$0x12900] =	vst v12;
	s20 =	smov.u32 s18;
	s18 =	smov.u32 s26  }
.Ltmp2:
0xdc: {  	v12 =	vld [tilespmem:s24+$0x2900];
	s24 =	smov.u32 s25;
	(pc) =	sbr.rel @p1 .LBB2_3-.Ltmp2, $4  }
0xdd: {  	v16 =	vmul.f32 v19, v9;
	v14 =	vadd.f32 v14, v13;
	v19 =	vmul.f32 v17, v3  }
0xde: {  	v15 =	vmul.f32 v11, v5;
	v13 =	vld [tilespmem:s18+$0x2A80]  }
0xdf: {  	s23 =	sadd.s32 $0x80, s23;
	v16 =	vadd.f32 v16, v20;
	v17 =	vmul.f32 v18, v8;
	v11 =	vld [tilespmem:s18+$0x2C00];
	v19 =	vadd.f32 v19, v14  }
0xe0: {  	s28 =	sand.u32 $0xC00, s23;
	s25 =	sadd.s32 $0x10, s25;
	s26 =	sand.u32 $0x70, s24;
	v18 =	vmul.f32 v21, v7;
	v14 =	vld [tilespmem:s18+$0x2B00]  }
0xe1: {  	s25 =	sor.u32 s26, s28;
	v20 =	vld [tilespmem:s18+$0x2B80];
	v16 =	vadd.f32 v17, v16;
	v15 =	vadd.f32 v15, v19;
	v12 =	vmul.f32 v12, v10  }
0xe2: {  	v17 =	vld [tilespmem:s25+$0x2900]  }
0xe3: {  	v19 =	vld [tilespmem:s25+$0x900];
	v16 =	vadd.f32 v18, v16;
	v13 =	vmul.f32 v13, v6;
	v12 =	vadd.f32 v12, v15  }
0xe4: {  	s21 =	sor.u32 s22, s21;
	v15 =	vld [tilespmem:s25+$0x2980]  }
0xe5: {  	s21 =	sor.u32 $0x380, s21;
	v18 =	vld [tilespmem:s25+$0x2A00];
	v13 =	vadd.f32 v13, v16;
	v14 =	vmul.f32 v14, v4;
	[tilespmem:s20+$0x12900] =	vst v12  }
0xe6: {  	v12 =	vld [tilespmem:s21+$0x2900]  }
0xe7: {  	v9 =	vmul.f32 v17, v9;
	v13 =	vadd.f32 v14, v13;
	v14 =	vmul.f32 v20, v3  }
0xe8: {  	v11 =	vmul.f32 v11, v5;
	v16 =	vld [tilespmem:s25+$0x2A80]  }
0xe9: {  	v8 =	vmul.f32 v15, v8;
	v9 =	vadd.f32 v9, v19;
	v13 =	vadd.f32 v14, v13  }
0xea: {  	v7 =	vmul.f32 v18, v7;
	v14 =	vld [tilespmem:s25+$0x2B00]  }
0xeb: {  	v8 =	vadd.f32 v8, v9;
	v9 =	vadd.f32 v11, v13;
	v11 =	vmul.f32 v12, v10  }
0xec: {  	v12 =	vld [tilespmem:s25+$0x2B80]  }
0xed: {  	v6 =	vmul.f32 v16, v6;
	v7 =	vadd.f32 v7, v8;
	v8 =	vadd.f32 v11, v9  }
0xee: {  	s22 =	sor.u32 s23, s24;
	v9 =	vld [tilespmem:s25+$0x2C00]  }
0xef: {  	s20 =	sor.u32 $0x380, s22;
	v4 =	vmul.f32 v14, v4;
	v6 =	vadd.f32 v6, v7;
	[tilespmem:s18+$0x12900] =	vst v8  }
0xf0: {  	v7 =	vld [tilespmem:s20+$0x2900]  }
0xf1: {  	v3 =	vmul.f32 v12, v3;
	v4 =	vadd.f32 v4, v6;
	_ =	sdelay $0x1  }
0xf2: {  	v5 =	vmul.f32 v9, v5;
	v3 =	vadd.f32 v3, v4;
	_ =	sdelay $0x1  }
0xf3: {  	v3 =	vadd.f32 v5, v3;
	v4 =	vmul.f32 v7, v10;
	_ =	sdelay $0x1  }
0xf4: {  	v3 =	vadd.f32 v4, v3;
	_ =	sdelay $0x1  }
0xf5: {  	[tilespmem:s25+$0x12900] =	vst v3  }
0xf6: {  	v10 =	vld [tilespmem:$0x180]  }
0xf7: {  	v9 =	vld [tilespmem:$0x190]  }
0xf8: {  	v8 =	vld [tilespmem:$0x1A0]  }
0xf9: {  	s23 =	simm.s32 $0x0;
	v7 =	vld [tilespmem:$0x1B0]  }
0xfa: {  	s24 =	sand.u32 $0x70, s23;
	s18 =	sand.u32 $0xC00, s23;
	v6 =	vld [tilespmem:$0x1C0]  }
0xfb: {  	s20 =	sor.u32 s18, s24;
	v4 =	vld [tilespmem:$0x1D0]  }
0xfc: {  	v11 =	vld [tilespmem:s20+$0x3900]  }
0xfd: {  	v12 =	vld [tilespmem:s20+$0x980]  }
0xfe: {  	v13 =	vld [tilespmem:s20+$0x3980]  }
0xff: {  	v5 =	vld [tilespmem:$0x1E0]  }
0x100: {  	v14 =	vld [tilespmem:s20+$0x3A00]  }
0x101: {  	v3 =	vld [tilespmem:$0x1F0];
	v11 =	vmul.f32 v11, v10  }
0x102: {  	s26 =	simm.s32 $0x80;
	s25 =	simm.s32 $0x10;
	v15 =	vld [tilespmem:s20+$0x3A80]  }
0x103: {  	s21 =	sand.u32 $0xC00, s26;
	s18 =	sand.u32 $0x70, s25;
	v16 =	vld [tilespmem:s20+$0x3B80];
	v11 =	vadd.f32 v11, v12;
	v12 =	vmul.f32 v13, v9  }
0x104: {  	s18 =	sor.u32 s21, s18;
	v13 =	vld [tilespmem:s20+$0x3B00]  }
0x105: {  	v17 =	vld [tilespmem:s18+$0x3900];
	v11 =	vadd.f32 v12, v11;
	v12 =	vmul.f32 v14, v8  }
0x106: {  	v20 =	vld [tilespmem:s18+$0x980]  }
0x107: {  	v21 =	vld [tilespmem:s18+$0x3980];
	v15 =	vmul.f32 v15, v7;
	v11 =	vadd.f32 v12, v11  }
0x108: {  	v14 =	vld [tilespmem:s20+$0x3C00]  }
0x109: {  	v12 =	vld [tilespmem:s18+$0x3A00];
	v18 =	vmul.f32 v13, v6;
	v11 =	vadd.f32 v15, v11  }
0x10a: {  	v17 =	vmul.f32 v17, v10;
	v15 =	vld [tilespmem:s20+$0x3C80]  }
0x10b: {  	s28 =	simm.s32 $0x20;
	s21 =	simm.s32 $0x100;
	v19 =	vmul.f32 v16, v4;
	v13 =	vld [tilespmem:s18+$0x3A80];
	v18 =	vadd.f32 v18, v11  }
0x10c: {  	s22 =	simm.s32 $0x30;
	s23 =	sand.u32 $0x70, s28;
	s24 =	sand.u32 $0xC00, s21;
	v16 =	vadd.f32 v17, v20;
	v17 =	vmul.f32 v21, v9;
	v11 =	vld [tilespmem:s18+$0x3B80]  }
.LBB2_5:
0x10d: {  	p1 =	sne.s32 s22, $0x1F0;
	s23 =	sor.u32 s24, s23;
	v20 =	vld [tilespmem:s18+$0x3B00];
	v18 =	vadd.f32 v19, v18;
	v14 =	vmul.f32 v14, v5  }
0x10e: {  	v19 =	vld [tilespmem:s23+$0x3900];
	v16 =	vadd.f32 v17, v16;
	v12 =	vmul.f32 v12, v8  }
0x10f: {  	v17 =	vld [tilespmem:s23+$0x980];
	v18 =	vadd.f32 v14, v18;
	v15 =	vmul.f32 v15, v3  }
0x110: {  	v21 =	vld [tilespmem:s23+$0x3980];
	v16 =	vadd.f32 v12, v16;
	v13 =	vmul.f32 v13, v7  }
.Ltmp3:
0x111: {  	v14 =	vld [tilespmem:s18+$0x3C00];
	v18 =	vadd.f32 v15, v18;
	(pc) =	sbr.rel @p1 .LBB2_5-.Ltmp3, $4  }
0x112: {  	v12 =	vld [tilespmem:s23+$0x3A00];
	v16 =	vadd.f32 v13, v16;
	v20 =	vmul.f32 v20, v6  }
0x113: {  	v22 =	vmul.f32 v19, v10;
	v15 =	vld [tilespmem:s18+$0x3C80];
	[tilespmem:s20+$0x12980] =	vst v18;
	s20 =	smov.u32 s18;
	s18 =	smov.u32 s23  }
0x114: {  	s21 =	sadd.s32 $0x80, s21;
	v19 =	vmul.f32 v11, v4;
	v13 =	vld [tilespmem:s18+$0x3A80];
	v18 =	vadd.f32 v20, v16  }
0x115: {  	s24 =	sand.u32 $0xC00, s21;
	s23 =	sand.u32 $0x70, s22;
	s22 =	sadd.s32 $0x10, s22;
	v16 =	vadd.f32 v22, v17;
	v17 =	vmul.f32 v21, v9;
	v11 =	vld [tilespmem:s18+$0x3B80]  }
0x116: {  	s21 =	sor.u32 s24, s23;
	v20 =	vld [tilespmem:s18+$0x3B00];
	v18 =	vadd.f32 v19, v18;
	v14 =	vmul.f32 v14, v5  }
0x117: {  	v19 =	vld [tilespmem:s21+$0x3900]  }
0x118: {  	v21 =	vld [tilespmem:s21+$0x980];
	v14 =	vadd.f32 v14, v18;
	v15 =	vmul.f32 v15, v3  }
0x119: {  	v18 =	vld [tilespmem:s21+$0x3980]  }
0x11a: {  	v22 =	vld [tilespmem:s18+$0x3C00];
	v14 =	vadd.f32 v15, v14  }
0x11b: {  	v15 =	vld [tilespmem:s21+$0x3A00]  }
0x11c: {  	v23 =	vld [tilespmem:s18+$0x3C80];
	v10 =	vmul.f32 v19, v10;
	[tilespmem:s20+$0x12980] =	vst v14  }
0x11d: {  	v14 =	vld [tilespmem:s21+$0x3A80]  }
0x11e: {  	v9 =	vmul.f32 v18, v9;
	v10 =	vadd.f32 v10, v21  }
0x11f: {  	v16 =	vadd.f32 v17, v16;
	v12 =	vmul.f32 v12, v8;
	v17 =	vld [tilespmem:s21+$0x3B00]  }
0x120: {  	v8 =	vmul.f32 v15, v8;
	v9 =	vadd.f32 v9, v10  }
0x121: {  	v10 =	vadd.f32 v12, v16;
	v12 =	vmul.f32 v13, v7;
	v13 =	vld [tilespmem:s21+$0x3B80]  }
0x122: {  	v8 =	vadd.f32 v8, v9;
	v7 =	vmul.f32 v14, v7  }
0x123: {  	v9 =	vadd.f32 v12, v10;
	v10 =	vmul.f32 v20, v6;
	v12 =	vld [tilespmem:s21+$0x3C00]  }
0x124: {  	v6 =	vmul.f32 v17, v6;
	v7 =	vadd.f32 v7, v8  }
0x125: {  	v8 =	vadd.f32 v10, v9;
	v9 =	vmul.f32 v11, v4;
	v10 =	vld [tilespmem:s21+$0x3C80]  }
0x126: {  	v4 =	vmul.f32 v13, v4;
	v6 =	vadd.f32 v6, v7  }
0x127: {  	v7 =	vadd.f32 v9, v8;
	v8 =	vmul.f32 v22, v5  }
0x128: {  	v5 =	vmul.f32 v12, v5;
	v4 =	vadd.f32 v4, v6  }
0x129: {  	v6 =	vadd.f32 v8, v7;
	v7 =	vmul.f32 v23, v3  }
0x12a: {  	v3 =	vmul.f32 v10, v3;
	v4 =	vadd.f32 v5, v4  }
0x12b: {  	v5 =	vadd.f32 v7, v6  }
0x12c: {  	v3 =	vadd.f32 v3, v4  }
0x12d: {  	[tilespmem:s18+$0x12980] =	vst v5  }
0x12e: {  	[tilespmem:s21+$0x12980] =	vst v3  }
0x12f: {  	v10 =	vld [tilespmem:$0x200]  }
0x130: {  	v9 =	vld [tilespmem:$0x210]  }
0x131: {  	v8 =	vld [tilespmem:$0x220]  }
0x132: {  	s24 =	simm.s32 $0x0;
	v7 =	vld [tilespmem:$0x230]  }
0x133: {  	s25 =	sand.u32 $0x70, s24;
	s18 =	sand.u32 $0xC00, s24;
	v6 =	vld [tilespmem:$0x240]  }
0x134: {  	s20 =	sor.u32 s18, s25;
	v4 =	vld [tilespmem:$0x250]  }
0x135: {  	v11 =	vld [tilespmem:s20+$0x4900]  }
0x136: {  	v12 =	vld [tilespmem:s20+$0xA00]  }
0x137: {  	v13 =	vld [tilespmem:s20+$0x4980]  }
0x138: {  	v5 =	vld [tilespmem:$0x260]  }
0x139: {  	v14 =	vld [tilespmem:s20+$0x4A00]  }
0x13a: {  	v3 =	vld [tilespmem:$0x270];
	v11 =	vmul.f32 v11, v10  }
0x13b: {  	s26 =	simm.s32 $0x10;
	s28 =	simm.s32 $0x80;
	v15 =	vld [tilespmem:s20+$0x4A80]  }
0x13c: {  	s18 =	sand.u32 $0x70, s26;
	s21 =	sand.u32 $0xC00, s28;
	v16 =	vld [tilespmem:s20+$0x4B80];
	v11 =	vadd.f32 v11, v12;
	v12 =	vmul.f32 v13, v9  }
0x13d: {  	s18 =	sor.u32 s21, s18;
	v13 =	vld [tilespmem:s20+$0x4B00]  }
0x13e: {  	v17 =	vld [tilespmem:s18+$0x4900];
	v11 =	vadd.f32 v12, v11;
	v12 =	vmul.f32 v14, v8  }
0x13f: {  	v20 =	vld [tilespmem:s18+$0xA00]  }
0x140: {  	v63 =	vld [tilespmem:s18+$0x4980];
	v15 =	vmul.f32 v15, v7;
	v11 =	vadd.f32 v12, v11  }
0x141: {  	v14 =	vld [tilespmem:s20+$0x4C00]  }
0x142: {  	v12 =	vld [tilespmem:s18+$0x4A00];
	v18 =	vmul.f32 v13, v6;
	v11 =	vadd.f32 v15, v11  }
0x143: {  	v17 =	vmul.f32 v17, v10;
	v15 =	vld [tilespmem:s20+$0x4C80]  }
0x144: {  	s22 =	simm.s32 $0x20;
	s21 =	simm.s32 $0x100;
	v19 =	vmul.f32 v16, v4;
	v13 =	vld [tilespmem:s18+$0x4A80];
	v18 =	vadd.f32 v18, v11  }
0x145: {  	s23 =	sand.u32 $0x70, s22;
	s22 =	simm.s32 $0x30;
	s24 =	sand.u32 $0xC00, s21;
	v16 =	vadd.f32 v17, v20;
	v17 =	vmul.f32 v63, v9;
	v11 =	vld [tilespmem:s18+$0x4B80]  }
.LBB2_7:
0x146: {  	p1 =	sne.s32 s22, $0x1F0;
	s23 =	sor.u32 s24, s23;
	v20 =	vld [tilespmem:s18+$0x4B00];
	v18 =	vadd.f32 v19, v18;
	v14 =	vmul.f32 v14, v5  }
0x147: {  	v19 =	vld [tilespmem:s23+$0x4900];
	v16 =	vadd.f32 v17, v16;
	v12 =	vmul.f32 v12, v8  }
0x148: {  	v17 =	vld [tilespmem:s23+$0xA00];
	v18 =	vadd.f32 v14, v18;
	v15 =	vmul.f32 v15, v3  }
0x149: {  	v21 =	vld [tilespmem:s23+$0x4980];
	v16 =	vadd.f32 v12, v16;
	v13 =	vmul.f32 v13, v7  }
.Ltmp4:
0x14a: {  	v14 =	vld [tilespmem:s18+$0x4C00];
	v18 =	vadd.f32 v15, v18;
	(pc) =	sbr.rel @p1 .LBB2_7-.Ltmp4, $4  }
0x14b: {  	v12 =	vld [tilespmem:s23+$0x4A00];
	v16 =	vadd.f32 v13, v16;
	v20 =	vmul.f32 v20, v6  }
0x14c: {  	v22 =	vmul.f32 v19, v10;
	v15 =	vld [tilespmem:s18+$0x4C80];
	[tilespmem:s20+$0x12A00] =	vst v18;
	s20 =	smov.u32 s18;
	s18 =	smov.u32 s23  }
0x14d: {  	s21 =	sadd.s32 $0x80, s21;
	v19 =	vmul.f32 v11, v4;
	v13 =	vld [tilespmem:s18+$0x4A80];
	v18 =	vadd.f32 v20, v16  }
0x14e: {  	s24 =	sand.u32 $0xC00, s21;
	s23 =	sand.u32 $0x70, s22;
	s22 =	sadd.s32 $0x10, s22;
	v16 =	vadd.f32 v22, v17;
	v17 =	vmul.f32 v21, v9;
	v11 =	vld [tilespmem:s18+$0x4B80]  }
0x14f: {  	s21 =	sor.u32 s24, s23;
	v20 =	vld [tilespmem:s18+$0x4B00];
	v18 =	vadd.f32 v19, v18;
	v14 =	vmul.f32 v14, v5  }
0x150: {  	v48 =	vld [tilespmem:s21+$0x4900]  }
0x151: {  	v21 =	vld [tilespmem:s21+$0xA00];
	v14 =	vadd.f32 v14, v18;
	v15 =	vmul.f32 v15, v3  }
0x152: {  	v49 =	vld [tilespmem:s21+$0x4980]  }
0x153: {  	v22 =	vld [tilespmem:s18+$0x4C00];
	v14 =	vadd.f32 v15, v14  }
0x154: {  	v50 =	vld [tilespmem:s21+$0x4A00]  }
0x155: {  	v23 =	vld [tilespmem:s18+$0x4C80];
	v10 =	vmul.f32 v48, v10;
	[tilespmem:s20+$0x12A00] =	vst v14  }
0x156: {  	v14 =	vld [tilespmem:s21+$0x4A80]  }
0x157: {  	v9 =	vmul.f32 v49, v9;
	v10 =	vadd.f32 v10, v21  }
0x158: {  	v16 =	vadd.f32 v17, v16;
	v12 =	vmul.f32 v12, v8;
	v51 =	vld [tilespmem:s21+$0x4B00]  }
0x159: {  	v8 =	vmul.f32 v50, v8;
	v9 =	vadd.f32 v9, v10  }
0x15a: {  	v52 =	vmul.f32 v13, v7;
	v53 =	vld [tilespmem:s21+$0x4B80];
	v10 =	vadd.f32 v12, v16  }
0x15b: {  	v8 =	vadd.f32 v8, v9;
	v7 =	vmul.f32 v14, v7  }
0x15c: {  	v54 =	vld [tilespmem:s21+$0x4C00];
	v9 =	vadd.f32 v52, v10;
	v10 =	vmul.f32 v20, v6  }
0x15d: {  	v6 =	vmul.f32 v51, v6;
	v7 =	vadd.f32 v7, v8  }
0x15e: {  	v8 =	vadd.f32 v10, v9;
	v9 =	vmul.f32 v11, v4;
	v10 =	vld [tilespmem:s21+$0x4C80]  }
0x15f: {  	v4 =	vmul.f32 v53, v4;
	v6 =	vadd.f32 v6, v7  }
0x160: {  	v7 =	vadd.f32 v9, v8;
	v8 =	vmul.f32 v22, v5  }
0x161: {  	v5 =	vmul.f32 v54, v5;
	v4 =	vadd.f32 v4, v6  }
0x162: {  	v6 =	vadd.f32 v8, v7;
	v7 =	vmul.f32 v23, v3  }
0x163: {  	v3 =	vmul.f32 v10, v3;
	v4 =	vadd.f32 v5, v4  }
0x164: {  	v5 =	vadd.f32 v7, v6  }
0x165: {  	v3 =	vadd.f32 v3, v4  }
0x166: {  	[tilespmem:s18+$0x12A00] =	vst v5  }
0x167: {  	s25 =	simm.s32 $0x0;
	[tilespmem:s21+$0x12A00] =	vst v3  }
0x168: {  	s26 =	sand.u32 $0x70, s25;
	s28 =	sand.u32 $0xC00, s25;
	v3 =	vld [tilespmem:$0x280]  }
0x169: {  	s20 =	sor.u32 s26, s28;
	s18 =	sor.u32 s28, s25;
	v4 =	vld [tilespmem:$0x290]  }
0x16a: {  	s18 =	sor.u32 $0x180, s18;
	v6 =	vld [tilespmem:s20+$0x5900]  }
0x16b: {  	v8 =	vld [tilespmem:s18+$0x900]  }
0x16c: {  	v9 =	vld [tilespmem:s20+$0x5980]  }
0x16d: {  	v7 =	vld [tilespmem:$0x2A0]  }
0x16e: {  	v10 =	vld [tilespmem:s20+$0x5A00]  }
0x16f: {  	v5 =	vld [tilespmem:$0x2B0];
	v11 =	vmul.f32 v6, v3  }
0x170: {  	v55 =	vld [tilespmem:s20+$0x5A80]  }
0x171: {  	v56 =	vld [tilespmem:s20+$0x5B00];
	v9 =	vmul.f32 v9, v4;
	v11 =	vadd.f32 v11, v8  }
0x172: {  	v6 =	vld [tilespmem:$0x2C0]  }
0x173: {  	v57 =	vld [tilespmem:s20+$0x5B80];
	v10 =	vmul.f32 v10, v7;
	v11 =	vadd.f32 v9, v11  }
0x174: {  	v8 =	vld [tilespmem:$0x2D0]  }
0x175: {  	v58 =	vld [tilespmem:s20+$0x5C00];
	v12 =	vmul.f32 v55, v5;
	v11 =	vadd.f32 v10, v11  }
0x176: {  	v9 =	vld [tilespmem:$0x2E0]  }
0x177: {  	v60 =	vld [tilespmem:s20+$0x5C80];
	v59 =	vmul.f32 v56, v6;
	v11 =	vadd.f32 v12, v11  }
0x178: {  	v10 =	vld [tilespmem:$0x2F0]  }
0x179: {  	v61 =	vmul.f32 v57, v8;
	v11 =	vadd.f32 v59, v11;
	_ =	sdelay $0x1  }
0x17a: {  	v62 =	vmul.f32 v58, v9;
	v11 =	vadd.f32 v61, v11;
	_ =	sdelay $0x1  }
0x17b: {  	v63 =	vmul.f32 v60, v10;
	v11 =	vadd.f32 v62, v11;
	_ =	sdelay $0x1  }
0x17c: {  	s21 =	simm.s32 $0x10;
	s20 =	simm.s32 $0x80;
	v11 =	vadd.f32 v63, v11  }
0x17d: {  	s22 =	simm.s32 $0x20;
	s23 =	sand.u32 $0x70, s21;
	s24 =	sand.u32 $0xC00, s20  }
.LBB2_9:
0x17e: {  	p1 =	sne.s32 s22, $0x1F0;
	s21 =	sor.u32 s24, s21;
	s23 =	sor.u32 s23, s24;
	[tilespmem:s18+$0x12900] =	vst v11  }
0x17f: {  	s18 =	sor.u32 $0x180, s21;
	v11 =	vld [tilespmem:s23+$0x5900];
	s21 =	smov.u32 s22  }
0x180: {  	v12 =	vld [tilespmem:s18+$0x900]  }
0x181: {  	v13 =	vld [tilespmem:s23+$0x5980];
	_ =	sdelay $0x1  }
0x182: {  	v14 =	vld [tilespmem:s23+$0x5A00]  }
0x183: {  	v11 =	vmul.f32 v11, v3  }
0x184: {  	v15 =	vld [tilespmem:s23+$0x5A80]  }
0x185: {  	v11 =	vadd.f32 v11, v12;
	v12 =	vmul.f32 v13, v4  }
0x186: {  	v13 =	vld [tilespmem:s23+$0x5B00]  }
0x187: {  	v11 =	vadd.f32 v12, v11;
	v12 =	vmul.f32 v14, v7  }
0x188: {  	v14 =	vld [tilespmem:s23+$0x5B80]  }
0x189: {  	v11 =	vadd.f32 v12, v11;
	v12 =	vmul.f32 v15, v5  }
0x18a: {  	v15 =	vld [tilespmem:s23+$0x5C00]  }
0x18b: {  	v11 =	vadd.f32 v12, v11;
	v12 =	vmul.f32 v13, v6  }
0x18c: {  	v13 =	vld [tilespmem:s23+$0x5C80]  }
0x18d: {  	v11 =	vadd.f32 v12, v11;
	v12 =	vmul.f32 v14, v8;
	_ =	sdelay $0x1  }
0x18e: {  	v11 =	vadd.f32 v12, v11;
	v12 =	vmul.f32 v15, v9  }
.Ltmp5:
0x18f: {  	(pc) =	sbr.rel @p1 .LBB2_9-.Ltmp5, $3  }
0x190: {  	v11 =	vadd.f32 v12, v11;
	v12 =	vmul.f32 v13, v10;
	_ =	sdelay $0x1  }
0x191: {  	s20 =	sadd.s32 $0x80, s20;
	v11 =	vadd.f32 v12, v11  }
0x192: {  	s24 =	sand.u32 $0xC00, s20;
	s22 =	sadd.s32 $0x10, s22;
	s23 =	sand.u32 $0x70, s21  }
0x193: {  	s22 =	sor.u32 s23, s24;
	[tilespmem:s18+$0x12900] =	vst v11  }
0x194: {  	s20 =	sor.u32 s24, s21;
	v11 =	vld [tilespmem:s22+$0x5900]  }
0x195: {  	s23 =	sor.u32 $0x180, s20;
	v13 =	vld [tilespmem:s22+$0x5980]  }
0x196: {  	v12 =	vld [tilespmem:s23+$0x900];
	_ =	sdelay $0x1  }
0x197: {  	v14 =	vld [tilespmem:s22+$0x5A00]  }
0x198: {  	v3 =	vmul.f32 v11, v3  }
0x199: {  	v11 =	vld [tilespmem:s22+$0x5A80]  }
0x19a: {  	v4 =	vmul.f32 v13, v4;
	v3 =	vadd.f32 v3, v12  }
0x19b: {  	v12 =	vld [tilespmem:s22+$0x5B00]  }
0x19c: {  	v3 =	vadd.f32 v4, v3;
	v4 =	vmul.f32 v14, v7  }
0x19d: {  	v7 =	vld [tilespmem:s22+$0x5B80]  }
0x19e: {  	v3 =	vadd.f32 v4, v3;
	v4 =	vmul.f32 v11, v5  }
0x19f: {  	v5 =	vld [tilespmem:s22+$0x5C00]  }
0x1a0: {  	v3 =	vadd.f32 v4, v3;
	v4 =	vmul.f32 v12, v6  }
0x1a1: {  	v6 =	vld [tilespmem:s22+$0x5C80]  }
0x1a2: {  	v3 =	vadd.f32 v4, v3;
	v4 =	vmul.f32 v7, v8;
	_ =	sdelay $0x1  }
0x1a3: {  	v3 =	vadd.f32 v4, v3;
	v4 =	vmul.f32 v5, v9;
	_ =	sdelay $0x1  }
0x1a4: {  	v3 =	vadd.f32 v4, v3;
	v4 =	vmul.f32 v6, v10;
	_ =	sdelay $0x1  }
0x1a5: {  	v3 =	vadd.f32 v4, v3;
	_ =	sdelay $0x1  }
0x1a6: {  	[tilespmem:s23+$0x12900] =	vst v3  }
0x1a7: {  	v10 =	vld [tilespmem:$0x300]  }
0x1a8: {  	v9 =	vld [tilespmem:$0x310]  }
0x1a9: {  	v8 =	vld [tilespmem:$0x320]  }
0x1aa: {  	s24 =	simm.s32 $0x0;
	v7 =	vld [tilespmem:$0x330]  }
0x1ab: {  	s25 =	sand.u32 $0x70, s24;
	s18 =	sand.u32 $0xC00, s24;
	v6 =	vld [tilespmem:$0x340]  }
0x1ac: {  	s20 =	sor.u32 s18, s25;
	v4 =	vld [tilespmem:$0x350]  }
0x1ad: {  	v11 =	vld [tilespmem:s20+$0x6900]  }
0x1ae: {  	v12 =	vld [tilespmem:s20+$0xB00]  }
0x1af: {  	v13 =	vld [tilespmem:s20+$0x6980]  }
0x1b0: {  	v5 =	vld [tilespmem:$0x360]  }
0x1b1: {  	v14 =	vld [tilespmem:s20+$0x6A00]  }
0x1b2: {  	v3 =	vld [tilespmem:$0x370];
	v11 =	vmul.f32 v11, v10  }
0x1b3: {  	s26 =	simm.s32 $0x10;
	s28 =	simm.s32 $0x80;
	v15 =	vld [tilespmem:s20+$0x6A80]  }
0x1b4: {  	s21 =	sand.u32 $0xC00, s28;
	s18 =	sand.u32 $0x70, s26;
	v16 =	vld [tilespmem:s20+$0x6B80];
	v11 =	vadd.f32 v11, v12;
	v12 =	vmul.f32 v13, v9  }
0x1b5: {  	s18 =	sor.u32 s21, s18;
	v13 =	vld [tilespmem:s20+$0x6B00]  }
0x1b6: {  	v17 =	vld [tilespmem:s18+$0x6900];
	v11 =	vadd.f32 v12, v11;
	v12 =	vmul.f32 v14, v8  }
0x1b7: {  	v20 =	vld [tilespmem:s18+$0xB00]  }
0x1b8: {  	v21 =	vld [tilespmem:s18+$0x6980];
	v15 =	vmul.f32 v15, v7;
	v11 =	vadd.f32 v12, v11  }
0x1b9: {  	v14 =	vld [tilespmem:s20+$0x6C00]  }
0x1ba: {  	v12 =	vld [tilespmem:s18+$0x6A00];
	v18 =	vmul.f32 v13, v6;
	v11 =	vadd.f32 v15, v11  }
0x1bb: {  	v17 =	vmul.f32 v17, v10;
	v15 =	vld [tilespmem:s20+$0x6C80]  }
0x1bc: {  	s21 =	simm.s32 $0x100;
	s22 =	simm.s32 $0x20;
	v19 =	vmul.f32 v16, v4;
	v13 =	vld [tilespmem:s18+$0x6A80];
	v18 =	vadd.f32 v18, v11  }
0x1bd: {  	s24 =	sand.u32 $0xC00, s21;
	s23 =	sand.u32 $0x70, s22;
	s22 =	simm.s32 $0x30;
	v16 =	vadd.f32 v17, v20;
	v17 =	vmul.f32 v21, v9;
	v11 =	vld [tilespmem:s18+$0x6B80]  }
.LBB2_11:
0x1be: {  	p1 =	sne.s32 s22, $0x1F0;
	s23 =	sor.u32 s24, s23;
	v20 =	vld [tilespmem:s18+$0x6B00];
	v18 =	vadd.f32 v19, v18;
	v14 =	vmul.f32 v14, v5  }
0x1bf: {  	v19 =	vld [tilespmem:s23+$0x6900];
	v16 =	vadd.f32 v17, v16;
	v12 =	vmul.f32 v12, v8  }
0x1c0: {  	v17 =	vld [tilespmem:s23+$0xB00];
	v18 =	vadd.f32 v14, v18;
	v15 =	vmul.f32 v15, v3  }
0x1c1: {  	v21 =	vld [tilespmem:s23+$0x6980];
	v16 =	vadd.f32 v12, v16;
	v13 =	vmul.f32 v13, v7  }
.Ltmp6:
0x1c2: {  	v14 =	vld [tilespmem:s18+$0x6C00];
	v18 =	vadd.f32 v15, v18;
	(pc) =	sbr.rel @p1 .LBB2_11-.Ltmp6, $4  }
0x1c3: {  	v12 =	vld [tilespmem:s23+$0x6A00];
	v16 =	vadd.f32 v13, v16;
	v20 =	vmul.f32 v20, v6  }
0x1c4: {  	v22 =	vmul.f32 v19, v10;
	v15 =	vld [tilespmem:s18+$0x6C80];
	[tilespmem:s20+$0x12B00] =	vst v18;
	s20 =	smov.u32 s18;
	s18 =	smov.u32 s23  }
0x1c5: {  	s21 =	sadd.s32 $0x80, s21;
	v19 =	vmul.f32 v11, v4;
	v13 =	vld [tilespmem:s18+$0x6A80];
	v18 =	vadd.f32 v20, v16  }
0x1c6: {  	s24 =	sand.u32 $0xC00, s21;
	s23 =	sand.u32 $0x70, s22;
	s22 =	sadd.s32 $0x10, s22;
	v16 =	vadd.f32 v22, v17;
	v17 =	vmul.f32 v21, v9;
	v11 =	vld [tilespmem:s18+$0x6B80]  }
0x1c7: {  	s21 =	sor.u32 s24, s23;
	v20 =	vld [tilespmem:s18+$0x6B00];
	v18 =	vadd.f32 v19, v18;
	v14 =	vmul.f32 v14, v5  }
0x1c8: {  	v19 =	vld [tilespmem:s21+$0x6900]  }
0x1c9: {  	v21 =	vld [tilespmem:s21+$0xB00];
	v14 =	vadd.f32 v14, v18;
	v15 =	vmul.f32 v15, v3  }
0x1ca: {  	v18 =	vld [tilespmem:s21+$0x6980]  }
0x1cb: {  	v22 =	vld [tilespmem:s18+$0x6C00];
	v14 =	vadd.f32 v15, v14  }
0x1cc: {  	v15 =	vld [tilespmem:s21+$0x6A00]  }
0x1cd: {  	v23 =	vld [tilespmem:s18+$0x6C80];
	v10 =	vmul.f32 v19, v10;
	[tilespmem:s20+$0x12B00] =	vst v14  }
0x1ce: {  	v14 =	vld [tilespmem:s21+$0x6A80]  }
0x1cf: {  	v9 =	vmul.f32 v18, v9;
	v10 =	vadd.f32 v10, v21  }
0x1d0: {  	v16 =	vadd.f32 v17, v16;
	v12 =	vmul.f32 v12, v8;
	v17 =	vld [tilespmem:s21+$0x6B00]  }
0x1d1: {  	v8 =	vmul.f32 v15, v8;
	v9 =	vadd.f32 v9, v10  }
0x1d2: {  	v10 =	vadd.f32 v12, v16;
	v12 =	vmul.f32 v13, v7;
	v13 =	vld [tilespmem:s21+$0x6B80]  }
0x1d3: {  	v8 =	vadd.f32 v8, v9;
	v7 =	vmul.f32 v14, v7  }
0x1d4: {  	v9 =	vadd.f32 v12, v10;
	v10 =	vmul.f32 v20, v6;
	v12 =	vld [tilespmem:s21+$0x6C00]  }
0x1d5: {  	v6 =	vmul.f32 v17, v6;
	v7 =	vadd.f32 v7, v8  }
0x1d6: {  	v8 =	vadd.f32 v10, v9;
	v9 =	vmul.f32 v11, v4;
	v10 =	vld [tilespmem:s21+$0x6C80]  }
0x1d7: {  	v4 =	vmul.f32 v13, v4;
	v6 =	vadd.f32 v6, v7  }
0x1d8: {  	v7 =	vadd.f32 v9, v8;
	v8 =	vmul.f32 v22, v5  }
0x1d9: {  	v5 =	vmul.f32 v12, v5;
	v4 =	vadd.f32 v4, v6  }
0x1da: {  	v6 =	vadd.f32 v8, v7;
	v7 =	vmul.f32 v23, v3  }
0x1db: {  	v3 =	vmul.f32 v10, v3;
	v4 =	vadd.f32 v5, v4  }
0x1dc: {  	v5 =	vadd.f32 v7, v6  }
0x1dd: {  	v3 =	vadd.f32 v3, v4  }
0x1de: {  	[tilespmem:s18+$0x12B00] =	vst v5  }
0x1df: {  	[tilespmem:s21+$0x12B00] =	vst v3  }
0x1e0: {  	v10 =	vld [tilespmem:$0x380]  }
0x1e1: {  	v9 =	vld [tilespmem:$0x390]  }
0x1e2: {  	v8 =	vld [tilespmem:$0x3A0]  }
0x1e3: {  	s24 =	simm.s32 $0x0;
	v7 =	vld [tilespmem:$0x3B0]  }
0x1e4: {  	s25 =	sand.u32 $0x70, s24;
	s18 =	sand.u32 $0xC00, s24;
	v6 =	vld [tilespmem:$0x3C0]  }
0x1e5: {  	s20 =	sor.u32 s18, s25;
	v4 =	vld [tilespmem:$0x3D0]  }
0x1e6: {  	v11 =	vld [tilespmem:s20+$0x7900]  }
0x1e7: {  	v12 =	vld [tilespmem:s20+$0xB80]  }
0x1e8: {  	v13 =	vld [tilespmem:s20+$0x7980]  }
0x1e9: {  	v5 =	vld [tilespmem:$0x3E0]  }
0x1ea: {  	v14 =	vld [tilespmem:s20+$0x7A00]  }
0x1eb: {  	v3 =	vld [tilespmem:$0x3F0];
	v11 =	vmul.f32 v11, v10  }
0x1ec: {  	s26 =	simm.s32 $0x10;
	s28 =	simm.s32 $0x80;
	v15 =	vld [tilespmem:s20+$0x7A80]  }
0x1ed: {  	s18 =	sand.u32 $0x70, s26;
	s21 =	sand.u32 $0xC00, s28;
	v16 =	vld [tilespmem:s20+$0x7B80];
	v11 =	vadd.f32 v11, v12;
	v12 =	vmul.f32 v13, v9  }
0x1ee: {  	s18 =	sor.u32 s21, s18;
	v13 =	vld [tilespmem:s20+$0x7B00]  }
0x1ef: {  	v17 =	vld [tilespmem:s18+$0x7900];
	v11 =	vadd.f32 v12, v11;
	v12 =	vmul.f32 v14, v8  }
0x1f0: {  	v20 =	vld [tilespmem:s18+$0xB80]  }
0x1f1: {  	v63 =	vld [tilespmem:s18+$0x7980];
	v15 =	vmul.f32 v15, v7;
	v11 =	vadd.f32 v12, v11  }
0x1f2: {  	v14 =	vld [tilespmem:s20+$0x7C00]  }
0x1f3: {  	v12 =	vld [tilespmem:s18+$0x7A00];
	v18 =	vmul.f32 v13, v6;
	v11 =	vadd.f32 v15, v11  }
0x1f4: {  	v17 =	vmul.f32 v17, v10;
	v15 =	vld [tilespmem:s20+$0x7C80]  }
0x1f5: {  	s22 =	simm.s32 $0x20;
	s21 =	simm.s32 $0x100;
	v19 =	vmul.f32 v16, v4;
	v13 =	vld [tilespmem:s18+$0x7A80];
	v18 =	vadd.f32 v18, v11  }
0x1f6: {  	s23 =	sand.u32 $0x70, s22;
	s22 =	simm.s32 $0x30;
	s24 =	sand.u32 $0xC00, s21;
	v16 =	vadd.f32 v17, v20;
	v17 =	vmul.f32 v63, v9;
	v11 =	vld [tilespmem:s18+$0x7B80]  }
.LBB2_13:
0x1f7: {  	p1 =	sne.s32 s22, $0x1F0;
	s23 =	sor.u32 s24, s23;
	v20 =	vld [tilespmem:s18+$0x7B00];
	v18 =	vadd.f32 v19, v18;
	v14 =	vmul.f32 v14, v5  }
0x1f8: {  	v19 =	vld [tilespmem:s23+$0x7900];
	v16 =	vadd.f32 v17, v16;
	v12 =	vmul.f32 v12, v8  }
0x1f9: {  	v17 =	vld [tilespmem:s23+$0xB80];
	v18 =	vadd.f32 v14, v18;
	v15 =	vmul.f32 v15, v3  }
0x1fa: {  	v21 =	vld [tilespmem:s23+$0x7980];
	v16 =	vadd.f32 v12, v16;
	v13 =	vmul.f32 v13, v7  }
.Ltmp7:
0x1fb: {  	v14 =	vld [tilespmem:s18+$0x7C00];
	v18 =	vadd.f32 v15, v18;
	(pc) =	sbr.rel @p1 .LBB2_13-.Ltmp7, $4  }
0x1fc: {  	v12 =	vld [tilespmem:s23+$0x7A00];
	v16 =	vadd.f32 v13, v16;
	v20 =	vmul.f32 v20, v6  }
0x1fd: {  	v22 =	vmul.f32 v19, v10;
	v15 =	vld [tilespmem:s18+$0x7C80];
	[tilespmem:s20+$0x12B80] =	vst v18;
	s20 =	smov.u32 s18;
	s18 =	smov.u32 s23  }
0x1fe: {  	s21 =	sadd.s32 $0x80, s21;
	v19 =	vmul.f32 v11, v4;
	v13 =	vld [tilespmem:s18+$0x7A80];
	v18 =	vadd.f32 v20, v16  }
0x1ff: {  	s24 =	sand.u32 $0xC00, s21;
	s23 =	sand.u32 $0x70, s22;
	s22 =	sadd.s32 $0x10, s22;
	v16 =	vadd.f32 v22, v17;
	v17 =	vmul.f32 v21, v9;
	v11 =	vld [tilespmem:s18+$0x7B80]  }
0x200: {  	s21 =	sor.u32 s24, s23;
	v20 =	vld [tilespmem:s18+$0x7B00];
	v18 =	vadd.f32 v19, v18;
	v14 =	vmul.f32 v14, v5  }
0x201: {  	v19 =	vld [tilespmem:s21+$0x7900]  }
0x202: {  	v21 =	vld [tilespmem:s21+$0xB80];
	v14 =	vadd.f32 v14, v18;
	v15 =	vmul.f32 v15, v3  }
0x203: {  	v18 =	vld [tilespmem:s21+$0x7980]  }
0x204: {  	v22 =	vld [tilespmem:s18+$0x7C00];
	v14 =	vadd.f32 v15, v14  }
0x205: {  	v15 =	vld [tilespmem:s21+$0x7A00]  }
0x206: {  	v23 =	vld [tilespmem:s18+$0x7C80];
	v10 =	vmul.f32 v19, v10;
	[tilespmem:s20+$0x12B80] =	vst v14  }
0x207: {  	v14 =	vld [tilespmem:s21+$0x7A80]  }
0x208: {  	v9 =	vmul.f32 v18, v9;
	v10 =	vadd.f32 v10, v21  }
0x209: {  	v16 =	vadd.f32 v17, v16;
	v12 =	vmul.f32 v12, v8;
	v17 =	vld [tilespmem:s21+$0x7B00]  }
0x20a: {  	v8 =	vmul.f32 v15, v8;
	v9 =	vadd.f32 v9, v10  }
0x20b: {  	v10 =	vadd.f32 v12, v16;
	v12 =	vmul.f32 v13, v7;
	v13 =	vld [tilespmem:s21+$0x7B80]  }
0x20c: {  	v8 =	vadd.f32 v8, v9;
	v7 =	vmul.f32 v14, v7  }
0x20d: {  	v9 =	vadd.f32 v12, v10;
	v10 =	vmul.f32 v20, v6;
	v12 =	vld [tilespmem:s21+$0x7C00]  }
0x20e: {  	v6 =	vmul.f32 v17, v6;
	v7 =	vadd.f32 v7, v8  }
0x20f: {  	v8 =	vadd.f32 v10, v9;
	v9 =	vmul.f32 v11, v4;
	v10 =	vld [tilespmem:s21+$0x7C80]  }
0x210: {  	v4 =	vmul.f32 v13, v4;
	v6 =	vadd.f32 v6, v7  }
0x211: {  	v7 =	vadd.f32 v9, v8;
	v8 =	vmul.f32 v22, v5  }
0x212: {  	v5 =	vmul.f32 v12, v5;
	v4 =	vadd.f32 v4, v6  }
0x213: {  	v6 =	vadd.f32 v8, v7;
	v7 =	vmul.f32 v23, v3  }
0x214: {  	v3 =	vmul.f32 v10, v3;
	v4 =	vadd.f32 v5, v4  }
0x215: {  	v5 =	vadd.f32 v7, v6  }
0x216: {  	v3 =	vadd.f32 v3, v4  }
0x217: {  	[tilespmem:s18+$0x12B80] =	vst v5  }
0x218: {  	[tilespmem:s21+$0x12B80] =	vst v3  }
0x219: {  	v10 =	vld [tilespmem:$0x400]  }
0x21a: {  	v9 =	vld [tilespmem:$0x410]  }
0x21b: {  	v8 =	vld [tilespmem:$0x420]  }
0x21c: {  	s24 =	simm.s32 $0x0;
	v7 =	vld [tilespmem:$0x430]  }
0x21d: {  	s25 =	sand.u32 $0x70, s24;
	s18 =	sand.u32 $0xC00, s24;
	v6 =	vld [tilespmem:$0x440]  }
0x21e: {  	s20 =	sor.u32 s18, s25;
	v4 =	vld [tilespmem:$0x450]  }
0x21f: {  	v11 =	vld [tilespmem:s20+$0x8900]  }
0x220: {  	v12 =	vld [tilespmem:s20+$0xC00]  }
0x221: {  	v13 =	vld [tilespmem:s20+$0x8980]  }
0x222: {  	v5 =	vld [tilespmem:$0x460]  }
0x223: {  	v14 =	vld [tilespmem:s20+$0x8A00]  }
0x224: {  	v3 =	vld [tilespmem:$0x470];
	v11 =	vmul.f32 v11, v10  }
0x225: {  	s26 =	simm.s32 $0x10;
	s28 =	simm.s32 $0x80;
	v15 =	vld [tilespmem:s20+$0x8A80]  }
0x226: {  	s18 =	sand.u32 $0x70, s26;
	s21 =	sand.u32 $0xC00, s28;
	v16 =	vld [tilespmem:s20+$0x8B80];
	v11 =	vadd.f32 v11, v12;
	v12 =	vmul.f32 v13, v9  }
0x227: {  	s18 =	sor.u32 s21, s18;
	v13 =	vld [tilespmem:s20+$0x8B00]  }
0x228: {  	v17 =	vld [tilespmem:s18+$0x8900];
	v11 =	vadd.f32 v12, v11;
	v12 =	vmul.f32 v14, v8  }
0x229: {  	v20 =	vld [tilespmem:s18+$0xC00]  }
0x22a: {  	v63 =	vld [tilespmem:s18+$0x8980];
	v15 =	vmul.f32 v15, v7;
	v11 =	vadd.f32 v12, v11  }
0x22b: {  	v14 =	vld [tilespmem:s20+$0x8C00]  }
0x22c: {  	v12 =	vld [tilespmem:s18+$0x8A00];
	v18 =	vmul.f32 v13, v6;
	v11 =	vadd.f32 v15, v11  }
0x22d: {  	v17 =	vmul.f32 v17, v10;
	v15 =	vld [tilespmem:s20+$0x8C80]  }
0x22e: {  	s22 =	simm.s32 $0x20;
	s21 =	simm.s32 $0x100;
	v19 =	vmul.f32 v16, v4;
	v13 =	vld [tilespmem:s18+$0x8A80];
	v18 =	vadd.f32 v18, v11  }
0x22f: {  	s23 =	sand.u32 $0x70, s22;
	s22 =	simm.s32 $0x30;
	s24 =	sand.u32 $0xC00, s21;
	v16 =	vadd.f32 v17, v20;
	v17 =	vmul.f32 v63, v9;
	v11 =	vld [tilespmem:s18+$0x8B80]  }
.LBB2_15:
0x230: {  	p1 =	sne.s32 s22, $0x1F0;
	s23 =	sor.u32 s24, s23;
	v20 =	vld [tilespmem:s18+$0x8B00];
	v18 =	vadd.f32 v19, v18;
	v14 =	vmul.f32 v14, v5  }
0x231: {  	v19 =	vld [tilespmem:s23+$0x8900];
	v16 =	vadd.f32 v17, v16;
	v12 =	vmul.f32 v12, v8  }
0x232: {  	v17 =	vld [tilespmem:s23+$0xC00];
	v18 =	vadd.f32 v14, v18;
	v15 =	vmul.f32 v15, v3  }
0x233: {  	v21 =	vld [tilespmem:s23+$0x8980];
	v16 =	vadd.f32 v12, v16;
	v13 =	vmul.f32 v13, v7  }
.Ltmp8:
0x234: {  	v14 =	vld [tilespmem:s18+$0x8C00];
	v18 =	vadd.f32 v15, v18;
	(pc) =	sbr.rel @p1 .LBB2_15-.Ltmp8, $4  }
0x235: {  	v12 =	vld [tilespmem:s23+$0x8A00];
	v16 =	vadd.f32 v13, v16;
	v20 =	vmul.f32 v20, v6  }
0x236: {  	v22 =	vmul.f32 v19, v10;
	v15 =	vld [tilespmem:s18+$0x8C80];
	[tilespmem:s20+$0x12C00] =	vst v18;
	s20 =	smov.u32 s18;
	s18 =	smov.u32 s23  }
0x237: {  	s21 =	sadd.s32 $0x80, s21;
	v19 =	vmul.f32 v11, v4;
	v13 =	vld [tilespmem:s18+$0x8A80];
	v18 =	vadd.f32 v20, v16  }
0x238: {  	s24 =	sand.u32 $0xC00, s21;
	s23 =	sand.u32 $0x70, s22;
	s22 =	sadd.s32 $0x10, s22;
	v16 =	vadd.f32 v22, v17;
	v17 =	vmul.f32 v21, v9;
	v11 =	vld [tilespmem:s18+$0x8B80]  }
0x239: {  	s21 =	sor.u32 s24, s23;
	v20 =	vld [tilespmem:s18+$0x8B00];
	v18 =	vadd.f32 v19, v18;
	v14 =	vmul.f32 v14, v5  }
0x23a: {  	v48 =	vld [tilespmem:s21+$0x8900]  }
0x23b: {  	v21 =	vld [tilespmem:s21+$0xC00];
	v14 =	vadd.f32 v14, v18;
	v15 =	vmul.f32 v15, v3  }
0x23c: {  	v49 =	vld [tilespmem:s21+$0x8980]  }
0x23d: {  	v22 =	vld [tilespmem:s18+$0x8C00];
	v14 =	vadd.f32 v15, v14  }
0x23e: {  	v50 =	vld [tilespmem:s21+$0x8A00]  }
0x23f: {  	v23 =	vld [tilespmem:s18+$0x8C80];
	v10 =	vmul.f32 v48, v10;
	[tilespmem:s20+$0x12C00] =	vst v14  }
0x240: {  	v14 =	vld [tilespmem:s21+$0x8A80]  }
0x241: {  	v9 =	vmul.f32 v49, v9;
	v10 =	vadd.f32 v10, v21  }
0x242: {  	v16 =	vadd.f32 v17, v16;
	v12 =	vmul.f32 v12, v8;
	v51 =	vld [tilespmem:s21+$0x8B00]  }
0x243: {  	v8 =	vmul.f32 v50, v8;
	v9 =	vadd.f32 v9, v10  }
0x244: {  	v52 =	vmul.f32 v13, v7;
	v53 =	vld [tilespmem:s21+$0x8B80];
	v10 =	vadd.f32 v12, v16  }
0x245: {  	v8 =	vadd.f32 v8, v9;
	v7 =	vmul.f32 v14, v7  }
0x246: {  	v54 =	vld [tilespmem:s21+$0x8C00];
	v9 =	vadd.f32 v52, v10;
	v10 =	vmul.f32 v20, v6  }
0x247: {  	v6 =	vmul.f32 v51, v6;
	v7 =	vadd.f32 v7, v8  }
0x248: {  	v8 =	vadd.f32 v10, v9;
	v9 =	vmul.f32 v11, v4;
	v10 =	vld [tilespmem:s21+$0x8C80]  }
0x249: {  	v4 =	vmul.f32 v53, v4;
	v6 =	vadd.f32 v6, v7  }
0x24a: {  	v7 =	vadd.f32 v9, v8;
	v8 =	vmul.f32 v22, v5  }
0x24b: {  	v5 =	vmul.f32 v54, v5;
	v4 =	vadd.f32 v4, v6  }
0x24c: {  	v6 =	vadd.f32 v8, v7;
	v7 =	vmul.f32 v23, v3  }
0x24d: {  	v3 =	vmul.f32 v10, v3;
	v4 =	vadd.f32 v5, v4  }
0x24e: {  	v5 =	vadd.f32 v7, v6  }
0x24f: {  	v3 =	vadd.f32 v3, v4  }
0x250: {  	[tilespmem:s18+$0x12C00] =	vst v5  }
0x251: {  	s25 =	simm.s32 $0x0;
	[tilespmem:s21+$0x12C00] =	vst v3  }
0x252: {  	s26 =	sand.u32 $0x70, s25;
	s28 =	sand.u32 $0xC00, s25;
	v3 =	vld [tilespmem:$0x480]  }
0x253: {  	s20 =	sor.u32 s26, s28;
	s18 =	sor.u32 s25, s25;
	v4 =	vld [tilespmem:$0x490]  }
0x254: {  	s18 =	sor.u32 $0x380, s18;
	v6 =	vld [tilespmem:s20+$0x9900]  }
0x255: {  	v8 =	vld [tilespmem:s18+$0x900]  }
0x256: {  	v9 =	vld [tilespmem:s20+$0x9980]  }
0x257: {  	v7 =	vld [tilespmem:$0x4A0]  }
0x258: {  	v10 =	vld [tilespmem:s20+$0x9A00]  }
0x259: {  	v5 =	vld [tilespmem:$0x4B0];
	v11 =	vmul.f32 v6, v3  }
0x25a: {  	v55 =	vld [tilespmem:s20+$0x9A80]  }
0x25b: {  	v56 =	vld [tilespmem:s20+$0x9B00];
	v9 =	vmul.f32 v9, v4;
	v11 =	vadd.f32 v11, v8  }
0x25c: {  	v6 =	vld [tilespmem:$0x4C0]  }
0x25d: {  	v57 =	vld [tilespmem:s20+$0x9B80];
	v10 =	vmul.f32 v10, v7;
	v11 =	vadd.f32 v9, v11  }
0x25e: {  	v8 =	vld [tilespmem:$0x4D0]  }
0x25f: {  	v58 =	vld [tilespmem:s20+$0x9C00];
	v12 =	vmul.f32 v55, v5;
	v11 =	vadd.f32 v10, v11  }
0x260: {  	v9 =	vld [tilespmem:$0x4E0]  }
0x261: {  	v60 =	vld [tilespmem:s20+$0x9C80];
	v59 =	vmul.f32 v56, v6;
	v11 =	vadd.f32 v12, v11  }
0x262: {  	v10 =	vld [tilespmem:$0x4F0]  }
0x263: {  	v61 =	vmul.f32 v57, v8;
	v11 =	vadd.f32 v59, v11;
	_ =	sdelay $0x1  }
0x264: {  	v62 =	vmul.f32 v58, v9;
	v11 =	vadd.f32 v61, v11;
	_ =	sdelay $0x1  }
0x265: {  	v63 =	vmul.f32 v60, v10;
	v11 =	vadd.f32 v62, v11;
	_ =	sdelay $0x1  }
0x266: {  	s21 =	simm.s32 $0x10;
	s20 =	simm.s32 $0x80;
	v11 =	vadd.f32 v63, v11  }
0x267: {  	s22 =	simm.s32 $0x20;
	s23 =	sand.u32 $0x70, s21;
	s24 =	sand.u32 $0xC00, s20  }
.LBB2_17:
0x268: {  	p1 =	sne.s32 s22, $0x1F0;
	s21 =	sor.u32 s20, s21;
	s23 =	sor.u32 s23, s24;
	[tilespmem:s18+$0x12900] =	vst v11  }
0x269: {  	s18 =	sor.u32 $0x380, s21;
	v11 =	vld [tilespmem:s23+$0x9900];
	s21 =	smov.u32 s22  }
0x26a: {  	v12 =	vld [tilespmem:s18+$0x900]  }
0x26b: {  	v13 =	vld [tilespmem:s23+$0x9980];
	_ =	sdelay $0x1  }
0x26c: {  	v14 =	vld [tilespmem:s23+$0x9A00]  }
0x26d: {  	v11 =	vmul.f32 v11, v3  }
0x26e: {  	v15 =	vld [tilespmem:s23+$0x9A80]  }
0x26f: {  	v11 =	vadd.f32 v11, v12;
	v12 =	vmul.f32 v13, v4  }
0x270: {  	v13 =	vld [tilespmem:s23+$0x9B00]  }
0x271: {  	v11 =	vadd.f32 v12, v11;
	v12 =	vmul.f32 v14, v7  }
0x272: {  	v14 =	vld [tilespmem:s23+$0x9B80]  }
0x273: {  	v11 =	vadd.f32 v12, v11;
	v12 =	vmul.f32 v15, v5  }
0x274: {  	v15 =	vld [tilespmem:s23+$0x9C00]  }
0x275: {  	v11 =	vadd.f32 v12, v11;
	v12 =	vmul.f32 v13, v6  }
0x276: {  	v13 =	vld [tilespmem:s23+$0x9C80]  }
0x277: {  	v11 =	vadd.f32 v12, v11;
	v12 =	vmul.f32 v14, v8;
	_ =	sdelay $0x1  }
0x278: {  	v11 =	vadd.f32 v12, v11;
	v12 =	vmul.f32 v15, v9  }
.Ltmp9:
0x279: {  	(pc) =	sbr.rel @p1 .LBB2_17-.Ltmp9, $3  }
0x27a: {  	v11 =	vadd.f32 v12, v11;
	v12 =	vmul.f32 v13, v10;
	_ =	sdelay $0x1  }
0x27b: {  	s20 =	sadd.s32 $0x80, s20;
	v11 =	vadd.f32 v12, v11  }
0x27c: {  	s24 =	sand.u32 $0xC00, s20;
	s22 =	sadd.s32 $0x10, s22;
	s23 =	sand.u32 $0x70, s21  }
0x27d: {  	s25 =	sor.u32 s23, s24;
	[tilespmem:s18+$0x12900] =	vst v11  }
0x27e: {  	s20 =	sor.u32 s20, s21;
	v11 =	vld [tilespmem:s25+$0x9900]  }
0x27f: {  	s26 =	sor.u32 $0x380, s20;
	v13 =	vld [tilespmem:s25+$0x9980]  }
0x280: {  	v12 =	vld [tilespmem:s26+$0x900];
	_ =	sdelay $0x1  }
0x281: {  	v14 =	vld [tilespmem:s25+$0x9A00]  }
0x282: {  	v3 =	vmul.f32 v11, v3  }
0x283: {  	v53 =	vld [tilespmem:s25+$0x9A80]  }
0x284: {  	v4 =	vmul.f32 v13, v4;
	v3 =	vadd.f32 v3, v12  }
0x285: {  	v54 =	vld [tilespmem:s25+$0x9B00]  }
0x286: {  	v55 =	vmul.f32 v14, v7;
	v3 =	vadd.f32 v4, v3  }
0x287: {  	v56 =	vld [tilespmem:s25+$0x9B80]  }
0x288: {  	v57 =	vmul.f32 v53, v5;
	v3 =	vadd.f32 v55, v3  }
0x289: {  	v58 =	vld [tilespmem:s25+$0x9C00]  }
0x28a: {  	v59 =	vmul.f32 v54, v6;
	v3 =	vadd.f32 v57, v3  }
0x28b: {  	v60 =	vld [tilespmem:s25+$0x9C80]  }
0x28c: {  	v61 =	vmul.f32 v56, v8;
	v3 =	vadd.f32 v59, v3;
	_ =	sdelay $0x1  }
0x28d: {  	v62 =	vmul.f32 v58, v9;
	v3 =	vadd.f32 v61, v3;
	_ =	sdelay $0x1  }
0x28e: {  	p1 =	sne.s32 s12, $0xF;
	v63 =	vmul.f32 v60, v10;
	v3 =	vadd.f32 v62, v3  }
.Ltmp10:
0x28f: {  	_ = 	snop;
	(pc) =	sbr.rel @p1 .LBB2_20-.Ltmp10, $4  }
0x290: {  	v3 =	vadd.f32 v63, v3  }
0x291: {  	s28 =	sshll.u32 s12, $0xA  }
0x292: {  	s18 =	sadd.s32 s28, s13;
	[tilespmem:s26+$0x12900] =	vst v3  }
0x293: {  	[hbm4b:s18+s3] =	stream.linear.scatter [tilespmem:s8], [sflag:$0x5], $0x1000, $0x38;
	[tilespmem:$0x14900] =	vst v63  }
.Ltmp11:
0x294: {  	(pc) =	sbr.rel .LBB2_21-.Ltmp11, $4  }
0x295: {  	_ = 	snop  }
0x296: {  	_ =	swait.ge [sflag:s14], $0x8000  }
0x297: {  	[sflag:s14] =	ssyncset.done $0x0  }
0x298: {  	[sflag:s14] =	ssyncadd.s32 $0xFFFF8000  }
.LBB2_20:
0x299: {  	s20 =	rddreg [dreg:$0xa]  }
0x29a: {  	s20 =	sadd.s32 s17, s20  }
0x29b: {  	s21 =	sadd.s32 s4, s20;
	s24 =	sshll.u32 s20, $0x4  }
0x29c: {  	[tilespmem:s3], [sflag:$0x1] =	stream.linear.gather [hbm4b:s21+s3], $0x40, $0x38;
	[tilespmem:$0x14900] =	vst v63  }
0x29d: {  	s22 =	simm.s32 $0x100;
	s20 =	sshll.u32 s20, $0x6;
	s21 =	sadd.s32 s5, s24  }
0x29e: {  	[tilespmem:s22], [sflag:$0x1] =	stream.linear.gather [hbm4b:s21+s3], $0x400, $0x38;
	[tilespmem:$0x14900] =	vst v63  }
0x29f: {  	s25 =	simm.s32 $0x900;
	s20 =	sadd.s32 s1, s20  }
0x2a0: {  	[tilespmem:s25], [sflag:$0x1] =	stream.linear.gather [hbm4b:s20+s3], $0x1000, $0x38;
	[tilespmem:$0x14900] =	vst v63  }
0x2a1: {  	_ =	swait.ge [sflag:s19], $0x40  }
0x2a2: {  	[sflag:s19] =	ssyncset.done $0x0  }
0x2a3: {  	[sflag:s19] =	ssyncadd.s32 $0xFFFFFFC0  }
0x2a4: {  	_ =	swait.ge [sflag:s19], $0x400  }
0x2a5: {  	[sflag:s19] =	ssyncset.done $0x0  }
0x2a6: {  	[sflag:s19] =	ssyncadd.s32 $0xFFFFFC00  }
0x2a7: {  	_ =	swait.ge [sflag:s19], $0x1000  }
0x2a8: {  	[sflag:s19] =	ssyncset.done $0x0  }
0x2a9: {  	[sflag:s19] =	ssyncadd.s32 $0xFFFFF000  }
0x2aa: {  	v3 =	vld [tilespmem:$0x0];
	_ =	sdelay $0x4  }
0x2ab: {  	v4 =	vshll.u32 v3, $0x2  }
0x2ac: {  	v3 =	vand.u32 $0x7, v3;
	v4 =	vand.u32 $0xFFFFFFE0, v4  }
0x2ad: {  	v3 =	vor.u32 v3, v4  }
0x2ae: {  	v4 =	vperm.xlane v3, v0;
	_ =	sdelay $0x1  }
0x2af: {  	v4 =	vadd.s32 v1, v4;
	_ =	sdelay $0x1  }
0x2b0: {  	v3 =	vperm.xlane v3, v2;
	_ =	sdelay $0x1  }
0x2b1: {  	s26 =	simm.s32 $0x2900;
	v3 =	vadd.s32 v1, v3  }
0x2b2: {  	[tilespmem:s26], [sflag:$0x3] =	stream.indirect_vreg.gather [hbm4b:s1+s3], $0x80, v4, vm0, $0xb8;
	[tilespmem:$0x14900] =	vst v63  }
0x2b3: {  	s28 =	simm.s32 $0x3100  }
0x2b4: {  	[tilespmem:s28], [sflag:$0x3] =	stream.indirect_vreg.gather [hbm4b:s9+s3], $0x80, v4, vm0, $0xb8;
	[tilespmem:$0x14900] =	vst v63  }
0x2b5: {  	s21 =	simm.s32 $0x3900  }
0x2b6: {  	[tilespmem:s21], [sflag:$0x3] =	stream.indirect_vreg.gather [hbm4b:s1+s3], $0x80, v3, vm0, $0xb8;
	[tilespmem:$0x14900] =	vst v63  }
0x2b7: {  	s22 =	simm.s32 $0x4100  }
0x2b8: {  	[tilespmem:s22], [sflag:$0x3] =	stream.indirect_vreg.gather [hbm4b:s9+s3], $0x80, v3, vm0, $0xb8;
	[tilespmem:$0x14900] =	vst v63  }
0x2b9: {  	v3 =	vld [tilespmem:$0x10];
	_ =	sdelay $0x4  }
0x2ba: {  	v61 =	vshll.u32 v3, $0x2  }
0x2bb: {  	v3 =	vand.u32 $0x7, v3;
	v4 =	vand.u32 $0xFFFFFFE0, v61  }
0x2bc: {  	v3 =	vor.u32 v3, v4  }
0x2bd: {  	v4 =	vperm.xlane v3, v0;
	_ =	sdelay $0x1  }
0x2be: {  	v4 =	vadd.s32 v1, v4;
	_ =	sdelay $0x1  }
0x2bf: {  	v3 =	vperm.xlane v3, v2;
	_ =	sdelay $0x1  }
0x2c0: {  	s23 =	simm.s32 $0x4900;
	v3 =	vadd.s32 v1, v3  }
0x2c1: {  	[tilespmem:s23], [sflag:$0x3] =	stream.indirect_vreg.gather [hbm4b:s1+s3], $0x80, v4, vm0, $0xb8;
	[tilespmem:$0x14900] =	vst v63  }
0x2c2: {  	s24 =	simm.s32 $0x5100  }
0x2c3: {  	[tilespmem:s24], [sflag:$0x3] =	stream.indirect_vreg.gather [hbm4b:s9+s3], $0x80, v4, vm0, $0xb8;
	[tilespmem:$0x14900] =	vst v63  }
0x2c4: {  	s25 =	simm.s32 $0x5900  }
0x2c5: {  	[tilespmem:s25], [sflag:$0x3] =	stream.indirect_vreg.gather [hbm4b:s1+s3], $0x80, v3, vm0, $0xb8;
	[tilespmem:$0x14900] =	vst v63  }
0x2c6: {  	s26 =	simm.s32 $0x6100  }
0x2c7: {  	[tilespmem:s26], [sflag:$0x3] =	stream.indirect_vreg.gather [hbm4b:s9+s3], $0x80, v3, vm0, $0xb8;
	[tilespmem:$0x14900] =	vst v63  }
0x2c8: {  	v3 =	vld [tilespmem:$0x20];
	_ =	sdelay $0x4  }
0x2c9: {  	v62 =	vshll.u32 v3, $0x2  }
0x2ca: {  	v3 =	vand.u32 $0x7, v3;
	v4 =	vand.u32 $0xFFFFFFE0, v62  }
0x2cb: {  	v3 =	vor.u32 v3, v4  }
0x2cc: {  	v4 =	vperm.xlane v3, v0;
	_ =	sdelay $0x1  }
0x2cd: {  	v4 =	vadd.s32 v1, v4;
	_ =	sdelay $0x1  }
0x2ce: {  	v3 =	vperm.xlane v3, v2;
	_ =	sdelay $0x1  }
0x2cf: {  	s28 =	simm.s32 $0x6900;
	v3 =	vadd.s32 v1, v3  }
0x2d0: {  	[tilespmem:s28], [sflag:$0x3] =	stream.indirect_vreg.gather [hbm4b:s1+s3], $0x80, v4, vm0, $0xb8;
	[tilespmem:$0x14900] =	vst v63  }
0x2d1: {  	s21 =	simm.s32 $0x7100  }
0x2d2: {  	[tilespmem:s21], [sflag:$0x3] =	stream.indirect_vreg.gather [hbm4b:s9+s3], $0x80, v4, vm0, $0xb8;
	[tilespmem:$0x14900] =	vst v63  }
0x2d3: {  	s22 =	simm.s32 $0x7900  }
0x2d4: {  	[tilespmem:s22], [sflag:$0x3] =	stream.indirect_vreg.gather [hbm4b:s1+s3], $0x80, v3, vm0, $0xb8;
	[tilespmem:$0x14900] =	vst v63  }
0x2d5: {  	s23 =	simm.s32 $0x8100  }
0x2d6: {  	[tilespmem:s23], [sflag:$0x3] =	stream.indirect_vreg.gather [hbm4b:s9+s3], $0x80, v3, vm0, $0xb8;
	[tilespmem:$0x14900] =	vst v63  }
0x2d7: {  	v3 =	vld [tilespmem:$0x30];
	_ =	sdelay $0x4  }
0x2d8: {  	v63 =	vshll.u32 v3, $0x2  }
0x2d9: {  	v3 =	vand.u32 $0x7, v3;
	v4 =	vand.u32 $0xFFFFFFE0, v63  }
0x2da: {  	v3 =	vor.u32 v3, v4  }
0x2db: {  	v4 =	vperm.xlane v3, v0;
	_ =	sdelay $0x1  }
0x2dc: {  	v4 =	vadd.s32 v1, v4;
	_ =	sdelay $0x1  }
0x2dd: {  	v3 =	vperm.xlane v3, v2;
	_ =	sdelay $0x1  }
0x2de: {  	s24 =	simm.s32 $0x8900;
	v3 =	vadd.s32 v1, v3  }
0x2df: {  	[tilespmem:s24], [sflag:$0x3] =	stream.indirect_vreg.gather [hbm4b:s1+s3], $0x80, v4, vm0, $0xb8;
	[tilespmem:$0x14900] =	vst v63  }
0x2e0: {  	s25 =	simm.s32 $0x9100  }
0x2e1: {  	[tilespmem:s25], [sflag:$0x3] =	stream.indirect_vreg.gather [hbm4b:s9+s3], $0x80, v4, vm0, $0xb8;
	[tilespmem:$0x14900] =	vst v63  }
0x2e2: {  	s26 =	simm.s32 $0x9900  }
0x2e3: {  	[tilespmem:s26], [sflag:$0x3] =	stream.indirect_vreg.gather [hbm4b:s1+s3], $0x80, v3, vm0, $0xb8;
	[tilespmem:$0x14900] =	vst v63  }
.Ltmp12:
0x2e4: {  	s28 =	simm.s32 $0xA100;
	(pc) =	sbr.rel @p0 .LBB2_22-.Ltmp12, $4  }
0x2e5: {  	[tilespmem:s28], [sflag:$0x3] =	stream.indirect_vreg.gather [hbm4b:s9+s3], $0x80, v3, vm0, $0xb8;
	[tilespmem:$0x14900] =	vst v63  }
0x2e6: {  	_ =	swait.ge [sflag:s14], $0x8000  }
0x2e7: {  	[sflag:s14] =	ssyncset.done $0x0  }
0x2e8: {  	[sflag:s14] =	ssyncadd.s32 $0xFFFF8000  }
.LBB2_21:
0x2e9: {  	_ =	swait.ge [sflag:s10], $0x1000  }
0x2ea: {  	[sflag:s10] =	ssyncset.done $0x0  }
0x2eb: {  	[sflag:s10] =	ssyncadd.s32 $0xFFFFF000  }
.LBB2_22:
0x2ec: {  	v10 =	vld [tilespmem:$0x500]  }
0x2ed: {  	v9 =	vld [tilespmem:$0x510]  }
0x2ee: {  	v8 =	vld [tilespmem:$0x520]  }
0x2ef: {  	v7 =	vld [tilespmem:$0x530];
	s20 =	simm.s32 $0x0  }
0x2f0: {  	v6 =	vld [tilespmem:$0x540];
	s21 =	sand.u32 $0x70, s20;
	s20 =	sand.u32 $0xC00, s20  }
0x2f1: {  	v4 =	vld [tilespmem:$0x550];
	s21 =	sor.u32 s20, s21  }
0x2f2: {  	v11 =	vld [tilespmem:s21+$0xA900]  }
0x2f3: {  	v12 =	vld [tilespmem:s21+$0x1900]  }
0x2f4: {  	v13 =	vld [tilespmem:s21+$0xA980]  }
0x2f5: {  	v5 =	vld [tilespmem:$0x560]  }
0x2f6: {  	v14 =	vld [tilespmem:s21+$0xAA00]  }
0x2f7: {  	v3 =	vld [tilespmem:$0x570];
	v11 =	vmul.f32 v11, v10  }
0x2f8: {  	s28 =	simm.s32 $0x10;
	s22 =	simm.s32 $0x80;
	v15 =	vld [tilespmem:s21+$0xAA80]  }
0x2f9: {  	s22 =	sand.u32 $0xC00, s22;
	s20 =	sand.u32 $0x70, s28;
	v16 =	vld [tilespmem:s21+$0xAB80];
	v11 =	vadd.f32 v11, v12;
	v12 =	vmul.f32 v13, v9  }
0x2fa: {  	s20 =	sor.u32 s22, s20;
	v13 =	vld [tilespmem:s21+$0xAB00]  }
0x2fb: {  	v17 =	vld [tilespmem:s20+$0xA900];
	v11 =	vadd.f32 v12, v11;
	v12 =	vmul.f32 v14, v8  }
0x2fc: {  	v20 =	vld [tilespmem:s20+$0x1900]  }
0x2fd: {  	v21 =	vld [tilespmem:s20+$0xA980];
	v15 =	vmul.f32 v15, v7;
	v11 =	vadd.f32 v12, v11  }
0x2fe: {  	v14 =	vld [tilespmem:s21+$0xAC00]  }
0x2ff: {  	v12 =	vld [tilespmem:s20+$0xAA00];
	v18 =	vmul.f32 v13, v6;
	v11 =	vadd.f32 v15, v11  }
0x300: {  	v17 =	vmul.f32 v17, v10;
	v15 =	vld [tilespmem:s21+$0xAC80]  }
0x301: {  	s23 =	simm.s32 $0x20;
	s22 =	simm.s32 $0x100;
	v19 =	vmul.f32 v16, v4;
	v13 =	vld [tilespmem:s20+$0xAA80];
	v18 =	vadd.f32 v18, v11  }
0x302: {  	s24 =	sand.u32 $0x70, s23;
	s23 =	simm.s32 $0x30;
	s25 =	sand.u32 $0xC00, s22;
	v16 =	vadd.f32 v17, v20;
	v17 =	vmul.f32 v21, v9;
	v11 =	vld [tilespmem:s20+$0xAB80]  }
.LBB2_23:
0x303: {  	p0 =	sne.s32 s23, $0x1F0;
	s24 =	sor.u32 s25, s24;
	v20 =	vld [tilespmem:s20+$0xAB00];
	v18 =	vadd.f32 v19, v18;
	v14 =	vmul.f32 v14, v5  }
0x304: {  	v19 =	vld [tilespmem:s24+$0xA900];
	v16 =	vadd.f32 v17, v16;
	v12 =	vmul.f32 v12, v8  }
0x305: {  	v17 =	vld [tilespmem:s24+$0x1900];
	v18 =	vadd.f32 v14, v18;
	v15 =	vmul.f32 v15, v3  }
0x306: {  	v21 =	vld [tilespmem:s24+$0xA980];
	v16 =	vadd.f32 v12, v16;
	v13 =	vmul.f32 v13, v7  }
.Ltmp13:
0x307: {  	v14 =	vld [tilespmem:s20+$0xAC00];
	v18 =	vadd.f32 v15, v18;
	(pc) =	sbr.rel @p0 .LBB2_23-.Ltmp13, $4  }
0x308: {  	v12 =	vld [tilespmem:s24+$0xAA00];
	v16 =	vadd.f32 v13, v16;
	v20 =	vmul.f32 v20, v6  }
0x309: {  	v22 =	vmul.f32 v19, v10;
	v15 =	vld [tilespmem:s20+$0xAC80];
	[tilespmem:s21+$0x13900] =	vst v18;
	s21 =	smov.u32 s20;
	s20 =	smov.u32 s24  }
0x30a: {  	s22 =	sadd.s32 $0x80, s22;
	v19 =	vmul.f32 v11, v4;
	v13 =	vld [tilespmem:s20+$0xAA80];
	v18 =	vadd.f32 v20, v16  }
0x30b: {  	s25 =	sand.u32 $0xC00, s22;
	s24 =	sand.u32 $0x70, s23;
	s23 =	sadd.s32 $0x10, s23;
	v16 =	vadd.f32 v22, v17;
	v17 =	vmul.f32 v21, v9;
	v11 =	vld [tilespmem:s20+$0xAB80]  }
0x30c: {  	s22 =	sor.u32 s25, s24;
	v20 =	vld [tilespmem:s20+$0xAB00];
	v18 =	vadd.f32 v19, v18;
	v14 =	vmul.f32 v14, v5  }
0x30d: {  	v19 =	vld [tilespmem:s22+$0xA900]  }
0x30e: {  	v21 =	vld [tilespmem:s22+$0x1900];
	v14 =	vadd.f32 v14, v18;
	v15 =	vmul.f32 v15, v3  }
0x30f: {  	v18 =	vld [tilespmem:s22+$0xA980]  }
0x310: {  	v22 =	vld [tilespmem:s20+$0xAC00];
	v14 =	vadd.f32 v15, v14  }
0x311: {  	v15 =	vld [tilespmem:s22+$0xAA00]  }
0x312: {  	v23 =	vld [tilespmem:s20+$0xAC80];
	v10 =	vmul.f32 v19, v10;
	[tilespmem:s21+$0x13900] =	vst v14  }
0x313: {  	v14 =	vld [tilespmem:s22+$0xAA80]  }
0x314: {  	v9 =	vmul.f32 v18, v9;
	v10 =	vadd.f32 v10, v21  }
0x315: {  	v16 =	vadd.f32 v17, v16;
	v12 =	vmul.f32 v12, v8;
	v17 =	vld [tilespmem:s22+$0xAB00]  }
0x316: {  	v8 =	vmul.f32 v15, v8;
	v9 =	vadd.f32 v9, v10  }
0x317: {  	v10 =	vadd.f32 v12, v16;
	v12 =	vmul.f32 v13, v7;
	v13 =	vld [tilespmem:s22+$0xAB80]  }
0x318: {  	v8 =	vadd.f32 v8, v9;
	v7 =	vmul.f32 v14, v7  }
0x319: {  	v9 =	vadd.f32 v12, v10;
	v10 =	vmul.f32 v20, v6;
	v12 =	vld [tilespmem:s22+$0xAC00]  }
0x31a: {  	v6 =	vmul.f32 v17, v6;
	v7 =	vadd.f32 v7, v8  }
0x31b: {  	v8 =	vadd.f32 v10, v9;
	v9 =	vmul.f32 v11, v4;
	v10 =	vld [tilespmem:s22+$0xAC80]  }
0x31c: {  	v4 =	vmul.f32 v13, v4;
	v6 =	vadd.f32 v6, v7  }
0x31d: {  	v7 =	vadd.f32 v9, v8;
	v8 =	vmul.f32 v22, v5  }
0x31e: {  	v5 =	vmul.f32 v12, v5;
	v4 =	vadd.f32 v4, v6  }
0x31f: {  	v6 =	vadd.f32 v8, v7;
	v7 =	vmul.f32 v23, v3  }
0x320: {  	v3 =	vmul.f32 v10, v3;
	v4 =	vadd.f32 v5, v4  }
0x321: {  	v5 =	vadd.f32 v7, v6  }
0x322: {  	v3 =	vadd.f32 v3, v4  }
0x323: {  	[tilespmem:s20+$0x13900] =	vst v5  }
0x324: {  	[tilespmem:s22+$0x13900] =	vst v3  }
0x325: {  	v10 =	vld [tilespmem:$0x580]  }
0x326: {  	v9 =	vld [tilespmem:$0x590]  }
0x327: {  	v8 =	vld [tilespmem:$0x5A0]  }
0x328: {  	s24 =	simm.s32 $0x0;
	v7 =	vld [tilespmem:$0x5B0]  }
0x329: {  	s25 =	sand.u32 $0x70, s24;
	s20 =	sand.u32 $0xC00, s24;
	v6 =	vld [tilespmem:$0x5C0]  }
0x32a: {  	s21 =	sor.u32 s20, s25;
	v4 =	vld [tilespmem:$0x5D0]  }
0x32b: {  	v11 =	vld [tilespmem:s21+$0xB900]  }
0x32c: {  	v12 =	vld [tilespmem:s21+$0x1980]  }
0x32d: {  	v13 =	vld [tilespmem:s21+$0xB980]  }
0x32e: {  	v5 =	vld [tilespmem:$0x5E0]  }
0x32f: {  	v14 =	vld [tilespmem:s21+$0xBA00]  }
0x330: {  	v3 =	vld [tilespmem:$0x5F0];
	v11 =	vmul.f32 v11, v10  }
0x331: {  	s26 =	simm.s32 $0x10;
	s28 =	simm.s32 $0x80;
	v15 =	vld [tilespmem:s21+$0xBA80]  }
0x332: {  	s20 =	sand.u32 $0x70, s26;
	s22 =	sand.u32 $0xC00, s28;
	v16 =	vld [tilespmem:s21+$0xBB80];
	v11 =	vadd.f32 v11, v12;
	v12 =	vmul.f32 v13, v9  }
0x333: {  	s20 =	sor.u32 s22, s20;
	v13 =	vld [tilespmem:s21+$0xBB00]  }
0x334: {  	v17 =	vld [tilespmem:s20+$0xB900];
	v11 =	vadd.f32 v12, v11;
	v12 =	vmul.f32 v14, v8  }
0x335: {  	v20 =	vld [tilespmem:s20+$0x1980]  }
0x336: {  	v63 =	vld [tilespmem:s20+$0xB980];
	v15 =	vmul.f32 v15, v7;
	v11 =	vadd.f32 v12, v11  }
0x337: {  	v14 =	vld [tilespmem:s21+$0xBC00]  }
0x338: {  	v12 =	vld [tilespmem:s20+$0xBA00];
	v18 =	vmul.f32 v13, v6;
	v11 =	vadd.f32 v15, v11  }
0x339: {  	v17 =	vmul.f32 v17, v10;
	v15 =	vld [tilespmem:s21+$0xBC80]  }
0x33a: {  	s23 =	simm.s32 $0x20;
	s22 =	simm.s32 $0x100;
	v19 =	vmul.f32 v16, v4;
	v13 =	vld [tilespmem:s20+$0xBA80];
	v18 =	vadd.f32 v18, v11  }
0x33b: {  	s24 =	sand.u32 $0x70, s23;
	s23 =	simm.s32 $0x30;
	s25 =	sand.u32 $0xC00, s22;
	v16 =	vadd.f32 v17, v20;
	v17 =	vmul.f32 v63, v9;
	v11 =	vld [tilespmem:s20+$0xBB80]  }
.LBB2_25:
0x33c: {  	p0 =	sne.s32 s23, $0x1F0;
	s24 =	sor.u32 s25, s24;
	v20 =	vld [tilespmem:s20+$0xBB00];
	v18 =	vadd.f32 v19, v18;
	v14 =	vmul.f32 v14, v5  }
0x33d: {  	v19 =	vld [tilespmem:s24+$0xB900];
	v16 =	vadd.f32 v17, v16;
	v12 =	vmul.f32 v12, v8  }
0x33e: {  	v17 =	vld [tilespmem:s24+$0x1980];
	v18 =	vadd.f32 v14, v18;
	v15 =	vmul.f32 v15, v3  }
0x33f: {  	v21 =	vld [tilespmem:s24+$0xB980];
	v16 =	vadd.f32 v12, v16;
	v13 =	vmul.f32 v13, v7  }
.Ltmp14:
0x340: {  	v14 =	vld [tilespmem:s20+$0xBC00];
	v18 =	vadd.f32 v15, v18;
	(pc) =	sbr.rel @p0 .LBB2_25-.Ltmp14, $4  }
0x341: {  	v12 =	vld [tilespmem:s24+$0xBA00];
	v16 =	vadd.f32 v13, v16;
	v20 =	vmul.f32 v20, v6  }
0x342: {  	v22 =	vmul.f32 v19, v10;
	v15 =	vld [tilespmem:s20+$0xBC80];
	[tilespmem:s21+$0x13980] =	vst v18;
	s21 =	smov.u32 s20;
	s20 =	smov.u32 s24  }
0x343: {  	s22 =	sadd.s32 $0x80, s22;
	v19 =	vmul.f32 v11, v4;
	v13 =	vld [tilespmem:s20+$0xBA80];
	v18 =	vadd.f32 v20, v16  }
0x344: {  	s25 =	sand.u32 $0xC00, s22;
	s24 =	sand.u32 $0x70, s23;
	s23 =	sadd.s32 $0x10, s23;
	v16 =	vadd.f32 v22, v17;
	v17 =	vmul.f32 v21, v9;
	v11 =	vld [tilespmem:s20+$0xBB80]  }
0x345: {  	s22 =	sor.u32 s25, s24;
	v20 =	vld [tilespmem:s20+$0xBB00];
	v18 =	vadd.f32 v19, v18;
	v14 =	vmul.f32 v14, v5  }
0x346: {  	v19 =	vld [tilespmem:s22+$0xB900]  }
0x347: {  	v21 =	vld [tilespmem:s22+$0x1980];
	v14 =	vadd.f32 v14, v18;
	v15 =	vmul.f32 v15, v3  }
0x348: {  	v18 =	vld [tilespmem:s22+$0xB980]  }
0x349: {  	v22 =	vld [tilespmem:s20+$0xBC00];
	v14 =	vadd.f32 v15, v14  }
0x34a: {  	v15 =	vld [tilespmem:s22+$0xBA00]  }
0x34b: {  	v23 =	vld [tilespmem:s20+$0xBC80];
	v10 =	vmul.f32 v19, v10;
	[tilespmem:s21+$0x13980] =	vst v14  }
0x34c: {  	v14 =	vld [tilespmem:s22+$0xBA80]  }
0x34d: {  	v9 =	vmul.f32 v18, v9;
	v10 =	vadd.f32 v10, v21  }
0x34e: {  	v16 =	vadd.f32 v17, v16;
	v12 =	vmul.f32 v12, v8;
	v17 =	vld [tilespmem:s22+$0xBB00]  }
0x34f: {  	v8 =	vmul.f32 v15, v8;
	v9 =	vadd.f32 v9, v10  }
0x350: {  	v10 =	vadd.f32 v12, v16;
	v12 =	vmul.f32 v13, v7;
	v13 =	vld [tilespmem:s22+$0xBB80]  }
0x351: {  	v8 =	vadd.f32 v8, v9;
	v7 =	vmul.f32 v14, v7  }
0x352: {  	v9 =	vadd.f32 v12, v10;
	v10 =	vmul.f32 v20, v6;
	v12 =	vld [tilespmem:s22+$0xBC00]  }
0x353: {  	v6 =	vmul.f32 v17, v6;
	v7 =	vadd.f32 v7, v8  }
0x354: {  	v8 =	vadd.f32 v10, v9;
	v9 =	vmul.f32 v11, v4;
	v10 =	vld [tilespmem:s22+$0xBC80]  }
0x355: {  	v4 =	vmul.f32 v13, v4;
	v6 =	vadd.f32 v6, v7  }
0x356: {  	v7 =	vadd.f32 v9, v8;
	v8 =	vmul.f32 v22, v5  }
0x357: {  	v5 =	vmul.f32 v12, v5;
	v4 =	vadd.f32 v4, v6  }
0x358: {  	v6 =	vadd.f32 v8, v7;
	v7 =	vmul.f32 v23, v3  }
0x359: {  	v3 =	vmul.f32 v10, v3;
	v4 =	vadd.f32 v5, v4  }
0x35a: {  	v5 =	vadd.f32 v7, v6  }
0x35b: {  	v3 =	vadd.f32 v3, v4  }
0x35c: {  	[tilespmem:s20+$0x13980] =	vst v5  }
0x35d: {  	[tilespmem:s22+$0x13980] =	vst v3  }
0x35e: {  	v10 =	vld [tilespmem:$0x600]  }
0x35f: {  	v9 =	vld [tilespmem:$0x610]  }
0x360: {  	v8 =	vld [tilespmem:$0x620]  }
0x361: {  	s24 =	simm.s32 $0x0;
	v7 =	vld [tilespmem:$0x630]  }
0x362: {  	s25 =	sand.u32 $0x70, s24;
	s20 =	sand.u32 $0xC00, s24;
	v6 =	vld [tilespmem:$0x640]  }
0x363: {  	s21 =	sor.u32 s20, s25;
	v4 =	vld [tilespmem:$0x650]  }
0x364: {  	v11 =	vld [tilespmem:s21+$0xC900]  }
0x365: {  	v12 =	vld [tilespmem:s21+$0x1A00]  }
0x366: {  	v13 =	vld [tilespmem:s21+$0xC980]  }
0x367: {  	v5 =	vld [tilespmem:$0x660]  }
0x368: {  	v14 =	vld [tilespmem:s21+$0xCA00]  }
0x369: {  	v3 =	vld [tilespmem:$0x670];
	v11 =	vmul.f32 v11, v10  }
0x36a: {  	s26 =	simm.s32 $0x10;
	s28 =	simm.s32 $0x80;
	v15 =	vld [tilespmem:s21+$0xCA80]  }
0x36b: {  	s20 =	sand.u32 $0x70, s26;
	s22 =	sand.u32 $0xC00, s28;
	v16 =	vld [tilespmem:s21+$0xCB80];
	v11 =	vadd.f32 v11, v12;
	v12 =	vmul.f32 v13, v9  }
0x36c: {  	s20 =	sor.u32 s22, s20;
	v13 =	vld [tilespmem:s21+$0xCB00]  }
0x36d: {  	v17 =	vld [tilespmem:s20+$0xC900];
	v11 =	vadd.f32 v12, v11;
	v12 =	vmul.f32 v14, v8  }
0x36e: {  	v20 =	vld [tilespmem:s20+$0x1A00]  }
0x36f: {  	v63 =	vld [tilespmem:s20+$0xC980];
	v15 =	vmul.f32 v15, v7;
	v11 =	vadd.f32 v12, v11  }
0x370: {  	v14 =	vld [tilespmem:s21+$0xCC00]  }
0x371: {  	v12 =	vld [tilespmem:s20+$0xCA00];
	v18 =	vmul.f32 v13, v6;
	v11 =	vadd.f32 v15, v11  }
0x372: {  	v17 =	vmul.f32 v17, v10;
	v15 =	vld [tilespmem:s21+$0xCC80]  }
0x373: {  	s23 =	simm.s32 $0x20;
	s22 =	simm.s32 $0x100;
	v19 =	vmul.f32 v16, v4;
	v13 =	vld [tilespmem:s20+$0xCA80];
	v18 =	vadd.f32 v18, v11  }
0x374: {  	s24 =	sand.u32 $0x70, s23;
	s23 =	simm.s32 $0x30;
	s25 =	sand.u32 $0xC00, s22;
	v16 =	vadd.f32 v17, v20;
	v17 =	vmul.f32 v63, v9;
	v11 =	vld [tilespmem:s20+$0xCB80]  }
.LBB2_27:
0x375: {  	p0 =	sne.s32 s23, $0x1F0;
	s24 =	sor.u32 s25, s24;
	v20 =	vld [tilespmem:s20+$0xCB00];
	v18 =	vadd.f32 v19, v18;
	v14 =	vmul.f32 v14, v5  }
0x376: {  	v19 =	vld [tilespmem:s24+$0xC900];
	v16 =	vadd.f32 v17, v16;
	v12 =	vmul.f32 v12, v8  }
0x377: {  	v17 =	vld [tilespmem:s24+$0x1A00];
	v18 =	vadd.f32 v14, v18;
	v15 =	vmul.f32 v15, v3  }
0x378: {  	v21 =	vld [tilespmem:s24+$0xC980];
	v16 =	vadd.f32 v12, v16;
	v13 =	vmul.f32 v13, v7  }
.Ltmp15:
0x379: {  	v14 =	vld [tilespmem:s20+$0xCC00];
	v18 =	vadd.f32 v15, v18;
	(pc) =	sbr.rel @p0 .LBB2_27-.Ltmp15, $4  }
0x37a: {  	v12 =	vld [tilespmem:s24+$0xCA00];
	v16 =	vadd.f32 v13, v16;
	v20 =	vmul.f32 v20, v6  }
0x37b: {  	v22 =	vmul.f32 v19, v10;
	v15 =	vld [tilespmem:s20+$0xCC80];
	[tilespmem:s21+$0x13A00] =	vst v18;
	s21 =	smov.u32 s20;
	s20 =	smov.u32 s24  }
0x37c: {  	s22 =	sadd.s32 $0x80, s22;
	v19 =	vmul.f32 v11, v4;
	v13 =	vld [tilespmem:s20+$0xCA80];
	v18 =	vadd.f32 v20, v16  }
0x37d: {  	s25 =	sand.u32 $0xC00, s22;
	s24 =	sand.u32 $0x70, s23;
	s23 =	sadd.s32 $0x10, s23;
	v16 =	vadd.f32 v22, v17;
	v17 =	vmul.f32 v21, v9;
	v11 =	vld [tilespmem:s20+$0xCB80]  }
0x37e: {  	s22 =	sor.u32 s25, s24;
	v20 =	vld [tilespmem:s20+$0xCB00];
	v18 =	vadd.f32 v19, v18;
	v14 =	vmul.f32 v14, v5  }
0x37f: {  	v48 =	vld [tilespmem:s22+$0xC900]  }
0x380: {  	v21 =	vld [tilespmem:s22+$0x1A00];
	v14 =	vadd.f32 v14, v18;
	v15 =	vmul.f32 v15, v3  }
0x381: {  	v49 =	vld [tilespmem:s22+$0xC980]  }
0x382: {  	v22 =	vld [tilespmem:s20+$0xCC00];
	v14 =	vadd.f32 v15, v14  }
0x383: {  	v50 =	vld [tilespmem:s22+$0xCA00]  }
0x384: {  	v23 =	vld [tilespmem:s20+$0xCC80];
	v10 =	vmul.f32 v48, v10;
	[tilespmem:s21+$0x13A00] =	vst v14  }
0x385: {  	v14 =	vld [tilespmem:s22+$0xCA80]  }
0x386: {  	v9 =	vmul.f32 v49, v9;
	v10 =	vadd.f32 v10, v21  }
0x387: {  	v16 =	vadd.f32 v17, v16;
	v12 =	vmul.f32 v12, v8;
	v51 =	vld [tilespmem:s22+$0xCB00]  }
0x388: {  	v8 =	vmul.f32 v50, v8;
	v9 =	vadd.f32 v9, v10  }
0x389: {  	v52 =	vmul.f32 v13, v7;
	v53 =	vld [tilespmem:s22+$0xCB80];
	v10 =	vadd.f32 v12, v16  }
0x38a: {  	v8 =	vadd.f32 v8, v9;
	v7 =	vmul.f32 v14, v7  }
0x38b: {  	v54 =	vld [tilespmem:s22+$0xCC00];
	v9 =	vadd.f32 v52, v10;
	v10 =	vmul.f32 v20, v6  }
0x38c: {  	v6 =	vmul.f32 v51, v6;
	v7 =	vadd.f32 v7, v8  }
0x38d: {  	v8 =	vadd.f32 v10, v9;
	v9 =	vmul.f32 v11, v4;
	v10 =	vld [tilespmem:s22+$0xCC80]  }
0x38e: {  	v4 =	vmul.f32 v53, v4;
	v6 =	vadd.f32 v6, v7  }
0x38f: {  	v7 =	vadd.f32 v9, v8;
	v8 =	vmul.f32 v22, v5  }
0x390: {  	v5 =	vmul.f32 v54, v5;
	v4 =	vadd.f32 v4, v6  }
0x391: {  	v6 =	vadd.f32 v8, v7;
	v7 =	vmul.f32 v23, v3  }
0x392: {  	v3 =	vmul.f32 v10, v3;
	v4 =	vadd.f32 v5, v4  }
0x393: {  	v5 =	vadd.f32 v7, v6  }
0x394: {  	v3 =	vadd.f32 v3, v4  }
0x395: {  	[tilespmem:s20+$0x13A00] =	vst v5  }
0x396: {  	s25 =	simm.s32 $0x0;
	[tilespmem:s22+$0x13A00] =	vst v3  }
0x397: {  	s26 =	sand.u32 $0x70, s25;
	s28 =	sand.u32 $0xC00, s25;
	v3 =	vld [tilespmem:$0x680]  }
0x398: {  	s21 =	sor.u32 s26, s28;
	s20 =	sor.u32 s28, s25;
	v4 =	vld [tilespmem:$0x690]  }
0x399: {  	s20 =	sor.u32 $0x1180, s20;
	v6 =	vld [tilespmem:s21+$0xD900]  }
0x39a: {  	v8 =	vld [tilespmem:s20+$0x900]  }
0x39b: {  	v9 =	vld [tilespmem:s21+$0xD980]  }
0x39c: {  	v7 =	vld [tilespmem:$0x6A0]  }
0x39d: {  	v10 =	vld [tilespmem:s21+$0xDA00]  }
0x39e: {  	v5 =	vld [tilespmem:$0x6B0];
	v11 =	vmul.f32 v6, v3  }
0x39f: {  	v55 =	vld [tilespmem:s21+$0xDA80]  }
0x3a0: {  	v56 =	vld [tilespmem:s21+$0xDB00];
	v9 =	vmul.f32 v9, v4;
	v11 =	vadd.f32 v11, v8  }
0x3a1: {  	v6 =	vld [tilespmem:$0x6C0]  }
0x3a2: {  	v57 =	vld [tilespmem:s21+$0xDB80];
	v10 =	vmul.f32 v10, v7;
	v11 =	vadd.f32 v9, v11  }
0x3a3: {  	v8 =	vld [tilespmem:$0x6D0]  }
0x3a4: {  	v58 =	vld [tilespmem:s21+$0xDC00];
	v12 =	vmul.f32 v55, v5;
	v11 =	vadd.f32 v10, v11  }
0x3a5: {  	v9 =	vld [tilespmem:$0x6E0]  }
0x3a6: {  	v60 =	vld [tilespmem:s21+$0xDC80];
	v59 =	vmul.f32 v56, v6;
	v11 =	vadd.f32 v12, v11  }
0x3a7: {  	v10 =	vld [tilespmem:$0x6F0]  }
0x3a8: {  	v61 =	vmul.f32 v57, v8;
	v11 =	vadd.f32 v59, v11;
	_ =	sdelay $0x1  }
0x3a9: {  	v62 =	vmul.f32 v58, v9;
	v11 =	vadd.f32 v61, v11;
	_ =	sdelay $0x1  }
0x3aa: {  	v63 =	vmul.f32 v60, v10;
	v11 =	vadd.f32 v62, v11;
	_ =	sdelay $0x1  }
0x3ab: {  	s22 =	simm.s32 $0x10;
	s21 =	simm.s32 $0x80;
	v11 =	vadd.f32 v63, v11  }
0x3ac: {  	s23 =	simm.s32 $0x20;
	s24 =	sand.u32 $0x70, s22;
	s25 =	sand.u32 $0xC00, s21  }
.LBB2_29:
0x3ad: {  	p0 =	sne.s32 s23, $0x1F0;
	s22 =	sor.u32 s25, s22;
	s24 =	sor.u32 s24, s25;
	[tilespmem:s20+$0x12900] =	vst v11  }
0x3ae: {  	s20 =	sor.u32 $0x1180, s22;
	v11 =	vld [tilespmem:s24+$0xD900];
	s22 =	smov.u32 s23  }
0x3af: {  	v12 =	vld [tilespmem:s20+$0x900]  }
0x3b0: {  	v13 =	vld [tilespmem:s24+$0xD980];
	_ =	sdelay $0x1  }
0x3b1: {  	v14 =	vld [tilespmem:s24+$0xDA00]  }
0x3b2: {  	v11 =	vmul.f32 v11, v3  }
0x3b3: {  	v15 =	vld [tilespmem:s24+$0xDA80]  }
0x3b4: {  	v11 =	vadd.f32 v11, v12;
	v12 =	vmul.f32 v13, v4  }
0x3b5: {  	v13 =	vld [tilespmem:s24+$0xDB00]  }
0x3b6: {  	v11 =	vadd.f32 v12, v11;
	v12 =	vmul.f32 v14, v7  }
0x3b7: {  	v14 =	vld [tilespmem:s24+$0xDB80]  }
0x3b8: {  	v11 =	vadd.f32 v12, v11;
	v12 =	vmul.f32 v15, v5  }
0x3b9: {  	v15 =	vld [tilespmem:s24+$0xDC00]  }
0x3ba: {  	v11 =	vadd.f32 v12, v11;
	v12 =	vmul.f32 v13, v6  }
0x3bb: {  	v13 =	vld [tilespmem:s24+$0xDC80]  }
0x3bc: {  	v11 =	vadd.f32 v12, v11;
	v12 =	vmul.f32 v14, v8;
	_ =	sdelay $0x1  }
0x3bd: {  	v11 =	vadd.f32 v12, v11;
	v12 =	vmul.f32 v15, v9  }
.Ltmp16:
0x3be: {  	(pc) =	sbr.rel @p0 .LBB2_29-.Ltmp16, $3  }
0x3bf: {  	v11 =	vadd.f32 v12, v11;
	v12 =	vmul.f32 v13, v10;
	_ =	sdelay $0x1  }
0x3c0: {  	s21 =	sadd.s32 $0x80, s21;
	v11 =	vadd.f32 v12, v11  }
0x3c1: {  	s25 =	sand.u32 $0xC00, s21;
	s23 =	sadd.s32 $0x10, s23;
	s24 =	sand.u32 $0x70, s22  }
0x3c2: {  	s28 =	sor.u32 s24, s25;
	[tilespmem:s20+$0x12900] =	vst v11  }
0x3c3: {  	s21 =	sor.u32 s25, s22;
	v11 =	vld [tilespmem:s28+$0xD900]  }
0x3c4: {  	s23 =	sor.u32 $0x1180, s21;
	v13 =	vld [tilespmem:s28+$0xD980]  }
0x3c5: {  	v12 =	vld [tilespmem:s23+$0x900];
	_ =	sdelay $0x1  }
0x3c6: {  	v14 =	vld [tilespmem:s28+$0xDA00]  }
0x3c7: {  	v3 =	vmul.f32 v11, v3  }
0x3c8: {  	v11 =	vld [tilespmem:s28+$0xDA80]  }
0x3c9: {  	v4 =	vmul.f32 v13, v4;
	v3 =	vadd.f32 v3, v12  }
0x3ca: {  	v12 =	vld [tilespmem:s28+$0xDB00]  }
0x3cb: {  	v3 =	vadd.f32 v4, v3;
	v4 =	vmul.f32 v14, v7  }
0x3cc: {  	v7 =	vld [tilespmem:s28+$0xDB80]  }
0x3cd: {  	v3 =	vadd.f32 v4, v3;
	v4 =	vmul.f32 v11, v5  }
0x3ce: {  	v5 =	vld [tilespmem:s28+$0xDC00]  }
0x3cf: {  	v3 =	vadd.f32 v4, v3;
	v4 =	vmul.f32 v12, v6  }
0x3d0: {  	v6 =	vld [tilespmem:s28+$0xDC80]  }
0x3d1: {  	v3 =	vadd.f32 v4, v3;
	v4 =	vmul.f32 v7, v8;
	_ =	sdelay $0x1  }
0x3d2: {  	v3 =	vadd.f32 v4, v3;
	v4 =	vmul.f32 v5, v9;
	_ =	sdelay $0x1  }
0x3d3: {  	v3 =	vadd.f32 v4, v3;
	v4 =	vmul.f32 v6, v10;
	_ =	sdelay $0x1  }
0x3d4: {  	v3 =	vadd.f32 v4, v3;
	_ =	sdelay $0x1  }
0x3d5: {  	[tilespmem:s23+$0x12900] =	vst v3  }
0x3d6: {  	v10 =	vld [tilespmem:$0x700]  }
0x3d7: {  	v9 =	vld [tilespmem:$0x710]  }
0x3d8: {  	v8 =	vld [tilespmem:$0x720]  }
0x3d9: {  	s24 =	simm.s32 $0x0;
	v7 =	vld [tilespmem:$0x730]  }
0x3da: {  	s25 =	sand.u32 $0x70, s24;
	s20 =	sand.u32 $0xC00, s24;
	v6 =	vld [tilespmem:$0x740]  }
0x3db: {  	s21 =	sor.u32 s20, s25;
	v4 =	vld [tilespmem:$0x750]  }
0x3dc: {  	v11 =	vld [tilespmem:s21+$0xE900]  }
0x3dd: {  	v12 =	vld [tilespmem:s21+$0x1B00]  }
0x3de: {  	v13 =	vld [tilespmem:s21+$0xE980]  }
0x3df: {  	v5 =	vld [tilespmem:$0x760]  }
0x3e0: {  	v14 =	vld [tilespmem:s21+$0xEA00]  }
0x3e1: {  	v3 =	vld [tilespmem:$0x770];
	v11 =	vmul.f32 v11, v10  }
0x3e2: {  	s26 =	simm.s32 $0x10;
	s28 =	simm.s32 $0x80;
	v15 =	vld [tilespmem:s21+$0xEA80]  }
0x3e3: {  	s20 =	sand.u32 $0x70, s26;
	s22 =	sand.u32 $0xC00, s28;
	v16 =	vld [tilespmem:s21+$0xEB80];
	v11 =	vadd.f32 v11, v12;
	v12 =	vmul.f32 v13, v9  }
0x3e4: {  	s20 =	sor.u32 s22, s20;
	v13 =	vld [tilespmem:s21+$0xEB00]  }
0x3e5: {  	v17 =	vld [tilespmem:s20+$0xE900];
	v11 =	vadd.f32 v12, v11;
	v12 =	vmul.f32 v14, v8  }
0x3e6: {  	v20 =	vld [tilespmem:s20+$0x1B00]  }
0x3e7: {  	v21 =	vld [tilespmem:s20+$0xE980];
	v15 =	vmul.f32 v15, v7;
	v11 =	vadd.f32 v12, v11  }
0x3e8: {  	v14 =	vld [tilespmem:s21+$0xEC00]  }
0x3e9: {  	v12 =	vld [tilespmem:s20+$0xEA00];
	v18 =	vmul.f32 v13, v6;
	v11 =	vadd.f32 v15, v11  }
0x3ea: {  	v17 =	vmul.f32 v17, v10;
	v15 =	vld [tilespmem:s21+$0xEC80]  }
0x3eb: {  	s22 =	simm.s32 $0x100;
	s23 =	simm.s32 $0x20;
	v19 =	vmul.f32 v16, v4;
	v13 =	vld [tilespmem:s20+$0xEA80];
	v18 =	vadd.f32 v18, v11  }
0x3ec: {  	s25 =	sand.u32 $0xC00, s22;
	s24 =	sand.u32 $0x70, s23;
	s23 =	simm.s32 $0x30;
	v16 =	vadd.f32 v17, v20;
	v17 =	vmul.f32 v21, v9;
	v11 =	vld [tilespmem:s20+$0xEB80]  }
.LBB2_31:
0x3ed: {  	p0 =	sne.s32 s23, $0x1F0;
	s24 =	sor.u32 s25, s24;
	v20 =	vld [tilespmem:s20+$0xEB00];
	v18 =	vadd.f32 v19, v18;
	v14 =	vmul.f32 v14, v5  }
0x3ee: {  	v19 =	vld [tilespmem:s24+$0xE900];
	v16 =	vadd.f32 v17, v16;
	v12 =	vmul.f32 v12, v8  }
0x3ef: {  	v17 =	vld [tilespmem:s24+$0x1B00];
	v18 =	vadd.f32 v14, v18;
	v15 =	vmul.f32 v15, v3  }
0x3f0: {  	v21 =	vld [tilespmem:s24+$0xE980];
	v16 =	vadd.f32 v12, v16;
	v13 =	vmul.f32 v13, v7  }
.Ltmp17:
0x3f1: {  	v14 =	vld [tilespmem:s20+$0xEC00];
	v18 =	vadd.f32 v15, v18;
	(pc) =	sbr.rel @p0 .LBB2_31-.Ltmp17, $4  }
0x3f2: {  	v12 =	vld [tilespmem:s24+$0xEA00];
	v16 =	vadd.f32 v13, v16;
	v20 =	vmul.f32 v20, v6  }
0x3f3: {  	v22 =	vmul.f32 v19, v10;
	v15 =	vld [tilespmem:s20+$0xEC80];
	[tilespmem:s21+$0x13B00] =	vst v18;
	s21 =	smov.u32 s20;
	s20 =	smov.u32 s24  }
0x3f4: {  	s22 =	sadd.s32 $0x80, s22;
	v19 =	vmul.f32 v11, v4;
	v13 =	vld [tilespmem:s20+$0xEA80];
	v18 =	vadd.f32 v20, v16  }
0x3f5: {  	s25 =	sand.u32 $0xC00, s22;
	s24 =	sand.u32 $0x70, s23;
	s23 =	sadd.s32 $0x10, s23;
	v16 =	vadd.f32 v22, v17;
	v17 =	vmul.f32 v21, v9;
	v11 =	vld [tilespmem:s20+$0xEB80]  }
0x3f6: {  	s22 =	sor.u32 s25, s24;
	v20 =	vld [tilespmem:s20+$0xEB00];
	v18 =	vadd.f32 v19, v18;
	v14 =	vmul.f32 v14, v5  }
0x3f7: {  	v19 =	vld [tilespmem:s22+$0xE900]  }
0x3f8: {  	v21 =	vld [tilespmem:s22+$0x1B00];
	v14 =	vadd.f32 v14, v18;
	v15 =	vmul.f32 v15, v3  }
0x3f9: {  	v18 =	vld [tilespmem:s22+$0xE980]  }
0x3fa: {  	v22 =	vld [tilespmem:s20+$0xEC00];
	v14 =	vadd.f32 v15, v14  }
0x3fb: {  	v15 =	vld [tilespmem:s22+$0xEA00]  }
0x3fc: {  	v23 =	vld [tilespmem:s20+$0xEC80];
	v10 =	vmul.f32 v19, v10;
	[tilespmem:s21+$0x13B00] =	vst v14  }
0x3fd: {  	v14 =	vld [tilespmem:s22+$0xEA80]  }
0x3fe: {  	v9 =	vmul.f32 v18, v9;
	v10 =	vadd.f32 v10, v21  }
0x3ff: {  	v16 =	vadd.f32 v17, v16;
	v12 =	vmul.f32 v12, v8;
	v17 =	vld [tilespmem:s22+$0xEB00]  }
0x400: {  	v8 =	vmul.f32 v15, v8;
	v9 =	vadd.f32 v9, v10  }
0x401: {  	v10 =	vadd.f32 v12, v16;
	v12 =	vmul.f32 v13, v7;
	v13 =	vld [tilespmem:s22+$0xEB80]  }
0x402: {  	v8 =	vadd.f32 v8, v9;
	v7 =	vmul.f32 v14, v7  }
0x403: {  	v9 =	vadd.f32 v12, v10;
	v10 =	vmul.f32 v20, v6;
	v12 =	vld [tilespmem:s22+$0xEC00]  }
0x404: {  	v6 =	vmul.f32 v17, v6;
	v7 =	vadd.f32 v7, v8  }
0x405: {  	v8 =	vadd.f32 v10, v9;
	v9 =	vmul.f32 v11, v4;
	v10 =	vld [tilespmem:s22+$0xEC80]  }
0x406: {  	v4 =	vmul.f32 v13, v4;
	v6 =	vadd.f32 v6, v7  }
0x407: {  	v7 =	vadd.f32 v9, v8;
	v8 =	vmul.f32 v22, v5  }
0x408: {  	v5 =	vmul.f32 v12, v5;
	v4 =	vadd.f32 v4, v6  }
0x409: {  	v6 =	vadd.f32 v8, v7;
	v7 =	vmul.f32 v23, v3  }
0x40a: {  	v3 =	vmul.f32 v10, v3;
	v4 =	vadd.f32 v5, v4  }
0x40b: {  	v5 =	vadd.f32 v7, v6  }
0x40c: {  	v3 =	vadd.f32 v3, v4  }
0x40d: {  	[tilespmem:s20+$0x13B00] =	vst v5  }
0x40e: {  	[tilespmem:s22+$0x13B00] =	vst v3  }
0x40f: {  	v10 =	vld [tilespmem:$0x780]  }
0x410: {  	v9 =	vld [tilespmem:$0x790]  }
0x411: {  	v8 =	vld [tilespmem:$0x7A0]  }
0x412: {  	s24 =	simm.s32 $0x0;
	v7 =	vld [tilespmem:$0x7B0]  }
0x413: {  	s25 =	sand.u32 $0x70, s24;
	s20 =	sand.u32 $0xC00, s24;
	v6 =	vld [tilespmem:$0x7C0]  }
0x414: {  	s21 =	sor.u32 s20, s25;
	v4 =	vld [tilespmem:$0x7D0]  }
0x415: {  	v11 =	vld [tilespmem:s21+$0xF900]  }
0x416: {  	v12 =	vld [tilespmem:s21+$0x1B80]  }
0x417: {  	v13 =	vld [tilespmem:s21+$0xF980]  }
0x418: {  	v5 =	vld [tilespmem:$0x7E0]  }
0x419: {  	v14 =	vld [tilespmem:s21+$0xFA00]  }
0x41a: {  	v3 =	vld [tilespmem:$0x7F0];
	v11 =	vmul.f32 v11, v10  }
0x41b: {  	s26 =	simm.s32 $0x10;
	s28 =	simm.s32 $0x80;
	v15 =	vld [tilespmem:s21+$0xFA80]  }
0x41c: {  	s20 =	sand.u32 $0x70, s26;
	s22 =	sand.u32 $0xC00, s28;
	v16 =	vld [tilespmem:s21+$0xFB80];
	v11 =	vadd.f32 v11, v12;
	v12 =	vmul.f32 v13, v9  }
0x41d: {  	s20 =	sor.u32 s22, s20;
	v13 =	vld [tilespmem:s21+$0xFB00]  }
0x41e: {  	v17 =	vld [tilespmem:s20+$0xF900];
	v11 =	vadd.f32 v12, v11;
	v12 =	vmul.f32 v14, v8  }
0x41f: {  	v20 =	vld [tilespmem:s20+$0x1B80]  }
0x420: {  	v63 =	vld [tilespmem:s20+$0xF980];
	v15 =	vmul.f32 v15, v7;
	v11 =	vadd.f32 v12, v11  }
0x421: {  	v14 =	vld [tilespmem:s21+$0xFC00]  }
0x422: {  	v12 =	vld [tilespmem:s20+$0xFA00];
	v18 =	vmul.f32 v13, v6;
	v11 =	vadd.f32 v15, v11  }
0x423: {  	v17 =	vmul.f32 v17, v10;
	v15 =	vld [tilespmem:s21+$0xFC80]  }
0x424: {  	s23 =	simm.s32 $0x20;
	s22 =	simm.s32 $0x100;
	v19 =	vmul.f32 v16, v4;
	v13 =	vld [tilespmem:s20+$0xFA80];
	v18 =	vadd.f32 v18, v11  }
0x425: {  	s24 =	sand.u32 $0x70, s23;
	s23 =	simm.s32 $0x30;
	s25 =	sand.u32 $0xC00, s22;
	v16 =	vadd.f32 v17, v20;
	v17 =	vmul.f32 v63, v9;
	v11 =	vld [tilespmem:s20+$0xFB80]  }
.LBB2_33:
0x426: {  	p0 =	sne.s32 s23, $0x1F0;
	s24 =	sor.u32 s25, s24;
	v20 =	vld [tilespmem:s20+$0xFB00];
	v18 =	vadd.f32 v19, v18;
	v14 =	vmul.f32 v14, v5  }
0x427: {  	v19 =	vld [tilespmem:s24+$0xF900];
	v16 =	vadd.f32 v17, v16;
	v12 =	vmul.f32 v12, v8  }
0x428: {  	v17 =	vld [tilespmem:s24+$0x1B80];
	v18 =	vadd.f32 v14, v18;
	v15 =	vmul.f32 v15, v3  }
0x429: {  	v21 =	vld [tilespmem:s24+$0xF980];
	v16 =	vadd.f32 v12, v16;
	v13 =	vmul.f32 v13, v7  }
.Ltmp18:
0x42a: {  	v14 =	vld [tilespmem:s20+$0xFC00];
	v18 =	vadd.f32 v15, v18;
	(pc) =	sbr.rel @p0 .LBB2_33-.Ltmp18, $4  }
0x42b: {  	v12 =	vld [tilespmem:s24+$0xFA00];
	v16 =	vadd.f32 v13, v16;
	v20 =	vmul.f32 v20, v6  }
0x42c: {  	v22 =	vmul.f32 v19, v10;
	v15 =	vld [tilespmem:s20+$0xFC80];
	[tilespmem:s21+$0x13B80] =	vst v18;
	s21 =	smov.u32 s20;
	s20 =	smov.u32 s24  }
0x42d: {  	s22 =	sadd.s32 $0x80, s22;
	v19 =	vmul.f32 v11, v4;
	v13 =	vld [tilespmem:s20+$0xFA80];
	v18 =	vadd.f32 v20, v16  }
0x42e: {  	s25 =	sand.u32 $0xC00, s22;
	s24 =	sand.u32 $0x70, s23;
	s23 =	sadd.s32 $0x10, s23;
	v16 =	vadd.f32 v22, v17;
	v17 =	vmul.f32 v21, v9;
	v11 =	vld [tilespmem:s20+$0xFB80]  }
0x42f: {  	s22 =	sor.u32 s25, s24;
	v20 =	vld [tilespmem:s20+$0xFB00];
	v18 =	vadd.f32 v19, v18;
	v14 =	vmul.f32 v14, v5  }
0x430: {  	v19 =	vld [tilespmem:s22+$0xF900]  }
0x431: {  	v21 =	vld [tilespmem:s22+$0x1B80];
	v14 =	vadd.f32 v14, v18;
	v15 =	vmul.f32 v15, v3  }
0x432: {  	v18 =	vld [tilespmem:s22+$0xF980]  }
0x433: {  	v22 =	vld [tilespmem:s20+$0xFC00];
	v14 =	vadd.f32 v15, v14  }
0x434: {  	v15 =	vld [tilespmem:s22+$0xFA00]  }
0x435: {  	v23 =	vld [tilespmem:s20+$0xFC80];
	v10 =	vmul.f32 v19, v10;
	[tilespmem:s21+$0x13B80] =	vst v14  }
0x436: {  	v14 =	vld [tilespmem:s22+$0xFA80]  }
0x437: {  	v9 =	vmul.f32 v18, v9;
	v10 =	vadd.f32 v10, v21  }
0x438: {  	v16 =	vadd.f32 v17, v16;
	v12 =	vmul.f32 v12, v8;
	v17 =	vld [tilespmem:s22+$0xFB00]  }
0x439: {  	v8 =	vmul.f32 v15, v8;
	v9 =	vadd.f32 v9, v10  }
0x43a: {  	v10 =	vadd.f32 v12, v16;
	v12 =	vmul.f32 v13, v7;
	v13 =	vld [tilespmem:s22+$0xFB80]  }
0x43b: {  	v8 =	vadd.f32 v8, v9;
	v7 =	vmul.f32 v14, v7  }
0x43c: {  	v9 =	vadd.f32 v12, v10;
	v10 =	vmul.f32 v20, v6;
	v12 =	vld [tilespmem:s22+$0xFC00]  }
0x43d: {  	v6 =	vmul.f32 v17, v6;
	v7 =	vadd.f32 v7, v8  }
0x43e: {  	v8 =	vadd.f32 v10, v9;
	v9 =	vmul.f32 v11, v4;
	v10 =	vld [tilespmem:s22+$0xFC80]  }
0x43f: {  	v4 =	vmul.f32 v13, v4;
	v6 =	vadd.f32 v6, v7  }
0x440: {  	v7 =	vadd.f32 v9, v8;
	v8 =	vmul.f32 v22, v5  }
0x441: {  	v5 =	vmul.f32 v12, v5;
	v4 =	vadd.f32 v4, v6  }
0x442: {  	v6 =	vadd.f32 v8, v7;
	v7 =	vmul.f32 v23, v3  }
0x443: {  	v3 =	vmul.f32 v10, v3;
	v4 =	vadd.f32 v5, v4  }
0x444: {  	v5 =	vadd.f32 v7, v6  }
0x445: {  	v3 =	vadd.f32 v3, v4  }
0x446: {  	[tilespmem:s20+$0x13B80] =	vst v5  }
0x447: {  	[tilespmem:s22+$0x13B80] =	vst v3  }
0x448: {  	v10 =	vld [tilespmem:$0x800]  }
0x449: {  	v9 =	vld [tilespmem:$0x810]  }
0x44a: {  	v8 =	vld [tilespmem:$0x820]  }
0x44b: {  	s24 =	simm.s32 $0x0;
	v7 =	vld [tilespmem:$0x830]  }
0x44c: {  	s25 =	sand.u32 $0x70, s24;
	s20 =	sand.u32 $0xC00, s24;
	v6 =	vld [tilespmem:$0x840]  }
0x44d: {  	s21 =	sor.u32 s20, s25;
	v4 =	vld [tilespmem:$0x850]  }
0x44e: {  	v11 =	vld [tilespmem:s21+$0x10900]  }
0x44f: {  	v12 =	vld [tilespmem:s21+$0x1C00]  }
0x450: {  	v13 =	vld [tilespmem:s21+$0x10980]  }
0x451: {  	v5 =	vld [tilespmem:$0x860]  }
0x452: {  	v14 =	vld [tilespmem:s21+$0x10A00]  }
0x453: {  	v3 =	vld [tilespmem:$0x870];
	v11 =	vmul.f32 v11, v10  }
0x454: {  	s26 =	simm.s32 $0x10;
	s28 =	simm.s32 $0x80;
	v15 =	vld [tilespmem:s21+$0x10A80]  }
0x455: {  	s20 =	sand.u32 $0x70, s26;
	s22 =	sand.u32 $0xC00, s28;
	v16 =	vld [tilespmem:s21+$0x10B80];
	v11 =	vadd.f32 v11, v12;
	v12 =	vmul.f32 v13, v9  }
0x456: {  	s20 =	sor.u32 s22, s20;
	v13 =	vld [tilespmem:s21+$0x10B00]  }
0x457: {  	v17 =	vld [tilespmem:s20+$0x10900];
	v11 =	vadd.f32 v12, v11;
	v12 =	vmul.f32 v14, v8  }
0x458: {  	v20 =	vld [tilespmem:s20+$0x1C00]  }
0x459: {  	v63 =	vld [tilespmem:s20+$0x10980];
	v15 =	vmul.f32 v15, v7;
	v11 =	vadd.f32 v12, v11  }
0x45a: {  	v14 =	vld [tilespmem:s21+$0x10C00]  }
0x45b: {  	v12 =	vld [tilespmem:s20+$0x10A00];
	v18 =	vmul.f32 v13, v6;
	v11 =	vadd.f32 v15, v11  }
0x45c: {  	v17 =	vmul.f32 v17, v10;
	v15 =	vld [tilespmem:s21+$0x10C80]  }
0x45d: {  	s23 =	simm.s32 $0x20;
	s22 =	simm.s32 $0x100;
	v19 =	vmul.f32 v16, v4;
	v13 =	vld [tilespmem:s20+$0x10A80];
	v18 =	vadd.f32 v18, v11  }
0x45e: {  	s24 =	sand.u32 $0x70, s23;
	s23 =	simm.s32 $0x30;
	s25 =	sand.u32 $0xC00, s22;
	v16 =	vadd.f32 v17, v20;
	v17 =	vmul.f32 v63, v9;
	v11 =	vld [tilespmem:s20+$0x10B80]  }
.LBB2_35:
0x45f: {  	p0 =	sne.s32 s23, $0x1F0;
	s24 =	sor.u32 s25, s24;
	v20 =	vld [tilespmem:s20+$0x10B00];
	v18 =	vadd.f32 v19, v18;
	v14 =	vmul.f32 v14, v5  }
0x460: {  	v19 =	vld [tilespmem:s24+$0x10900];
	v16 =	vadd.f32 v17, v16;
	v12 =	vmul.f32 v12, v8  }
0x461: {  	v17 =	vld [tilespmem:s24+$0x1C00];
	v18 =	vadd.f32 v14, v18;
	v15 =	vmul.f32 v15, v3  }
0x462: {  	v21 =	vld [tilespmem:s24+$0x10980];
	v16 =	vadd.f32 v12, v16;
	v13 =	vmul.f32 v13, v7  }
.Ltmp19:
0x463: {  	v14 =	vld [tilespmem:s20+$0x10C00];
	v18 =	vadd.f32 v15, v18;
	(pc) =	sbr.rel @p0 .LBB2_35-.Ltmp19, $4  }
0x464: {  	v12 =	vld [tilespmem:s24+$0x10A00];
	v16 =	vadd.f32 v13, v16;
	v20 =	vmul.f32 v20, v6  }
0x465: {  	v22 =	vmul.f32 v19, v10;
	v15 =	vld [tilespmem:s20+$0x10C80];
	[tilespmem:s21+$0x13C00] =	vst v18;
	s21 =	smov.u32 s20;
	s20 =	smov.u32 s24  }
0x466: {  	s22 =	sadd.s32 $0x80, s22;
	v19 =	vmul.f32 v11, v4;
	v13 =	vld [tilespmem:s20+$0x10A80];
	v18 =	vadd.f32 v20, v16  }
0x467: {  	s25 =	sand.u32 $0xC00, s22;
	s24 =	sand.u32 $0x70, s23;
	s23 =	sadd.s32 $0x10, s23;
	v16 =	vadd.f32 v22, v17;
	v17 =	vmul.f32 v21, v9;
	v11 =	vld [tilespmem:s20+$0x10B80]  }
0x468: {  	s22 =	sor.u32 s25, s24;
	v20 =	vld [tilespmem:s20+$0x10B00];
	v18 =	vadd.f32 v19, v18;
	v14 =	vmul.f32 v14, v5  }
0x469: {  	v48 =	vld [tilespmem:s22+$0x10900]  }
0x46a: {  	v21 =	vld [tilespmem:s22+$0x1C00];
	v14 =	vadd.f32 v14, v18;
	v15 =	vmul.f32 v15, v3  }
0x46b: {  	v49 =	vld [tilespmem:s22+$0x10980]  }
0x46c: {  	v22 =	vld [tilespmem:s20+$0x10C00];
	v14 =	vadd.f32 v15, v14  }
0x46d: {  	v50 =	vld [tilespmem:s22+$0x10A00]  }
0x46e: {  	v23 =	vld [tilespmem:s20+$0x10C80];
	v10 =	vmul.f32 v48, v10;
	[tilespmem:s21+$0x13C00] =	vst v14  }
0x46f: {  	v14 =	vld [tilespmem:s22+$0x10A80]  }
0x470: {  	v9 =	vmul.f32 v49, v9;
	v10 =	vadd.f32 v10, v21  }
0x471: {  	v16 =	vadd.f32 v17, v16;
	v12 =	vmul.f32 v12, v8;
	v51 =	vld [tilespmem:s22+$0x10B00]  }
0x472: {  	v8 =	vmul.f32 v50, v8;
	v9 =	vadd.f32 v9, v10  }
0x473: {  	v52 =	vmul.f32 v13, v7;
	v53 =	vld [tilespmem:s22+$0x10B80];
	v10 =	vadd.f32 v12, v16  }
0x474: {  	v8 =	vadd.f32 v8, v9;
	v7 =	vmul.f32 v14, v7  }
0x475: {  	v54 =	vld [tilespmem:s22+$0x10C00];
	v9 =	vadd.f32 v52, v10;
	v10 =	vmul.f32 v20, v6  }
0x476: {  	v6 =	vmul.f32 v51, v6;
	v7 =	vadd.f32 v7, v8  }
0x477: {  	v8 =	vadd.f32 v10, v9;
	v9 =	vmul.f32 v11, v4;
	v10 =	vld [tilespmem:s22+$0x10C80]  }
0x478: {  	v4 =	vmul.f32 v53, v4;
	v6 =	vadd.f32 v6, v7  }
0x479: {  	v7 =	vadd.f32 v9, v8;
	v8 =	vmul.f32 v22, v5  }
0x47a: {  	v5 =	vmul.f32 v54, v5;
	v4 =	vadd.f32 v4, v6  }
0x47b: {  	v6 =	vadd.f32 v8, v7;
	v7 =	vmul.f32 v23, v3  }
0x47c: {  	v3 =	vmul.f32 v10, v3;
	v4 =	vadd.f32 v5, v4  }
0x47d: {  	v5 =	vadd.f32 v7, v6  }
0x47e: {  	v3 =	vadd.f32 v3, v4  }
0x47f: {  	[tilespmem:s20+$0x13C00] =	vst v5  }
0x480: {  	s25 =	simm.s32 $0x0;
	[tilespmem:s22+$0x13C00] =	vst v3  }
0x481: {  	s26 =	sand.u32 $0x70, s25;
	s28 =	sand.u32 $0xC00, s25;
	v3 =	vld [tilespmem:$0x880]  }
0x482: {  	s21 =	sor.u32 s26, s28;
	s20 =	sor.u32 s25, s25;
	v4 =	vld [tilespmem:$0x890]  }
0x483: {  	s20 =	sor.u32 $0x1380, s20;
	v6 =	vld [tilespmem:s21+$0x11900]  }
0x484: {  	v8 =	vld [tilespmem:s20+$0x900]  }
0x485: {  	v9 =	vld [tilespmem:s21+$0x11980]  }
0x486: {  	v7 =	vld [tilespmem:$0x8A0]  }
0x487: {  	v10 =	vld [tilespmem:s21+$0x11A00]  }
0x488: {  	v5 =	vld [tilespmem:$0x8B0];
	v11 =	vmul.f32 v6, v3  }
0x489: {  	v55 =	vld [tilespmem:s21+$0x11A80]  }
0x48a: {  	v56 =	vld [tilespmem:s21+$0x11B00];
	v9 =	vmul.f32 v9, v4;
	v11 =	vadd.f32 v11, v8  }
0x48b: {  	v6 =	vld [tilespmem:$0x8C0]  }
0x48c: {  	v57 =	vld [tilespmem:s21+$0x11B80];
	v10 =	vmul.f32 v10, v7;
	v11 =	vadd.f32 v9, v11  }
0x48d: {  	v8 =	vld [tilespmem:$0x8D0]  }
0x48e: {  	v58 =	vld [tilespmem:s21+$0x11C00];
	v12 =	vmul.f32 v55, v5;
	v11 =	vadd.f32 v10, v11  }
0x48f: {  	v9 =	vld [tilespmem:$0x8E0]  }
0x490: {  	v60 =	vld [tilespmem:s21+$0x11C80];
	v59 =	vmul.f32 v56, v6;
	v11 =	vadd.f32 v12, v11  }
0x491: {  	v10 =	vld [tilespmem:$0x8F0]  }
0x492: {  	v61 =	vmul.f32 v57, v8;
	v11 =	vadd.f32 v59, v11;
	_ =	sdelay $0x1  }
0x493: {  	v62 =	vmul.f32 v58, v9;
	v11 =	vadd.f32 v61, v11;
	_ =	sdelay $0x1  }
0x494: {  	v63 =	vmul.f32 v60, v10;
	v11 =	vadd.f32 v62, v11;
	_ =	sdelay $0x1  }
0x495: {  	s22 =	simm.s32 $0x10;
	s21 =	simm.s32 $0x80;
	v11 =	vadd.f32 v63, v11  }
0x496: {  	s23 =	simm.s32 $0x20;
	s24 =	sand.u32 $0x70, s22;
	s25 =	sand.u32 $0xC00, s21  }
.LBB2_37:
0x497: {  	p0 =	sne.s32 s23, $0x1F0;
	s22 =	sor.u32 s21, s22;
	s24 =	sor.u32 s24, s25;
	[tilespmem:s20+$0x12900] =	vst v11  }
0x498: {  	s20 =	sor.u32 $0x1380, s22;
	v11 =	vld [tilespmem:s24+$0x11900];
	s22 =	smov.u32 s23  }
0x499: {  	v12 =	vld [tilespmem:s20+$0x900]  }
0x49a: {  	v13 =	vld [tilespmem:s24+$0x11980];
	_ =	sdelay $0x1  }
0x49b: {  	v14 =	vld [tilespmem:s24+$0x11A00]  }
0x49c: {  	v11 =	vmul.f32 v11, v3  }
0x49d: {  	v15 =	vld [tilespmem:s24+$0x11A80]  }
0x49e: {  	v11 =	vadd.f32 v11, v12;
	v12 =	vmul.f32 v13, v4  }
0x49f: {  	v13 =	vld [tilespmem:s24+$0x11B00]  }
0x4a0: {  	v11 =	vadd.f32 v12, v11;
	v12 =	vmul.f32 v14, v7  }
0x4a1: {  	v14 =	vld [tilespmem:s24+$0x11B80]  }
0x4a2: {  	v11 =	vadd.f32 v12, v11;
	v12 =	vmul.f32 v15, v5  }
0x4a3: {  	v15 =	vld [tilespmem:s24+$0x11C00]  }
0x4a4: {  	v11 =	vadd.f32 v12, v11;
	v12 =	vmul.f32 v13, v6  }
0x4a5: {  	v13 =	vld [tilespmem:s24+$0x11C80]  }
0x4a6: {  	v11 =	vadd.f32 v12, v11;
	v12 =	vmul.f32 v14, v8;
	_ =	sdelay $0x1  }
0x4a7: {  	v11 =	vadd.f32 v12, v11;
	v12 =	vmul.f32 v15, v9  }
.Ltmp20:
0x4a8: {  	(pc) =	sbr.rel @p0 .LBB2_37-.Ltmp20, $3  }
0x4a9: {  	v11 =	vadd.f32 v12, v11;
	v12 =	vmul.f32 v13, v10;
	_ =	sdelay $0x1  }
0x4aa: {  	s21 =	sadd.s32 $0x80, s21;
	v11 =	vadd.f32 v12, v11  }
0x4ab: {  	s25 =	sand.u32 $0xC00, s21;
	s23 =	sadd.s32 $0x10, s23;
	s24 =	sand.u32 $0x70, s22  }
0x4ac: {  	s26 =	sor.u32 s24, s25;
	[tilespmem:s20+$0x12900] =	vst v11  }
0x4ad: {  	s21 =	sor.u32 s21, s22;
	v11 =	vld [tilespmem:s26+$0x11900]  }
0x4ae: {  	s28 =	sor.u32 $0x1380, s21;
	v13 =	vld [tilespmem:s26+$0x11980]  }
0x4af: {  	v12 =	vld [tilespmem:s28+$0x900];
	_ =	sdelay $0x1  }
0x4b0: {  	v14 =	vld [tilespmem:s26+$0x11A00]  }
0x4b1: {  	v3 =	vmul.f32 v11, v3  }
0x4b2: {  	v53 =	vld [tilespmem:s26+$0x11A80]  }
0x4b3: {  	v4 =	vmul.f32 v13, v4;
	v3 =	vadd.f32 v3, v12  }
0x4b4: {  	v54 =	vld [tilespmem:s26+$0x11B00]  }
0x4b5: {  	v55 =	vmul.f32 v14, v7;
	v3 =	vadd.f32 v4, v3  }
0x4b6: {  	v56 =	vld [tilespmem:s26+$0x11B80]  }
0x4b7: {  	v57 =	vmul.f32 v53, v5;
	v3 =	vadd.f32 v55, v3  }
0x4b8: {  	v58 =	vld [tilespmem:s26+$0x11C00]  }
0x4b9: {  	v59 =	vmul.f32 v54, v6;
	v3 =	vadd.f32 v57, v3  }
0x4ba: {  	v60 =	vld [tilespmem:s26+$0x11C80]  }
0x4bb: {  	v61 =	vmul.f32 v56, v8;
	v3 =	vadd.f32 v59, v3;
	_ =	sdelay $0x1  }
0x4bc: {  	v62 =	vmul.f32 v58, v9;
	v3 =	vadd.f32 v61, v3;
	_ =	sdelay $0x1  }
0x4bd: {  	p0 =	seq.s32 s12, $0xF;
	v63 =	vmul.f32 v60, v10;
	v3 =	vadd.f32 v62, v3  }
.Ltmp21:
0x4be: {  	_ = 	snop;
	(pc) =	sbr.rel @p0 .LBB2_40-.Ltmp21, $3  }
0x4bf: {  	v3 =	vadd.f32 v63, v3;
	_ =	sdelay $0x1  }
0x4c0: {  	s18 =	sadd.s32 $0x200, s18;
	[tilespmem:s28+$0x12900] =	vst v3  }
0x4c1: {  	[hbm4b:s18+s3] =	stream.linear.scatter [tilespmem:s11], [sflag:$0x6], $0x1000, $0x38;
	[tilespmem:$0x14900] =	vst v63  }
0x4c2: {  	s17 =	sadd.s32 s17, s15  }
0x4c3: {  	s20 =	simm.s32 $0x80;
	s18 =	sadd.s32 s4, s17  }
0x4c4: {  	[tilespmem:s20], [sflag:$0x2] =	stream.linear.gather [hbm4b:s18+s3], $0x40, $0x38;
	[tilespmem:$0x14900] =	vst v63  }
.Ltmp22:
0x4c5: {  	s25 =	sshll.u32 s17, $0x4;
	(pc) =	sbr.rel .LBB2_2-.Ltmp22, $4  }
0x4c6: {  	s26 =	simm.s32 $0x500;
	s17 =	sshll.u32 s17, $0x6;
	s18 =	sadd.s32 s5, s25  }
0x4c7: {  	[tilespmem:s26], [sflag:$0x2] =	stream.linear.gather [hbm4b:s18+s3], $0x400, $0x38;
	[tilespmem:$0x14900] =	vst v63  }
0x4c8: {  	s28 =	simm.s32 $0x1900;
	s12 =	sadd.s32 $0x1, s12;
	s17 =	sadd.s32 s1, s17  }
0x4c9: {  	[tilespmem:s28], [sflag:$0x2] =	stream.linear.gather [hbm4b:s17+s3], $0x1000, $0x38;
	[tilespmem:$0x14900] =	vst v63  }
.LBB2_41:
0x4ca: {  	_ =	sfence.sel $0x180000  }
0x4cb: {  	[bflag:$0x0] =	sbarrier.arrive $0xFFFF  }
0x4cc: {  	_ =	strace $0x90000047  }
0x4cd: {  	s0 =	stileid.u32;
	[bflag:$0x2] =	sbarrier.arrive $0xFFFF  }
0x4ce: {  	p0 =	sne.s32 s0, $0x0;
	s0 =	rddreg [dreg:$0x3]  }
0x4cf: {  	s0 =	sadd.s32 @!p0 $0x100000, s0  }
0x4d0: {  	[sflag:s0] =	ssyncadd.tile.s32 @!p0 $0x1;
	_ =	shalt  }
.Lfunc_end2:
_tile_overlayer_lowered:
.L_overlay_start_2:
0x4d1: {  	(tag) =	ssettag $0x2  }
0x4d2: {  	s0 =	rddreg [dreg:$0x0];
	s2 =	stileid.u32  }
0x4d3: {  	s1 =	rddreg [dreg:$0x1];
	p0 =	sne.s32 s2, $0x0  }
0x4d4: {  	s3 =	rddreg [dreg:$0x2];
	[bflag:$0x3] =	sbarrier.arrive $0xFFFF;
	s2 =	simm.s32 @!p0 $0x1C07  }
0x4d5: {  	[timem:s3], [sflag:s2] =	dma.local @!p0 [hbm:s0], s1  }
0x4d6: {  	s0 =	simm.s32 @!p0 $0x7  }
0x4d7: {  	_ =	swait.ge @!p0 [sflag:s0], s1  }
0x4d8: {  	s1 =	ssub.s32 @!p0 $0x0, s1;
	[sflag:s0] =	ssyncset.done @!p0 $0x0  }
0x4d9: {  	[sflag:s0] =	ssyncadd.s32 @!p0 s1  }
0x4da: {  	[bflag:$0x3] =	sbarrier.arrive $0xFFFF  }
0x4db: {  	_ =	shalt  }

</sc_bundles>
